<compile_context>
chip_gen: v7x
topology: tpu7x:2x2x1
jax: 0.10.2.dev20260603
libtpu: 0.0.44.dev20260713+nightly
codegen_flags: <defaults>
</compile_context>

<pallas_src>
import dataclasses

import jax
import jax.numpy as jnp
from jax import lax
from jax.experimental import pallas as pl
from jax.experimental.pallas import tpu as pltpu
from jax.experimental.pallas import tpu_sc as plsc

N = 10000
E = 160000
D = 256
H = 512
DE = 16

CHUNK = 128
NCHUNKS = E // CHUNK
NW = 32
NP = 2
NHALF = N // NP
ACC_ROWS = 5120
DUMMY = 5100
ZROWS = 320

_f32 = jnp.float32
_bf16 = jnp.bfloat16


def _sc_mesh():
    return plsc.VectorSubcoreMesh(core_axis_name="c", subcore_axis_name="s")


def _sc_params():
    cp = pltpu.CompilerParams()
    if "needs_layout_passes" in pltpu.CompilerParams.__dataclass_fields__:
        cp = dataclasses.replace(cp, needs_layout_passes=False)
    return cp


def _gather_body(hpk_hbm, cp4_hbm, row_hbm, col_hbm,
                 hr_out, hc_out, cdr_out,
                 idxr_v, idxc_v, hr_v, hc_v, cdr_v, coord_v,
                 s1, s2, s3):
    c = lax.axis_index("c")
    s = lax.axis_index("s")
    w = s * 2 + c

    pltpu.async_copy(cp4_hbm, coord_v, s3).wait()
    zero16 = jnp.zeros((16,), _f32)
    for t in (5, 6, 7):
        tcol = jnp.full((16,), t, jnp.int32)

        @pl.loop(0, CHUNK // 16)
        def _(j):
            ridx = j * 16 + lax.iota(jnp.int32, 16)
            plsc.store_scatter(cdr_v, [ridx, tcol], zero16)

    @pl.loop(0, 40)
    def _(k):
        chunk = w + NW * k

        @pl.when(chunk < NCHUNKS)
        def _():
            base = chunk * CHUNK
            pltpu.sync_copy(row_hbm.at[pl.ds(base, CHUNK)], idxr_v)
            pltpu.sync_copy(col_hbm.at[pl.ds(base, CHUNK)], idxc_v)
            d1 = pltpu.async_copy(hpk_hbm.at[idxr_v], hr_v, s1)
            d2 = pltpu.async_copy(hpk_hbm.at[idxc_v], hc_v, s2)

            @pl.loop(0, CHUNK // 16)
            def _(j):
                r16 = idxr_v[pl.ds(j * 16, 16)] * 3
                c16 = idxc_v[pl.ds(j * 16, 16)] * 3
                ridx = j * 16 + lax.iota(jnp.int32, 16)
                rad = jnp.zeros((16,), _f32)
                for t in range(3):
                    tcol = jnp.full((16,), t, jnp.int32)
                    a = plsc.load_gather(coord_v, [r16 + t])
                    b = plsc.load_gather(coord_v, [c16 + t])
                    dv = a - b
                    plsc.store_scatter(cdr_v, [ridx, tcol], dv)
                    rad = rad + dv * dv
                plsc.store_scatter(cdr_v, [ridx, jnp.full((16,), 4, jnp.int32)],
                                   rad)

            d1.wait()
            d2.wait()
            pltpu.sync_copy(hr_v, hr_out.at[pl.ds(base, CHUNK)])
            pltpu.sync_copy(hc_v, hc_out.at[pl.ds(base, CHUNK)])
            pltpu.sync_copy(cdr_v, cdr_out.at[pl.ds(base, CHUNK)])


def _sc_gather(hpk, cpad4, row, col):
    out_type = (
        jax.ShapeDtypeStruct((E, D // 2), jnp.int32),
        jax.ShapeDtypeStruct((E, D // 2), jnp.int32),
        jax.ShapeDtypeStruct((E, 8), _f32),
    )
    scratch = [
        pltpu.VMEM((CHUNK,), jnp.int32),
        pltpu.VMEM((CHUNK,), jnp.int32),
        pltpu.VMEM((CHUNK, D // 2), jnp.int32),
        pltpu.VMEM((CHUNK, D // 2), jnp.int32),
        pltpu.VMEM((CHUNK, 8), _f32),
        pltpu.VMEM((3 * N,), _f32),
        pltpu.SemaphoreType.DMA,
        pltpu.SemaphoreType.DMA,
        pltpu.SemaphoreType.DMA,
    ]
    fn = pl.kernel(_gather_body, out_type=out_type, mesh=_sc_mesh(),
                   scratch_types=scratch, compiler_params=_sc_params())
    return fn(hpk, cpad4, row, col)


NRANGE = 320
CAP = 5632
GROWS = NW * CAP
SCHUNK = 2000
LDUMMY = NRANGE


GCH = 32
NGCH = CAP // GCH
CAP2 = 832
SLICE = E // 16


def _regroup_body(row_hbm, ef_hbm, t16_hbm,
                  gef_hbm, gt_hbm, lid_hbm,
                  rbuf_v, ids_v, lid_v, binid_v, binlid_v, off_v,
                  mids_v, mlids_v, gefa_v, gefb_v, gta_v, gtb_v,
                  stag_ids, stag_lids, stag_cnt,
                  cnt_s, sd, sga, sgb, swa, swb):
    c = lax.axis_index("c")
    s = lax.axis_index("s")
    w = c * 16 + s
    iota16 = lax.iota(jnp.int32, 16)
    ones16 = jnp.ones((16,), jnp.int32)

    zid = jnp.zeros((16,), jnp.int32)
    ldm = jnp.full((16,), LDUMMY, jnp.int32)

    @pl.loop(0, CAP // 16)
    def _(i):
        ids_v[pl.ds(i * 16, 16)] = zid
        lid_v[pl.ds(i * 16, 16)] = ldm

    off_v[pl.ds(0, 16)] = jnp.zeros((16,), jnp.int32)

    @pl.loop(0, SLICE // SCHUNK)
    def _(k):
        pltpu.sync_copy(row_hbm.at[pl.ds(s * SLICE + k * SCHUNK, SCHUNK)],
                        rbuf_v)

        @pl.loop(0, SCHUNK // 16)
        def _(g):
            r16 = rbuf_v[pl.ds(g * 16, 16)]
            rel = r16 - c * (16 * NRANGE)
            m = (rel >= 0) & (rel < 16 * NRANGE)
            b16 = jnp.clip(rel // NRANGE, 0, 15)
            cnt1, lastm = plsc.scan_count(b16, mask=m)
            basev = plsc.load_gather(off_v, [b16])
            addr = b16 * CAP2 + basev + (cnt1 - 1)
            eid = (s * SLICE + k * SCHUNK + g * 16) + iota16
            plsc.store_scatter(binid_v, [addr], eid, mask=m)
            plsc.store_scatter(binlid_v, [addr], rel - b16 * NRANGE, mask=m)
            plsc.addupdate_scatter(off_v, [b16], cnt1, mask=m & lastm)

    @pl.loop(0, 16)
    def _(r):
        pltpu.sync_copy(binid_v.at[pl.ds(r * CAP2, CAP2)],
                        stag_ids.at[pl.ds((s * 16 + r) * CAP2, CAP2)])
        pltpu.sync_copy(binlid_v.at[pl.ds(r * CAP2, CAP2)],
                        stag_lids.at[pl.ds((s * 16 + r) * CAP2, CAP2)])

    pltpu.sync_copy(off_v, stag_cnt.at[pl.ds(s * 16, 16)])
    plsc.subcore_barrier()

    pltpu.async_copy(stag_cnt, cnt_s.at[pl.ds(0, 256)], sd).wait()
    cum_init = 0
    cnt_s[256] = cum_init
    for t in range(16):
        pltpu.sync_copy(stag_ids.at[pl.ds((t * 16 + s) * CAP2, CAP2)], mids_v)
        pltpu.sync_copy(stag_lids.at[pl.ds((t * 16 + s) * CAP2, CAP2)],
                        mlids_v)
        cnt_t = cnt_s[t * 16 + s]
        cum = cnt_s[256]

        @pl.loop(0, CAP2 // 16)
        def _(j):
            o = j * 16

            @pl.when(o < cnt_t)
            def _():
                mk = (o + iota16) < cnt_t
                plsc.store_compressed(ids_v.at[pl.ds(cum + o, 16)],
                                      mids_v[pl.ds(o, 16)], mask=mk)
                plsc.store_compressed(lid_v.at[pl.ds(cum + o, 16)],
                                      mlids_v[pl.ds(o, 16)], mask=mk)

        cnt_s[256] = cum + cnt_t

    pltpu.sync_copy(lid_v, lid_hbm.at[pl.ds(w * CAP, CAP)])

    def gath(k, buf_ef, buf_t, sem):
        iv = ids_v.at[pl.ds(k * GCH, GCH)]
        pltpu.async_copy(ef_hbm.at[iv], buf_ef, sem)
        pltpu.async_copy(t16_hbm.at[iv], buf_t, sem)

    def wr(k, buf_ef, buf_t, sem):
        base = w * CAP + k * GCH
        pltpu.async_copy(buf_ef, gef_hbm.at[pl.ds(base, GCH)], sem)
        pltpu.async_copy(buf_t, gt_hbm.at[pl.ds(base, GCH)], sem)

    def drain2(src, dst, sem):
        pltpu.make_async_copy(src, dst, sem).wait()

    gath(0, gefa_v, gta_v, sga)
    gath(1, gefb_v, gtb_v, sgb)

    @pl.loop(0, NGCH // 2)
    def _(i):
        k = 2 * i
        drain2(ef_hbm.at[pl.ds(0, GCH)], gefa_v, sga)
        drain2(t16_hbm.at[pl.ds(0, GCH)], gta_v, sga)
        wr(k, gefa_v, gta_v, swa)
        drain2(ef_hbm.at[pl.ds(0, GCH)], gefb_v, sgb)
        drain2(t16_hbm.at[pl.ds(0, GCH)], gtb_v, sgb)
        wr(k + 1, gefb_v, gtb_v, swb)

        @pl.when(k + 2 < NGCH)
        def _():
            drain2(gefa_v, gef_hbm.at[pl.ds(0, GCH)], swa)
            drain2(gta_v, gt_hbm.at[pl.ds(0, GCH)], swa)
            gath(k + 2, gefa_v, gta_v, sga)
            drain2(gefb_v, gef_hbm.at[pl.ds(0, GCH)], swb)
            drain2(gtb_v, gt_hbm.at[pl.ds(0, GCH)], swb)
            gath(k + 3, gefb_v, gtb_v, sgb)

    drain2(gefa_v, gef_hbm.at[pl.ds(0, GCH)], swa)
    drain2(gta_v, gt_hbm.at[pl.ds(0, GCH)], swa)
    drain2(gefb_v, gef_hbm.at[pl.ds(0, GCH)], swb)
    drain2(gtb_v, gt_hbm.at[pl.ds(0, GCH)], swb)


def _sc_regroup(row, ef, t16):
    out_type = (
        jax.ShapeDtypeStruct((GROWS, 256), jnp.int32),
        jax.ShapeDtypeStruct((GROWS, 128), _f32),
        jax.ShapeDtypeStruct((GROWS,), jnp.int32),
    )
    scratch = [
        pltpu.VMEM((SCHUNK,), jnp.int32),
        pltpu.VMEM((CAP,), jnp.int32),
        pltpu.VMEM((CAP,), jnp.int32),
        pltpu.VMEM((16 * CAP2,), jnp.int32),
        pltpu.VMEM((16 * CAP2,), jnp.int32),
        pltpu.VMEM((16,), jnp.int32),
        pltpu.VMEM((CAP2,), jnp.int32),
        pltpu.VMEM((CAP2,), jnp.int32),
        pltpu.VMEM((GCH, 256), jnp.int32),
        pltpu.VMEM((GCH, 256), jnp.int32),
        pltpu.VMEM((GCH, 128), _f32),
        pltpu.VMEM((GCH, 128), _f32),
        pltpu.VMEM_SHARED((16 * 16 * CAP2,), jnp.int32),
        pltpu.VMEM_SHARED((16 * 16 * CAP2,), jnp.int32),
        pltpu.VMEM_SHARED((256,), jnp.int32),
        pltpu.SMEM((257,), jnp.int32),
        pltpu.SemaphoreType.DMA,
        pltpu.SemaphoreType.DMA,
        pltpu.SemaphoreType.DMA,
        pltpu.SemaphoreType.DMA,
        pltpu.SemaphoreType.DMA,
    ]
    fn = pl.kernel(_regroup_body, out_type=out_type, mesh=_sc_mesh(),
                   scratch_types=scratch, compiler_params=_sc_params())
    return fn(row, ef, t16)


AGG_B = 512
AGG_K = CAP // AGG_B
AGG_R = 384


def _agg_kernel(lid_ref, gef_ref, gt_ref, nagg_ref, cagg_ref):
    k = pl.program_id(1)
    l2 = lid_ref[...].reshape(1, AGG_B)
    lb = jnp.broadcast_to(l2, (AGG_R, AGG_B))
    ohT = (lb == lax.broadcasted_iota(jnp.int32, (AGG_R, AGG_B), 0))
    ohT = ohT.astype(_bf16)
    glo, ghi = _unpack_bf16(gef_ref[...])
    gef = jnp.concatenate([glo, ghi], axis=1).astype(_bf16)
    c1 = jnp.dot(ohT, gef, preferred_element_type=_f32)
    c2 = jnp.dot(ohT, gt_ref[...].astype(_bf16),
                 preferred_element_type=_f32)

    @pl.when(k == 0)
    def _():
        nagg_ref[...] = jnp.zeros_like(nagg_ref)
        cagg_ref[...] = jnp.zeros_like(cagg_ref)

    nagg_ref[...] += c1
    cagg_ref[...] += c2


def _tc_agg(lid3, gef, gt):
    grid = (NW, AGG_K)
    return pl.pallas_call(
        _agg_kernel,
        grid=grid,
        in_specs=[
            pl.BlockSpec((1, 1, AGG_B), lambda w, k: (w * AGG_K + k, 0, 0)),
            pl.BlockSpec((AGG_B, 256), lambda w, k: (w * AGG_K + k, 0)),
            pl.BlockSpec((AGG_B, 128), lambda w, k: (w * AGG_K + k, 0)),
        ],
        out_specs=[
            pl.BlockSpec((AGG_R, H), lambda w, k: (w, 0)),
            pl.BlockSpec((AGG_R, 128), lambda w, k: (w, 0)),
        ],
        out_shape=[
            jax.ShapeDtypeStruct((NW * AGG_R, H), _f32),
            jax.ShapeDtypeStruct((NW * AGG_R, 128), _f32),
        ],
    )(lid3, gef, gt)


def _silu(x):
    return x * jax.nn.sigmoid(x)


def _silu_bf(x):
    xb = x.astype(_bf16)
    return xb * jax.nn.sigmoid(xb)


def _unpack_bf16(x):
    lo = lax.bitcast_convert_type(x << 16, _f32)
    hi = lax.bitcast_convert_type(x & jnp.int32(-65536), _f32)
    return lo, hi


def _edge_kernel(hr_ref, hc_ref, cdr_ref, ea_ref,
                 w1h_ref, w1er_ref, w2_ref, wc1_ref, wc2_ref, bias_ref,
                 ef_ref, t16_ref):
    lor, hir = _unpack_bf16(hr_ref[...])
    loc, hic = _unpack_bf16(hc_ref[...])
    hcat = jnp.concatenate([lor, hir, loc, hic], axis=1).astype(_bf16)
    cd = cdr_ref[...]
    radial = cd[:, 4:5]
    ea_ext = jnp.concatenate(
        [ea_ref[...], jnp.broadcast_to(radial, (radial.shape[0], 8))],
        axis=1).astype(_bf16)
    a = jnp.dot(hcat, w1h_ref[...], preferred_element_type=_f32)
    a += jnp.dot(ea_ext, w1er_ref[...], preferred_element_type=_f32)
    a += bias_ref[0:1, :]
    m = _silu_bf(a)
    ef = jnp.dot(m, w2_ref[...], preferred_element_type=_f32)
    efb = _silu_bf(ef + bias_ref[1:2, :])
    av = lax.bitcast_convert_type(efb[:, :256], jnp.uint16).astype(jnp.uint32)
    bv = lax.bitcast_convert_type(efb[:, 256:], jnp.uint16).astype(jnp.uint32)
    ef_ref[...] = lax.bitcast_convert_type(av | (bv << 16), jnp.int32)
    cm = _silu_bf(jnp.dot(efb, wc1_ref[...],
                          preferred_element_type=_f32) + bias_ref[2:3, :])
    scale = jnp.dot(cm, wc2_ref[...],
                    preferred_element_type=_f32)[:, 0:1]
    t8 = cd * scale
    t16_ref[...] = (jnp.concatenate(
        [t8, jnp.zeros((t8.shape[0], 120), _f32)], axis=1)
        + bias_ref[3:4, 0:128])


def _tc_edge(hr, hc, cdr, ea, w1h, w1er, w2, wc1, wc2p, bias):
    B = 1000
    grid = (E // B,)
    return pl.pallas_call(
        _edge_kernel,
        grid=grid,
        in_specs=[
            pl.BlockSpec((B, D // 2), lambda i: (i, 0)),
            pl.BlockSpec((B, D // 2), lambda i: (i, 0)),
            pl.BlockSpec((B, 8), lambda i: (i, 0)),
            pl.BlockSpec((B, DE), lambda i: (i, 0)),
            pl.BlockSpec((H, H), lambda i: (0, 0)),
            pl.BlockSpec((24, H), lambda i: (0, 0)),
            pl.BlockSpec((H, H), lambda i: (0, 0)),
            pl.BlockSpec((H, H), lambda i: (0, 0)),
            pl.BlockSpec((H, 128), lambda i: (0, 0)),
            pl.BlockSpec((8, H), lambda i: (0, 0)),
        ],
        out_specs=[
            pl.BlockSpec((B, 256), lambda i: (i, 0)),
            pl.BlockSpec((B, 128), lambda i: (i, 0)),
        ],
        out_shape=[
            jax.ShapeDtypeStruct((E, 256), jnp.int32),
            jax.ShapeDtypeStruct((E, 128), _f32),
        ],
    )(hr, hc, cdr, ea, w1h, w1er, w2, wc1, wc2p, bias)


def _node_kernel(h_ref, nagg_ref, cagg_ref, cpad_ref,
                 w3a_ref, w3b_ref, w4_ref, bias_ref,
                 hout_ref, cout_ref):
    hb = h_ref[...].astype(_bf16)
    nb = nagg_ref[...].astype(_bf16)
    nhid = _silu_bf(jnp.dot(hb, w3a_ref[...], preferred_element_type=_f32)
                    + jnp.dot(nb, w3b_ref[...], preferred_element_type=_f32)
                    + bias_ref[0:1, :])
    nout = jnp.dot(nhid, w4_ref[...],
                   preferred_element_type=_f32) + bias_ref[1:2, 0:D]
    hout_ref[...] = h_ref[...] + nout
    cagg = cagg_ref[...][:, 0:16]
    cnt = jnp.clip(cagg[:, 3:4], 1.0, None)
    cout_ref[...] = cpad_ref[...] + cagg / cnt


def _tc_node(h, nagg, cagg, cpad, w3a, w3b, w4, bias2):
    B = 1000
    grid = (N // B,)
    return pl.pallas_call(
        _node_kernel,
        grid=grid,
        in_specs=[
            pl.BlockSpec((B, D), lambda i: (i, 0)),
            pl.BlockSpec((B, H), lambda i: (i, 0)),
            pl.BlockSpec((B, 128), lambda i: (i, 0)),
            pl.BlockSpec((B, 16), lambda i: (i, 0)),
            pl.BlockSpec((D, H), lambda i: (0, 0)),
            pl.BlockSpec((H, H), lambda i: (0, 0)),
            pl.BlockSpec((H, D), lambda i: (0, 0)),
            pl.BlockSpec((8, H), lambda i: (0, 0)),
        ],
        out_specs=[
            pl.BlockSpec((B, D), lambda i: (i, 0)),
            pl.BlockSpec((B, 16), lambda i: (i, 0)),
        ],
        out_shape=[
            jax.ShapeDtypeStruct((N, D), _f32),
            jax.ShapeDtypeStruct((N, 16), _f32),
        ],
    )(h, nagg, cagg, cpad, w3a, w3b, w4, bias2)


def kernel(h, edge_index, coord, edge_attr,
           W1, b1, W2, b2, W3, b3, W4, b4, Wc1, bc1, Wc2):
    row = edge_index[0]
    col = edge_index[1]
    cpad = jnp.pad(coord, ((0, 0), (0, 13)))
    cflat = coord.reshape(3 * N)
    hpk = lax.bitcast_convert_type(
        h.astype(_bf16).reshape(N, D // 2, 2), jnp.int32)

    wr, wc = W1[:D], W1[D:2 * D]
    w1h = jnp.concatenate([wr[0::2], wr[1::2], wc[0::2], wc[1::2]],
                          axis=0).astype(_bf16)
    w1er = jnp.zeros((24, H), _f32).at[:DE].set(W1[2 * D + 1:]) \
        .at[DE].set(W1[2 * D]).astype(_bf16)
    bias = jnp.zeros((8, H), _f32).at[0].set(b1).at[1].set(b2) \
        .at[2].set(bc1).at[3, 3].set(1.0)
    wc2p = jnp.zeros((H, 128), _f32).at[:, 0].set(Wc2[:, 0]).astype(_bf16)
    w3a = W3[:D].astype(_bf16)
    w3b = W3[D:].astype(_bf16)
    w4 = W4.astype(_bf16)
    bias2 = jnp.zeros((8, H), _f32).at[0].set(b3).at[1, :D].set(b4)

    hr, hc, cdr = _sc_gather(hpk, cflat, row, col)
    ef, t16 = _tc_edge(hr, hc, cdr, edge_attr,
                       w1h, w1er, W2.astype(_bf16), Wc1.astype(_bf16),
                       wc2p, bias)
    gef, gt, lid = _sc_regroup(row, ef, t16)
    lid3 = lid.reshape(NW * AGG_K, 1, AGG_B)
    nagg_pad, cagg_pad = _tc_agg(lid3, gef, gt)
    nagg = nagg_pad.reshape(NW, AGG_R, H)[:, :NRANGE].reshape(NW * NRANGE, H)
    cagg = cagg_pad.reshape(NW, AGG_R, 128)[:, :NRANGE]
    cagg = cagg.reshape(NW * NRANGE, 128)
    h_out, cout16 = _tc_node(h, nagg[:N], cagg[:N], cpad,
                             w3a, w3b, w4, bias2)
    return h_out, cout16[:, :3], edge_attr

# --- scband reference (transcript-rebuilt; emitter-appended) ---
"""Pipeline reference for scband-e-gcl-3874060501640 (READ-ONLY COPY).

The authoritative reference and input builder live on the scoring server;
editing this copy changes nothing except your own understanding.
"""

import jax, jax.numpy as jnp
import numpy as np

N = 10000
E = 160000
D = 256
H = 512
DE = 16

def silu(x):
    return x * jax.nn.sigmoid(x)

def setup_inputs(seed: int = 0) -> dict:
    key = jax.random.key(seed)
    ks = jax.random.split(key, 16)
    h = jax.random.normal(ks[0], (N, D), dtype=jnp.float32)
    edge_index = jax.random.randint(ks[1], (2, E), 0, N, dtype=jnp.int32)
    coord = jax.random.normal(ks[2], (N, 3), dtype=jnp.float32)
    edge_attr = jax.random.normal(ks[3], (E, DE), dtype=jnp.float32)
    fin1 = 2 * D + 1 + DE
    W1 = jax.random.normal(ks[4], (fin1, H), dtype=jnp.float32) / np.sqrt(fin1)
    b1 = jnp.zeros((H,), dtype=jnp.float32)
    W2 = jax.random.normal(ks[5], (H, H), dtype=jnp.float32) / np.sqrt(H)
    b2 = jnp.zeros((H,), dtype=jnp.float32)
    fin3 = H + D
    W3 = jax.random.normal(ks[6], (fin3, H), dtype=jnp.float32) / np.sqrt(fin3)
    b3 = jnp.zeros((H,), dtype=jnp.float32)
    W4 = jax.random.normal(ks[7], (H, D), dtype=jnp.float32) / np.sqrt(H)
    b4 = jnp.zeros((D,), dtype=jnp.float32)
    Wc1 = jax.random.normal(ks[8], (H, H), dtype=jnp.float32) / np.sqrt(H)
    bc1 = jnp.zeros((H,), dtype=jnp.float32)
    Wc2 = jax.random.normal(ks[9], (H, 1), dtype=jnp.float32) * (0.001 / np.sqrt(H))
    return {"h": h, "edge_index": edge_index, "coord": coord, "edge_attr": edge_attr,
            "W1": W1, "b1": b1, "W2": W2, "b2": b2, "W3": W3, "b3": b3,
            "W4": W4, "b4": b4, "Wc1": Wc1, "bc1": bc1, "Wc2": Wc2}

def reference(h, edge_index, coord, edge_attr, W1, b1, W2, b2, W3, b3, W4, b4, Wc1, bc1, Wc2):
    row = edge_index[0]
    col = edge_index[1]
    # coord2radial
    coord_diff = coord[row] - coord[col]
    radial = jnp.sum(coord_diff ** 2, axis=1, keepdims=True)
    # edge_model
    ein = jnp.concatenate([h[row], h[col], radial, edge_attr], axis=1)
    m = silu(jnp.dot(ein, W1) + b1)
    edge_feat = silu(jnp.dot(m, W2) + b2)
    # coord_model (coords_agg='mean')
    cm = silu(jnp.dot(edge_feat, Wc1) + bc1)
    scale = jnp.dot(cm, Wc2)  # [E, 1], no bias, no tanh
    trans = coord_diff * scale
    agg_sum = jax.ops.segment_sum(trans, row, num_segments=N)
    count = jax.ops.segment_sum(jnp.ones_like(trans), row, num_segments=N)
    coord_out = coord + agg_sum / jnp.clip(count, 1.0, None)
    # node_model
    nagg = jax.ops.segment_sum(edge_feat, row, num_segments=N)
    nin = jnp.concatenate([h, nagg], axis=1)
    nhid = silu(jnp.dot(nin, W3) + b3)
    nout = jnp.dot(nhid, W4) + b4
    h_out = h + nout  # residual
    return (h_out, coord_out, edge_attr)

if __name__ == "__main__":
    import jax
    _d = setup_inputs()
    print(jax.jit(kernel)(*tuple(_d.values())))

</pallas_src>

<mosaic_0001>
#map = affine_map<(d0, d1) -> (0, 0)>
#map1 = affine_map<(d0, d1) -> (0)>
module attributes {stable_mosaic.version = 14 : i64} {
  func.func @_gather_body(%arg0: i32, %arg1: i32, %arg2: memref<10000x128xi32, #tpu.memory_space<hbm>>, %arg3: memref<30000xf32, #tpu.memory_space<hbm>>, %arg4: memref<160000xi32, #tpu.memory_space<hbm>>, %arg5: memref<160000xi32, #tpu.memory_space<hbm>>, %arg6: memref<160000x128xi32, #tpu.memory_space<hbm>>, %arg7: memref<160000x128xi32, #tpu.memory_space<hbm>>, %arg8: memref<160000x8xf32, #tpu.memory_space<hbm>>, %arg9: memref<128xi32, #tpu.memory_space<vmem>>, %arg10: memref<128xi32, #tpu.memory_space<vmem>>, %arg11: memref<128x128xi32, #tpu.memory_space<vmem>>, %arg12: memref<128x128xi32, #tpu.memory_space<vmem>>, %arg13: memref<128x8xf32, #tpu.memory_space<vmem>>, %arg14: memref<30000xf32, #tpu.memory_space<vmem>>, %arg15: memref<!tpu.dma_semaphore, #tpu.memory_space<semaphore_mem>>, %arg16: memref<!tpu.dma_semaphore, #tpu.memory_space<semaphore_mem>>, %arg17: memref<!tpu.dma_semaphore, #tpu.memory_space<semaphore_mem>>) attributes {dimension_semantics = [#tpu.dimension_semantics<core_parallel>, #tpu.dimension_semantics<subcore_parallel>], iteration_bounds = array<i64: 2, 16>, scalar_prefetch = 0 : i64, scratch_operands = 9 : i64, tpu.core_type = #tpu.core_type<sc_vector_subcore>, window_params = [{transform_indices = #map}, {transform_indices = #map1}, {transform_indices = #map1}, {transform_indices = #map1}, {transform_indices = #map}, {transform_indices = #map}, {transform_indices = #map}]} {
    %mul3A = arith.constant 2 : i32
    %mul3A_0 = arith.muli %arg1, %mul3A : i32
    %add3A = arith.addi %mul3A_0, %arg0 : i32
    tpu.enqueue_dma source(%arg3 : memref<30000xf32, #tpu.memory_space<hbm>>) target(%arg14 : memref<30000xf32, #tpu.memory_space<vmem>>) target_semaphore(%arg17 : memref<!tpu.dma_semaphore, #tpu.memory_space<semaphore_mem>>)
    tpu.wait_dma2 semaphore(%arg17 : memref<!tpu.dma_semaphore, #tpu.memory_space<semaphore_mem>>) src(%arg3 : memref<30000xf32, #tpu.memory_space<hbm>>) dst(%arg14 : memref<30000xf32, #tpu.memory_space<vmem>>)
    %broadcast_in_dim3A = arith.constant 0.000000e+00 : f32
    %broadcast_in_dim3A_1 = vector.broadcast %broadcast_in_dim3A : f32 to vector<16xf32>
    %broadcast_in_dim3A_2 = arith.constant 5 : i32
    %broadcast_in_dim3A_3 = vector.broadcast %broadcast_in_dim3A_2 : i32 to vector<16xi32>
    %scan3A = arith.constant 0 : i32
    %scan3A_4 = arith.constant 8 : i32
    %scan3A_5 = arith.addi %scan3A, %scan3A_4 : i32
    %scan3A_6 = arith.constant 1 : i32
    scf.for %scan3A_27 = %scan3A to %scan3A_5 step %scan3A_6  : i32 {
      %mul3A_28 = arith.constant 1 : i32
      %mul3A_29 = arith.muli %scan3A_27, %mul3A_28 : i32
      %add3A_30 = arith.constant 0 : i32
      %add3A_31 = arith.addi %add3A_30, %mul3A_29 : i32
      %mul3A_32 = arith.constant 16 : i32
      %mul3A_33 = arith.muli %add3A_31, %mul3A_32 : i32
      %iota3A = tpu.iota {dimensions = array<i32: 0>} : vector<16xi32>
      %add3A_34 = vector.broadcast %mul3A_33 : i32 to vector<16xi32>
      %add3A_35 = arith.addi %add3A_34, %iota3A : vector<16xi32>
      tpu.vector_store_idx %arg13[%add3A_35, %broadcast_in_dim3A_3], %broadcast_in_dim3A_1 : memref<128x8xf32, #tpu.memory_space<vmem>>[vector<16xi32>, vector<16xi32>], vector<16xf32>,
    }
    %scan3A_7 = arith.constant 8 : i32
    %broadcast_in_dim3A_8 = arith.constant 6 : i32
    %broadcast_in_dim3A_9 = vector.broadcast %broadcast_in_dim3A_8 : i32 to vector<16xi32>
    %scan3A_10 = arith.constant 0 : i32
    %scan3A_11 = arith.constant 8 : i32
    %scan3A_12 = arith.addi %scan3A_10, %scan3A_11 : i32
    %scan3A_13 = arith.constant 1 : i32
    scf.for %scan3A_27 = %scan3A_10 to %scan3A_12 step %scan3A_13  : i32 {
      %mul3A_28 = arith.constant 1 : i32
      %mul3A_29 = arith.muli %scan3A_27, %mul3A_28 : i32
      %add3A_30 = arith.constant 0 : i32
      %add3A_31 = arith.addi %add3A_30, %mul3A_29 : i32
      %mul3A_32 = arith.constant 16 : i32
      %mul3A_33 = arith.muli %add3A_31, %mul3A_32 : i32
      %iota3A = tpu.iota {dimensions = array<i32: 0>} : vector<16xi32>
      %add3A_34 = vector.broadcast %mul3A_33 : i32 to vector<16xi32>
      %add3A_35 = arith.addi %add3A_34, %iota3A : vector<16xi32>
      tpu.vector_store_idx %arg13[%add3A_35, %broadcast_in_dim3A_9], %broadcast_in_dim3A_1 : memref<128x8xf32, #tpu.memory_space<vmem>>[vector<16xi32>, vector<16xi32>], vector<16xf32>,
    }
    %scan3A_14 = arith.constant 8 : i32
    %broadcast_in_dim3A_15 = arith.constant 7 : i32
    %broadcast_in_dim3A_16 = vector.broadcast %broadcast_in_dim3A_15 : i32 to vector<16xi32>
    %scan3A_17 = arith.constant 0 : i32
    %scan3A_18 = arith.constant 8 : i32
    %scan3A_19 = arith.addi %scan3A_17, %scan3A_18 : i32
    %scan3A_20 = arith.constant 1 : i32
    scf.for %scan3A_27 = %scan3A_17 to %scan3A_19 step %scan3A_20  : i32 {
      %mul3A_28 = arith.constant 1 : i32
      %mul3A_29 = arith.muli %scan3A_27, %mul3A_28 : i32
      %add3A_30 = arith.constant 0 : i32
      %add3A_31 = arith.addi %add3A_30, %mul3A_29 : i32
      %mul3A_32 = arith.constant 16 : i32
      %mul3A_33 = arith.muli %add3A_31, %mul3A_32 : i32
      %iota3A = tpu.iota {dimensions = array<i32: 0>} : vector<16xi32>
      %add3A_34 = vector.broadcast %mul3A_33 : i32 to vector<16xi32>
      %add3A_35 = arith.addi %add3A_34, %iota3A : vector<16xi32>
      tpu.vector_store_idx %arg13[%add3A_35, %broadcast_in_dim3A_16], %broadcast_in_dim3A_1 : memref<128x8xf32, #tpu.memory_space<vmem>>[vector<16xi32>, vector<16xi32>], vector<16xf32>,
    }
    %scan3A_21 = arith.constant 8 : i32
    %scan3A_22 = arith.constant 0 : i32
    %scan3A_23 = arith.constant 40 : i32
    %scan3A_24 = arith.addi %scan3A_22, %scan3A_23 : i32
    %scan3A_25 = arith.constant 1 : i32
    scf.for %scan3A_27 = %scan3A_22 to %scan3A_24 step %scan3A_25  : i32 {
      %mul3A_28 = arith.constant 1 : i32
      %mul3A_29 = arith.muli %scan3A_27, %mul3A_28 : i32
      %add3A_30 = arith.constant 0 : i32
      %add3A_31 = arith.addi %add3A_30, %mul3A_29 : i32
      %mul3A_32 = arith.constant 32 : i32
      %mul3A_33 = arith.muli %mul3A_32, %add3A_31 : i32
      %add3A_34 = arith.addi %add3A, %mul3A_33 : i32
      %lt3A = arith.constant 1250 : i32
      %lt3A_35 = arith.cmpi slt, %add3A_34, %lt3A : i32
      %convert_element_type3A = arith.extui %lt3A_35 : i1 to i32
      %cond3A = arith.constant 0 : i32
      %cond3A_36 = arith.cmpi ne, %convert_element_type3A, %cond3A : i32
      scf.if %cond3A_36 {
        %mul3A_37 = arith.constant 128 : i32
        %mul3A_38 = arith.muli %add3A_34, %mul3A_37 : i32
        "tpu.region"() ({
          %run_scoped3A = tpu.sem_alloc : memref<!tpu.dma_semaphore, #tpu.memory_space<semaphore_mem>>
          %dma_start3A_54 = tpu.memref_slice %arg4[%mul3A_38] : memref<160000xi32, #tpu.memory_space<hbm>> -> memref<128xi32, #tpu.memory_space<hbm>>
          %dma_start3A_55 = tpu.memref_slice %arg4[%mul3A_38] : memref<160000xi32, #tpu.memory_space<hbm>> -> memref<128xi32, #tpu.memory_space<hbm>>
          tpu.enqueue_dma source(%dma_start3A_55 : memref<128xi32, #tpu.memory_space<hbm>>) target(%arg9 : memref<128xi32, #tpu.memory_space<vmem>>) target_semaphore(%run_scoped3A : memref<!tpu.dma_semaphore, #tpu.memory_space<semaphore_mem>>)
          %dma_wait3A_56 = tpu.memref_slice %arg4[%mul3A_38] : memref<160000xi32, #tpu.memory_space<hbm>> -> memref<128xi32, #tpu.memory_space<hbm>>
          %dma_wait3A_57 = tpu.memref_slice %arg4[%mul3A_38] : memref<160000xi32, #tpu.memory_space<hbm>> -> memref<128xi32, #tpu.memory_space<hbm>>
          tpu.wait_dma2 semaphore(%run_scoped3A : memref<!tpu.dma_semaphore, #tpu.memory_space<semaphore_mem>>) src(%dma_wait3A_57 : memref<128xi32, #tpu.memory_space<hbm>>) dst(%arg9 : memref<128xi32, #tpu.memory_space<vmem>>)
          tpu.yield
        }) : () -> ()
        "tpu.region"() ({
          %run_scoped3A = tpu.sem_alloc : memref<!tpu.dma_semaphore, #tpu.memory_space<semaphore_mem>>
          %dma_start3A_54 = tpu.memref_slice %arg5[%mul3A_38] : memref<160000xi32, #tpu.memory_space<hbm>> -> memref<128xi32, #tpu.memory_space<hbm>>
          %dma_start3A_55 = tpu.memref_slice %arg5[%mul3A_38] : memref<160000xi32, #tpu.memory_space<hbm>> -> memref<128xi32, #tpu.memory_space<hbm>>
          tpu.enqueue_dma source(%dma_start3A_55 : memref<128xi32, #tpu.memory_space<hbm>>) target(%arg10 : memref<128xi32, #tpu.memory_space<vmem>>) target_semaphore(%run_scoped3A : memref<!tpu.dma_semaphore, #tpu.memory_space<semaphore_mem>>)
          %dma_wait3A_56 = tpu.memref_slice %arg5[%mul3A_38] : memref<160000xi32, #tpu.memory_space<hbm>> -> memref<128xi32, #tpu.memory_space<hbm>>
          %dma_wait3A_57 = tpu.memref_slice %arg5[%mul3A_38] : memref<160000xi32, #tpu.memory_space<hbm>> -> memref<128xi32, #tpu.memory_space<hbm>>
          tpu.wait_dma2 semaphore(%run_scoped3A : memref<!tpu.dma_semaphore, #tpu.memory_space<semaphore_mem>>) src(%dma_wait3A_57 : memref<128xi32, #tpu.memory_space<hbm>>) dst(%arg10 : memref<128xi32, #tpu.memory_space<vmem>>)
          tpu.yield
        }) : () -> ()
        %dma_start3A = arith.constant 0 : i32
        %dma_start3A_39 = arith.constant 0 : i32
        %dma_start3A_40 = tpu.memref_slice %arg2[%dma_start3A, %dma_start3A_39] : memref<10000x128xi32, #tpu.memory_space<hbm>> -> memref<10000x128xi32, #tpu.memory_space<hbm>>
        tpu.enqueue_indirect_dma source(%dma_start3A_40 : memref<10000x128xi32, #tpu.memory_space<hbm>>) target(%arg11 : memref<128x128xi32, #tpu.memory_space<vmem>>) offsets(%arg9 : memref<128xi32, #tpu.memory_space<vmem>>) semaphore(%arg15 : memref<!tpu.dma_semaphore, #tpu.memory_space<semaphore_mem>>)
        %dma_start3A_41 = arith.constant 0 : i32
        %dma_start3A_42 = arith.constant 0 : i32
        %dma_start3A_43 = tpu.memref_slice %arg2[%dma_start3A_41, %dma_start3A_42] : memref<10000x128xi32, #tpu.memory_space<hbm>> -> memref<10000x128xi32, #tpu.memory_space<hbm>>
        tpu.enqueue_indirect_dma source(%dma_start3A_43 : memref<10000x128xi32, #tpu.memory_space<hbm>>) target(%arg12 : memref<128x128xi32, #tpu.memory_space<vmem>>) offsets(%arg10 : memref<128xi32, #tpu.memory_space<vmem>>) semaphore(%arg16 : memref<!tpu.dma_semaphore, #tpu.memory_space<semaphore_mem>>)
        %scan3A_44 = arith.constant 0 : i32
        %scan3A_45 = arith.constant 8 : i32
        %scan3A_46 = arith.addi %scan3A_44, %scan3A_45 : i32
        %scan3A_47 = arith.constant 1 : i32
        scf.for %scan3A_54 = %scan3A_44 to %scan3A_46 step %scan3A_47  : i32 {
          %mul3A_55 = arith.constant 1 : i32
          %mul3A_56 = arith.muli %scan3A_54, %mul3A_55 : i32
          %add3A_57 = arith.constant 0 : i32
          %add3A_58 = arith.addi %add3A_57, %mul3A_56 : i32
          %mul3A_59 = arith.constant 16 : i32
          %mul3A_60 = arith.muli %add3A_58, %mul3A_59 : i32
          %get3A = arith.index_cast %mul3A_60 : i32 to index
          %get3A_61 = tpu.vector_load %arg9[%get3A] {strides = array<i32>} : memref<128xi32, #tpu.memory_space<vmem>>, vector<16xi32>,
          %mul3A_62 = arith.constant 3 : i32
          %mul3A_63 = vector.broadcast %mul3A_62 : i32 to vector<16xi32>
          %mul3A_64 = arith.muli %get3A_61, %mul3A_63 : vector<16xi32>
          %mul3A_65 = arith.constant 16 : i32
          %mul3A_66 = arith.muli %add3A_58, %mul3A_65 : i32
          %get3A_67 = arith.index_cast %mul3A_66 : i32 to index
          %get3A_68 = tpu.vector_load %arg10[%get3A_67] {strides = array<i32>} : memref<128xi32, #tpu.memory_space<vmem>>, vector<16xi32>,
          %mul3A_69 = arith.constant 3 : i32
          %mul3A_70 = vector.broadcast %mul3A_69 : i32 to vector<16xi32>
          %mul3A_71 = arith.muli %get3A_68, %mul3A_70 : vector<16xi32>
          %mul3A_72 = arith.constant 16 : i32
          %mul3A_73 = arith.muli %add3A_58, %mul3A_72 : i32
          %iota3A = tpu.iota {dimensions = array<i32: 0>} : vector<16xi32>
          %add3A_74 = vector.broadcast %mul3A_73 : i32 to vector<16xi32>
          %add3A_75 = arith.addi %add3A_74, %iota3A : vector<16xi32>
          %broadcast_in_dim3A_76 = arith.constant 0.000000e+00 : f32
          %broadcast_in_dim3A_77 = vector.broadcast %broadcast_in_dim3A_76 : f32 to vector<16xf32>
          %broadcast_in_dim3A_78 = arith.constant 0 : i32
          %broadcast_in_dim3A_79 = vector.broadcast %broadcast_in_dim3A_78 : i32 to vector<16xi32>
          %add3A_80 = arith.constant 0 : i32
          %add3A_81 = vector.broadcast %add3A_80 : i32 to vector<16xi32>
          %add3A_82 = arith.addi %mul3A_64, %add3A_81 : vector<16xi32>
          %gather3A = tpu.vector_load_idx %arg14[%add3A_82] : memref<30000xf32, #tpu.memory_space<vmem>>[vector<16xi32>], vector<16xf32>,
          %add3A_83 = arith.constant 0 : i32
          %add3A_84 = vector.broadcast %add3A_83 : i32 to vector<16xi32>
          %add3A_85 = arith.addi %mul3A_71, %add3A_84 : vector<16xi32>
          %gather3A_86 = tpu.vector_load_idx %arg14[%add3A_85] : memref<30000xf32, #tpu.memory_space<vmem>>[vector<16xi32>], vector<16xf32>,
          %sub3A = arith.subf %gather3A, %gather3A_86 : vector<16xf32>
          tpu.vector_store_idx %arg13[%add3A_75, %broadcast_in_dim3A_79], %sub3A : memref<128x8xf32, #tpu.memory_space<vmem>>[vector<16xi32>, vector<16xi32>], vector<16xf32>,
          %mul3A_87 = arith.mulf %sub3A, %sub3A : vector<16xf32>
          %add3A_88 = arith.addf %broadcast_in_dim3A_77, %mul3A_87 : vector<16xf32>
          %broadcast_in_dim3A_89 = arith.constant 1 : i32
          %broadcast_in_dim3A_90 = vector.broadcast %broadcast_in_dim3A_89 : i32 to vector<16xi32>
          %add3A_91 = arith.constant 1 : i32
          %add3A_92 = vector.broadcast %add3A_91 : i32 to vector<16xi32>
          %add3A_93 = arith.addi %mul3A_64, %add3A_92 : vector<16xi32>
          %gather3A_94 = tpu.vector_load_idx %arg14[%add3A_93] : memref<30000xf32, #tpu.memory_space<vmem>>[vector<16xi32>], vector<16xf32>,
          %add3A_95 = arith.constant 1 : i32
          %add3A_96 = vector.broadcast %add3A_95 : i32 to vector<16xi32>
          %add3A_97 = arith.addi %mul3A_71, %add3A_96 : vector<16xi32>
          %gather3A_98 = tpu.vector_load_idx %arg14[%add3A_97] : memref<30000xf32, #tpu.memory_space<vmem>>[vector<16xi32>], vector<16xf32>,
          %sub3A_99 = arith.subf %gather3A_94, %gather3A_98 : vector<16xf32>
          tpu.vector_store_idx %arg13[%add3A_75, %broadcast_in_dim3A_90], %sub3A_99 : memref<128x8xf32, #tpu.memory_space<vmem>>[vector<16xi32>, vector<16xi32>], vector<16xf32>,
          %mul3A_100 = arith.mulf %sub3A_99, %sub3A_99 : vector<16xf32>
          %add3A_101 = arith.addf %add3A_88, %mul3A_100 : vector<16xf32>
          %broadcast_in_dim3A_102 = arith.constant 2 : i32
          %broadcast_in_dim3A_103 = vector.broadcast %broadcast_in_dim3A_102 : i32 to vector<16xi32>
          %add3A_104 = arith.constant 2 : i32
          %add3A_105 = vector.broadcast %add3A_104 : i32 to vector<16xi32>
          %add3A_106 = arith.addi %mul3A_64, %add3A_105 : vector<16xi32>
          %gather3A_107 = tpu.vector_load_idx %arg14[%add3A_106] : memref<30000xf32, #tpu.memory_space<vmem>>[vector<16xi32>], vector<16xf32>,
          %add3A_108 = arith.constant 2 : i32
          %add3A_109 = vector.broadcast %add3A_108 : i32 to vector<16xi32>
          %add3A_110 = arith.addi %mul3A_71, %add3A_109 : vector<16xi32>
          %gather3A_111 = tpu.vector_load_idx %arg14[%add3A_110] : memref<30000xf32, #tpu.memory_space<vmem>>[vector<16xi32>], vector<16xf32>,
          %sub3A_112 = arith.subf %gather3A_107, %gather3A_111 : vector<16xf32>
          tpu.vector_store_idx %arg13[%add3A_75, %broadcast_in_dim3A_103], %sub3A_112 : memref<128x8xf32, #tpu.memory_space<vmem>>[vector<16xi32>, vector<16xi32>], vector<16xf32>,
          %mul3A_113 = arith.mulf %sub3A_112, %sub3A_112 : vector<16xf32>
          %add3A_114 = arith.addf %add3A_101, %mul3A_113 : vector<16xf32>
          %broadcast_in_dim3A_115 = arith.constant 4 : i32
          %broadcast_in_dim3A_116 = vector.broadcast %broadcast_in_dim3A_115 : i32 to vector<16xi32>
          tpu.vector_store_idx %arg13[%add3A_75, %broadcast_in_dim3A_116], %add3A_114 : memref<128x8xf32, #tpu.memory_space<vmem>>[vector<16xi32>, vector<16xi32>], vector<16xf32>,
        }
        %scan3A_48 = arith.constant 8 : i32
        %dma_wait3A = arith.constant 0 : i32
        %dma_wait3A_49 = arith.constant 0 : i32
        %dma_wait3A_50 = tpu.memref_slice %arg2[%dma_wait3A, %dma_wait3A_49] : memref<10000x128xi32, #tpu.memory_space<hbm>> -> memref<10000x128xi32, #tpu.memory_space<hbm>>
        tpu.wait_indirect_dma semaphore(%arg15 : memref<!tpu.dma_semaphore, #tpu.memory_space<semaphore_mem>>) src(%dma_wait3A_50 : memref<10000x128xi32, #tpu.memory_space<hbm>>) dst(%arg11 : memref<128x128xi32, #tpu.memory_space<vmem>>)
        %dma_wait3A_51 = arith.constant 0 : i32
        %dma_wait3A_52 = arith.constant 0 : i32
        %dma_wait3A_53 = tpu.memref_slice %arg2[%dma_wait3A_51, %dma_wait3A_52] : memref<10000x128xi32, #tpu.memory_space<hbm>> -> memref<10000x128xi32, #tpu.memory_space<hbm>>
        tpu.wait_indirect_dma semaphore(%arg16 : memref<!tpu.dma_semaphore, #tpu.memory_space<semaphore_mem>>) src(%dma_wait3A_53 : memref<10000x128xi32, #tpu.memory_space<hbm>>) dst(%arg12 : memref<128x128xi32, #tpu.memory_space<vmem>>)
        "tpu.region"() ({
          %run_scoped3A = tpu.sem_alloc : memref<!tpu.dma_semaphore, #tpu.memory_space<semaphore_mem>>
          %dma_start3A_54 = arith.constant 0 : i32
          %dma_start3A_55 = tpu.memref_slice %arg6[%mul3A_38, %dma_start3A_54] : memref<160000x128xi32, #tpu.memory_space<hbm>> -> memref<128x128xi32, #tpu.memory_space<hbm>>
          %dma_start3A_56 = arith.constant 0 : i32
          %dma_start3A_57 = tpu.memref_slice %arg6[%mul3A_38, %dma_start3A_56] : memref<160000x128xi32, #tpu.memory_space<hbm>> -> memref<128x128xi32, #tpu.memory_space<hbm>>
          tpu.enqueue_dma source(%arg11 : memref<128x128xi32, #tpu.memory_space<vmem>>) target(%dma_start3A_57 : memref<128x128xi32, #tpu.memory_space<hbm>>) target_semaphore(%run_scoped3A : memref<!tpu.dma_semaphore, #tpu.memory_space<semaphore_mem>>)
          %dma_wait3A_58 = arith.constant 0 : i32
          %dma_wait3A_59 = tpu.memref_slice %arg6[%mul3A_38, %dma_wait3A_58] : memref<160000x128xi32, #tpu.memory_space<hbm>> -> memref<128x128xi32, #tpu.memory_space<hbm>>
          %dma_wait3A_60 = arith.constant 0 : i32
          %dma_wait3A_61 = tpu.memref_slice %arg6[%mul3A_38, %dma_wait3A_60] : memref<160000x128xi32, #tpu.memory_space<hbm>> -> memref<128x128xi32, #tpu.memory_space<hbm>>
          tpu.wait_dma2 semaphore(%run_scoped3A : memref<!tpu.dma_semaphore, #tpu.memory_space<semaphore_mem>>) src(%arg11 : memref<128x128xi32, #tpu.memory_space<vmem>>) dst(%dma_wait3A_61 : memref<128x128xi32, #tpu.memory_space<hbm>>)
          tpu.yield
        }) : () -> ()
        "tpu.region"() ({
          %run_scoped3A = tpu.sem_alloc : memref<!tpu.dma_semaphore, #tpu.memory_space<semaphore_mem>>
          %dma_start3A_54 = arith.constant 0 : i32
          %dma_start3A_55 = tpu.memref_slice %arg7[%mul3A_38, %dma_start3A_54] : memref<160000x128xi32, #tpu.memory_space<hbm>> -> memref<128x128xi32, #tpu.memory_space<hbm>>
          %dma_start3A_56 = arith.constant 0 : i32
          %dma_start3A_57 = tpu.memref_slice %arg7[%mul3A_38, %dma_start3A_56] : memref<160000x128xi32, #tpu.memory_space<hbm>> -> memref<128x128xi32, #tpu.memory_space<hbm>>
          tpu.enqueue_dma source(%arg12 : memref<128x128xi32, #tpu.memory_space<vmem>>) target(%dma_start3A_57 : memref<128x128xi32, #tpu.memory_space<hbm>>) target_semaphore(%run_scoped3A : memref<!tpu.dma_semaphore, #tpu.memory_space<semaphore_mem>>)
          %dma_wait3A_58 = arith.constant 0 : i32
          %dma_wait3A_59 = tpu.memref_slice %arg7[%mul3A_38, %dma_wait3A_58] : memref<160000x128xi32, #tpu.memory_space<hbm>> -> memref<128x128xi32, #tpu.memory_space<hbm>>
          %dma_wait3A_60 = arith.constant 0 : i32
          %dma_wait3A_61 = tpu.memref_slice %arg7[%mul3A_38, %dma_wait3A_60] : memref<160000x128xi32, #tpu.memory_space<hbm>> -> memref<128x128xi32, #tpu.memory_space<hbm>>
          tpu.wait_dma2 semaphore(%run_scoped3A : memref<!tpu.dma_semaphore, #tpu.memory_space<semaphore_mem>>) src(%arg12 : memref<128x128xi32, #tpu.memory_space<vmem>>) dst(%dma_wait3A_61 : memref<128x128xi32, #tpu.memory_space<hbm>>)
          tpu.yield
        }) : () -> ()
        "tpu.region"() ({
          %run_scoped3A = tpu.sem_alloc : memref<!tpu.dma_semaphore, #tpu.memory_space<semaphore_mem>>
          %dma_start3A_54 = arith.constant 0 : i32
          %dma_start3A_55 = tpu.memref_slice %arg8[%mul3A_38, %dma_start3A_54] : memref<160000x8xf32, #tpu.memory_space<hbm>> -> memref<128x8xf32, #tpu.memory_space<hbm>>
          %dma_start3A_56 = arith.constant 0 : i32
          %dma_start3A_57 = tpu.memref_slice %arg8[%mul3A_38, %dma_start3A_56] : memref<160000x8xf32, #tpu.memory_space<hbm>> -> memref<128x8xf32, #tpu.memory_space<hbm>>
          tpu.enqueue_dma source(%arg13 : memref<128x8xf32, #tpu.memory_space<vmem>>) target(%dma_start3A_57 : memref<128x8xf32, #tpu.memory_space<hbm>>) target_semaphore(%run_scoped3A : memref<!tpu.dma_semaphore, #tpu.memory_space<semaphore_mem>>)
          %dma_wait3A_58 = arith.constant 0 : i32
          %dma_wait3A_59 = tpu.memref_slice %arg8[%mul3A_38, %dma_wait3A_58] : memref<160000x8xf32, #tpu.memory_space<hbm>> -> memref<128x8xf32, #tpu.memory_space<hbm>>
          %dma_wait3A_60 = arith.constant 0 : i32
          %dma_wait3A_61 = tpu.memref_slice %arg8[%mul3A_38, %dma_wait3A_60] : memref<160000x8xf32, #tpu.memory_space<hbm>> -> memref<128x8xf32, #tpu.memory_space<hbm>>
          tpu.wait_dma2 semaphore(%run_scoped3A : memref<!tpu.dma_semaphore, #tpu.memory_space<semaphore_mem>>) src(%arg13 : memref<128x8xf32, #tpu.memory_space<vmem>>) dst(%dma_wait3A_61 : memref<128x8xf32, #tpu.memory_space<hbm>>)
          tpu.yield
        }) : () -> ()
      } else {
      }
    }
    %scan3A_26 = arith.constant 40 : i32
    return
  }
}

#map = affine_map<(d0, d1) -> (0)>
#map1 = affine_map<(d0, d1) -> (0, 0)>
module attributes {stable_mosaic.version = 14 : i64} {
  func.func @_regroup_body(%arg0: i32, %arg1: i32, %arg2: memref<160000xi32, #tpu.memory_space<hbm>>, %arg3: memref<160000x256xi32, #tpu.memory_space<hbm>>, %arg4: memref<160000x128xf32, #tpu.memory_space<hbm>>, %arg5: memref<180224x256xi32, #tpu.memory_space<hbm>>, %arg6: memref<180224x128xf32, #tpu.memory_space<hbm>>, %arg7: memref<180224xi32, #tpu.memory_space<hbm>>, %arg8: memref<2000xi32, #tpu.memory_space<vmem>>, %arg9: memref<5632xi32, #tpu.memory_space<vmem>>, %arg10: memref<5632xi32, #tpu.memory_space<vmem>>, %arg11: memref<13312xi32, #tpu.memory_space<vmem>>, %arg12: memref<13312xi32, #tpu.memory_space<vmem>>, %arg13: memref<16xi32, #tpu.memory_space<vmem>>, %arg14: memref<832xi32, #tpu.memory_space<vmem>>, %arg15: memref<832xi32, #tpu.memory_space<vmem>>, %arg16: memref<32x256xi32, #tpu.memory_space<vmem>>, %arg17: memref<32x256xi32, #tpu.memory_space<vmem>>, %arg18: memref<32x128xf32, #tpu.memory_space<vmem>>, %arg19: memref<32x128xf32, #tpu.memory_space<vmem>>, %arg20: memref<212992xi32, #tpu.memory_space<vmem_shared>>, %arg21: memref<212992xi32, #tpu.memory_space<vmem_shared>>, %arg22: memref<256xi32, #tpu.memory_space<vmem_shared>>, %arg23: memref<257xi32, #tpu.memory_space<smem>>, %arg24: memref<!tpu.dma_semaphore, #tpu.memory_space<semaphore_mem>>, %arg25: memref<!tpu.dma_semaphore, #tpu.memory_space<semaphore_mem>>, %arg26: memref<!tpu.dma_semaphore, #tpu.memory_space<semaphore_mem>>, %arg27: memref<!tpu.dma_semaphore, #tpu.memory_space<semaphore_mem>>, %arg28: memref<!tpu.dma_semaphore, #tpu.memory_space<semaphore_mem>>) attributes {dimension_semantics = [#tpu.dimension_semantics<core_parallel>, #tpu.dimension_semantics<subcore_parallel>], iteration_bounds = array<i64: 2, 16>, scalar_prefetch = 0 : i64, scratch_operands = 21 : i64, tpu.core_type = #tpu.core_type<sc_vector_subcore>, window_params = [{transform_indices = #map}, {transform_indices = #map1}, {transform_indices = #map1}, {transform_indices = #map1}, {transform_indices = #map1}, {transform_indices = #map}]} {
    %mul3A = arith.constant 16 : i32
    %mul3A_0 = arith.muli %arg0, %mul3A : i32
    %add3A = arith.addi %mul3A_0, %arg1 : i32
    %iota3A = tpu.iota {dimensions = array<i32: 0>} : vector<16xi32>
    %broadcast_in_dim3A = arith.constant 1 : i32
    %broadcast_in_dim3A_1 = vector.broadcast %broadcast_in_dim3A : i32 to vector<16xi32>
    %broadcast_in_dim3A_2 = arith.constant 0 : i32
    %broadcast_in_dim3A_3 = vector.broadcast %broadcast_in_dim3A_2 : i32 to vector<16xi32>
    %broadcast_in_dim3A_4 = arith.constant 320 : i32
    %broadcast_in_dim3A_5 = vector.broadcast %broadcast_in_dim3A_4 : i32 to vector<16xi32>
    %scan3A = arith.constant 0 : i32
    %scan3A_6 = arith.constant 352 : i32
    %scan3A_7 = arith.addi %scan3A, %scan3A_6 : i32
    %scan3A_8 = arith.constant 1 : i32
    scf.for %scan3A_465 = %scan3A to %scan3A_7 step %scan3A_8  : i32 {
      %mul3A_466 = arith.constant 1 : i32
      %mul3A_467 = arith.muli %scan3A_465, %mul3A_466 : i32
      %add3A_468 = arith.constant 0 : i32
      %add3A_469 = arith.addi %add3A_468, %mul3A_467 : i32
      %mul3A_470 = arith.constant 16 : i32
      %mul3A_471 = arith.muli %add3A_469, %mul3A_470 : i32
      %swap3A_472 = arith.index_cast %mul3A_471 : i32 to index
      %swap3A_473 = tpu.vector_load %arg9[%swap3A_472] {strides = array<i32>} : memref<5632xi32, #tpu.memory_space<vmem>>, vector<16xi32>,
      tpu.vector_store %arg9[%swap3A_472], %broadcast_in_dim3A_3 {strides = array<i32>} : memref<5632xi32, #tpu.memory_space<vmem>>, vector<16xi32>,
      %mul3A_474 = arith.constant 16 : i32
      %mul3A_475 = arith.muli %add3A_469, %mul3A_474 : i32
      %swap3A_476 = arith.index_cast %mul3A_475 : i32 to index
      %swap3A_477 = tpu.vector_load %arg10[%swap3A_476] {strides = array<i32>} : memref<5632xi32, #tpu.memory_space<vmem>>, vector<16xi32>,
      tpu.vector_store %arg10[%swap3A_476], %broadcast_in_dim3A_5 {strides = array<i32>} : memref<5632xi32, #tpu.memory_space<vmem>>, vector<16xi32>,
    }
    %scan3A_9 = arith.constant 352 : i32
    %broadcast_in_dim3A_10 = arith.constant 0 : i32
    %broadcast_in_dim3A_11 = vector.broadcast %broadcast_in_dim3A_10 : i32 to vector<16xi32>
    %swap3A = arith.constant 0 : index
    %swap3A_12 = tpu.vector_load %arg13[%swap3A] {strides = array<i32>} : memref<16xi32, #tpu.memory_space<vmem>>, vector<16xi32>,
    tpu.vector_store %arg13[%swap3A], %broadcast_in_dim3A_11 {strides = array<i32>} : memref<16xi32, #tpu.memory_space<vmem>>, vector<16xi32>,
    %scan3A_13 = arith.constant 0 : i32
    %scan3A_14 = arith.constant 5 : i32
    %scan3A_15 = arith.addi %scan3A_13, %scan3A_14 : i32
    %scan3A_16 = arith.constant 1 : i32
    scf.for %scan3A_465 = %scan3A_13 to %scan3A_15 step %scan3A_16  : i32 {
      %mul3A_466 = arith.constant 1 : i32
      %mul3A_467 = arith.muli %scan3A_465, %mul3A_466 : i32
      %add3A_468 = arith.constant 0 : i32
      %add3A_469 = arith.addi %add3A_468, %mul3A_467 : i32
      %mul3A_470 = arith.constant 10000 : i32
      %mul3A_471 = arith.muli %arg1, %mul3A_470 : i32
      %mul3A_472 = arith.constant 2000 : i32
      %mul3A_473 = arith.muli %add3A_469, %mul3A_472 : i32
      %add3A_474 = arith.addi %mul3A_471, %mul3A_473 : i32
      "tpu.region"() ({
        %run_scoped3A = tpu.sem_alloc : memref<!tpu.dma_semaphore, #tpu.memory_space<semaphore_mem>>
        %dma_start3A_480 = tpu.memref_slice %arg2[%add3A_474] : memref<160000xi32, #tpu.memory_space<hbm>> -> memref<2000xi32, #tpu.memory_space<hbm>>
        %dma_start3A_481 = tpu.memref_slice %arg2[%add3A_474] : memref<160000xi32, #tpu.memory_space<hbm>> -> memref<2000xi32, #tpu.memory_space<hbm>>
        tpu.enqueue_dma source(%dma_start3A_481 : memref<2000xi32, #tpu.memory_space<hbm>>) target(%arg8 : memref<2000xi32, #tpu.memory_space<vmem>>) target_semaphore(%run_scoped3A : memref<!tpu.dma_semaphore, #tpu.memory_space<semaphore_mem>>)
        %dma_wait3A_482 = tpu.memref_slice %arg2[%add3A_474] : memref<160000xi32, #tpu.memory_space<hbm>> -> memref<2000xi32, #tpu.memory_space<hbm>>
        %dma_wait3A_483 = tpu.memref_slice %arg2[%add3A_474] : memref<160000xi32, #tpu.memory_space<hbm>> -> memref<2000xi32, #tpu.memory_space<hbm>>
        tpu.wait_dma2 semaphore(%run_scoped3A : memref<!tpu.dma_semaphore, #tpu.memory_space<semaphore_mem>>) src(%dma_wait3A_483 : memref<2000xi32, #tpu.memory_space<hbm>>) dst(%arg8 : memref<2000xi32, #tpu.memory_space<vmem>>)
        tpu.yield
      }) : () -> ()
      %scan3A_475 = arith.constant 0 : i32
      %scan3A_476 = arith.constant 125 : i32
      %scan3A_477 = arith.addi %scan3A_475, %scan3A_476 : i32
      %scan3A_478 = arith.constant 1 : i32
      scf.for %scan3A_480 = %scan3A_475 to %scan3A_477 step %scan3A_478  : i32 {
        %mul3A_481 = arith.constant 1 : i32
        %mul3A_482 = arith.muli %scan3A_480, %mul3A_481 : i32
        %add3A_483 = arith.constant 0 : i32
        %add3A_484 = arith.addi %add3A_483, %mul3A_482 : i32
        %mul3A_485 = arith.constant 16 : i32
        %mul3A_486 = arith.muli %add3A_484, %mul3A_485 : i32
        %get3A_487 = arith.index_cast %mul3A_486 : i32 to index
        %get3A_488 = tpu.vector_load %arg8[%get3A_487] {strides = array<i32>} : memref<2000xi32, #tpu.memory_space<vmem>>, vector<16xi32>,
        %mul3A_489 = arith.constant 5120 : i32
        %mul3A_490 = arith.muli %arg0, %mul3A_489 : i32
        %sub3A = vector.broadcast %mul3A_490 : i32 to vector<16xi32>
        %sub3A_491 = arith.subi %get3A_488, %sub3A : vector<16xi32>
        %ge3A = arith.constant 0 : i32
        %ge3A_492 = vector.broadcast %ge3A : i32 to vector<16xi32>
        %ge3A_493 = arith.cmpi sge, %sub3A_491, %ge3A_492 : vector<16xi32>
        %lt3A = arith.constant 5120 : i32
        %lt3A_494 = vector.broadcast %lt3A : i32 to vector<16xi32>
        %lt3A_495 = arith.cmpi slt, %sub3A_491, %lt3A_494 : vector<16xi32>
        %and3A = arith.andi %ge3A_493, %lt3A_495 : vector<16xi1>
        %jit3A = arith.constant 320 : i32
        %div3A = vector.broadcast %jit3A : i32 to vector<16xi32>
        %div3A_496 = arith.divsi %sub3A_491, %div3A : vector<16xi32>
        %sign3A = arith.constant 0 : i32
        %sign3A_497 = vector.broadcast %sign3A : i32 to vector<16xi32>
        %sign3A_498 = arith.cmpi sgt, %sub3A_491, %sign3A_497 : vector<16xi32>
        %sign3A_499 = arith.extui %sign3A_498 : vector<16xi1> to vector<16xi32>
        %sign3A_500 = arith.constant 0 : i32
        %sign3A_501 = vector.broadcast %sign3A_500 : i32 to vector<16xi32>
        %sign3A_502 = arith.cmpi slt, %sub3A_491, %sign3A_501 : vector<16xi32>
        %sign3A_503 = arith.extui %sign3A_502 : vector<16xi1> to vector<16xi32>
        %sign3A_504 = arith.subi %sign3A_499, %sign3A_503 : vector<16xi32>
        %sign3A_505 = arith.constant 0 : i32
        %sign3A_506 = arith.cmpi sgt, %jit3A, %sign3A_505 : i32
        %sign3A_507 = arith.extui %sign3A_506 : i1 to i32
        %sign3A_508 = arith.constant 0 : i32
        %sign3A_509 = arith.cmpi slt, %jit3A, %sign3A_508 : i32
        %sign3A_510 = arith.extui %sign3A_509 : i1 to i32
        %sign3A_511 = arith.subi %sign3A_507, %sign3A_510 : i32
        %ne3A = vector.broadcast %sign3A_511 : i32 to vector<16xi32>
        %ne3A_512 = arith.cmpi ne, %sign3A_504, %ne3A : vector<16xi32>
        %rem3A = vector.broadcast %jit3A : i32 to vector<16xi32>
        %rem3A_513 = arith.remsi %sub3A_491, %rem3A : vector<16xi32>
        %ne3A_514 = arith.constant 0 : i32
        %ne3A_515 = vector.broadcast %ne3A_514 : i32 to vector<16xi32>
        %ne3A_516 = arith.cmpi ne, %rem3A_513, %ne3A_515 : vector<16xi32>
        %and3A_517 = arith.andi %ne3A_512, %ne3A_516 : vector<16xi1>
        %sub3A_518 = arith.constant 1 : i32
        %sub3A_519 = vector.broadcast %sub3A_518 : i32 to vector<16xi32>
        %sub3A_520 = arith.subi %div3A_496, %sub3A_519 : vector<16xi32>
        %select_n3A = arith.select %and3A_517, %sub3A_520, %div3A_496 : vector<16xi1>, vector<16xi32>
        %jit3A_521 = arith.constant 0 : i32
        %jit3A_522 = arith.constant 15 : i32
        %max3A = vector.broadcast %jit3A_521 : i32 to vector<16xi32>
        %max3A_523 = arith.maxsi %max3A, %select_n3A : vector<16xi32>
        %min3A = vector.broadcast %jit3A_522 : i32 to vector<16xi32>
        %min3A_524 = arith.minsi %min3A, %max3A_523 : vector<16xi32>
        %unique3A, %unique3A_525 = tpu.scan_count mask(%and3A : vector<16xi1>) value(%min3A_524 : vector<16xi32>) : vector<16xi1>, vector<16xi32>
        %gather3A = tpu.vector_load_idx %arg13[%min3A_524] : memref<16xi32, #tpu.memory_space<vmem>>[vector<16xi32>], vector<16xi32>,
        %mul3A_526 = arith.constant 832 : i32
        %mul3A_527 = vector.broadcast %mul3A_526 : i32 to vector<16xi32>
        %mul3A_528 = arith.muli %min3A_524, %mul3A_527 : vector<16xi32>
        %add3A_529 = arith.addi %mul3A_528, %gather3A : vector<16xi32>
        %sub3A_530 = arith.constant 1 : i32
        %sub3A_531 = vector.broadcast %sub3A_530 : i32 to vector<16xi32>
        %sub3A_532 = arith.subi %unique3A_525, %sub3A_531 : vector<16xi32>
        %add3A_533 = arith.addi %add3A_529, %sub3A_532 : vector<16xi32>
        %mul3A_534 = arith.constant 10000 : i32
        %mul3A_535 = arith.muli %arg1, %mul3A_534 : i32
        %mul3A_536 = arith.constant 2000 : i32
        %mul3A_537 = arith.muli %add3A_469, %mul3A_536 : i32
        %add3A_538 = arith.addi %mul3A_535, %mul3A_537 : i32
        %mul3A_539 = arith.constant 16 : i32
        %mul3A_540 = arith.muli %add3A_484, %mul3A_539 : i32
        %add3A_541 = arith.addi %add3A_538, %mul3A_540 : i32
        %add3A_542 = vector.broadcast %add3A_541 : i32 to vector<16xi32>
        %add3A_543 = arith.addi %add3A_542, %iota3A : vector<16xi32>
        tpu.vector_store_idx %arg11[%add3A_533], %add3A_543 masked %and3A : memref<13312xi32, #tpu.memory_space<vmem>>[vector<16xi32>], vector<16xi32>, vector<16xi1>
        %mul3A_544 = arith.constant 320 : i32
        %mul3A_545 = vector.broadcast %mul3A_544 : i32 to vector<16xi32>
        %mul3A_546 = arith.muli %min3A_524, %mul3A_545 : vector<16xi32>
        %sub3A_547 = arith.subi %sub3A_491, %mul3A_546 : vector<16xi32>
        tpu.vector_store_idx %arg12[%add3A_533], %sub3A_547 masked %and3A : memref<13312xi32, #tpu.memory_space<vmem>>[vector<16xi32>], vector<16xi32>, vector<16xi1>
        %and3A_548 = arith.andi %and3A, %unique3A : vector<16xi1>
        tpu.vector_store_idx %arg13[%min3A_524], %unique3A_525 masked %and3A_548 {add = true} : memref<16xi32, #tpu.memory_space<vmem>>[vector<16xi32>], vector<16xi32>, vector<16xi1>
      }
      %scan3A_479 = arith.constant 125 : i32
    }
    %scan3A_17 = arith.constant 5 : i32
    %scan3A_18 = arith.constant 0 : i32
    %scan3A_19 = arith.constant 16 : i32
    %scan3A_20 = arith.addi %scan3A_18, %scan3A_19 : i32
    %scan3A_21 = arith.constant 1 : i32
    scf.for %scan3A_465 = %scan3A_18 to %scan3A_20 step %scan3A_21  : i32 {
      %mul3A_466 = arith.constant 1 : i32
      %mul3A_467 = arith.muli %scan3A_465, %mul3A_466 : i32
      %add3A_468 = arith.constant 0 : i32
      %add3A_469 = arith.addi %add3A_468, %mul3A_467 : i32
      %mul3A_470 = arith.constant 832 : i32
      %mul3A_471 = arith.muli %add3A_469, %mul3A_470 : i32
      %mul3A_472 = arith.constant 16 : i32
      %mul3A_473 = arith.muli %arg1, %mul3A_472 : i32
      %add3A_474 = arith.addi %mul3A_473, %add3A_469 : i32
      %mul3A_475 = arith.constant 832 : i32
      %mul3A_476 = arith.muli %add3A_474, %mul3A_475 : i32
      "tpu.region"() ({
        %run_scoped3A = tpu.sem_alloc : memref<!tpu.dma_semaphore, #tpu.memory_space<semaphore_mem>>
        %dma_start3A_484 = tpu.memref_slice %arg11[%mul3A_471] : memref<13312xi32, #tpu.memory_space<vmem>> -> memref<832xi32, #tpu.memory_space<vmem>>
        %dma_start3A_485 = tpu.memref_slice %arg20[%mul3A_476] : memref<212992xi32, #tpu.memory_space<vmem_shared>> -> memref<832xi32, #tpu.memory_space<vmem_shared>>
        %dma_start3A_486 = tpu.memref_slice %arg20[%mul3A_476] : memref<212992xi32, #tpu.memory_space<vmem_shared>> -> memref<832xi32, #tpu.memory_space<vmem_shared>>
        %dma_start3A_487 = tpu.memref_slice %arg11[%mul3A_471] : memref<13312xi32, #tpu.memory_space<vmem>> -> memref<832xi32, #tpu.memory_space<vmem>>
        tpu.enqueue_dma source(%dma_start3A_487 : memref<832xi32, #tpu.memory_space<vmem>>) target(%dma_start3A_486 : memref<832xi32, #tpu.memory_space<vmem_shared>>) target_semaphore(%run_scoped3A : memref<!tpu.dma_semaphore, #tpu.memory_space<semaphore_mem>>)
        %dma_wait3A_488 = tpu.memref_slice %arg11[%mul3A_471] : memref<13312xi32, #tpu.memory_space<vmem>> -> memref<832xi32, #tpu.memory_space<vmem>>
        %dma_wait3A_489 = tpu.memref_slice %arg20[%mul3A_476] : memref<212992xi32, #tpu.memory_space<vmem_shared>> -> memref<832xi32, #tpu.memory_space<vmem_shared>>
        %dma_wait3A_490 = tpu.memref_slice %arg20[%mul3A_476] : memref<212992xi32, #tpu.memory_space<vmem_shared>> -> memref<832xi32, #tpu.memory_space<vmem_shared>>
        %dma_wait3A_491 = tpu.memref_slice %arg11[%mul3A_471] : memref<13312xi32, #tpu.memory_space<vmem>> -> memref<832xi32, #tpu.memory_space<vmem>>
        tpu.wait_dma2 semaphore(%run_scoped3A : memref<!tpu.dma_semaphore, #tpu.memory_space<semaphore_mem>>) src(%dma_wait3A_491 : memref<832xi32, #tpu.memory_space<vmem>>) dst(%dma_wait3A_490 : memref<832xi32, #tpu.memory_space<vmem_shared>>)
        tpu.yield
      }) : () -> ()
      %mul3A_477 = arith.constant 832 : i32
      %mul3A_478 = arith.muli %add3A_469, %mul3A_477 : i32
      %mul3A_479 = arith.constant 16 : i32
      %mul3A_480 = arith.muli %arg1, %mul3A_479 : i32
      %add3A_481 = arith.addi %mul3A_480, %add3A_469 : i32
      %mul3A_482 = arith.constant 832 : i32
      %mul3A_483 = arith.muli %add3A_481, %mul3A_482 : i32
      "tpu.region"() ({
        %run_scoped3A = tpu.sem_alloc : memref<!tpu.dma_semaphore, #tpu.memory_space<semaphore_mem>>
        %dma_start3A_484 = tpu.memref_slice %arg12[%mul3A_478] : memref<13312xi32, #tpu.memory_space<vmem>> -> memref<832xi32, #tpu.memory_space<vmem>>
        %dma_start3A_485 = tpu.memref_slice %arg21[%mul3A_483] : memref<212992xi32, #tpu.memory_space<vmem_shared>> -> memref<832xi32, #tpu.memory_space<vmem_shared>>
        %dma_start3A_486 = tpu.memref_slice %arg21[%mul3A_483] : memref<212992xi32, #tpu.memory_space<vmem_shared>> -> memref<832xi32, #tpu.memory_space<vmem_shared>>
        %dma_start3A_487 = tpu.memref_slice %arg12[%mul3A_478] : memref<13312xi32, #tpu.memory_space<vmem>> -> memref<832xi32, #tpu.memory_space<vmem>>
        tpu.enqueue_dma source(%dma_start3A_487 : memref<832xi32, #tpu.memory_space<vmem>>) target(%dma_start3A_486 : memref<832xi32, #tpu.memory_space<vmem_shared>>) target_semaphore(%run_scoped3A : memref<!tpu.dma_semaphore, #tpu.memory_space<semaphore_mem>>)
        %dma_wait3A_488 = tpu.memref_slice %arg12[%mul3A_478] : memref<13312xi32, #tpu.memory_space<vmem>> -> memref<832xi32, #tpu.memory_space<vmem>>
        %dma_wait3A_489 = tpu.memref_slice %arg21[%mul3A_483] : memref<212992xi32, #tpu.memory_space<vmem_shared>> -> memref<832xi32, #tpu.memory_space<vmem_shared>>
        %dma_wait3A_490 = tpu.memref_slice %arg21[%mul3A_483] : memref<212992xi32, #tpu.memory_space<vmem_shared>> -> memref<832xi32, #tpu.memory_space<vmem_shared>>
        %dma_wait3A_491 = tpu.memref_slice %arg12[%mul3A_478] : memref<13312xi32, #tpu.memory_space<vmem>> -> memref<832xi32, #tpu.memory_space<vmem>>
        tpu.wait_dma2 semaphore(%run_scoped3A : memref<!tpu.dma_semaphore, #tpu.memory_space<semaphore_mem>>) src(%dma_wait3A_491 : memref<832xi32, #tpu.memory_space<vmem>>) dst(%dma_wait3A_490 : memref<832xi32, #tpu.memory_space<vmem_shared>>)
        tpu.yield
      }) : () -> ()
    }
    %scan3A_22 = arith.constant 16 : i32
    %mul3A_23 = arith.constant 16 : i32
    %mul3A_24 = arith.muli %arg1, %mul3A_23 : i32
    "tpu.region"() ({
      %run_scoped3A = tpu.sem_alloc : memref<!tpu.dma_semaphore, #tpu.memory_space<semaphore_mem>>
      %dma_start3A_465 = tpu.memref_slice %arg22[%mul3A_24] : memref<256xi32, #tpu.memory_space<vmem_shared>> -> memref<16xi32, #tpu.memory_space<vmem_shared>>
      %dma_start3A_466 = tpu.memref_slice %arg22[%mul3A_24] : memref<256xi32, #tpu.memory_space<vmem_shared>> -> memref<16xi32, #tpu.memory_space<vmem_shared>>
      tpu.enqueue_dma source(%arg13 : memref<16xi32, #tpu.memory_space<vmem>>) target(%dma_start3A_466 : memref<16xi32, #tpu.memory_space<vmem_shared>>) target_semaphore(%run_scoped3A : memref<!tpu.dma_semaphore, #tpu.memory_space<semaphore_mem>>)
      %dma_wait3A_467 = tpu.memref_slice %arg22[%mul3A_24] : memref<256xi32, #tpu.memory_space<vmem_shared>> -> memref<16xi32, #tpu.memory_space<vmem_shared>>
      %dma_wait3A_468 = tpu.memref_slice %arg22[%mul3A_24] : memref<256xi32, #tpu.memory_space<vmem_shared>> -> memref<16xi32, #tpu.memory_space<vmem_shared>>
      tpu.wait_dma2 semaphore(%run_scoped3A : memref<!tpu.dma_semaphore, #tpu.memory_space<semaphore_mem>>) src(%arg13 : memref<16xi32, #tpu.memory_space<vmem>>) dst(%dma_wait3A_468 : memref<16xi32, #tpu.memory_space<vmem_shared>>)
      tpu.yield
    }) : () -> ()
    %barrier3A = arith.constant 0 : index
    tpu.barrier barrier_id(%barrier3A)
    %dma_start3A = arith.constant 0 : i32
    %dma_start3A_25 = tpu.memref_slice %arg23[%dma_start3A] : memref<257xi32, #tpu.memory_space<smem>> -> memref<256xi32, #tpu.memory_space<smem>>
    tpu.enqueue_dma source(%arg22 : memref<256xi32, #tpu.memory_space<vmem_shared>>) target(%dma_start3A_25 : memref<256xi32, #tpu.memory_space<smem>>) target_semaphore(%arg24 : memref<!tpu.dma_semaphore, #tpu.memory_space<semaphore_mem>>)
    %dma_wait3A = arith.constant 0 : i32
    %dma_wait3A_26 = tpu.memref_slice %arg23[%dma_wait3A] : memref<257xi32, #tpu.memory_space<smem>> -> memref<256xi32, #tpu.memory_space<smem>>
    tpu.wait_dma2 semaphore(%arg24 : memref<!tpu.dma_semaphore, #tpu.memory_space<semaphore_mem>>) src(%arg22 : memref<256xi32, #tpu.memory_space<vmem_shared>>) dst(%dma_wait3A_26 : memref<256xi32, #tpu.memory_space<smem>>)
    %swap3A_27 = arith.constant 0 : i32
    %swap3A_28 = arith.constant 256 : i32
    %swap3A_29 = arith.index_cast %swap3A_28 : i32 to index
    %swap3A_30 = memref.load %arg23[%swap3A_29] : memref<257xi32, #tpu.memory_space<smem>>
    memref.store %swap3A_27, %arg23[%swap3A_29] : memref<257xi32, #tpu.memory_space<smem>>
    %add3A_31 = arith.constant 0 : i32
    %add3A_32 = arith.addi %add3A_31, %arg1 : i32
    %mul3A_33 = arith.constant 832 : i32
    %mul3A_34 = arith.muli %add3A_32, %mul3A_33 : i32
    "tpu.region"() ({
      %run_scoped3A = tpu.sem_alloc : memref<!tpu.dma_semaphore, #tpu.memory_space<semaphore_mem>>
      %dma_start3A_465 = tpu.memref_slice %arg20[%mul3A_34] : memref<212992xi32, #tpu.memory_space<vmem_shared>> -> memref<832xi32, #tpu.memory_space<vmem_shared>>
      %dma_start3A_466 = tpu.memref_slice %arg20[%mul3A_34] : memref<212992xi32, #tpu.memory_space<vmem_shared>> -> memref<832xi32, #tpu.memory_space<vmem_shared>>
      tpu.enqueue_dma source(%dma_start3A_466 : memref<832xi32, #tpu.memory_space<vmem_shared>>) target(%arg14 : memref<832xi32, #tpu.memory_space<vmem>>) target_semaphore(%run_scoped3A : memref<!tpu.dma_semaphore, #tpu.memory_space<semaphore_mem>>)
      %dma_wait3A_467 = tpu.memref_slice %arg20[%mul3A_34] : memref<212992xi32, #tpu.memory_space<vmem_shared>> -> memref<832xi32, #tpu.memory_space<vmem_shared>>
      %dma_wait3A_468 = tpu.memref_slice %arg20[%mul3A_34] : memref<212992xi32, #tpu.memory_space<vmem_shared>> -> memref<832xi32, #tpu.memory_space<vmem_shared>>
      tpu.wait_dma2 semaphore(%run_scoped3A : memref<!tpu.dma_semaphore, #tpu.memory_space<semaphore_mem>>) src(%dma_wait3A_468 : memref<832xi32, #tpu.memory_space<vmem_shared>>) dst(%arg14 : memref<832xi32, #tpu.memory_space<vmem>>)
      tpu.yield
    }) : () -> ()
    %add3A_35 = arith.constant 0 : i32
    %add3A_36 = arith.addi %add3A_35, %arg1 : i32
    %mul3A_37 = arith.constant 832 : i32
    %mul3A_38 = arith.muli %add3A_36, %mul3A_37 : i32
    "tpu.region"() ({
      %run_scoped3A = tpu.sem_alloc : memref<!tpu.dma_semaphore, #tpu.memory_space<semaphore_mem>>
      %dma_start3A_465 = tpu.memref_slice %arg21[%mul3A_38] : memref<212992xi32, #tpu.memory_space<vmem_shared>> -> memref<832xi32, #tpu.memory_space<vmem_shared>>
      %dma_start3A_466 = tpu.memref_slice %arg21[%mul3A_38] : memref<212992xi32, #tpu.memory_space<vmem_shared>> -> memref<832xi32, #tpu.memory_space<vmem_shared>>
      tpu.enqueue_dma source(%dma_start3A_466 : memref<832xi32, #tpu.memory_space<vmem_shared>>) target(%arg15 : memref<832xi32, #tpu.memory_space<vmem>>) target_semaphore(%run_scoped3A : memref<!tpu.dma_semaphore, #tpu.memory_space<semaphore_mem>>)
      %dma_wait3A_467 = tpu.memref_slice %arg21[%mul3A_38] : memref<212992xi32, #tpu.memory_space<vmem_shared>> -> memref<832xi32, #tpu.memory_space<vmem_shared>>
      %dma_wait3A_468 = tpu.memref_slice %arg21[%mul3A_38] : memref<212992xi32, #tpu.memory_space<vmem_shared>> -> memref<832xi32, #tpu.memory_space<vmem_shared>>
      tpu.wait_dma2 semaphore(%run_scoped3A : memref<!tpu.dma_semaphore, #tpu.memory_space<semaphore_mem>>) src(%dma_wait3A_468 : memref<832xi32, #tpu.memory_space<vmem_shared>>) dst(%arg15 : memref<832xi32, #tpu.memory_space<vmem>>)
      tpu.yield
    }) : () -> ()
    %add3A_39 = arith.constant 0 : i32
    %add3A_40 = arith.addi %add3A_39, %arg1 : i32
    %get3A = arith.index_cast %add3A_40 : i32 to index
    %get3A_41 = memref.load %arg23[%get3A] : memref<257xi32, #tpu.memory_space<smem>>
    %get3A_42 = arith.constant 256 : i32
    %get3A_43 = arith.index_cast %get3A_42 : i32 to index
    %get3A_44 = memref.load %arg23[%get3A_43] : memref<257xi32, #tpu.memory_space<smem>>
    %scan3A_45 = arith.constant 0 : i32
    %scan3A_46 = arith.constant 52 : i32
    %scan3A_47 = arith.addi %scan3A_45, %scan3A_46 : i32
    %scan3A_48 = arith.constant 1 : i32
    scf.for %scan3A_465 = %scan3A_45 to %scan3A_47 step %scan3A_48  : i32 {
      %mul3A_466 = arith.constant 1 : i32
      %mul3A_467 = arith.muli %scan3A_465, %mul3A_466 : i32
      %add3A_468 = arith.constant 0 : i32
      %add3A_469 = arith.addi %add3A_468, %mul3A_467 : i32
      %mul3A_470 = arith.constant 16 : i32
      %mul3A_471 = arith.muli %add3A_469, %mul3A_470 : i32
      %lt3A = arith.cmpi slt, %mul3A_471, %get3A_41 : i32
      %convert_element_type3A = arith.extui %lt3A : i1 to i32
      %cond3A = arith.constant 0 : i32
      %cond3A_472 = arith.cmpi ne, %convert_element_type3A, %cond3A : i32
      scf.if %cond3A_472 {
        %add3A_473 = vector.broadcast %mul3A_471 : i32 to vector<16xi32>
        %add3A_474 = arith.addi %add3A_473, %iota3A : vector<16xi32>
        %lt3A_475 = vector.broadcast %get3A_41 : i32 to vector<16xi32>
        %lt3A_476 = arith.cmpi slt, %add3A_474, %lt3A_475 : vector<16xi32>
        %add3A_477 = arith.addi %get3A_44, %mul3A_471 : i32
        %get3A_478 = arith.index_cast %mul3A_471 : i32 to index
        %get3A_479 = tpu.vector_load %arg14[%get3A_478] {strides = array<i32>} : memref<832xi32, #tpu.memory_space<vmem>>, vector<16xi32>,
        %swap3A_480 = arith.index_cast %add3A_477 : i32 to index
        %swap3A_481 = tpu.vector_load %arg9[%swap3A_480] masked %lt3A_476 {strides = array<i32>} : memref<5632xi32, #tpu.memory_space<vmem>>, vector<16xi32>, vector<16xi1>
        tpu.vector_store %arg9[%swap3A_480], %get3A_479 masked %lt3A_476 {strides = array<i32>} : memref<5632xi32, #tpu.memory_space<vmem>>, vector<16xi32>, vector<16xi1>
        %add3A_482 = arith.addi %get3A_44, %mul3A_471 : i32
        %get3A_483 = arith.index_cast %mul3A_471 : i32 to index
        %get3A_484 = tpu.vector_load %arg15[%get3A_483] {strides = array<i32>} : memref<832xi32, #tpu.memory_space<vmem>>, vector<16xi32>,
        %swap3A_485 = arith.index_cast %add3A_482 : i32 to index
        %swap3A_486 = tpu.vector_load %arg10[%swap3A_485] masked %lt3A_476 {strides = array<i32>} : memref<5632xi32, #tpu.memory_space<vmem>>, vector<16xi32>, vector<16xi1>
        tpu.vector_store %arg10[%swap3A_485], %get3A_484 masked %lt3A_476 {strides = array<i32>} : memref<5632xi32, #tpu.memory_space<vmem>>, vector<16xi32>, vector<16xi1>
      } else {
      }
    }
    %scan3A_49 = arith.constant 52 : i32
    %add3A_50 = arith.addi %get3A_44, %get3A_41 : i32
    %swap3A_51 = arith.constant 256 : i32
    %swap3A_52 = arith.index_cast %swap3A_51 : i32 to index
    %swap3A_53 = memref.load %arg23[%swap3A_52] : memref<257xi32, #tpu.memory_space<smem>>
    memref.store %add3A_50, %arg23[%swap3A_52] : memref<257xi32, #tpu.memory_space<smem>>
    %add3A_54 = arith.constant 16 : i32
    %add3A_55 = arith.addi %add3A_54, %arg1 : i32
    %mul3A_56 = arith.constant 832 : i32
    %mul3A_57 = arith.muli %add3A_55, %mul3A_56 : i32
    "tpu.region"() ({
      %run_scoped3A = tpu.sem_alloc : memref<!tpu.dma_semaphore, #tpu.memory_space<semaphore_mem>>
      %dma_start3A_465 = tpu.memref_slice %arg20[%mul3A_57] : memref<212992xi32, #tpu.memory_space<vmem_shared>> -> memref<832xi32, #tpu.memory_space<vmem_shared>>
      %dma_start3A_466 = tpu.memref_slice %arg20[%mul3A_57] : memref<212992xi32, #tpu.memory_space<vmem_shared>> -> memref<832xi32, #tpu.memory_space<vmem_shared>>
      tpu.enqueue_dma source(%dma_start3A_466 : memref<832xi32, #tpu.memory_space<vmem_shared>>) target(%arg14 : memref<832xi32, #tpu.memory_space<vmem>>) target_semaphore(%run_scoped3A : memref<!tpu.dma_semaphore, #tpu.memory_space<semaphore_mem>>)
      %dma_wait3A_467 = tpu.memref_slice %arg20[%mul3A_57] : memref<212992xi32, #tpu.memory_space<vmem_shared>> -> memref<832xi32, #tpu.memory_space<vmem_shared>>
      %dma_wait3A_468 = tpu.memref_slice %arg20[%mul3A_57] : memref<212992xi32, #tpu.memory_space<vmem_shared>> -> memref<832xi32, #tpu.memory_space<vmem_shared>>
      tpu.wait_dma2 semaphore(%run_scoped3A : memref<!tpu.dma_semaphore, #tpu.memory_space<semaphore_mem>>) src(%dma_wait3A_468 : memref<832xi32, #tpu.memory_space<vmem_shared>>) dst(%arg14 : memref<832xi32, #tpu.memory_space<vmem>>)
      tpu.yield
    }) : () -> ()
    %add3A_58 = arith.constant 16 : i32
    %add3A_59 = arith.addi %add3A_58, %arg1 : i32
    %mul3A_60 = arith.constant 832 : i32
    %mul3A_61 = arith.muli %add3A_59, %mul3A_60 : i32
    "tpu.region"() ({
      %run_scoped3A = tpu.sem_alloc : memref<!tpu.dma_semaphore, #tpu.memory_space<semaphore_mem>>
      %dma_start3A_465 = tpu.memref_slice %arg21[%mul3A_61] : memref<212992xi32, #tpu.memory_space<vmem_shared>> -> memref<832xi32, #tpu.memory_space<vmem_shared>>
      %dma_start3A_466 = tpu.memref_slice %arg21[%mul3A_61] : memref<212992xi32, #tpu.memory_space<vmem_shared>> -> memref<832xi32, #tpu.memory_space<vmem_shared>>
      tpu.enqueue_dma source(%dma_start3A_466 : memref<832xi32, #tpu.memory_space<vmem_shared>>) target(%arg15 : memref<832xi32, #tpu.memory_space<vmem>>) target_semaphore(%run_scoped3A : memref<!tpu.dma_semaphore, #tpu.memory_space<semaphore_mem>>)
      %dma_wait3A_467 = tpu.memref_slice %arg21[%mul3A_61] : memref<212992xi32, #tpu.memory_space<vmem_shared>> -> memref<832xi32, #tpu.memory_space<vmem_shared>>
      %dma_wait3A_468 = tpu.memref_slice %arg21[%mul3A_61] : memref<212992xi32, #tpu.memory_space<vmem_shared>> -> memref<832xi32, #tpu.memory_space<vmem_shared>>
      tpu.wait_dma2 semaphore(%run_scoped3A : memref<!tpu.dma_semaphore, #tpu.memory_space<semaphore_mem>>) src(%dma_wait3A_468 : memref<832xi32, #tpu.memory_space<vmem_shared>>) dst(%arg15 : memref<832xi32, #tpu.memory_space<vmem>>)
      tpu.yield
    }) : () -> ()
    %add3A_62 = arith.constant 16 : i32
    %add3A_63 = arith.addi %add3A_62, %arg1 : i32
    %get3A_64 = arith.index_cast %add3A_63 : i32 to index
    %get3A_65 = memref.load %arg23[%get3A_64] : memref<257xi32, #tpu.memory_space<smem>>
    %get3A_66 = arith.constant 256 : i32
    %get3A_67 = arith.index_cast %get3A_66 : i32 to index
    %get3A_68 = memref.load %arg23[%get3A_67] : memref<257xi32, #tpu.memory_space<smem>>
    %scan3A_69 = arith.constant 0 : i32
    %scan3A_70 = arith.constant 52 : i32
    %scan3A_71 = arith.addi %scan3A_69, %scan3A_70 : i32
    %scan3A_72 = arith.constant 1 : i32
    scf.for %scan3A_465 = %scan3A_69 to %scan3A_71 step %scan3A_72  : i32 {
      %mul3A_466 = arith.constant 1 : i32
      %mul3A_467 = arith.muli %scan3A_465, %mul3A_466 : i32
      %add3A_468 = arith.constant 0 : i32
      %add3A_469 = arith.addi %add3A_468, %mul3A_467 : i32
      %mul3A_470 = arith.constant 16 : i32
      %mul3A_471 = arith.muli %add3A_469, %mul3A_470 : i32
      %lt3A = arith.cmpi slt, %mul3A_471, %get3A_65 : i32
      %convert_element_type3A = arith.extui %lt3A : i1 to i32
      %cond3A = arith.constant 0 : i32
      %cond3A_472 = arith.cmpi ne, %convert_element_type3A, %cond3A : i32
      scf.if %cond3A_472 {
        %add3A_473 = vector.broadcast %mul3A_471 : i32 to vector<16xi32>
        %add3A_474 = arith.addi %add3A_473, %iota3A : vector<16xi32>
        %lt3A_475 = vector.broadcast %get3A_65 : i32 to vector<16xi32>
        %lt3A_476 = arith.cmpi slt, %add3A_474, %lt3A_475 : vector<16xi32>
        %add3A_477 = arith.addi %get3A_68, %mul3A_471 : i32
        %get3A_478 = arith.index_cast %mul3A_471 : i32 to index
        %get3A_479 = tpu.vector_load %arg14[%get3A_478] {strides = array<i32>} : memref<832xi32, #tpu.memory_space<vmem>>, vector<16xi32>,
        %swap3A_480 = arith.index_cast %add3A_477 : i32 to index
        %swap3A_481 = tpu.vector_load %arg9[%swap3A_480] masked %lt3A_476 {strides = array<i32>} : memref<5632xi32, #tpu.memory_space<vmem>>, vector<16xi32>, vector<16xi1>
        tpu.vector_store %arg9[%swap3A_480], %get3A_479 masked %lt3A_476 {strides = array<i32>} : memref<5632xi32, #tpu.memory_space<vmem>>, vector<16xi32>, vector<16xi1>
        %add3A_482 = arith.addi %get3A_68, %mul3A_471 : i32
        %get3A_483 = arith.index_cast %mul3A_471 : i32 to index
        %get3A_484 = tpu.vector_load %arg15[%get3A_483] {strides = array<i32>} : memref<832xi32, #tpu.memory_space<vmem>>, vector<16xi32>,
        %swap3A_485 = arith.index_cast %add3A_482 : i32 to index
        %swap3A_486 = tpu.vector_load %arg10[%swap3A_485] masked %lt3A_476 {strides = array<i32>} : memref<5632xi32, #tpu.memory_space<vmem>>, vector<16xi32>, vector<16xi1>
        tpu.vector_store %arg10[%swap3A_485], %get3A_484 masked %lt3A_476 {strides = array<i32>} : memref<5632xi32, #tpu.memory_space<vmem>>, vector<16xi32>, vector<16xi1>
      } else {
      }
    }
    %scan3A_73 = arith.constant 52 : i32
    %add3A_74 = arith.addi %get3A_68, %get3A_65 : i32
    %swap3A_75 = arith.constant 256 : i32
    %swap3A_76 = arith.index_cast %swap3A_75 : i32 to index
    %swap3A_77 = memref.load %arg23[%swap3A_76] : memref<257xi32, #tpu.memory_space<smem>>
    memref.store %add3A_74, %arg23[%swap3A_76] : memref<257xi32, #tpu.memory_space<smem>>
    %add3A_78 = arith.constant 32 : i32
    %add3A_79 = arith.addi %add3A_78, %arg1 : i32
    %mul3A_80 = arith.constant 832 : i32
    %mul3A_81 = arith.muli %add3A_79, %mul3A_80 : i32
    "tpu.region"() ({
      %run_scoped3A = tpu.sem_alloc : memref<!tpu.dma_semaphore, #tpu.memory_space<semaphore_mem>>
      %dma_start3A_465 = tpu.memref_slice %arg20[%mul3A_81] : memref<212992xi32, #tpu.memory_space<vmem_shared>> -> memref<832xi32, #tpu.memory_space<vmem_shared>>
      %dma_start3A_466 = tpu.memref_slice %arg20[%mul3A_81] : memref<212992xi32, #tpu.memory_space<vmem_shared>> -> memref<832xi32, #tpu.memory_space<vmem_shared>>
      tpu.enqueue_dma source(%dma_start3A_466 : memref<832xi32, #tpu.memory_space<vmem_shared>>) target(%arg14 : memref<832xi32, #tpu.memory_space<vmem>>) target_semaphore(%run_scoped3A : memref<!tpu.dma_semaphore, #tpu.memory_space<semaphore_mem>>)
      %dma_wait3A_467 = tpu.memref_slice %arg20[%mul3A_81] : memref<212992xi32, #tpu.memory_space<vmem_shared>> -> memref<832xi32, #tpu.memory_space<vmem_shared>>
      %dma_wait3A_468 = tpu.memref_slice %arg20[%mul3A_81] : memref<212992xi32, #tpu.memory_space<vmem_shared>> -> memref<832xi32, #tpu.memory_space<vmem_shared>>
      tpu.wait_dma2 semaphore(%run_scoped3A : memref<!tpu.dma_semaphore, #tpu.memory_space<semaphore_mem>>) src(%dma_wait3A_468 : memref<832xi32, #tpu.memory_space<vmem_shared>>) dst(%arg14 : memref<832xi32, #tpu.memory_space<vmem>>)
      tpu.yield
    }) : () -> ()
    %add3A_82 = arith.constant 32 : i32
    %add3A_83 = arith.addi %add3A_82, %arg1 : i32
    %mul3A_84 = arith.constant 832 : i32
    %mul3A_85 = arith.muli %add3A_83, %mul3A_84 : i32
    "tpu.region"() ({
      %run_scoped3A = tpu.sem_alloc : memref<!tpu.dma_semaphore, #tpu.memory_space<semaphore_mem>>
      %dma_start3A_465 = tpu.memref_slice %arg21[%mul3A_85] : memref<212992xi32, #tpu.memory_space<vmem_shared>> -> memref<832xi32, #tpu.memory_space<vmem_shared>>
      %dma_start3A_466 = tpu.memref_slice %arg21[%mul3A_85] : memref<212992xi32, #tpu.memory_space<vmem_shared>> -> memref<832xi32, #tpu.memory_space<vmem_shared>>
      tpu.enqueue_dma source(%dma_start3A_466 : memref<832xi32, #tpu.memory_space<vmem_shared>>) target(%arg15 : memref<832xi32, #tpu.memory_space<vmem>>) target_semaphore(%run_scoped3A : memref<!tpu.dma_semaphore, #tpu.memory_space<semaphore_mem>>)
      %dma_wait3A_467 = tpu.memref_slice %arg21[%mul3A_85] : memref<212992xi32, #tpu.memory_space<vmem_shared>> -> memref<832xi32, #tpu.memory_space<vmem_shared>>
      %dma_wait3A_468 = tpu.memref_slice %arg21[%mul3A_85] : memref<212992xi32, #tpu.memory_space<vmem_shared>> -> memref<832xi32, #tpu.memory_space<vmem_shared>>
      tpu.wait_dma2 semaphore(%run_scoped3A : memref<!tpu.dma_semaphore, #tpu.memory_space<semaphore_mem>>) src(%dma_wait3A_468 : memref<832xi32, #tpu.memory_space<vmem_shared>>) dst(%arg15 : memref<832xi32, #tpu.memory_space<vmem>>)
      tpu.yield
    }) : () -> ()
    %add3A_86 = arith.constant 32 : i32
    %add3A_87 = arith.addi %add3A_86, %arg1 : i32
    %get3A_88 = arith.index_cast %add3A_87 : i32 to index
    %get3A_89 = memref.load %arg23[%get3A_88] : memref<257xi32, #tpu.memory_space<smem>>
    %get3A_90 = arith.constant 256 : i32
    %get3A_91 = arith.index_cast %get3A_90 : i32 to index
    %get3A_92 = memref.load %arg23[%get3A_91] : memref<257xi32, #tpu.memory_space<smem>>
    %scan3A_93 = arith.constant 0 : i32
    %scan3A_94 = arith.constant 52 : i32
    %scan3A_95 = arith.addi %scan3A_93, %scan3A_94 : i32
    %scan3A_96 = arith.constant 1 : i32
    scf.for %scan3A_465 = %scan3A_93 to %scan3A_95 step %scan3A_96  : i32 {
      %mul3A_466 = arith.constant 1 : i32
      %mul3A_467 = arith.muli %scan3A_465, %mul3A_466 : i32
      %add3A_468 = arith.constant 0 : i32
      %add3A_469 = arith.addi %add3A_468, %mul3A_467 : i32
      %mul3A_470 = arith.constant 16 : i32
      %mul3A_471 = arith.muli %add3A_469, %mul3A_470 : i32
      %lt3A = arith.cmpi slt, %mul3A_471, %get3A_89 : i32
      %convert_element_type3A = arith.extui %lt3A : i1 to i32
      %cond3A = arith.constant 0 : i32
      %cond3A_472 = arith.cmpi ne, %convert_element_type3A, %cond3A : i32
      scf.if %cond3A_472 {
        %add3A_473 = vector.broadcast %mul3A_471 : i32 to vector<16xi32>
        %add3A_474 = arith.addi %add3A_473, %iota3A : vector<16xi32>
        %lt3A_475 = vector.broadcast %get3A_89 : i32 to vector<16xi32>
        %lt3A_476 = arith.cmpi slt, %add3A_474, %lt3A_475 : vector<16xi32>
        %add3A_477 = arith.addi %get3A_92, %mul3A_471 : i32
        %get3A_478 = arith.index_cast %mul3A_471 : i32 to index
        %get3A_479 = tpu.vector_load %arg14[%get3A_478] {strides = array<i32>} : memref<832xi32, #tpu.memory_space<vmem>>, vector<16xi32>,
        %swap3A_480 = arith.index_cast %add3A_477 : i32 to index
        %swap3A_481 = tpu.vector_load %arg9[%swap3A_480] masked %lt3A_476 {strides = array<i32>} : memref<5632xi32, #tpu.memory_space<vmem>>, vector<16xi32>, vector<16xi1>
        tpu.vector_store %arg9[%swap3A_480], %get3A_479 masked %lt3A_476 {strides = array<i32>} : memref<5632xi32, #tpu.memory_space<vmem>>, vector<16xi32>, vector<16xi1>
        %add3A_482 = arith.addi %get3A_92, %mul3A_471 : i32
        %get3A_483 = arith.index_cast %mul3A_471 : i32 to index
        %get3A_484 = tpu.vector_load %arg15[%get3A_483] {strides = array<i32>} : memref<832xi32, #tpu.memory_space<vmem>>, vector<16xi32>,
        %swap3A_485 = arith.index_cast %add3A_482 : i32 to index
        %swap3A_486 = tpu.vector_load %arg10[%swap3A_485] masked %lt3A_476 {strides = array<i32>} : memref<5632xi32, #tpu.memory_space<vmem>>, vector<16xi32>, vector<16xi1>
        tpu.vector_store %arg10[%swap3A_485], %get3A_484 masked %lt3A_476 {strides = array<i32>} : memref<5632xi32, #tpu.memory_space<vmem>>, vector<16xi32>, vector<16xi1>
      } else {
      }
    }
    %scan3A_97 = arith.constant 52 : i32
    %add3A_98 = arith.addi %get3A_92, %get3A_89 : i32
    %swap3A_99 = arith.constant 256 : i32
    %swap3A_100 = arith.index_cast %swap3A_99 : i32 to index
    %swap3A_101 = memref.load %arg23[%swap3A_100] : memref<257xi32, #tpu.memory_space<smem>>
    memref.store %add3A_98, %arg23[%swap3A_100] : memref<257xi32, #tpu.memory_space<smem>>
    %add3A_102 = arith.constant 48 : i32
    %add3A_103 = arith.addi %add3A_102, %arg1 : i32
    %mul3A_104 = arith.constant 832 : i32
    %mul3A_105 = arith.muli %add3A_103, %mul3A_104 : i32
    "tpu.region"() ({
      %run_scoped3A = tpu.sem_alloc : memref<!tpu.dma_semaphore, #tpu.memory_space<semaphore_mem>>
      %dma_start3A_465 = tpu.memref_slice %arg20[%mul3A_105] : memref<212992xi32, #tpu.memory_space<vmem_shared>> -> memref<832xi32, #tpu.memory_space<vmem_shared>>
      %dma_start3A_466 = tpu.memref_slice %arg20[%mul3A_105] : memref<212992xi32, #tpu.memory_space<vmem_shared>> -> memref<832xi32, #tpu.memory_space<vmem_shared>>
      tpu.enqueue_dma source(%dma_start3A_466 : memref<832xi32, #tpu.memory_space<vmem_shared>>) target(%arg14 : memref<832xi32, #tpu.memory_space<vmem>>) target_semaphore(%run_scoped3A : memref<!tpu.dma_semaphore, #tpu.memory_space<semaphore_mem>>)
      %dma_wait3A_467 = tpu.memref_slice %arg20[%mul3A_105] : memref<212992xi32, #tpu.memory_space<vmem_shared>> -> memref<832xi32, #tpu.memory_space<vmem_shared>>
      %dma_wait3A_468 = tpu.memref_slice %arg20[%mul3A_105] : memref<212992xi32, #tpu.memory_space<vmem_shared>> -> memref<832xi32, #tpu.memory_space<vmem_shared>>
      tpu.wait_dma2 semaphore(%run_scoped3A : memref<!tpu.dma_semaphore, #tpu.memory_space<semaphore_mem>>) src(%dma_wait3A_468 : memref<832xi32, #tpu.memory_space<vmem_shared>>) dst(%arg14 : memref<832xi32, #tpu.memory_space<vmem>>)
      tpu.yield
    }) : () -> ()
    %add3A_106 = arith.constant 48 : i32
    %add3A_107 = arith.addi %add3A_106, %arg1 : i32
    %mul3A_108 = arith.constant 832 : i32
    %mul3A_109 = arith.muli %add3A_107, %mul3A_108 : i32
    "tpu.region"() ({
      %run_scoped3A = tpu.sem_alloc : memref<!tpu.dma_semaphore, #tpu.memory_space<semaphore_mem>>
      %dma_start3A_465 = tpu.memref_slice %arg21[%mul3A_109] : memref<212992xi32, #tpu.memory_space<vmem_shared>> -> memref<832xi32, #tpu.memory_space<vmem_shared>>
      %dma_start3A_466 = tpu.memref_slice %arg21[%mul3A_109] : memref<212992xi32, #tpu.memory_space<vmem_shared>> -> memref<832xi32, #tpu.memory_space<vmem_shared>>
      tpu.enqueue_dma source(%dma_start3A_466 : memref<832xi32, #tpu.memory_space<vmem_shared>>) target(%arg15 : memref<832xi32, #tpu.memory_space<vmem>>) target_semaphore(%run_scoped3A : memref<!tpu.dma_semaphore, #tpu.memory_space<semaphore_mem>>)
      %dma_wait3A_467 = tpu.memref_slice %arg21[%mul3A_109] : memref<212992xi32, #tpu.memory_space<vmem_shared>> -> memref<832xi32, #tpu.memory_space<vmem_shared>>
      %dma_wait3A_468 = tpu.memref_slice %arg21[%mul3A_109] : memref<212992xi32, #tpu.memory_space<vmem_shared>> -> memref<832xi32, #tpu.memory_space<vmem_shared>>
      tpu.wait_dma2 semaphore(%run_scoped3A : memref<!tpu.dma_semaphore, #tpu.memory_space<semaphore_mem>>) src(%dma_wait3A_468 : memref<832xi32, #tpu.memory_space<vmem_shared>>) dst(%arg15 : memref<832xi32, #tpu.memory_space<vmem>>)
      tpu.yield
    }) : () -> ()
    %add3A_110 = arith.constant 48 : i32
    %add3A_111 = arith.addi %add3A_110, %arg1 : i32
    %get3A_112 = arith.index_cast %add3A_111 : i32 to index
    %get3A_113 = memref.load %arg23[%get3A_112] : memref<257xi32, #tpu.memory_space<smem>>
    %get3A_114 = arith.constant 256 : i32
    %get3A_115 = arith.index_cast %get3A_114 : i32 to index
    %get3A_116 = memref.load %arg23[%get3A_115] : memref<257xi32, #tpu.memory_space<smem>>
    %scan3A_117 = arith.constant 0 : i32
    %scan3A_118 = arith.constant 52 : i32
    %scan3A_119 = arith.addi %scan3A_117, %scan3A_118 : i32
    %scan3A_120 = arith.constant 1 : i32
    scf.for %scan3A_465 = %scan3A_117 to %scan3A_119 step %scan3A_120  : i32 {
      %mul3A_466 = arith.constant 1 : i32
      %mul3A_467 = arith.muli %scan3A_465, %mul3A_466 : i32
      %add3A_468 = arith.constant 0 : i32
      %add3A_469 = arith.addi %add3A_468, %mul3A_467 : i32
      %mul3A_470 = arith.constant 16 : i32
      %mul3A_471 = arith.muli %add3A_469, %mul3A_470 : i32
      %lt3A = arith.cmpi slt, %mul3A_471, %get3A_113 : i32
      %convert_element_type3A = arith.extui %lt3A : i1 to i32
      %cond3A = arith.constant 0 : i32
      %cond3A_472 = arith.cmpi ne, %convert_element_type3A, %cond3A : i32
      scf.if %cond3A_472 {
        %add3A_473 = vector.broadcast %mul3A_471 : i32 to vector<16xi32>
        %add3A_474 = arith.addi %add3A_473, %iota3A : vector<16xi32>
        %lt3A_475 = vector.broadcast %get3A_113 : i32 to vector<16xi32>
        %lt3A_476 = arith.cmpi slt, %add3A_474, %lt3A_475 : vector<16xi32>
        %add3A_477 = arith.addi %get3A_116, %mul3A_471 : i32
        %get3A_478 = arith.index_cast %mul3A_471 : i32 to index
        %get3A_479 = tpu.vector_load %arg14[%get3A_478] {strides = array<i32>} : memref<832xi32, #tpu.memory_space<vmem>>, vector<16xi32>,
        %swap3A_480 = arith.index_cast %add3A_477 : i32 to index
        %swap3A_481 = tpu.vector_load %arg9[%swap3A_480] masked %lt3A_476 {strides = array<i32>} : memref<5632xi32, #tpu.memory_space<vmem>>, vector<16xi32>, vector<16xi1>
        tpu.vector_store %arg9[%swap3A_480], %get3A_479 masked %lt3A_476 {strides = array<i32>} : memref<5632xi32, #tpu.memory_space<vmem>>, vector<16xi32>, vector<16xi1>
        %add3A_482 = arith.addi %get3A_116, %mul3A_471 : i32
        %get3A_483 = arith.index_cast %mul3A_471 : i32 to index
        %get3A_484 = tpu.vector_load %arg15[%get3A_483] {strides = array<i32>} : memref<832xi32, #tpu.memory_space<vmem>>, vector<16xi32>,
        %swap3A_485 = arith.index_cast %add3A_482 : i32 to index
        %swap3A_486 = tpu.vector_load %arg10[%swap3A_485] masked %lt3A_476 {strides = array<i32>} : memref<5632xi32, #tpu.memory_space<vmem>>, vector<16xi32>, vector<16xi1>
        tpu.vector_store %arg10[%swap3A_485], %get3A_484 masked %lt3A_476 {strides = array<i32>} : memref<5632xi32, #tpu.memory_space<vmem>>, vector<16xi32>, vector<16xi1>
      } else {
      }
    }
    %scan3A_121 = arith.constant 52 : i32
    %add3A_122 = arith.addi %get3A_116, %get3A_113 : i32
    %swap3A_123 = arith.constant 256 : i32
    %swap3A_124 = arith.index_cast %swap3A_123 : i32 to index
    %swap3A_125 = memref.load %arg23[%swap3A_124] : memref<257xi32, #tpu.memory_space<smem>>
    memref.store %add3A_122, %arg23[%swap3A_124] : memref<257xi32, #tpu.memory_space<smem>>
    %add3A_126 = arith.constant 64 : i32
    %add3A_127 = arith.addi %add3A_126, %arg1 : i32
    %mul3A_128 = arith.constant 832 : i32
    %mul3A_129 = arith.muli %add3A_127, %mul3A_128 : i32
    "tpu.region"() ({
      %run_scoped3A = tpu.sem_alloc : memref<!tpu.dma_semaphore, #tpu.memory_space<semaphore_mem>>
      %dma_start3A_465 = tpu.memref_slice %arg20[%mul3A_129] : memref<212992xi32, #tpu.memory_space<vmem_shared>> -> memref<832xi32, #tpu.memory_space<vmem_shared>>
      %dma_start3A_466 = tpu.memref_slice %arg20[%mul3A_129] : memref<212992xi32, #tpu.memory_space<vmem_shared>> -> memref<832xi32, #tpu.memory_space<vmem_shared>>
      tpu.enqueue_dma source(%dma_start3A_466 : memref<832xi32, #tpu.memory_space<vmem_shared>>) target(%arg14 : memref<832xi32, #tpu.memory_space<vmem>>) target_semaphore(%run_scoped3A : memref<!tpu.dma_semaphore, #tpu.memory_space<semaphore_mem>>)
      %dma_wait3A_467 = tpu.memref_slice %arg20[%mul3A_129] : memref<212992xi32, #tpu.memory_space<vmem_shared>> -> memref<832xi32, #tpu.memory_space<vmem_shared>>
      %dma_wait3A_468 = tpu.memref_slice %arg20[%mul3A_129] : memref<212992xi32, #tpu.memory_space<vmem_shared>> -> memref<832xi32, #tpu.memory_space<vmem_shared>>
      tpu.wait_dma2 semaphore(%run_scoped3A : memref<!tpu.dma_semaphore, #tpu.memory_space<semaphore_mem>>) src(%dma_wait3A_468 : memref<832xi32, #tpu.memory_space<vmem_shared>>) dst(%arg14 : memref<832xi32, #tpu.memory_space<vmem>>)
      tpu.yield
    }) : () -> ()
    %add3A_130 = arith.constant 64 : i32
    %add3A_131 = arith.addi %add3A_130, %arg1 : i32
    %mul3A_132 = arith.constant 832 : i32
    %mul3A_133 = arith.muli %add3A_131, %mul3A_132 : i32
    "tpu.region"() ({
      %run_scoped3A = tpu.sem_alloc : memref<!tpu.dma_semaphore, #tpu.memory_space<semaphore_mem>>
      %dma_start3A_465 = tpu.memref_slice %arg21[%mul3A_133] : memref<212992xi32, #tpu.memory_space<vmem_shared>> -> memref<832xi32, #tpu.memory_space<vmem_shared>>
      %dma_start3A_466 = tpu.memref_slice %arg21[%mul3A_133] : memref<212992xi32, #tpu.memory_space<vmem_shared>> -> memref<832xi32, #tpu.memory_space<vmem_shared>>
      tpu.enqueue_dma source(%dma_start3A_466 : memref<832xi32, #tpu.memory_space<vmem_shared>>) target(%arg15 : memref<832xi32, #tpu.memory_space<vmem>>) target_semaphore(%run_scoped3A : memref<!tpu.dma_semaphore, #tpu.memory_space<semaphore_mem>>)
      %dma_wait3A_467 = tpu.memref_slice %arg21[%mul3A_133] : memref<212992xi32, #tpu.memory_space<vmem_shared>> -> memref<832xi32, #tpu.memory_space<vmem_shared>>
      %dma_wait3A_468 = tpu.memref_slice %arg21[%mul3A_133] : memref<212992xi32, #tpu.memory_space<vmem_shared>> -> memref<832xi32, #tpu.memory_space<vmem_shared>>
      tpu.wait_dma2 semaphore(%run_scoped3A : memref<!tpu.dma_semaphore, #tpu.memory_space<semaphore_mem>>) src(%dma_wait3A_468 : memref<832xi32, #tpu.memory_space<vmem_shared>>) dst(%arg15 : memref<832xi32, #tpu.memory_space<vmem>>)
      tpu.yield
    }) : () -> ()
    %add3A_134 = arith.constant 64 : i32
    %add3A_135 = arith.addi %add3A_134, %arg1 : i32
    %get3A_136 = arith.index_cast %add3A_135 : i32 to index
    %get3A_137 = memref.load %arg23[%get3A_136] : memref<257xi32, #tpu.memory_space<smem>>
    %get3A_138 = arith.constant 256 : i32
    %get3A_139 = arith.index_cast %get3A_138 : i32 to index
    %get3A_140 = memref.load %arg23[%get3A_139] : memref<257xi32, #tpu.memory_space<smem>>
    %scan3A_141 = arith.constant 0 : i32
    %scan3A_142 = arith.constant 52 : i32
    %scan3A_143 = arith.addi %scan3A_141, %scan3A_142 : i32
    %scan3A_144 = arith.constant 1 : i32
    scf.for %scan3A_465 = %scan3A_141 to %scan3A_143 step %scan3A_144  : i32 {
      %mul3A_466 = arith.constant 1 : i32
      %mul3A_467 = arith.muli %scan3A_465, %mul3A_466 : i32
      %add3A_468 = arith.constant 0 : i32
      %add3A_469 = arith.addi %add3A_468, %mul3A_467 : i32
      %mul3A_470 = arith.constant 16 : i32
      %mul3A_471 = arith.muli %add3A_469, %mul3A_470 : i32
      %lt3A = arith.cmpi slt, %mul3A_471, %get3A_137 : i32
      %convert_element_type3A = arith.extui %lt3A : i1 to i32
      %cond3A = arith.constant 0 : i32
      %cond3A_472 = arith.cmpi ne, %convert_element_type3A, %cond3A : i32
      scf.if %cond3A_472 {
        %add3A_473 = vector.broadcast %mul3A_471 : i32 to vector<16xi32>
        %add3A_474 = arith.addi %add3A_473, %iota3A : vector<16xi32>
        %lt3A_475 = vector.broadcast %get3A_137 : i32 to vector<16xi32>
        %lt3A_476 = arith.cmpi slt, %add3A_474, %lt3A_475 : vector<16xi32>
        %add3A_477 = arith.addi %get3A_140, %mul3A_471 : i32
        %get3A_478 = arith.index_cast %mul3A_471 : i32 to index
        %get3A_479 = tpu.vector_load %arg14[%get3A_478] {strides = array<i32>} : memref<832xi32, #tpu.memory_space<vmem>>, vector<16xi32>,
        %swap3A_480 = arith.index_cast %add3A_477 : i32 to index
        %swap3A_481 = tpu.vector_load %arg9[%swap3A_480] masked %lt3A_476 {strides = array<i32>} : memref<5632xi32, #tpu.memory_space<vmem>>, vector<16xi32>, vector<16xi1>
        tpu.vector_store %arg9[%swap3A_480], %get3A_479 masked %lt3A_476 {strides = array<i32>} : memref<5632xi32, #tpu.memory_space<vmem>>, vector<16xi32>, vector<16xi1>
        %add3A_482 = arith.addi %get3A_140, %mul3A_471 : i32
        %get3A_483 = arith.index_cast %mul3A_471 : i32 to index
        %get3A_484 = tpu.vector_load %arg15[%get3A_483] {strides = array<i32>} : memref<832xi32, #tpu.memory_space<vmem>>, vector<16xi32>,
        %swap3A_485 = arith.index_cast %add3A_482 : i32 to index
        %swap3A_486 = tpu.vector_load %arg10[%swap3A_485] masked %lt3A_476 {strides = array<i32>} : memref<5632xi32, #tpu.memory_space<vmem>>, vector<16xi32>, vector<16xi1>
        tpu.vector_store %arg10[%swap3A_485], %get3A_484 masked %lt3A_476 {strides = array<i32>} : memref<5632xi32, #tpu.memory_space<vmem>>, vector<16xi32>, vector<16xi1>
      } else {
      }
    }
    %scan3A_145 = arith.constant 52 : i32
    %add3A_146 = arith.addi %get3A_140, %get3A_137 : i32
    %swap3A_147 = arith.constant 256 : i32
    %swap3A_148 = arith.index_cast %swap3A_147 : i32 to index
    %swap3A_149 = memref.load %arg23[%swap3A_148] : memref<257xi32, #tpu.memory_space<smem>>
    memref.store %add3A_146, %arg23[%swap3A_148] : memref<257xi32, #tpu.memory_space<smem>>
    %add3A_150 = arith.constant 80 : i32
    %add3A_151 = arith.addi %add3A_150, %arg1 : i32
    %mul3A_152 = arith.constant 832 : i32
    %mul3A_153 = arith.muli %add3A_151, %mul3A_152 : i32
    "tpu.region"() ({
      %run_scoped3A = tpu.sem_alloc : memref<!tpu.dma_semaphore, #tpu.memory_space<semaphore_mem>>
      %dma_start3A_465 = tpu.memref_slice %arg20[%mul3A_153] : memref<212992xi32, #tpu.memory_space<vmem_shared>> -> memref<832xi32, #tpu.memory_space<vmem_shared>>
      %dma_start3A_466 = tpu.memref_slice %arg20[%mul3A_153] : memref<212992xi32, #tpu.memory_space<vmem_shared>> -> memref<832xi32, #tpu.memory_space<vmem_shared>>
      tpu.enqueue_dma source(%dma_start3A_466 : memref<832xi32, #tpu.memory_space<vmem_shared>>) target(%arg14 : memref<832xi32, #tpu.memory_space<vmem>>) target_semaphore(%run_scoped3A : memref<!tpu.dma_semaphore, #tpu.memory_space<semaphore_mem>>)
      %dma_wait3A_467 = tpu.memref_slice %arg20[%mul3A_153] : memref<212992xi32, #tpu.memory_space<vmem_shared>> -> memref<832xi32, #tpu.memory_space<vmem_shared>>
      %dma_wait3A_468 = tpu.memref_slice %arg20[%mul3A_153] : memref<212992xi32, #tpu.memory_space<vmem_shared>> -> memref<832xi32, #tpu.memory_space<vmem_shared>>
      tpu.wait_dma2 semaphore(%run_scoped3A : memref<!tpu.dma_semaphore, #tpu.memory_space<semaphore_mem>>) src(%dma_wait3A_468 : memref<832xi32, #tpu.memory_space<vmem_shared>>) dst(%arg14 : memref<832xi32, #tpu.memory_space<vmem>>)
      tpu.yield
    }) : () -> ()
    %add3A_154 = arith.constant 80 : i32
    %add3A_155 = arith.addi %add3A_154, %arg1 : i32
    %mul3A_156 = arith.constant 832 : i32
    %mul3A_157 = arith.muli %add3A_155, %mul3A_156 : i32
    "tpu.region"() ({
      %run_scoped3A = tpu.sem_alloc : memref<!tpu.dma_semaphore, #tpu.memory_space<semaphore_mem>>
      %dma_start3A_465 = tpu.memref_slice %arg21[%mul3A_157] : memref<212992xi32, #tpu.memory_space<vmem_shared>> -> memref<832xi32, #tpu.memory_space<vmem_shared>>
      %dma_start3A_466 = tpu.memref_slice %arg21[%mul3A_157] : memref<212992xi32, #tpu.memory_space<vmem_shared>> -> memref<832xi32, #tpu.memory_space<vmem_shared>>
      tpu.enqueue_dma source(%dma_start3A_466 : memref<832xi32, #tpu.memory_space<vmem_shared>>) target(%arg15 : memref<832xi32, #tpu.memory_space<vmem>>) target_semaphore(%run_scoped3A : memref<!tpu.dma_semaphore, #tpu.memory_space<semaphore_mem>>)
      %dma_wait3A_467 = tpu.memref_slice %arg21[%mul3A_157] : memref<212992xi32, #tpu.memory_space<vmem_shared>> -> memref<832xi32, #tpu.memory_space<vmem_shared>>
      %dma_wait3A_468 = tpu.memref_slice %arg21[%mul3A_157] : memref<212992xi32, #tpu.memory_space<vmem_shared>> -> memref<832xi32, #tpu.memory_space<vmem_shared>>
      tpu.wait_dma2 semaphore(%run_scoped3A : memref<!tpu.dma_semaphore, #tpu.memory_space<semaphore_mem>>) src(%dma_wait3A_468 : memref<832xi32, #tpu.memory_space<vmem_shared>>) dst(%arg15 : memref<832xi32, #tpu.memory_space<vmem>>)
      tpu.yield
    }) : () -> ()
    %add3A_158 = arith.constant 80 : i32
    %add3A_159 = arith.addi %add3A_158, %arg1 : i32
    %get3A_160 = arith.index_cast %add3A_159 : i32 to index
    %get3A_161 = memref.load %arg23[%get3A_160] : memref<257xi32, #tpu.memory_space<smem>>
    %get3A_162 = arith.constant 256 : i32
    %get3A_163 = arith.index_cast %get3A_162 : i32 to index
    %get3A_164 = memref.load %arg23[%get3A_163] : memref<257xi32, #tpu.memory_space<smem>>
    %scan3A_165 = arith.constant 0 : i32
    %scan3A_166 = arith.constant 52 : i32
    %scan3A_167 = arith.addi %scan3A_165, %scan3A_166 : i32
    %scan3A_168 = arith.constant 1 : i32
    scf.for %scan3A_465 = %scan3A_165 to %scan3A_167 step %scan3A_168  : i32 {
      %mul3A_466 = arith.constant 1 : i32
      %mul3A_467 = arith.muli %scan3A_465, %mul3A_466 : i32
      %add3A_468 = arith.constant 0 : i32
      %add3A_469 = arith.addi %add3A_468, %mul3A_467 : i32
      %mul3A_470 = arith.constant 16 : i32
      %mul3A_471 = arith.muli %add3A_469, %mul3A_470 : i32
      %lt3A = arith.cmpi slt, %mul3A_471, %get3A_161 : i32
      %convert_element_type3A = arith.extui %lt3A : i1 to i32
      %cond3A = arith.constant 0 : i32
      %cond3A_472 = arith.cmpi ne, %convert_element_type3A, %cond3A : i32
      scf.if %cond3A_472 {
        %add3A_473 = vector.broadcast %mul3A_471 : i32 to vector<16xi32>
        %add3A_474 = arith.addi %add3A_473, %iota3A : vector<16xi32>
        %lt3A_475 = vector.broadcast %get3A_161 : i32 to vector<16xi32>
        %lt3A_476 = arith.cmpi slt, %add3A_474, %lt3A_475 : vector<16xi32>
        %add3A_477 = arith.addi %get3A_164, %mul3A_471 : i32
        %get3A_478 = arith.index_cast %mul3A_471 : i32 to index
        %get3A_479 = tpu.vector_load %arg14[%get3A_478] {strides = array<i32>} : memref<832xi32, #tpu.memory_space<vmem>>, vector<16xi32>,
        %swap3A_480 = arith.index_cast %add3A_477 : i32 to index
        %swap3A_481 = tpu.vector_load %arg9[%swap3A_480] masked %lt3A_476 {strides = array<i32>} : memref<5632xi32, #tpu.memory_space<vmem>>, vector<16xi32>, vector<16xi1>
        tpu.vector_store %arg9[%swap3A_480], %get3A_479 masked %lt3A_476 {strides = array<i32>} : memref<5632xi32, #tpu.memory_space<vmem>>, vector<16xi32>, vector<16xi1>
        %add3A_482 = arith.addi %get3A_164, %mul3A_471 : i32
        %get3A_483 = arith.index_cast %mul3A_471 : i32 to index
        %get3A_484 = tpu.vector_load %arg15[%get3A_483] {strides = array<i32>} : memref<832xi32, #tpu.memory_space<vmem>>, vector<16xi32>,
        %swap3A_485 = arith.index_cast %add3A_482 : i32 to index
        %swap3A_486 = tpu.vector_load %arg10[%swap3A_485] masked %lt3A_476 {strides = array<i32>} : memref<5632xi32, #tpu.memory_space<vmem>>, vector<16xi32>, vector<16xi1>
        tpu.vector_store %arg10[%swap3A_485], %get3A_484 masked %lt3A_476 {strides = array<i32>} : memref<5632xi32, #tpu.memory_space<vmem>>, vector<16xi32>, vector<16xi1>
      } else {
      }
    }
    %scan3A_169 = arith.constant 52 : i32
    %add3A_170 = arith.addi %get3A_164, %get3A_161 : i32
    %swap3A_171 = arith.constant 256 : i32
    %swap3A_172 = arith.index_cast %swap3A_171 : i32 to index
    %swap3A_173 = memref.load %arg23[%swap3A_172] : memref<257xi32, #tpu.memory_space<smem>>
    memref.store %add3A_170, %arg23[%swap3A_172] : memref<257xi32, #tpu.memory_space<smem>>
    %add3A_174 = arith.constant 96 : i32
    %add3A_175 = arith.addi %add3A_174, %arg1 : i32
    %mul3A_176 = arith.constant 832 : i32
    %mul3A_177 = arith.muli %add3A_175, %mul3A_176 : i32
    "tpu.region"() ({
      %run_scoped3A = tpu.sem_alloc : memref<!tpu.dma_semaphore, #tpu.memory_space<semaphore_mem>>
      %dma_start3A_465 = tpu.memref_slice %arg20[%mul3A_177] : memref<212992xi32, #tpu.memory_space<vmem_shared>> -> memref<832xi32, #tpu.memory_space<vmem_shared>>
      %dma_start3A_466 = tpu.memref_slice %arg20[%mul3A_177] : memref<212992xi32, #tpu.memory_space<vmem_shared>> -> memref<832xi32, #tpu.memory_space<vmem_shared>>
      tpu.enqueue_dma source(%dma_start3A_466 : memref<832xi32, #tpu.memory_space<vmem_shared>>) target(%arg14 : memref<832xi32, #tpu.memory_space<vmem>>) target_semaphore(%run_scoped3A : memref<!tpu.dma_semaphore, #tpu.memory_space<semaphore_mem>>)
      %dma_wait3A_467 = tpu.memref_slice %arg20[%mul3A_177] : memref<212992xi32, #tpu.memory_space<vmem_shared>> -> memref<832xi32, #tpu.memory_space<vmem_shared>>
      %dma_wait3A_468 = tpu.memref_slice %arg20[%mul3A_177] : memref<212992xi32, #tpu.memory_space<vmem_shared>> -> memref<832xi32, #tpu.memory_space<vmem_shared>>
      tpu.wait_dma2 semaphore(%run_scoped3A : memref<!tpu.dma_semaphore, #tpu.memory_space<semaphore_mem>>) src(%dma_wait3A_468 : memref<832xi32, #tpu.memory_space<vmem_shared>>) dst(%arg14 : memref<832xi32, #tpu.memory_space<vmem>>)
      tpu.yield
    }) : () -> ()
    %add3A_178 = arith.constant 96 : i32
    %add3A_179 = arith.addi %add3A_178, %arg1 : i32
    %mul3A_180 = arith.constant 832 : i32
    %mul3A_181 = arith.muli %add3A_179, %mul3A_180 : i32
    "tpu.region"() ({
      %run_scoped3A = tpu.sem_alloc : memref<!tpu.dma_semaphore, #tpu.memory_space<semaphore_mem>>
      %dma_start3A_465 = tpu.memref_slice %arg21[%mul3A_181] : memref<212992xi32, #tpu.memory_space<vmem_shared>> -> memref<832xi32, #tpu.memory_space<vmem_shared>>
      %dma_start3A_466 = tpu.memref_slice %arg21[%mul3A_181] : memref<212992xi32, #tpu.memory_space<vmem_shared>> -> memref<832xi32, #tpu.memory_space<vmem_shared>>
      tpu.enqueue_dma source(%dma_start3A_466 : memref<832xi32, #tpu.memory_space<vmem_shared>>) target(%arg15 : memref<832xi32, #tpu.memory_space<vmem>>) target_semaphore(%run_scoped3A : memref<!tpu.dma_semaphore, #tpu.memory_space<semaphore_mem>>)
      %dma_wait3A_467 = tpu.memref_slice %arg21[%mul3A_181] : memref<212992xi32, #tpu.memory_space<vmem_shared>> -> memref<832xi32, #tpu.memory_space<vmem_shared>>
      %dma_wait3A_468 = tpu.memref_slice %arg21[%mul3A_181] : memref<212992xi32, #tpu.memory_space<vmem_shared>> -> memref<832xi32, #tpu.memory_space<vmem_shared>>
      tpu.wait_dma2 semaphore(%run_scoped3A : memref<!tpu.dma_semaphore, #tpu.memory_space<semaphore_mem>>) src(%dma_wait3A_468 : memref<832xi32, #tpu.memory_space<vmem_shared>>) dst(%arg15 : memref<832xi32, #tpu.memory_space<vmem>>)
      tpu.yield
    }) : () -> ()
    %add3A_182 = arith.constant 96 : i32
    %add3A_183 = arith.addi %add3A_182, %arg1 : i32
    %get3A_184 = arith.index_cast %add3A_183 : i32 to index
    %get3A_185 = memref.load %arg23[%get3A_184] : memref<257xi32, #tpu.memory_space<smem>>
    %get3A_186 = arith.constant 256 : i32
    %get3A_187 = arith.index_cast %get3A_186 : i32 to index
    %get3A_188 = memref.load %arg23[%get3A_187] : memref<257xi32, #tpu.memory_space<smem>>
    %scan3A_189 = arith.constant 0 : i32
    %scan3A_190 = arith.constant 52 : i32
    %scan3A_191 = arith.addi %scan3A_189, %scan3A_190 : i32
    %scan3A_192 = arith.constant 1 : i32
    scf.for %scan3A_465 = %scan3A_189 to %scan3A_191 step %scan3A_192  : i32 {
      %mul3A_466 = arith.constant 1 : i32
      %mul3A_467 = arith.muli %scan3A_465, %mul3A_466 : i32
      %add3A_468 = arith.constant 0 : i32
      %add3A_469 = arith.addi %add3A_468, %mul3A_467 : i32
      %mul3A_470 = arith.constant 16 : i32
      %mul3A_471 = arith.muli %add3A_469, %mul3A_470 : i32
      %lt3A = arith.cmpi slt, %mul3A_471, %get3A_185 : i32
      %convert_element_type3A = arith.extui %lt3A : i1 to i32
      %cond3A = arith.constant 0 : i32
      %cond3A_472 = arith.cmpi ne, %convert_element_type3A, %cond3A : i32
      scf.if %cond3A_472 {
        %add3A_473 = vector.broadcast %mul3A_471 : i32 to vector<16xi32>
        %add3A_474 = arith.addi %add3A_473, %iota3A : vector<16xi32>
        %lt3A_475 = vector.broadcast %get3A_185 : i32 to vector<16xi32>
        %lt3A_476 = arith.cmpi slt, %add3A_474, %lt3A_475 : vector<16xi32>
        %add3A_477 = arith.addi %get3A_188, %mul3A_471 : i32
        %get3A_478 = arith.index_cast %mul3A_471 : i32 to index
        %get3A_479 = tpu.vector_load %arg14[%get3A_478] {strides = array<i32>} : memref<832xi32, #tpu.memory_space<vmem>>, vector<16xi32>,
        %swap3A_480 = arith.index_cast %add3A_477 : i32 to index
        %swap3A_481 = tpu.vector_load %arg9[%swap3A_480] masked %lt3A_476 {strides = array<i32>} : memref<5632xi32, #tpu.memory_space<vmem>>, vector<16xi32>, vector<16xi1>
        tpu.vector_store %arg9[%swap3A_480], %get3A_479 masked %lt3A_476 {strides = array<i32>} : memref<5632xi32, #tpu.memory_space<vmem>>, vector<16xi32>, vector<16xi1>
        %add3A_482 = arith.addi %get3A_188, %mul3A_471 : i32
        %get3A_483 = arith.index_cast %mul3A_471 : i32 to index
        %get3A_484 = tpu.vector_load %arg15[%get3A_483] {strides = array<i32>} : memref<832xi32, #tpu.memory_space<vmem>>, vector<16xi32>,
        %swap3A_485 = arith.index_cast %add3A_482 : i32 to index
        %swap3A_486 = tpu.vector_load %arg10[%swap3A_485] masked %lt3A_476 {strides = array<i32>} : memref<5632xi32, #tpu.memory_space<vmem>>, vector<16xi32>, vector<16xi1>
        tpu.vector_store %arg10[%swap3A_485], %get3A_484 masked %lt3A_476 {strides = array<i32>} : memref<5632xi32, #tpu.memory_space<vmem>>, vector<16xi32>, vector<16xi1>
      } else {
      }
    }
    %scan3A_193 = arith.constant 52 : i32
    %add3A_194 = arith.addi %get3A_188, %get3A_185 : i32
    %swap3A_195 = arith.constant 256 : i32
    %swap3A_196 = arith.index_cast %swap3A_195 : i32 to index
    %swap3A_197 = memref.load %arg23[%swap3A_196] : memref<257xi32, #tpu.memory_space<smem>>
    memref.store %add3A_194, %arg23[%swap3A_196] : memref<257xi32, #tpu.memory_space<smem>>
    %add3A_198 = arith.constant 112 : i32
    %add3A_199 = arith.addi %add3A_198, %arg1 : i32
    %mul3A_200 = arith.constant 832 : i32
    %mul3A_201 = arith.muli %add3A_199, %mul3A_200 : i32
    "tpu.region"() ({
      %run_scoped3A = tpu.sem_alloc : memref<!tpu.dma_semaphore, #tpu.memory_space<semaphore_mem>>
      %dma_start3A_465 = tpu.memref_slice %arg20[%mul3A_201] : memref<212992xi32, #tpu.memory_space<vmem_shared>> -> memref<832xi32, #tpu.memory_space<vmem_shared>>
      %dma_start3A_466 = tpu.memref_slice %arg20[%mul3A_201] : memref<212992xi32, #tpu.memory_space<vmem_shared>> -> memref<832xi32, #tpu.memory_space<vmem_shared>>
      tpu.enqueue_dma source(%dma_start3A_466 : memref<832xi32, #tpu.memory_space<vmem_shared>>) target(%arg14 : memref<832xi32, #tpu.memory_space<vmem>>) target_semaphore(%run_scoped3A : memref<!tpu.dma_semaphore, #tpu.memory_space<semaphore_mem>>)
      %dma_wait3A_467 = tpu.memref_slice %arg20[%mul3A_201] : memref<212992xi32, #tpu.memory_space<vmem_shared>> -> memref<832xi32, #tpu.memory_space<vmem_shared>>
      %dma_wait3A_468 = tpu.memref_slice %arg20[%mul3A_201] : memref<212992xi32, #tpu.memory_space<vmem_shared>> -> memref<832xi32, #tpu.memory_space<vmem_shared>>
      tpu.wait_dma2 semaphore(%run_scoped3A : memref<!tpu.dma_semaphore, #tpu.memory_space<semaphore_mem>>) src(%dma_wait3A_468 : memref<832xi32, #tpu.memory_space<vmem_shared>>) dst(%arg14 : memref<832xi32, #tpu.memory_space<vmem>>)
      tpu.yield
    }) : () -> ()
    %add3A_202 = arith.constant 112 : i32
    %add3A_203 = arith.addi %add3A_202, %arg1 : i32
    %mul3A_204 = arith.constant 832 : i32
    %mul3A_205 = arith.muli %add3A_203, %mul3A_204 : i32
    "tpu.region"() ({
      %run_scoped3A = tpu.sem_alloc : memref<!tpu.dma_semaphore, #tpu.memory_space<semaphore_mem>>
      %dma_start3A_465 = tpu.memref_slice %arg21[%mul3A_205] : memref<212992xi32, #tpu.memory_space<vmem_shared>> -> memref<832xi32, #tpu.memory_space<vmem_shared>>
      %dma_start3A_466 = tpu.memref_slice %arg21[%mul3A_205] : memref<212992xi32, #tpu.memory_space<vmem_shared>> -> memref<832xi32, #tpu.memory_space<vmem_shared>>
      tpu.enqueue_dma source(%dma_start3A_466 : memref<832xi32, #tpu.memory_space<vmem_shared>>) target(%arg15 : memref<832xi32, #tpu.memory_space<vmem>>) target_semaphore(%run_scoped3A : memref<!tpu.dma_semaphore, #tpu.memory_space<semaphore_mem>>)
      %dma_wait3A_467 = tpu.memref_slice %arg21[%mul3A_205] : memref<212992xi32, #tpu.memory_space<vmem_shared>> -> memref<832xi32, #tpu.memory_space<vmem_shared>>
      %dma_wait3A_468 = tpu.memref_slice %arg21[%mul3A_205] : memref<212992xi32, #tpu.memory_space<vmem_shared>> -> memref<832xi32, #tpu.memory_space<vmem_shared>>
      tpu.wait_dma2 semaphore(%run_scoped3A : memref<!tpu.dma_semaphore, #tpu.memory_space<semaphore_mem>>) src(%dma_wait3A_468 : memref<832xi32, #tpu.memory_space<vmem_shared>>) dst(%arg15 : memref<832xi32, #tpu.memory_space<vmem>>)
      tpu.yield
    }) : () -> ()
    %add3A_206 = arith.constant 112 : i32
    %add3A_207 = arith.addi %add3A_206, %arg1 : i32
    %get3A_208 = arith.index_cast %add3A_207 : i32 to index
    %get3A_209 = memref.load %arg23[%get3A_208] : memref<257xi32, #tpu.memory_space<smem>>
    %get3A_210 = arith.constant 256 : i32
    %get3A_211 = arith.index_cast %get3A_210 : i32 to index
    %get3A_212 = memref.load %arg23[%get3A_211] : memref<257xi32, #tpu.memory_space<smem>>
    %scan3A_213 = arith.constant 0 : i32
    %scan3A_214 = arith.constant 52 : i32
    %scan3A_215 = arith.addi %scan3A_213, %scan3A_214 : i32
    %scan3A_216 = arith.constant 1 : i32
    scf.for %scan3A_465 = %scan3A_213 to %scan3A_215 step %scan3A_216  : i32 {
      %mul3A_466 = arith.constant 1 : i32
      %mul3A_467 = arith.muli %scan3A_465, %mul3A_466 : i32
      %add3A_468 = arith.constant 0 : i32
      %add3A_469 = arith.addi %add3A_468, %mul3A_467 : i32
      %mul3A_470 = arith.constant 16 : i32
      %mul3A_471 = arith.muli %add3A_469, %mul3A_470 : i32
      %lt3A = arith.cmpi slt, %mul3A_471, %get3A_209 : i32
      %convert_element_type3A = arith.extui %lt3A : i1 to i32
      %cond3A = arith.constant 0 : i32
      %cond3A_472 = arith.cmpi ne, %convert_element_type3A, %cond3A : i32
      scf.if %cond3A_472 {
        %add3A_473 = vector.broadcast %mul3A_471 : i32 to vector<16xi32>
        %add3A_474 = arith.addi %add3A_473, %iota3A : vector<16xi32>
        %lt3A_475 = vector.broadcast %get3A_209 : i32 to vector<16xi32>
        %lt3A_476 = arith.cmpi slt, %add3A_474, %lt3A_475 : vector<16xi32>
        %add3A_477 = arith.addi %get3A_212, %mul3A_471 : i32
        %get3A_478 = arith.index_cast %mul3A_471 : i32 to index
        %get3A_479 = tpu.vector_load %arg14[%get3A_478] {strides = array<i32>} : memref<832xi32, #tpu.memory_space<vmem>>, vector<16xi32>,
        %swap3A_480 = arith.index_cast %add3A_477 : i32 to index
        %swap3A_481 = tpu.vector_load %arg9[%swap3A_480] masked %lt3A_476 {strides = array<i32>} : memref<5632xi32, #tpu.memory_space<vmem>>, vector<16xi32>, vector<16xi1>
        tpu.vector_store %arg9[%swap3A_480], %get3A_479 masked %lt3A_476 {strides = array<i32>} : memref<5632xi32, #tpu.memory_space<vmem>>, vector<16xi32>, vector<16xi1>
        %add3A_482 = arith.addi %get3A_212, %mul3A_471 : i32
        %get3A_483 = arith.index_cast %mul3A_471 : i32 to index
        %get3A_484 = tpu.vector_load %arg15[%get3A_483] {strides = array<i32>} : memref<832xi32, #tpu.memory_space<vmem>>, vector<16xi32>,
        %swap3A_485 = arith.index_cast %add3A_482 : i32 to index
        %swap3A_486 = tpu.vector_load %arg10[%swap3A_485] masked %lt3A_476 {strides = array<i32>} : memref<5632xi32, #tpu.memory_space<vmem>>, vector<16xi32>, vector<16xi1>
        tpu.vector_store %arg10[%swap3A_485], %get3A_484 masked %lt3A_476 {strides = array<i32>} : memref<5632xi32, #tpu.memory_space<vmem>>, vector<16xi32>, vector<16xi1>
      } else {
      }
    }
    %scan3A_217 = arith.constant 52 : i32
    %add3A_218 = arith.addi %get3A_212, %get3A_209 : i32
    %swap3A_219 = arith.constant 256 : i32
    %swap3A_220 = arith.index_cast %swap3A_219 : i32 to index
    %swap3A_221 = memref.load %arg23[%swap3A_220] : memref<257xi32, #tpu.memory_space<smem>>
    memref.store %add3A_218, %arg23[%swap3A_220] : memref<257xi32, #tpu.memory_space<smem>>
    %add3A_222 = arith.constant 128 : i32
    %add3A_223 = arith.addi %add3A_222, %arg1 : i32
    %mul3A_224 = arith.constant 832 : i32
    %mul3A_225 = arith.muli %add3A_223, %mul3A_224 : i32
    "tpu.region"() ({
      %run_scoped3A = tpu.sem_alloc : memref<!tpu.dma_semaphore, #tpu.memory_space<semaphore_mem>>
      %dma_start3A_465 = tpu.memref_slice %arg20[%mul3A_225] : memref<212992xi32, #tpu.memory_space<vmem_shared>> -> memref<832xi32, #tpu.memory_space<vmem_shared>>
      %dma_start3A_466 = tpu.memref_slice %arg20[%mul3A_225] : memref<212992xi32, #tpu.memory_space<vmem_shared>> -> memref<832xi32, #tpu.memory_space<vmem_shared>>
      tpu.enqueue_dma source(%dma_start3A_466 : memref<832xi32, #tpu.memory_space<vmem_shared>>) target(%arg14 : memref<832xi32, #tpu.memory_space<vmem>>) target_semaphore(%run_scoped3A : memref<!tpu.dma_semaphore, #tpu.memory_space<semaphore_mem>>)
      %dma_wait3A_467 = tpu.memref_slice %arg20[%mul3A_225] : memref<212992xi32, #tpu.memory_space<vmem_shared>> -> memref<832xi32, #tpu.memory_space<vmem_shared>>
      %dma_wait3A_468 = tpu.memref_slice %arg20[%mul3A_225] : memref<212992xi32, #tpu.memory_space<vmem_shared>> -> memref<832xi32, #tpu.memory_space<vmem_shared>>
      tpu.wait_dma2 semaphore(%run_scoped3A : memref<!tpu.dma_semaphore, #tpu.memory_space<semaphore_mem>>) src(%dma_wait3A_468 : memref<832xi32, #tpu.memory_space<vmem_shared>>) dst(%arg14 : memref<832xi32, #tpu.memory_space<vmem>>)
      tpu.yield
    }) : () -> ()
    %add3A_226 = arith.constant 128 : i32
    %add3A_227 = arith.addi %add3A_226, %arg1 : i32
    %mul3A_228 = arith.constant 832 : i32
    %mul3A_229 = arith.muli %add3A_227, %mul3A_228 : i32
    "tpu.region"() ({
      %run_scoped3A = tpu.sem_alloc : memref<!tpu.dma_semaphore, #tpu.memory_space<semaphore_mem>>
      %dma_start3A_465 = tpu.memref_slice %arg21[%mul3A_229] : memref<212992xi32, #tpu.memory_space<vmem_shared>> -> memref<832xi32, #tpu.memory_space<vmem_shared>>
      %dma_start3A_466 = tpu.memref_slice %arg21[%mul3A_229] : memref<212992xi32, #tpu.memory_space<vmem_shared>> -> memref<832xi32, #tpu.memory_space<vmem_shared>>
      tpu.enqueue_dma source(%dma_start3A_466 : memref<832xi32, #tpu.memory_space<vmem_shared>>) target(%arg15 : memref<832xi32, #tpu.memory_space<vmem>>) target_semaphore(%run_scoped3A : memref<!tpu.dma_semaphore, #tpu.memory_space<semaphore_mem>>)
      %dma_wait3A_467 = tpu.memref_slice %arg21[%mul3A_229] : memref<212992xi32, #tpu.memory_space<vmem_shared>> -> memref<832xi32, #tpu.memory_space<vmem_shared>>
      %dma_wait3A_468 = tpu.memref_slice %arg21[%mul3A_229] : memref<212992xi32, #tpu.memory_space<vmem_shared>> -> memref<832xi32, #tpu.memory_space<vmem_shared>>
      tpu.wait_dma2 semaphore(%run_scoped3A : memref<!tpu.dma_semaphore, #tpu.memory_space<semaphore_mem>>) src(%dma_wait3A_468 : memref<832xi32, #tpu.memory_space<vmem_shared>>) dst(%arg15 : memref<832xi32, #tpu.memory_space<vmem>>)
      tpu.yield
    }) : () -> ()
    %add3A_230 = arith.constant 128 : i32
    %add3A_231 = arith.addi %add3A_230, %arg1 : i32
    %get3A_232 = arith.index_cast %add3A_231 : i32 to index
    %get3A_233 = memref.load %arg23[%get3A_232] : memref<257xi32, #tpu.memory_space<smem>>
    %get3A_234 = arith.constant 256 : i32
    %get3A_235 = arith.index_cast %get3A_234 : i32 to index
    %get3A_236 = memref.load %arg23[%get3A_235] : memref<257xi32, #tpu.memory_space<smem>>
    %scan3A_237 = arith.constant 0 : i32
    %scan3A_238 = arith.constant 52 : i32
    %scan3A_239 = arith.addi %scan3A_237, %scan3A_238 : i32
    %scan3A_240 = arith.constant 1 : i32
    scf.for %scan3A_465 = %scan3A_237 to %scan3A_239 step %scan3A_240  : i32 {
      %mul3A_466 = arith.constant 1 : i32
      %mul3A_467 = arith.muli %scan3A_465, %mul3A_466 : i32
      %add3A_468 = arith.constant 0 : i32
      %add3A_469 = arith.addi %add3A_468, %mul3A_467 : i32
      %mul3A_470 = arith.constant 16 : i32
      %mul3A_471 = arith.muli %add3A_469, %mul3A_470 : i32
      %lt3A = arith.cmpi slt, %mul3A_471, %get3A_233 : i32
      %convert_element_type3A = arith.extui %lt3A : i1 to i32
      %cond3A = arith.constant 0 : i32
      %cond3A_472 = arith.cmpi ne, %convert_element_type3A, %cond3A : i32
      scf.if %cond3A_472 {
        %add3A_473 = vector.broadcast %mul3A_471 : i32 to vector<16xi32>
        %add3A_474 = arith.addi %add3A_473, %iota3A : vector<16xi32>
        %lt3A_475 = vector.broadcast %get3A_233 : i32 to vector<16xi32>
        %lt3A_476 = arith.cmpi slt, %add3A_474, %lt3A_475 : vector<16xi32>
        %add3A_477 = arith.addi %get3A_236, %mul3A_471 : i32
        %get3A_478 = arith.index_cast %mul3A_471 : i32 to index
        %get3A_479 = tpu.vector_load %arg14[%get3A_478] {strides = array<i32>} : memref<832xi32, #tpu.memory_space<vmem>>, vector<16xi32>,
        %swap3A_480 = arith.index_cast %add3A_477 : i32 to index
        %swap3A_481 = tpu.vector_load %arg9[%swap3A_480] masked %lt3A_476 {strides = array<i32>} : memref<5632xi32, #tpu.memory_space<vmem>>, vector<16xi32>, vector<16xi1>
        tpu.vector_store %arg9[%swap3A_480], %get3A_479 masked %lt3A_476 {strides = array<i32>} : memref<5632xi32, #tpu.memory_space<vmem>>, vector<16xi32>, vector<16xi1>
        %add3A_482 = arith.addi %get3A_236, %mul3A_471 : i32
        %get3A_483 = arith.index_cast %mul3A_471 : i32 to index
        %get3A_484 = tpu.vector_load %arg15[%get3A_483] {strides = array<i32>} : memref<832xi32, #tpu.memory_space<vmem>>, vector<16xi32>,
        %swap3A_485 = arith.index_cast %add3A_482 : i32 to index
        %swap3A_486 = tpu.vector_load %arg10[%swap3A_485] masked %lt3A_476 {strides = array<i32>} : memref<5632xi32, #tpu.memory_space<vmem>>, vector<16xi32>, vector<16xi1>
        tpu.vector_store %arg10[%swap3A_485], %get3A_484 masked %lt3A_476 {strides = array<i32>} : memref<5632xi32, #tpu.memory_space<vmem>>, vector<16xi32>, vector<16xi1>
      } else {
      }
    }
    %scan3A_241 = arith.constant 52 : i32
    %add3A_242 = arith.addi %get3A_236, %get3A_233 : i32
    %swap3A_243 = arith.constant 256 : i32
    %swap3A_244 = arith.index_cast %swap3A_243 : i32 to index
    %swap3A_245 = memref.load %arg23[%swap3A_244] : memref<257xi32, #tpu.memory_space<smem>>
    memref.store %add3A_242, %arg23[%swap3A_244] : memref<257xi32, #tpu.memory_space<smem>>
    %add3A_246 = arith.constant 144 : i32
    %add3A_247 = arith.addi %add3A_246, %arg1 : i32
    %mul3A_248 = arith.constant 832 : i32
    %mul3A_249 = arith.muli %add3A_247, %mul3A_248 : i32
    "tpu.region"() ({
      %run_scoped3A = tpu.sem_alloc : memref<!tpu.dma_semaphore, #tpu.memory_space<semaphore_mem>>
      %dma_start3A_465 = tpu.memref_slice %arg20[%mul3A_249] : memref<212992xi32, #tpu.memory_space<vmem_shared>> -> memref<832xi32, #tpu.memory_space<vmem_shared>>
      %dma_start3A_466 = tpu.memref_slice %arg20[%mul3A_249] : memref<212992xi32, #tpu.memory_space<vmem_shared>> -> memref<832xi32, #tpu.memory_space<vmem_shared>>
      tpu.enqueue_dma source(%dma_start3A_466 : memref<832xi32, #tpu.memory_space<vmem_shared>>) target(%arg14 : memref<832xi32, #tpu.memory_space<vmem>>) target_semaphore(%run_scoped3A : memref<!tpu.dma_semaphore, #tpu.memory_space<semaphore_mem>>)
      %dma_wait3A_467 = tpu.memref_slice %arg20[%mul3A_249] : memref<212992xi32, #tpu.memory_space<vmem_shared>> -> memref<832xi32, #tpu.memory_space<vmem_shared>>
      %dma_wait3A_468 = tpu.memref_slice %arg20[%mul3A_249] : memref<212992xi32, #tpu.memory_space<vmem_shared>> -> memref<832xi32, #tpu.memory_space<vmem_shared>>
      tpu.wait_dma2 semaphore(%run_scoped3A : memref<!tpu.dma_semaphore, #tpu.memory_space<semaphore_mem>>) src(%dma_wait3A_468 : memref<832xi32, #tpu.memory_space<vmem_shared>>) dst(%arg14 : memref<832xi32, #tpu.memory_space<vmem>>)
      tpu.yield
    }) : () -> ()
    %add3A_250 = arith.constant 144 : i32
    %add3A_251 = arith.addi %add3A_250, %arg1 : i32
    %mul3A_252 = arith.constant 832 : i32
    %mul3A_253 = arith.muli %add3A_251, %mul3A_252 : i32
    "tpu.region"() ({
      %run_scoped3A = tpu.sem_alloc : memref<!tpu.dma_semaphore, #tpu.memory_space<semaphore_mem>>
      %dma_start3A_465 = tpu.memref_slice %arg21[%mul3A_253] : memref<212992xi32, #tpu.memory_space<vmem_shared>> -> memref<832xi32, #tpu.memory_space<vmem_shared>>
      %dma_start3A_466 = tpu.memref_slice %arg21[%mul3A_253] : memref<212992xi32, #tpu.memory_space<vmem_shared>> -> memref<832xi32, #tpu.memory_space<vmem_shared>>
      tpu.enqueue_dma source(%dma_start3A_466 : memref<832xi32, #tpu.memory_space<vmem_shared>>) target(%arg15 : memref<832xi32, #tpu.memory_space<vmem>>) target_semaphore(%run_scoped3A : memref<!tpu.dma_semaphore, #tpu.memory_space<semaphore_mem>>)
      %dma_wait3A_467 = tpu.memref_slice %arg21[%mul3A_253] : memref<212992xi32, #tpu.memory_space<vmem_shared>> -> memref<832xi32, #tpu.memory_space<vmem_shared>>
      %dma_wait3A_468 = tpu.memref_slice %arg21[%mul3A_253] : memref<212992xi32, #tpu.memory_space<vmem_shared>> -> memref<832xi32, #tpu.memory_space<vmem_shared>>
      tpu.wait_dma2 semaphore(%run_scoped3A : memref<!tpu.dma_semaphore, #tpu.memory_space<semaphore_mem>>) src(%dma_wait3A_468 : memref<832xi32, #tpu.memory_space<vmem_shared>>) dst(%arg15 : memref<832xi32, #tpu.memory_space<vmem>>)
      tpu.yield
    }) : () -> ()
    %add3A_254 = arith.constant 144 : i32
    %add3A_255 = arith.addi %add3A_254, %arg1 : i32
    %get3A_256 = arith.index_cast %add3A_255 : i32 to index
    %get3A_257 = memref.load %arg23[%get3A_256] : memref<257xi32, #tpu.memory_space<smem>>
    %get3A_258 = arith.constant 256 : i32
    %get3A_259 = arith.index_cast %get3A_258 : i32 to index
    %get3A_260 = memref.load %arg23[%get3A_259] : memref<257xi32, #tpu.memory_space<smem>>
    %scan3A_261 = arith.constant 0 : i32
    %scan3A_262 = arith.constant 52 : i32
    %scan3A_263 = arith.addi %scan3A_261, %scan3A_262 : i32
    %scan3A_264 = arith.constant 1 : i32
    scf.for %scan3A_465 = %scan3A_261 to %scan3A_263 step %scan3A_264  : i32 {
      %mul3A_466 = arith.constant 1 : i32
      %mul3A_467 = arith.muli %scan3A_465, %mul3A_466 : i32
      %add3A_468 = arith.constant 0 : i32
      %add3A_469 = arith.addi %add3A_468, %mul3A_467 : i32
      %mul3A_470 = arith.constant 16 : i32
      %mul3A_471 = arith.muli %add3A_469, %mul3A_470 : i32
      %lt3A = arith.cmpi slt, %mul3A_471, %get3A_257 : i32
      %convert_element_type3A = arith.extui %lt3A : i1 to i32
      %cond3A = arith.constant 0 : i32
      %cond3A_472 = arith.cmpi ne, %convert_element_type3A, %cond3A : i32
      scf.if %cond3A_472 {
        %add3A_473 = vector.broadcast %mul3A_471 : i32 to vector<16xi32>
        %add3A_474 = arith.addi %add3A_473, %iota3A : vector<16xi32>
        %lt3A_475 = vector.broadcast %get3A_257 : i32 to vector<16xi32>
        %lt3A_476 = arith.cmpi slt, %add3A_474, %lt3A_475 : vector<16xi32>
        %add3A_477 = arith.addi %get3A_260, %mul3A_471 : i32
        %get3A_478 = arith.index_cast %mul3A_471 : i32 to index
        %get3A_479 = tpu.vector_load %arg14[%get3A_478] {strides = array<i32>} : memref<832xi32, #tpu.memory_space<vmem>>, vector<16xi32>,
        %swap3A_480 = arith.index_cast %add3A_477 : i32 to index
        %swap3A_481 = tpu.vector_load %arg9[%swap3A_480] masked %lt3A_476 {strides = array<i32>} : memref<5632xi32, #tpu.memory_space<vmem>>, vector<16xi32>, vector<16xi1>
        tpu.vector_store %arg9[%swap3A_480], %get3A_479 masked %lt3A_476 {strides = array<i32>} : memref<5632xi32, #tpu.memory_space<vmem>>, vector<16xi32>, vector<16xi1>
        %add3A_482 = arith.addi %get3A_260, %mul3A_471 : i32
        %get3A_483 = arith.index_cast %mul3A_471 : i32 to index
        %get3A_484 = tpu.vector_load %arg15[%get3A_483] {strides = array<i32>} : memref<832xi32, #tpu.memory_space<vmem>>, vector<16xi32>,
        %swap3A_485 = arith.index_cast %add3A_482 : i32 to index
        %swap3A_486 = tpu.vector_load %arg10[%swap3A_485] masked %lt3A_476 {strides = array<i32>} : memref<5632xi32, #tpu.memory_space<vmem>>, vector<16xi32>, vector<16xi1>
        tpu.vector_store %arg10[%swap3A_485], %get3A_484 masked %lt3A_476 {strides = array<i32>} : memref<5632xi32, #tpu.memory_space<vmem>>, vector<16xi32>, vector<16xi1>
      } else {
      }
    }
    %scan3A_265 = arith.constant 52 : i32
    %add3A_266 = arith.addi %get3A_260, %get3A_257 : i32
    %swap3A_267 = arith.constant 256 : i32
    %swap3A_268 = arith.index_cast %swap3A_267 : i32 to index
    %swap3A_269 = memref.load %arg23[%swap3A_268] : memref<257xi32, #tpu.memory_space<smem>>
    memref.store %add3A_266, %arg23[%swap3A_268] : memref<257xi32, #tpu.memory_space<smem>>
    %add3A_270 = arith.constant 160 : i32
    %add3A_271 = arith.addi %add3A_270, %arg1 : i32
    %mul3A_272 = arith.constant 832 : i32
    %mul3A_273 = arith.muli %add3A_271, %mul3A_272 : i32
    "tpu.region"() ({
      %run_scoped3A = tpu.sem_alloc : memref<!tpu.dma_semaphore, #tpu.memory_space<semaphore_mem>>
      %dma_start3A_465 = tpu.memref_slice %arg20[%mul3A_273] : memref<212992xi32, #tpu.memory_space<vmem_shared>> -> memref<832xi32, #tpu.memory_space<vmem_shared>>
      %dma_start3A_466 = tpu.memref_slice %arg20[%mul3A_273] : memref<212992xi32, #tpu.memory_space<vmem_shared>> -> memref<832xi32, #tpu.memory_space<vmem_shared>>
      tpu.enqueue_dma source(%dma_start3A_466 : memref<832xi32, #tpu.memory_space<vmem_shared>>) target(%arg14 : memref<832xi32, #tpu.memory_space<vmem>>) target_semaphore(%run_scoped3A : memref<!tpu.dma_semaphore, #tpu.memory_space<semaphore_mem>>)
      %dma_wait3A_467 = tpu.memref_slice %arg20[%mul3A_273] : memref<212992xi32, #tpu.memory_space<vmem_shared>> -> memref<832xi32, #tpu.memory_space<vmem_shared>>
      %dma_wait3A_468 = tpu.memref_slice %arg20[%mul3A_273] : memref<212992xi32, #tpu.memory_space<vmem_shared>> -> memref<832xi32, #tpu.memory_space<vmem_shared>>
      tpu.wait_dma2 semaphore(%run_scoped3A : memref<!tpu.dma_semaphore, #tpu.memory_space<semaphore_mem>>) src(%dma_wait3A_468 : memref<832xi32, #tpu.memory_space<vmem_shared>>) dst(%arg14 : memref<832xi32, #tpu.memory_space<vmem>>)
      tpu.yield
    }) : () -> ()
    %add3A_274 = arith.constant 160 : i32
    %add3A_275 = arith.addi %add3A_274, %arg1 : i32
    %mul3A_276 = arith.constant 832 : i32
    %mul3A_277 = arith.muli %add3A_275, %mul3A_276 : i32
    "tpu.region"() ({
      %run_scoped3A = tpu.sem_alloc : memref<!tpu.dma_semaphore, #tpu.memory_space<semaphore_mem>>
      %dma_start3A_465 = tpu.memref_slice %arg21[%mul3A_277] : memref<212992xi32, #tpu.memory_space<vmem_shared>> -> memref<832xi32, #tpu.memory_space<vmem_shared>>
      %dma_start3A_466 = tpu.memref_slice %arg21[%mul3A_277] : memref<212992xi32, #tpu.memory_space<vmem_shared>> -> memref<832xi32, #tpu.memory_space<vmem_shared>>
      tpu.enqueue_dma source(%dma_start3A_466 : memref<832xi32, #tpu.memory_space<vmem_shared>>) target(%arg15 : memref<832xi32, #tpu.memory_space<vmem>>) target_semaphore(%run_scoped3A : memref<!tpu.dma_semaphore, #tpu.memory_space<semaphore_mem>>)
      %dma_wait3A_467 = tpu.memref_slice %arg21[%mul3A_277] : memref<212992xi32, #tpu.memory_space<vmem_shared>> -> memref<832xi32, #tpu.memory_space<vmem_shared>>
      %dma_wait3A_468 = tpu.memref_slice %arg21[%mul3A_277] : memref<212992xi32, #tpu.memory_space<vmem_shared>> -> memref<832xi32, #tpu.memory_space<vmem_shared>>
      tpu.wait_dma2 semaphore(%run_scoped3A : memref<!tpu.dma_semaphore, #tpu.memory_space<semaphore_mem>>) src(%dma_wait3A_468 : memref<832xi32, #tpu.memory_space<vmem_shared>>) dst(%arg15 : memref<832xi32, #tpu.memory_space<vmem>>)
      tpu.yield
    }) : () -> ()
    %add3A_278 = arith.constant 160 : i32
    %add3A_279 = arith.addi %add3A_278, %arg1 : i32
    %get3A_280 = arith.index_cast %add3A_279 : i32 to index
    %get3A_281 = memref.load %arg23[%get3A_280] : memref<257xi32, #tpu.memory_space<smem>>
    %get3A_282 = arith.constant 256 : i32
    %get3A_283 = arith.index_cast %get3A_282 : i32 to index
    %get3A_284 = memref.load %arg23[%get3A_283] : memref<257xi32, #tpu.memory_space<smem>>
    %scan3A_285 = arith.constant 0 : i32
    %scan3A_286 = arith.constant 52 : i32
    %scan3A_287 = arith.addi %scan3A_285, %scan3A_286 : i32
    %scan3A_288 = arith.constant 1 : i32
    scf.for %scan3A_465 = %scan3A_285 to %scan3A_287 step %scan3A_288  : i32 {
      %mul3A_466 = arith.constant 1 : i32
      %mul3A_467 = arith.muli %scan3A_465, %mul3A_466 : i32
      %add3A_468 = arith.constant 0 : i32
      %add3A_469 = arith.addi %add3A_468, %mul3A_467 : i32
      %mul3A_470 = arith.constant 16 : i32
      %mul3A_471 = arith.muli %add3A_469, %mul3A_470 : i32
      %lt3A = arith.cmpi slt, %mul3A_471, %get3A_281 : i32
      %convert_element_type3A = arith.extui %lt3A : i1 to i32
      %cond3A = arith.constant 0 : i32
      %cond3A_472 = arith.cmpi ne, %convert_element_type3A, %cond3A : i32
      scf.if %cond3A_472 {
        %add3A_473 = vector.broadcast %mul3A_471 : i32 to vector<16xi32>
        %add3A_474 = arith.addi %add3A_473, %iota3A : vector<16xi32>
        %lt3A_475 = vector.broadcast %get3A_281 : i32 to vector<16xi32>
        %lt3A_476 = arith.cmpi slt, %add3A_474, %lt3A_475 : vector<16xi32>
        %add3A_477 = arith.addi %get3A_284, %mul3A_471 : i32
        %get3A_478 = arith.index_cast %mul3A_471 : i32 to index
        %get3A_479 = tpu.vector_load %arg14[%get3A_478] {strides = array<i32>} : memref<832xi32, #tpu.memory_space<vmem>>, vector<16xi32>,
        %swap3A_480 = arith.index_cast %add3A_477 : i32 to index
        %swap3A_481 = tpu.vector_load %arg9[%swap3A_480] masked %lt3A_476 {strides = array<i32>} : memref<5632xi32, #tpu.memory_space<vmem>>, vector<16xi32>, vector<16xi1>
        tpu.vector_store %arg9[%swap3A_480], %get3A_479 masked %lt3A_476 {strides = array<i32>} : memref<5632xi32, #tpu.memory_space<vmem>>, vector<16xi32>, vector<16xi1>
        %add3A_482 = arith.addi %get3A_284, %mul3A_471 : i32
        %get3A_483 = arith.index_cast %mul3A_471 : i32 to index
        %get3A_484 = tpu.vector_load %arg15[%get3A_483] {strides = array<i32>} : memref<832xi32, #tpu.memory_space<vmem>>, vector<16xi32>,
        %swap3A_485 = arith.index_cast %add3A_482 : i32 to index
        %swap3A_486 = tpu.vector_load %arg10[%swap3A_485] masked %lt3A_476 {strides = array<i32>} : memref<5632xi32, #tpu.memory_space<vmem>>, vector<16xi32>, vector<16xi1>
        tpu.vector_store %arg10[%swap3A_485], %get3A_484 masked %lt3A_476 {strides = array<i32>} : memref<5632xi32, #tpu.memory_space<vmem>>, vector<16xi32>, vector<16xi1>
      } else {
      }
    }
    %scan3A_289 = arith.constant 52 : i32
    %add3A_290 = arith.addi %get3A_284, %get3A_281 : i32
    %swap3A_291 = arith.constant 256 : i32
    %swap3A_292 = arith.index_cast %swap3A_291 : i32 to index
    %swap3A_293 = memref.load %arg23[%swap3A_292] : memref<257xi32, #tpu.memory_space<smem>>
    memref.store %add3A_290, %arg23[%swap3A_292] : memref<257xi32, #tpu.memory_space<smem>>
    %add3A_294 = arith.constant 176 : i32
    %add3A_295 = arith.addi %add3A_294, %arg1 : i32
    %mul3A_296 = arith.constant 832 : i32
    %mul3A_297 = arith.muli %add3A_295, %mul3A_296 : i32
    "tpu.region"() ({
      %run_scoped3A = tpu.sem_alloc : memref<!tpu.dma_semaphore, #tpu.memory_space<semaphore_mem>>
      %dma_start3A_465 = tpu.memref_slice %arg20[%mul3A_297] : memref<212992xi32, #tpu.memory_space<vmem_shared>> -> memref<832xi32, #tpu.memory_space<vmem_shared>>
      %dma_start3A_466 = tpu.memref_slice %arg20[%mul3A_297] : memref<212992xi32, #tpu.memory_space<vmem_shared>> -> memref<832xi32, #tpu.memory_space<vmem_shared>>
      tpu.enqueue_dma source(%dma_start3A_466 : memref<832xi32, #tpu.memory_space<vmem_shared>>) target(%arg14 : memref<832xi32, #tpu.memory_space<vmem>>) target_semaphore(%run_scoped3A : memref<!tpu.dma_semaphore, #tpu.memory_space<semaphore_mem>>)
      %dma_wait3A_467 = tpu.memref_slice %arg20[%mul3A_297] : memref<212992xi32, #tpu.memory_space<vmem_shared>> -> memref<832xi32, #tpu.memory_space<vmem_shared>>
      %dma_wait3A_468 = tpu.memref_slice %arg20[%mul3A_297] : memref<212992xi32, #tpu.memory_space<vmem_shared>> -> memref<832xi32, #tpu.memory_space<vmem_shared>>
      tpu.wait_dma2 semaphore(%run_scoped3A : memref<!tpu.dma_semaphore, #tpu.memory_space<semaphore_mem>>) src(%dma_wait3A_468 : memref<832xi32, #tpu.memory_space<vmem_shared>>) dst(%arg14 : memref<832xi32, #tpu.memory_space<vmem>>)
      tpu.yield
    }) : () -> ()
    %add3A_298 = arith.constant 176 : i32
    %add3A_299 = arith.addi %add3A_298, %arg1 : i32
    %mul3A_300 = arith.constant 832 : i32
    %mul3A_301 = arith.muli %add3A_299, %mul3A_300 : i32
    "tpu.region"() ({
      %run_scoped3A = tpu.sem_alloc : memref<!tpu.dma_semaphore, #tpu.memory_space<semaphore_mem>>
      %dma_start3A_465 = tpu.memref_slice %arg21[%mul3A_301] : memref<212992xi32, #tpu.memory_space<vmem_shared>> -> memref<832xi32, #tpu.memory_space<vmem_shared>>
      %dma_start3A_466 = tpu.memref_slice %arg21[%mul3A_301] : memref<212992xi32, #tpu.memory_space<vmem_shared>> -> memref<832xi32, #tpu.memory_space<vmem_shared>>
      tpu.enqueue_dma source(%dma_start3A_466 : memref<832xi32, #tpu.memory_space<vmem_shared>>) target(%arg15 : memref<832xi32, #tpu.memory_space<vmem>>) target_semaphore(%run_scoped3A : memref<!tpu.dma_semaphore, #tpu.memory_space<semaphore_mem>>)
      %dma_wait3A_467 = tpu.memref_slice %arg21[%mul3A_301] : memref<212992xi32, #tpu.memory_space<vmem_shared>> -> memref<832xi32, #tpu.memory_space<vmem_shared>>
      %dma_wait3A_468 = tpu.memref_slice %arg21[%mul3A_301] : memref<212992xi32, #tpu.memory_space<vmem_shared>> -> memref<832xi32, #tpu.memory_space<vmem_shared>>
      tpu.wait_dma2 semaphore(%run_scoped3A : memref<!tpu.dma_semaphore, #tpu.memory_space<semaphore_mem>>) src(%dma_wait3A_468 : memref<832xi32, #tpu.memory_space<vmem_shared>>) dst(%arg15 : memref<832xi32, #tpu.memory_space<vmem>>)
      tpu.yield
    }) : () -> ()
    %add3A_302 = arith.constant 176 : i32
    %add3A_303 = arith.addi %add3A_302, %arg1 : i32
    %get3A_304 = arith.index_cast %add3A_303 : i32 to index
    %get3A_305 = memref.load %arg23[%get3A_304] : memref<257xi32, #tpu.memory_space<smem>>
    %get3A_306 = arith.constant 256 : i32
    %get3A_307 = arith.index_cast %get3A_306 : i32 to index
    %get3A_308 = memref.load %arg23[%get3A_307] : memref<257xi32, #tpu.memory_space<smem>>
    %scan3A_309 = arith.constant 0 : i32
    %scan3A_310 = arith.constant 52 : i32
    %scan3A_311 = arith.addi %scan3A_309, %scan3A_310 : i32
    %scan3A_312 = arith.constant 1 : i32
    scf.for %scan3A_465 = %scan3A_309 to %scan3A_311 step %scan3A_312  : i32 {
      %mul3A_466 = arith.constant 1 : i32
      %mul3A_467 = arith.muli %scan3A_465, %mul3A_466 : i32
      %add3A_468 = arith.constant 0 : i32
      %add3A_469 = arith.addi %add3A_468, %mul3A_467 : i32
      %mul3A_470 = arith.constant 16 : i32
      %mul3A_471 = arith.muli %add3A_469, %mul3A_470 : i32
      %lt3A = arith.cmpi slt, %mul3A_471, %get3A_305 : i32
      %convert_element_type3A = arith.extui %lt3A : i1 to i32
      %cond3A = arith.constant 0 : i32
      %cond3A_472 = arith.cmpi ne, %convert_element_type3A, %cond3A : i32
      scf.if %cond3A_472 {
        %add3A_473 = vector.broadcast %mul3A_471 : i32 to vector<16xi32>
        %add3A_474 = arith.addi %add3A_473, %iota3A : vector<16xi32>
        %lt3A_475 = vector.broadcast %get3A_305 : i32 to vector<16xi32>
        %lt3A_476 = arith.cmpi slt, %add3A_474, %lt3A_475 : vector<16xi32>
        %add3A_477 = arith.addi %get3A_308, %mul3A_471 : i32
        %get3A_478 = arith.index_cast %mul3A_471 : i32 to index
        %get3A_479 = tpu.vector_load %arg14[%get3A_478] {strides = array<i32>} : memref<832xi32, #tpu.memory_space<vmem>>, vector<16xi32>,
        %swap3A_480 = arith.index_cast %add3A_477 : i32 to index
        %swap3A_481 = tpu.vector_load %arg9[%swap3A_480] masked %lt3A_476 {strides = array<i32>} : memref<5632xi32, #tpu.memory_space<vmem>>, vector<16xi32>, vector<16xi1>
        tpu.vector_store %arg9[%swap3A_480], %get3A_479 masked %lt3A_476 {strides = array<i32>} : memref<5632xi32, #tpu.memory_space<vmem>>, vector<16xi32>, vector<16xi1>
        %add3A_482 = arith.addi %get3A_308, %mul3A_471 : i32
        %get3A_483 = arith.index_cast %mul3A_471 : i32 to index
        %get3A_484 = tpu.vector_load %arg15[%get3A_483] {strides = array<i32>} : memref<832xi32, #tpu.memory_space<vmem>>, vector<16xi32>,
        %swap3A_485 = arith.index_cast %add3A_482 : i32 to index
        %swap3A_486 = tpu.vector_load %arg10[%swap3A_485] masked %lt3A_476 {strides = array<i32>} : memref<5632xi32, #tpu.memory_space<vmem>>, vector<16xi32>, vector<16xi1>
        tpu.vector_store %arg10[%swap3A_485], %get3A_484 masked %lt3A_476 {strides = array<i32>} : memref<5632xi32, #tpu.memory_space<vmem>>, vector<16xi32>, vector<16xi1>
      } else {
      }
    }
    %scan3A_313 = arith.constant 52 : i32
    %add3A_314 = arith.addi %get3A_308, %get3A_305 : i32
    %swap3A_315 = arith.constant 256 : i32
    %swap3A_316 = arith.index_cast %swap3A_315 : i32 to index
    %swap3A_317 = memref.load %arg23[%swap3A_316] : memref<257xi32, #tpu.memory_space<smem>>
    memref.store %add3A_314, %arg23[%swap3A_316] : memref<257xi32, #tpu.memory_space<smem>>
    %add3A_318 = arith.constant 192 : i32
    %add3A_319 = arith.addi %add3A_318, %arg1 : i32
    %mul3A_320 = arith.constant 832 : i32
    %mul3A_321 = arith.muli %add3A_319, %mul3A_320 : i32
    "tpu.region"() ({
      %run_scoped3A = tpu.sem_alloc : memref<!tpu.dma_semaphore, #tpu.memory_space<semaphore_mem>>
      %dma_start3A_465 = tpu.memref_slice %arg20[%mul3A_321] : memref<212992xi32, #tpu.memory_space<vmem_shared>> -> memref<832xi32, #tpu.memory_space<vmem_shared>>
      %dma_start3A_466 = tpu.memref_slice %arg20[%mul3A_321] : memref<212992xi32, #tpu.memory_space<vmem_shared>> -> memref<832xi32, #tpu.memory_space<vmem_shared>>
      tpu.enqueue_dma source(%dma_start3A_466 : memref<832xi32, #tpu.memory_space<vmem_shared>>) target(%arg14 : memref<832xi32, #tpu.memory_space<vmem>>) target_semaphore(%run_scoped3A : memref<!tpu.dma_semaphore, #tpu.memory_space<semaphore_mem>>)
      %dma_wait3A_467 = tpu.memref_slice %arg20[%mul3A_321] : memref<212992xi32, #tpu.memory_space<vmem_shared>> -> memref<832xi32, #tpu.memory_space<vmem_shared>>
      %dma_wait3A_468 = tpu.memref_slice %arg20[%mul3A_321] : memref<212992xi32, #tpu.memory_space<vmem_shared>> -> memref<832xi32, #tpu.memory_space<vmem_shared>>
      tpu.wait_dma2 semaphore(%run_scoped3A : memref<!tpu.dma_semaphore, #tpu.memory_space<semaphore_mem>>) src(%dma_wait3A_468 : memref<832xi32, #tpu.memory_space<vmem_shared>>) dst(%arg14 : memref<832xi32, #tpu.memory_space<vmem>>)
      tpu.yield
    }) : () -> ()
    %add3A_322 = arith.constant 192 : i32
    %add3A_323 = arith.addi %add3A_322, %arg1 : i32
    %mul3A_324 = arith.constant 832 : i32
    %mul3A_325 = arith.muli %add3A_323, %mul3A_324 : i32
    "tpu.region"() ({
      %run_scoped3A = tpu.sem_alloc : memref<!tpu.dma_semaphore, #tpu.memory_space<semaphore_mem>>
      %dma_start3A_465 = tpu.memref_slice %arg21[%mul3A_325] : memref<212992xi32, #tpu.memory_space<vmem_shared>> -> memref<832xi32, #tpu.memory_space<vmem_shared>>
      %dma_start3A_466 = tpu.memref_slice %arg21[%mul3A_325] : memref<212992xi32, #tpu.memory_space<vmem_shared>> -> memref<832xi32, #tpu.memory_space<vmem_shared>>
      tpu.enqueue_dma source(%dma_start3A_466 : memref<832xi32, #tpu.memory_space<vmem_shared>>) target(%arg15 : memref<832xi32, #tpu.memory_space<vmem>>) target_semaphore(%run_scoped3A : memref<!tpu.dma_semaphore, #tpu.memory_space<semaphore_mem>>)
      %dma_wait3A_467 = tpu.memref_slice %arg21[%mul3A_325] : memref<212992xi32, #tpu.memory_space<vmem_shared>> -> memref<832xi32, #tpu.memory_space<vmem_shared>>
      %dma_wait3A_468 = tpu.memref_slice %arg21[%mul3A_325] : memref<212992xi32, #tpu.memory_space<vmem_shared>> -> memref<832xi32, #tpu.memory_space<vmem_shared>>
      tpu.wait_dma2 semaphore(%run_scoped3A : memref<!tpu.dma_semaphore, #tpu.memory_space<semaphore_mem>>) src(%dma_wait3A_468 : memref<832xi32, #tpu.memory_space<vmem_shared>>) dst(%arg15 : memref<832xi32, #tpu.memory_space<vmem>>)
      tpu.yield
    }) : () -> ()
    %add3A_326 = arith.constant 192 : i32
    %add3A_327 = arith.addi %add3A_326, %arg1 : i32
    %get3A_328 = arith.index_cast %add3A_327 : i32 to index
    %get3A_329 = memref.load %arg23[%get3A_328] : memref<257xi32, #tpu.memory_space<smem>>
    %get3A_330 = arith.constant 256 : i32
    %get3A_331 = arith.index_cast %get3A_330 : i32 to index
    %get3A_332 = memref.load %arg23[%get3A_331] : memref<257xi32, #tpu.memory_space<smem>>
    %scan3A_333 = arith.constant 0 : i32
    %scan3A_334 = arith.constant 52 : i32
    %scan3A_335 = arith.addi %scan3A_333, %scan3A_334 : i32
    %scan3A_336 = arith.constant 1 : i32
    scf.for %scan3A_465 = %scan3A_333 to %scan3A_335 step %scan3A_336  : i32 {
      %mul3A_466 = arith.constant 1 : i32
      %mul3A_467 = arith.muli %scan3A_465, %mul3A_466 : i32
      %add3A_468 = arith.constant 0 : i32
      %add3A_469 = arith.addi %add3A_468, %mul3A_467 : i32
      %mul3A_470 = arith.constant 16 : i32
      %mul3A_471 = arith.muli %add3A_469, %mul3A_470 : i32
      %lt3A = arith.cmpi slt, %mul3A_471, %get3A_329 : i32
      %convert_element_type3A = arith.extui %lt3A : i1 to i32
      %cond3A = arith.constant 0 : i32
      %cond3A_472 = arith.cmpi ne, %convert_element_type3A, %cond3A : i32
      scf.if %cond3A_472 {
        %add3A_473 = vector.broadcast %mul3A_471 : i32 to vector<16xi32>
        %add3A_474 = arith.addi %add3A_473, %iota3A : vector<16xi32>
        %lt3A_475 = vector.broadcast %get3A_329 : i32 to vector<16xi32>
        %lt3A_476 = arith.cmpi slt, %add3A_474, %lt3A_475 : vector<16xi32>
        %add3A_477 = arith.addi %get3A_332, %mul3A_471 : i32
        %get3A_478 = arith.index_cast %mul3A_471 : i32 to index
        %get3A_479 = tpu.vector_load %arg14[%get3A_478] {strides = array<i32>} : memref<832xi32, #tpu.memory_space<vmem>>, vector<16xi32>,
        %swap3A_480 = arith.index_cast %add3A_477 : i32 to index
        %swap3A_481 = tpu.vector_load %arg9[%swap3A_480] masked %lt3A_476 {strides = array<i32>} : memref<5632xi32, #tpu.memory_space<vmem>>, vector<16xi32>, vector<16xi1>
        tpu.vector_store %arg9[%swap3A_480], %get3A_479 masked %lt3A_476 {strides = array<i32>} : memref<5632xi32, #tpu.memory_space<vmem>>, vector<16xi32>, vector<16xi1>
        %add3A_482 = arith.addi %get3A_332, %mul3A_471 : i32
        %get3A_483 = arith.index_cast %mul3A_471 : i32 to index
        %get3A_484 = tpu.vector_load %arg15[%get3A_483] {strides = array<i32>} : memref<832xi32, #tpu.memory_space<vmem>>, vector<16xi32>,
        %swap3A_485 = arith.index_cast %add3A_482 : i32 to index
        %swap3A_486 = tpu.vector_load %arg10[%swap3A_485] masked %lt3A_476 {strides = array<i32>} : memref<5632xi32, #tpu.memory_space<vmem>>, vector<16xi32>, vector<16xi1>
        tpu.vector_store %arg10[%swap3A_485], %get3A_484 masked %lt3A_476 {strides = array<i32>} : memref<5632xi32, #tpu.memory_space<vmem>>, vector<16xi32>, vector<16xi1>
      } else {
      }
    }
    %scan3A_337 = arith.constant 52 : i32
    %add3A_338 = arith.addi %get3A_332, %get3A_329 : i32
    %swap3A_339 = arith.constant 256 : i32
    %swap3A_340 = arith.index_cast %swap3A_339 : i32 to index
    %swap3A_341 = memref.load %arg23[%swap3A_340] : memref<257xi32, #tpu.memory_space<smem>>
    memref.store %add3A_338, %arg23[%swap3A_340] : memref<257xi32, #tpu.memory_space<smem>>
    %add3A_342 = arith.constant 208 : i32
    %add3A_343 = arith.addi %add3A_342, %arg1 : i32
    %mul3A_344 = arith.constant 832 : i32
    %mul3A_345 = arith.muli %add3A_343, %mul3A_344 : i32
    "tpu.region"() ({
      %run_scoped3A = tpu.sem_alloc : memref<!tpu.dma_semaphore, #tpu.memory_space<semaphore_mem>>
      %dma_start3A_465 = tpu.memref_slice %arg20[%mul3A_345] : memref<212992xi32, #tpu.memory_space<vmem_shared>> -> memref<832xi32, #tpu.memory_space<vmem_shared>>
      %dma_start3A_466 = tpu.memref_slice %arg20[%mul3A_345] : memref<212992xi32, #tpu.memory_space<vmem_shared>> -> memref<832xi32, #tpu.memory_space<vmem_shared>>
      tpu.enqueue_dma source(%dma_start3A_466 : memref<832xi32, #tpu.memory_space<vmem_shared>>) target(%arg14 : memref<832xi32, #tpu.memory_space<vmem>>) target_semaphore(%run_scoped3A : memref<!tpu.dma_semaphore, #tpu.memory_space<semaphore_mem>>)
      %dma_wait3A_467 = tpu.memref_slice %arg20[%mul3A_345] : memref<212992xi32, #tpu.memory_space<vmem_shared>> -> memref<832xi32, #tpu.memory_space<vmem_shared>>
      %dma_wait3A_468 = tpu.memref_slice %arg20[%mul3A_345] : memref<212992xi32, #tpu.memory_space<vmem_shared>> -> memref<832xi32, #tpu.memory_space<vmem_shared>>
      tpu.wait_dma2 semaphore(%run_scoped3A : memref<!tpu.dma_semaphore, #tpu.memory_space<semaphore_mem>>) src(%dma_wait3A_468 : memref<832xi32, #tpu.memory_space<vmem_shared>>) dst(%arg14 : memref<832xi32, #tpu.memory_space<vmem>>)
      tpu.yield
    }) : () -> ()
    %add3A_346 = arith.constant 208 : i32
    %add3A_347 = arith.addi %add3A_346, %arg1 : i32
    %mul3A_348 = arith.constant 832 : i32
    %mul3A_349 = arith.muli %add3A_347, %mul3A_348 : i32
    "tpu.region"() ({
      %run_scoped3A = tpu.sem_alloc : memref<!tpu.dma_semaphore, #tpu.memory_space<semaphore_mem>>
      %dma_start3A_465 = tpu.memref_slice %arg21[%mul3A_349] : memref<212992xi32, #tpu.memory_space<vmem_shared>> -> memref<832xi32, #tpu.memory_space<vmem_shared>>
      %dma_start3A_466 = tpu.memref_slice %arg21[%mul3A_349] : memref<212992xi32, #tpu.memory_space<vmem_shared>> -> memref<832xi32, #tpu.memory_space<vmem_shared>>
      tpu.enqueue_dma source(%dma_start3A_466 : memref<832xi32, #tpu.memory_space<vmem_shared>>) target(%arg15 : memref<832xi32, #tpu.memory_space<vmem>>) target_semaphore(%run_scoped3A : memref<!tpu.dma_semaphore, #tpu.memory_space<semaphore_mem>>)
      %dma_wait3A_467 = tpu.memref_slice %arg21[%mul3A_349] : memref<212992xi32, #tpu.memory_space<vmem_shared>> -> memref<832xi32, #tpu.memory_space<vmem_shared>>
      %dma_wait3A_468 = tpu.memref_slice %arg21[%mul3A_349] : memref<212992xi32, #tpu.memory_space<vmem_shared>> -> memref<832xi32, #tpu.memory_space<vmem_shared>>
      tpu.wait_dma2 semaphore(%run_scoped3A : memref<!tpu.dma_semaphore, #tpu.memory_space<semaphore_mem>>) src(%dma_wait3A_468 : memref<832xi32, #tpu.memory_space<vmem_shared>>) dst(%arg15 : memref<832xi32, #tpu.memory_space<vmem>>)
      tpu.yield
    }) : () -> ()
    %add3A_350 = arith.constant 208 : i32
    %add3A_351 = arith.addi %add3A_350, %arg1 : i32
    %get3A_352 = arith.index_cast %add3A_351 : i32 to index
    %get3A_353 = memref.load %arg23[%get3A_352] : memref<257xi32, #tpu.memory_space<smem>>
    %get3A_354 = arith.constant 256 : i32
    %get3A_355 = arith.index_cast %get3A_354 : i32 to index
    %get3A_356 = memref.load %arg23[%get3A_355] : memref<257xi32, #tpu.memory_space<smem>>
    %scan3A_357 = arith.constant 0 : i32
    %scan3A_358 = arith.constant 52 : i32
    %scan3A_359 = arith.addi %scan3A_357, %scan3A_358 : i32
    %scan3A_360 = arith.constant 1 : i32
    scf.for %scan3A_465 = %scan3A_357 to %scan3A_359 step %scan3A_360  : i32 {
      %mul3A_466 = arith.constant 1 : i32
      %mul3A_467 = arith.muli %scan3A_465, %mul3A_466 : i32
      %add3A_468 = arith.constant 0 : i32
      %add3A_469 = arith.addi %add3A_468, %mul3A_467 : i32
      %mul3A_470 = arith.constant 16 : i32
      %mul3A_471 = arith.muli %add3A_469, %mul3A_470 : i32
      %lt3A = arith.cmpi slt, %mul3A_471, %get3A_353 : i32
      %convert_element_type3A = arith.extui %lt3A : i1 to i32
      %cond3A = arith.constant 0 : i32
      %cond3A_472 = arith.cmpi ne, %convert_element_type3A, %cond3A : i32
      scf.if %cond3A_472 {
        %add3A_473 = vector.broadcast %mul3A_471 : i32 to vector<16xi32>
        %add3A_474 = arith.addi %add3A_473, %iota3A : vector<16xi32>
        %lt3A_475 = vector.broadcast %get3A_353 : i32 to vector<16xi32>
        %lt3A_476 = arith.cmpi slt, %add3A_474, %lt3A_475 : vector<16xi32>
        %add3A_477 = arith.addi %get3A_356, %mul3A_471 : i32
        %get3A_478 = arith.index_cast %mul3A_471 : i32 to index
        %get3A_479 = tpu.vector_load %arg14[%get3A_478] {strides = array<i32>} : memref<832xi32, #tpu.memory_space<vmem>>, vector<16xi32>,
        %swap3A_480 = arith.index_cast %add3A_477 : i32 to index
        %swap3A_481 = tpu.vector_load %arg9[%swap3A_480] masked %lt3A_476 {strides = array<i32>} : memref<5632xi32, #tpu.memory_space<vmem>>, vector<16xi32>, vector<16xi1>
        tpu.vector_store %arg9[%swap3A_480], %get3A_479 masked %lt3A_476 {strides = array<i32>} : memref<5632xi32, #tpu.memory_space<vmem>>, vector<16xi32>, vector<16xi1>
        %add3A_482 = arith.addi %get3A_356, %mul3A_471 : i32
        %get3A_483 = arith.index_cast %mul3A_471 : i32 to index
        %get3A_484 = tpu.vector_load %arg15[%get3A_483] {strides = array<i32>} : memref<832xi32, #tpu.memory_space<vmem>>, vector<16xi32>,
        %swap3A_485 = arith.index_cast %add3A_482 : i32 to index
        %swap3A_486 = tpu.vector_load %arg10[%swap3A_485] masked %lt3A_476 {strides = array<i32>} : memref<5632xi32, #tpu.memory_space<vmem>>, vector<16xi32>, vector<16xi1>
        tpu.vector_store %arg10[%swap3A_485], %get3A_484 masked %lt3A_476 {strides = array<i32>} : memref<5632xi32, #tpu.memory_space<vmem>>, vector<16xi32>, vector<16xi1>
      } else {
      }
    }
    %scan3A_361 = arith.constant 52 : i32
    %add3A_362 = arith.addi %get3A_356, %get3A_353 : i32
    %swap3A_363 = arith.constant 256 : i32
    %swap3A_364 = arith.index_cast %swap3A_363 : i32 to index
    %swap3A_365 = memref.load %arg23[%swap3A_364] : memref<257xi32, #tpu.memory_space<smem>>
    memref.store %add3A_362, %arg23[%swap3A_364] : memref<257xi32, #tpu.memory_space<smem>>
    %add3A_366 = arith.constant 224 : i32
    %add3A_367 = arith.addi %add3A_366, %arg1 : i32
    %mul3A_368 = arith.constant 832 : i32
    %mul3A_369 = arith.muli %add3A_367, %mul3A_368 : i32
    "tpu.region"() ({
      %run_scoped3A = tpu.sem_alloc : memref<!tpu.dma_semaphore, #tpu.memory_space<semaphore_mem>>
      %dma_start3A_465 = tpu.memref_slice %arg20[%mul3A_369] : memref<212992xi32, #tpu.memory_space<vmem_shared>> -> memref<832xi32, #tpu.memory_space<vmem_shared>>
      %dma_start3A_466 = tpu.memref_slice %arg20[%mul3A_369] : memref<212992xi32, #tpu.memory_space<vmem_shared>> -> memref<832xi32, #tpu.memory_space<vmem_shared>>
      tpu.enqueue_dma source(%dma_start3A_466 : memref<832xi32, #tpu.memory_space<vmem_shared>>) target(%arg14 : memref<832xi32, #tpu.memory_space<vmem>>) target_semaphore(%run_scoped3A : memref<!tpu.dma_semaphore, #tpu.memory_space<semaphore_mem>>)
      %dma_wait3A_467 = tpu.memref_slice %arg20[%mul3A_369] : memref<212992xi32, #tpu.memory_space<vmem_shared>> -> memref<832xi32, #tpu.memory_space<vmem_shared>>
      %dma_wait3A_468 = tpu.memref_slice %arg20[%mul3A_369] : memref<212992xi32, #tpu.memory_space<vmem_shared>> -> memref<832xi32, #tpu.memory_space<vmem_shared>>
      tpu.wait_dma2 semaphore(%run_scoped3A : memref<!tpu.dma_semaphore, #tpu.memory_space<semaphore_mem>>) src(%dma_wait3A_468 : memref<832xi32, #tpu.memory_space<vmem_shared>>) dst(%arg14 : memref<832xi32, #tpu.memory_space<vmem>>)
      tpu.yield
    }) : () -> ()
    %add3A_370 = arith.constant 224 : i32
    %add3A_371 = arith.addi %add3A_370, %arg1 : i32
    %mul3A_372 = arith.constant 832 : i32
    %mul3A_373 = arith.muli %add3A_371, %mul3A_372 : i32
    "tpu.region"() ({
      %run_scoped3A = tpu.sem_alloc : memref<!tpu.dma_semaphore, #tpu.memory_space<semaphore_mem>>
      %dma_start3A_465 = tpu.memref_slice %arg21[%mul3A_373] : memref<212992xi32, #tpu.memory_space<vmem_shared>> -> memref<832xi32, #tpu.memory_space<vmem_shared>>
      %dma_start3A_466 = tpu.memref_slice %arg21[%mul3A_373] : memref<212992xi32, #tpu.memory_space<vmem_shared>> -> memref<832xi32, #tpu.memory_space<vmem_shared>>
      tpu.enqueue_dma source(%dma_start3A_466 : memref<832xi32, #tpu.memory_space<vmem_shared>>) target(%arg15 : memref<832xi32, #tpu.memory_space<vmem>>) target_semaphore(%run_scoped3A : memref<!tpu.dma_semaphore, #tpu.memory_space<semaphore_mem>>)
      %dma_wait3A_467 = tpu.memref_slice %arg21[%mul3A_373] : memref<212992xi32, #tpu.memory_space<vmem_shared>> -> memref<832xi32, #tpu.memory_space<vmem_shared>>
      %dma_wait3A_468 = tpu.memref_slice %arg21[%mul3A_373] : memref<212992xi32, #tpu.memory_space<vmem_shared>> -> memref<832xi32, #tpu.memory_space<vmem_shared>>
      tpu.wait_dma2 semaphore(%run_scoped3A : memref<!tpu.dma_semaphore, #tpu.memory_space<semaphore_mem>>) src(%dma_wait3A_468 : memref<832xi32, #tpu.memory_space<vmem_shared>>) dst(%arg15 : memref<832xi32, #tpu.memory_space<vmem>>)
      tpu.yield
    }) : () -> ()
    %add3A_374 = arith.constant 224 : i32
    %add3A_375 = arith.addi %add3A_374, %arg1 : i32
    %get3A_376 = arith.index_cast %add3A_375 : i32 to index
    %get3A_377 = memref.load %arg23[%get3A_376] : memref<257xi32, #tpu.memory_space<smem>>
    %get3A_378 = arith.constant 256 : i32
    %get3A_379 = arith.index_cast %get3A_378 : i32 to index
    %get3A_380 = memref.load %arg23[%get3A_379] : memref<257xi32, #tpu.memory_space<smem>>
    %scan3A_381 = arith.constant 0 : i32
    %scan3A_382 = arith.constant 52 : i32
    %scan3A_383 = arith.addi %scan3A_381, %scan3A_382 : i32
    %scan3A_384 = arith.constant 1 : i32
    scf.for %scan3A_465 = %scan3A_381 to %scan3A_383 step %scan3A_384  : i32 {
      %mul3A_466 = arith.constant 1 : i32
      %mul3A_467 = arith.muli %scan3A_465, %mul3A_466 : i32
      %add3A_468 = arith.constant 0 : i32
      %add3A_469 = arith.addi %add3A_468, %mul3A_467 : i32
      %mul3A_470 = arith.constant 16 : i32
      %mul3A_471 = arith.muli %add3A_469, %mul3A_470 : i32
      %lt3A = arith.cmpi slt, %mul3A_471, %get3A_377 : i32
      %convert_element_type3A = arith.extui %lt3A : i1 to i32
      %cond3A = arith.constant 0 : i32
      %cond3A_472 = arith.cmpi ne, %convert_element_type3A, %cond3A : i32
      scf.if %cond3A_472 {
        %add3A_473 = vector.broadcast %mul3A_471 : i32 to vector<16xi32>
        %add3A_474 = arith.addi %add3A_473, %iota3A : vector<16xi32>
        %lt3A_475 = vector.broadcast %get3A_377 : i32 to vector<16xi32>
        %lt3A_476 = arith.cmpi slt, %add3A_474, %lt3A_475 : vector<16xi32>
        %add3A_477 = arith.addi %get3A_380, %mul3A_471 : i32
        %get3A_478 = arith.index_cast %mul3A_471 : i32 to index
        %get3A_479 = tpu.vector_load %arg14[%get3A_478] {strides = array<i32>} : memref<832xi32, #tpu.memory_space<vmem>>, vector<16xi32>,
        %swap3A_480 = arith.index_cast %add3A_477 : i32 to index
        %swap3A_481 = tpu.vector_load %arg9[%swap3A_480] masked %lt3A_476 {strides = array<i32>} : memref<5632xi32, #tpu.memory_space<vmem>>, vector<16xi32>, vector<16xi1>
        tpu.vector_store %arg9[%swap3A_480], %get3A_479 masked %lt3A_476 {strides = array<i32>} : memref<5632xi32, #tpu.memory_space<vmem>>, vector<16xi32>, vector<16xi1>
        %add3A_482 = arith.addi %get3A_380, %mul3A_471 : i32
        %get3A_483 = arith.index_cast %mul3A_471 : i32 to index
        %get3A_484 = tpu.vector_load %arg15[%get3A_483] {strides = array<i32>} : memref<832xi32, #tpu.memory_space<vmem>>, vector<16xi32>,
        %swap3A_485 = arith.index_cast %add3A_482 : i32 to index
        %swap3A_486 = tpu.vector_load %arg10[%swap3A_485] masked %lt3A_476 {strides = array<i32>} : memref<5632xi32, #tpu.memory_space<vmem>>, vector<16xi32>, vector<16xi1>
        tpu.vector_store %arg10[%swap3A_485], %get3A_484 masked %lt3A_476 {strides = array<i32>} : memref<5632xi32, #tpu.memory_space<vmem>>, vector<16xi32>, vector<16xi1>
      } else {
      }
    }
    %scan3A_385 = arith.constant 52 : i32
    %add3A_386 = arith.addi %get3A_380, %get3A_377 : i32
    %swap3A_387 = arith.constant 256 : i32
    %swap3A_388 = arith.index_cast %swap3A_387 : i32 to index
    %swap3A_389 = memref.load %arg23[%swap3A_388] : memref<257xi32, #tpu.memory_space<smem>>
    memref.store %add3A_386, %arg23[%swap3A_388] : memref<257xi32, #tpu.memory_space<smem>>
    %add3A_390 = arith.constant 240 : i32
    %add3A_391 = arith.addi %add3A_390, %arg1 : i32
    %mul3A_392 = arith.constant 832 : i32
    %mul3A_393 = arith.muli %add3A_391, %mul3A_392 : i32
    "tpu.region"() ({
      %run_scoped3A = tpu.sem_alloc : memref<!tpu.dma_semaphore, #tpu.memory_space<semaphore_mem>>
      %dma_start3A_465 = tpu.memref_slice %arg20[%mul3A_393] : memref<212992xi32, #tpu.memory_space<vmem_shared>> -> memref<832xi32, #tpu.memory_space<vmem_shared>>
      %dma_start3A_466 = tpu.memref_slice %arg20[%mul3A_393] : memref<212992xi32, #tpu.memory_space<vmem_shared>> -> memref<832xi32, #tpu.memory_space<vmem_shared>>
      tpu.enqueue_dma source(%dma_start3A_466 : memref<832xi32, #tpu.memory_space<vmem_shared>>) target(%arg14 : memref<832xi32, #tpu.memory_space<vmem>>) target_semaphore(%run_scoped3A : memref<!tpu.dma_semaphore, #tpu.memory_space<semaphore_mem>>)
      %dma_wait3A_467 = tpu.memref_slice %arg20[%mul3A_393] : memref<212992xi32, #tpu.memory_space<vmem_shared>> -> memref<832xi32, #tpu.memory_space<vmem_shared>>
      %dma_wait3A_468 = tpu.memref_slice %arg20[%mul3A_393] : memref<212992xi32, #tpu.memory_space<vmem_shared>> -> memref<832xi32, #tpu.memory_space<vmem_shared>>
      tpu.wait_dma2 semaphore(%run_scoped3A : memref<!tpu.dma_semaphore, #tpu.memory_space<semaphore_mem>>) src(%dma_wait3A_468 : memref<832xi32, #tpu.memory_space<vmem_shared>>) dst(%arg14 : memref<832xi32, #tpu.memory_space<vmem>>)
      tpu.yield
    }) : () -> ()
    %add3A_394 = arith.constant 240 : i32
    %add3A_395 = arith.addi %add3A_394, %arg1 : i32
    %mul3A_396 = arith.constant 832 : i32
    %mul3A_397 = arith.muli %add3A_395, %mul3A_396 : i32
    "tpu.region"() ({
      %run_scoped3A = tpu.sem_alloc : memref<!tpu.dma_semaphore, #tpu.memory_space<semaphore_mem>>
      %dma_start3A_465 = tpu.memref_slice %arg21[%mul3A_397] : memref<212992xi32, #tpu.memory_space<vmem_shared>> -> memref<832xi32, #tpu.memory_space<vmem_shared>>
      %dma_start3A_466 = tpu.memref_slice %arg21[%mul3A_397] : memref<212992xi32, #tpu.memory_space<vmem_shared>> -> memref<832xi32, #tpu.memory_space<vmem_shared>>
      tpu.enqueue_dma source(%dma_start3A_466 : memref<832xi32, #tpu.memory_space<vmem_shared>>) target(%arg15 : memref<832xi32, #tpu.memory_space<vmem>>) target_semaphore(%run_scoped3A : memref<!tpu.dma_semaphore, #tpu.memory_space<semaphore_mem>>)
      %dma_wait3A_467 = tpu.memref_slice %arg21[%mul3A_397] : memref<212992xi32, #tpu.memory_space<vmem_shared>> -> memref<832xi32, #tpu.memory_space<vmem_shared>>
      %dma_wait3A_468 = tpu.memref_slice %arg21[%mul3A_397] : memref<212992xi32, #tpu.memory_space<vmem_shared>> -> memref<832xi32, #tpu.memory_space<vmem_shared>>
      tpu.wait_dma2 semaphore(%run_scoped3A : memref<!tpu.dma_semaphore, #tpu.memory_space<semaphore_mem>>) src(%dma_wait3A_468 : memref<832xi32, #tpu.memory_space<vmem_shared>>) dst(%arg15 : memref<832xi32, #tpu.memory_space<vmem>>)
      tpu.yield
    }) : () -> ()
    %add3A_398 = arith.constant 240 : i32
    %add3A_399 = arith.addi %add3A_398, %arg1 : i32
    %get3A_400 = arith.index_cast %add3A_399 : i32 to index
    %get3A_401 = memref.load %arg23[%get3A_400] : memref<257xi32, #tpu.memory_space<smem>>
    %get3A_402 = arith.constant 256 : i32
    %get3A_403 = arith.index_cast %get3A_402 : i32 to index
    %get3A_404 = memref.load %arg23[%get3A_403] : memref<257xi32, #tpu.memory_space<smem>>
    %scan3A_405 = arith.constant 0 : i32
    %scan3A_406 = arith.constant 52 : i32
    %scan3A_407 = arith.addi %scan3A_405, %scan3A_406 : i32
    %scan3A_408 = arith.constant 1 : i32
    scf.for %scan3A_465 = %scan3A_405 to %scan3A_407 step %scan3A_408  : i32 {
      %mul3A_466 = arith.constant 1 : i32
      %mul3A_467 = arith.muli %scan3A_465, %mul3A_466 : i32
      %add3A_468 = arith.constant 0 : i32
      %add3A_469 = arith.addi %add3A_468, %mul3A_467 : i32
      %mul3A_470 = arith.constant 16 : i32
      %mul3A_471 = arith.muli %add3A_469, %mul3A_470 : i32
      %lt3A = arith.cmpi slt, %mul3A_471, %get3A_401 : i32
      %convert_element_type3A = arith.extui %lt3A : i1 to i32
      %cond3A = arith.constant 0 : i32
      %cond3A_472 = arith.cmpi ne, %convert_element_type3A, %cond3A : i32
      scf.if %cond3A_472 {
        %add3A_473 = vector.broadcast %mul3A_471 : i32 to vector<16xi32>
        %add3A_474 = arith.addi %add3A_473, %iota3A : vector<16xi32>
        %lt3A_475 = vector.broadcast %get3A_401 : i32 to vector<16xi32>
        %lt3A_476 = arith.cmpi slt, %add3A_474, %lt3A_475 : vector<16xi32>
        %add3A_477 = arith.addi %get3A_404, %mul3A_471 : i32
        %get3A_478 = arith.index_cast %mul3A_471 : i32 to index
        %get3A_479 = tpu.vector_load %arg14[%get3A_478] {strides = array<i32>} : memref<832xi32, #tpu.memory_space<vmem>>, vector<16xi32>,
        %swap3A_480 = arith.index_cast %add3A_477 : i32 to index
        %swap3A_481 = tpu.vector_load %arg9[%swap3A_480] masked %lt3A_476 {strides = array<i32>} : memref<5632xi32, #tpu.memory_space<vmem>>, vector<16xi32>, vector<16xi1>
        tpu.vector_store %arg9[%swap3A_480], %get3A_479 masked %lt3A_476 {strides = array<i32>} : memref<5632xi32, #tpu.memory_space<vmem>>, vector<16xi32>, vector<16xi1>
        %add3A_482 = arith.addi %get3A_404, %mul3A_471 : i32
        %get3A_483 = arith.index_cast %mul3A_471 : i32 to index
        %get3A_484 = tpu.vector_load %arg15[%get3A_483] {strides = array<i32>} : memref<832xi32, #tpu.memory_space<vmem>>, vector<16xi32>,
        %swap3A_485 = arith.index_cast %add3A_482 : i32 to index
        %swap3A_486 = tpu.vector_load %arg10[%swap3A_485] masked %lt3A_476 {strides = array<i32>} : memref<5632xi32, #tpu.memory_space<vmem>>, vector<16xi32>, vector<16xi1>
        tpu.vector_store %arg10[%swap3A_485], %get3A_484 masked %lt3A_476 {strides = array<i32>} : memref<5632xi32, #tpu.memory_space<vmem>>, vector<16xi32>, vector<16xi1>
      } else {
      }
    }
    %scan3A_409 = arith.constant 52 : i32
    %add3A_410 = arith.addi %get3A_404, %get3A_401 : i32
    %swap3A_411 = arith.constant 256 : i32
    %swap3A_412 = arith.index_cast %swap3A_411 : i32 to index
    %swap3A_413 = memref.load %arg23[%swap3A_412] : memref<257xi32, #tpu.memory_space<smem>>
    memref.store %add3A_410, %arg23[%swap3A_412] : memref<257xi32, #tpu.memory_space<smem>>
    %mul3A_414 = arith.constant 5632 : i32
    %mul3A_415 = arith.muli %add3A, %mul3A_414 : i32
    "tpu.region"() ({
      %run_scoped3A = tpu.sem_alloc : memref<!tpu.dma_semaphore, #tpu.memory_space<semaphore_mem>>
      %dma_start3A_465 = tpu.memref_slice %arg7[%mul3A_415] : memref<180224xi32, #tpu.memory_space<hbm>> -> memref<5632xi32, #tpu.memory_space<hbm>>
      %dma_start3A_466 = tpu.memref_slice %arg7[%mul3A_415] : memref<180224xi32, #tpu.memory_space<hbm>> -> memref<5632xi32, #tpu.memory_space<hbm>>
      tpu.enqueue_dma source(%arg10 : memref<5632xi32, #tpu.memory_space<vmem>>) target(%dma_start3A_466 : memref<5632xi32, #tpu.memory_space<hbm>>) target_semaphore(%run_scoped3A : memref<!tpu.dma_semaphore, #tpu.memory_space<semaphore_mem>>)
      %dma_wait3A_467 = tpu.memref_slice %arg7[%mul3A_415] : memref<180224xi32, #tpu.memory_space<hbm>> -> memref<5632xi32, #tpu.memory_space<hbm>>
      %dma_wait3A_468 = tpu.memref_slice %arg7[%mul3A_415] : memref<180224xi32, #tpu.memory_space<hbm>> -> memref<5632xi32, #tpu.memory_space<hbm>>
      tpu.wait_dma2 semaphore(%run_scoped3A : memref<!tpu.dma_semaphore, #tpu.memory_space<semaphore_mem>>) src(%arg10 : memref<5632xi32, #tpu.memory_space<vmem>>) dst(%dma_wait3A_468 : memref<5632xi32, #tpu.memory_space<hbm>>)
      tpu.yield
    }) : () -> ()
    %dma_start3A_416 = arith.constant 0 : i32
    %dma_start3A_417 = tpu.memref_slice %arg9[%dma_start3A_416] : memref<5632xi32, #tpu.memory_space<vmem>> -> memref<32xi32, #tpu.memory_space<vmem>>
    %dma_start3A_418 = arith.constant 0 : i32
    %dma_start3A_419 = arith.constant 0 : i32
    %dma_start3A_420 = tpu.memref_slice %arg3[%dma_start3A_418, %dma_start3A_419] : memref<160000x256xi32, #tpu.memory_space<hbm>> -> memref<160000x256xi32, #tpu.memory_space<hbm>>
    tpu.enqueue_indirect_dma source(%dma_start3A_420 : memref<160000x256xi32, #tpu.memory_space<hbm>>) target(%arg16 : memref<32x256xi32, #tpu.memory_space<vmem>>) offsets(%dma_start3A_417 : memref<32xi32, #tpu.memory_space<vmem>>) semaphore(%arg25 : memref<!tpu.dma_semaphore, #tpu.memory_space<semaphore_mem>>)
    %dma_start3A_421 = arith.constant 0 : i32
    %dma_start3A_422 = tpu.memref_slice %arg9[%dma_start3A_421] : memref<5632xi32, #tpu.memory_space<vmem>> -> memref<32xi32, #tpu.memory_space<vmem>>
    %dma_start3A_423 = arith.constant 0 : i32
    %dma_start3A_424 = arith.constant 0 : i32
    %dma_start3A_425 = tpu.memref_slice %arg4[%dma_start3A_423, %dma_start3A_424] : memref<160000x128xf32, #tpu.memory_space<hbm>> -> memref<160000x128xf32, #tpu.memory_space<hbm>>
    tpu.enqueue_indirect_dma source(%dma_start3A_425 : memref<160000x128xf32, #tpu.memory_space<hbm>>) target(%arg18 : memref<32x128xf32, #tpu.memory_space<vmem>>) offsets(%dma_start3A_422 : memref<32xi32, #tpu.memory_space<vmem>>) semaphore(%arg25 : memref<!tpu.dma_semaphore, #tpu.memory_space<semaphore_mem>>)
    %dma_start3A_426 = arith.constant 32 : i32
    %dma_start3A_427 = tpu.memref_slice %arg9[%dma_start3A_426] : memref<5632xi32, #tpu.memory_space<vmem>> -> memref<32xi32, #tpu.memory_space<vmem>>
    %dma_start3A_428 = arith.constant 0 : i32
    %dma_start3A_429 = arith.constant 0 : i32
    %dma_start3A_430 = tpu.memref_slice %arg3[%dma_start3A_428, %dma_start3A_429] : memref<160000x256xi32, #tpu.memory_space<hbm>> -> memref<160000x256xi32, #tpu.memory_space<hbm>>
    tpu.enqueue_indirect_dma source(%dma_start3A_430 : memref<160000x256xi32, #tpu.memory_space<hbm>>) target(%arg17 : memref<32x256xi32, #tpu.memory_space<vmem>>) offsets(%dma_start3A_427 : memref<32xi32, #tpu.memory_space<vmem>>) semaphore(%arg26 : memref<!tpu.dma_semaphore, #tpu.memory_space<semaphore_mem>>)
    %dma_start3A_431 = arith.constant 32 : i32
    %dma_start3A_432 = tpu.memref_slice %arg9[%dma_start3A_431] : memref<5632xi32, #tpu.memory_space<vmem>> -> memref<32xi32, #tpu.memory_space<vmem>>
    %dma_start3A_433 = arith.constant 0 : i32
    %dma_start3A_434 = arith.constant 0 : i32
    %dma_start3A_435 = tpu.memref_slice %arg4[%dma_start3A_433, %dma_start3A_434] : memref<160000x128xf32, #tpu.memory_space<hbm>> -> memref<160000x128xf32, #tpu.memory_space<hbm>>
    tpu.enqueue_indirect_dma source(%dma_start3A_435 : memref<160000x128xf32, #tpu.memory_space<hbm>>) target(%arg19 : memref<32x128xf32, #tpu.memory_space<vmem>>) offsets(%dma_start3A_432 : memref<32xi32, #tpu.memory_space<vmem>>) semaphore(%arg26 : memref<!tpu.dma_semaphore, #tpu.memory_space<semaphore_mem>>)
    %scan3A_436 = arith.constant 0 : i32
    %scan3A_437 = arith.constant 88 : i32
    %scan3A_438 = arith.addi %scan3A_436, %scan3A_437 : i32
    %scan3A_439 = arith.constant 1 : i32
    scf.for %scan3A_465 = %scan3A_436 to %scan3A_438 step %scan3A_439  : i32 {
      %mul3A_466 = arith.constant 1 : i32
      %mul3A_467 = arith.muli %scan3A_465, %mul3A_466 : i32
      %add3A_468 = arith.constant 0 : i32
      %add3A_469 = arith.addi %add3A_468, %mul3A_467 : i32
      %mul3A_470 = arith.constant 2 : i32
      %mul3A_471 = arith.muli %mul3A_470, %add3A_469 : i32
      %dma_wait3A_472 = arith.constant 0 : i32
      %dma_wait3A_473 = arith.constant 0 : i32
      %dma_wait3A_474 = tpu.memref_slice %arg3[%dma_wait3A_472, %dma_wait3A_473] : memref<160000x256xi32, #tpu.memory_space<hbm>> -> memref<32x256xi32, #tpu.memory_space<hbm>>
      %dma_wait3A_475 = arith.constant 0 : i32
      %dma_wait3A_476 = arith.constant 0 : i32
      %dma_wait3A_477 = tpu.memref_slice %arg3[%dma_wait3A_475, %dma_wait3A_476] : memref<160000x256xi32, #tpu.memory_space<hbm>> -> memref<32x256xi32, #tpu.memory_space<hbm>>
      tpu.wait_dma2 semaphore(%arg25 : memref<!tpu.dma_semaphore, #tpu.memory_space<semaphore_mem>>) src(%dma_wait3A_477 : memref<32x256xi32, #tpu.memory_space<hbm>>) dst(%arg16 : memref<32x256xi32, #tpu.memory_space<vmem>>)
      %dma_wait3A_478 = arith.constant 0 : i32
      %dma_wait3A_479 = arith.constant 0 : i32
      %dma_wait3A_480 = tpu.memref_slice %arg4[%dma_wait3A_478, %dma_wait3A_479] : memref<160000x128xf32, #tpu.memory_space<hbm>> -> memref<32x128xf32, #tpu.memory_space<hbm>>
      %dma_wait3A_481 = arith.constant 0 : i32
      %dma_wait3A_482 = arith.constant 0 : i32
      %dma_wait3A_483 = tpu.memref_slice %arg4[%dma_wait3A_481, %dma_wait3A_482] : memref<160000x128xf32, #tpu.memory_space<hbm>> -> memref<32x128xf32, #tpu.memory_space<hbm>>
      tpu.wait_dma2 semaphore(%arg25 : memref<!tpu.dma_semaphore, #tpu.memory_space<semaphore_mem>>) src(%dma_wait3A_483 : memref<32x128xf32, #tpu.memory_space<hbm>>) dst(%arg18 : memref<32x128xf32, #tpu.memory_space<vmem>>)
      %mul3A_484 = arith.constant 5632 : i32
      %mul3A_485 = arith.muli %add3A, %mul3A_484 : i32
      %mul3A_486 = arith.constant 32 : i32
      %mul3A_487 = arith.muli %mul3A_471, %mul3A_486 : i32
      %add3A_488 = arith.addi %mul3A_485, %mul3A_487 : i32
      %dma_start3A_489 = arith.constant 0 : i32
      %dma_start3A_490 = tpu.memref_slice %arg5[%add3A_488, %dma_start3A_489] : memref<180224x256xi32, #tpu.memory_space<hbm>> -> memref<32x256xi32, #tpu.memory_space<hbm>>
      %dma_start3A_491 = arith.constant 0 : i32
      %dma_start3A_492 = tpu.memref_slice %arg5[%add3A_488, %dma_start3A_491] : memref<180224x256xi32, #tpu.memory_space<hbm>> -> memref<32x256xi32, #tpu.memory_space<hbm>>
      tpu.enqueue_dma source(%arg16 : memref<32x256xi32, #tpu.memory_space<vmem>>) target(%dma_start3A_492 : memref<32x256xi32, #tpu.memory_space<hbm>>) target_semaphore(%arg27 : memref<!tpu.dma_semaphore, #tpu.memory_space<semaphore_mem>>)
      %dma_start3A_493 = arith.constant 0 : i32
      %dma_start3A_494 = tpu.memref_slice %arg6[%add3A_488, %dma_start3A_493] : memref<180224x128xf32, #tpu.memory_space<hbm>> -> memref<32x128xf32, #tpu.memory_space<hbm>>
      %dma_start3A_495 = arith.constant 0 : i32
      %dma_start3A_496 = tpu.memref_slice %arg6[%add3A_488, %dma_start3A_495] : memref<180224x128xf32, #tpu.memory_space<hbm>> -> memref<32x128xf32, #tpu.memory_space<hbm>>
      tpu.enqueue_dma source(%arg18 : memref<32x128xf32, #tpu.memory_space<vmem>>) target(%dma_start3A_496 : memref<32x128xf32, #tpu.memory_space<hbm>>) target_semaphore(%arg27 : memref<!tpu.dma_semaphore, #tpu.memory_space<semaphore_mem>>)
      %dma_wait3A_497 = arith.constant 0 : i32
      %dma_wait3A_498 = arith.constant 0 : i32
      %dma_wait3A_499 = tpu.memref_slice %arg3[%dma_wait3A_497, %dma_wait3A_498] : memref<160000x256xi32, #tpu.memory_space<hbm>> -> memref<32x256xi32, #tpu.memory_space<hbm>>
      %dma_wait3A_500 = arith.constant 0 : i32
      %dma_wait3A_501 = arith.constant 0 : i32
      %dma_wait3A_502 = tpu.memref_slice %arg3[%dma_wait3A_500, %dma_wait3A_501] : memref<160000x256xi32, #tpu.memory_space<hbm>> -> memref<32x256xi32, #tpu.memory_space<hbm>>
      tpu.wait_dma2 semaphore(%arg26 : memref<!tpu.dma_semaphore, #tpu.memory_space<semaphore_mem>>) src(%dma_wait3A_502 : memref<32x256xi32, #tpu.memory_space<hbm>>) dst(%arg17 : memref<32x256xi32, #tpu.memory_space<vmem>>)
      %dma_wait3A_503 = arith.constant 0 : i32
      %dma_wait3A_504 = arith.constant 0 : i32
      %dma_wait3A_505 = tpu.memref_slice %arg4[%dma_wait3A_503, %dma_wait3A_504] : memref<160000x128xf32, #tpu.memory_space<hbm>> -> memref<32x128xf32, #tpu.memory_space<hbm>>
      %dma_wait3A_506 = arith.constant 0 : i32
      %dma_wait3A_507 = arith.constant 0 : i32
      %dma_wait3A_508 = tpu.memref_slice %arg4[%dma_wait3A_506, %dma_wait3A_507] : memref<160000x128xf32, #tpu.memory_space<hbm>> -> memref<32x128xf32, #tpu.memory_space<hbm>>
      tpu.wait_dma2 semaphore(%arg26 : memref<!tpu.dma_semaphore, #tpu.memory_space<semaphore_mem>>) src(%dma_wait3A_508 : memref<32x128xf32, #tpu.memory_space<hbm>>) dst(%arg19 : memref<32x128xf32, #tpu.memory_space<vmem>>)
      %add3A_509 = arith.constant 1 : i32
      %add3A_510 = arith.addi %mul3A_471, %add3A_509 : i32
      %mul3A_511 = arith.constant 5632 : i32
      %mul3A_512 = arith.muli %add3A, %mul3A_511 : i32
      %mul3A_513 = arith.constant 32 : i32
      %mul3A_514 = arith.muli %add3A_510, %mul3A_513 : i32
      %add3A_515 = arith.addi %mul3A_512, %mul3A_514 : i32
      %dma_start3A_516 = arith.constant 0 : i32
      %dma_start3A_517 = tpu.memref_slice %arg5[%add3A_515, %dma_start3A_516] : memref<180224x256xi32, #tpu.memory_space<hbm>> -> memref<32x256xi32, #tpu.memory_space<hbm>>
      %dma_start3A_518 = arith.constant 0 : i32
      %dma_start3A_519 = tpu.memref_slice %arg5[%add3A_515, %dma_start3A_518] : memref<180224x256xi32, #tpu.memory_space<hbm>> -> memref<32x256xi32, #tpu.memory_space<hbm>>
      tpu.enqueue_dma source(%arg17 : memref<32x256xi32, #tpu.memory_space<vmem>>) target(%dma_start3A_519 : memref<32x256xi32, #tpu.memory_space<hbm>>) target_semaphore(%arg28 : memref<!tpu.dma_semaphore, #tpu.memory_space<semaphore_mem>>)
      %dma_start3A_520 = arith.constant 0 : i32
      %dma_start3A_521 = tpu.memref_slice %arg6[%add3A_515, %dma_start3A_520] : memref<180224x128xf32, #tpu.memory_space<hbm>> -> memref<32x128xf32, #tpu.memory_space<hbm>>
      %dma_start3A_522 = arith.constant 0 : i32
      %dma_start3A_523 = tpu.memref_slice %arg6[%add3A_515, %dma_start3A_522] : memref<180224x128xf32, #tpu.memory_space<hbm>> -> memref<32x128xf32, #tpu.memory_space<hbm>>
      tpu.enqueue_dma source(%arg19 : memref<32x128xf32, #tpu.memory_space<vmem>>) target(%dma_start3A_523 : memref<32x128xf32, #tpu.memory_space<hbm>>) target_semaphore(%arg28 : memref<!tpu.dma_semaphore, #tpu.memory_space<semaphore_mem>>)
      %add3A_524 = arith.constant 2 : i32
      %add3A_525 = arith.addi %mul3A_471, %add3A_524 : i32
      %lt3A = arith.constant 176 : i32
      %lt3A_526 = arith.cmpi slt, %add3A_525, %lt3A : i32
      %convert_element_type3A = arith.extui %lt3A_526 : i1 to i32
      %cond3A = arith.constant 0 : i32
      %cond3A_527 = arith.cmpi ne, %convert_element_type3A, %cond3A : i32
      scf.if %cond3A_527 {
        %dma_wait3A_528 = arith.constant 0 : i32
        %dma_wait3A_529 = arith.constant 0 : i32
        %dma_wait3A_530 = tpu.memref_slice %arg5[%dma_wait3A_528, %dma_wait3A_529] : memref<180224x256xi32, #tpu.memory_space<hbm>> -> memref<32x256xi32, #tpu.memory_space<hbm>>
        %dma_wait3A_531 = arith.constant 0 : i32
        %dma_wait3A_532 = arith.constant 0 : i32
        %dma_wait3A_533 = tpu.memref_slice %arg5[%dma_wait3A_531, %dma_wait3A_532] : memref<180224x256xi32, #tpu.memory_space<hbm>> -> memref<32x256xi32, #tpu.memory_space<hbm>>
        tpu.wait_dma2 semaphore(%arg27 : memref<!tpu.dma_semaphore, #tpu.memory_space<semaphore_mem>>) src(%arg16 : memref<32x256xi32, #tpu.memory_space<vmem>>) dst(%dma_wait3A_533 : memref<32x256xi32, #tpu.memory_space<hbm>>)
        %dma_wait3A_534 = arith.constant 0 : i32
        %dma_wait3A_535 = arith.constant 0 : i32
        %dma_wait3A_536 = tpu.memref_slice %arg6[%dma_wait3A_534, %dma_wait3A_535] : memref<180224x128xf32, #tpu.memory_space<hbm>> -> memref<32x128xf32, #tpu.memory_space<hbm>>
        %dma_wait3A_537 = arith.constant 0 : i32
        %dma_wait3A_538 = arith.constant 0 : i32
        %dma_wait3A_539 = tpu.memref_slice %arg6[%dma_wait3A_537, %dma_wait3A_538] : memref<180224x128xf32, #tpu.memory_space<hbm>> -> memref<32x128xf32, #tpu.memory_space<hbm>>
        tpu.wait_dma2 semaphore(%arg27 : memref<!tpu.dma_semaphore, #tpu.memory_space<semaphore_mem>>) src(%arg18 : memref<32x128xf32, #tpu.memory_space<vmem>>) dst(%dma_wait3A_539 : memref<32x128xf32, #tpu.memory_space<hbm>>)
        %add3A_540 = arith.constant 2 : i32
        %add3A_541 = arith.addi %mul3A_471, %add3A_540 : i32
        %mul3A_542 = arith.constant 32 : i32
        %mul3A_543 = arith.muli %add3A_541, %mul3A_542 : i32
        %dma_start3A_544 = tpu.memref_slice %arg9[%mul3A_543] : memref<5632xi32, #tpu.memory_space<vmem>> -> memref<32xi32, #tpu.memory_space<vmem>>
        %dma_start3A_545 = arith.constant 0 : i32
        %dma_start3A_546 = arith.constant 0 : i32
        %dma_start3A_547 = tpu.memref_slice %arg3[%dma_start3A_545, %dma_start3A_546] : memref<160000x256xi32, #tpu.memory_space<hbm>> -> memref<160000x256xi32, #tpu.memory_space<hbm>>
        tpu.enqueue_indirect_dma source(%dma_start3A_547 : memref<160000x256xi32, #tpu.memory_space<hbm>>) target(%arg16 : memref<32x256xi32, #tpu.memory_space<vmem>>) offsets(%dma_start3A_544 : memref<32xi32, #tpu.memory_space<vmem>>) semaphore(%arg25 : memref<!tpu.dma_semaphore, #tpu.memory_space<semaphore_mem>>)
        %dma_start3A_548 = tpu.memref_slice %arg9[%mul3A_543] : memref<5632xi32, #tpu.memory_space<vmem>> -> memref<32xi32, #tpu.memory_space<vmem>>
        %dma_start3A_549 = arith.constant 0 : i32
        %dma_start3A_550 = arith.constant 0 : i32
        %dma_start3A_551 = tpu.memref_slice %arg4[%dma_start3A_549, %dma_start3A_550] : memref<160000x128xf32, #tpu.memory_space<hbm>> -> memref<160000x128xf32, #tpu.memory_space<hbm>>
        tpu.enqueue_indirect_dma source(%dma_start3A_551 : memref<160000x128xf32, #tpu.memory_space<hbm>>) target(%arg18 : memref<32x128xf32, #tpu.memory_space<vmem>>) offsets(%dma_start3A_548 : memref<32xi32, #tpu.memory_space<vmem>>) semaphore(%arg25 : memref<!tpu.dma_semaphore, #tpu.memory_space<semaphore_mem>>)
        %dma_wait3A_552 = arith.constant 0 : i32
        %dma_wait3A_553 = arith.constant 0 : i32
        %dma_wait3A_554 = tpu.memref_slice %arg5[%dma_wait3A_552, %dma_wait3A_553] : memref<180224x256xi32, #tpu.memory_space<hbm>> -> memref<32x256xi32, #tpu.memory_space<hbm>>
        %dma_wait3A_555 = arith.constant 0 : i32
        %dma_wait3A_556 = arith.constant 0 : i32
        %dma_wait3A_557 = tpu.memref_slice %arg5[%dma_wait3A_555, %dma_wait3A_556] : memref<180224x256xi32, #tpu.memory_space<hbm>> -> memref<32x256xi32, #tpu.memory_space<hbm>>
        tpu.wait_dma2 semaphore(%arg28 : memref<!tpu.dma_semaphore, #tpu.memory_space<semaphore_mem>>) src(%arg17 : memref<32x256xi32, #tpu.memory_space<vmem>>) dst(%dma_wait3A_557 : memref<32x256xi32, #tpu.memory_space<hbm>>)
        %dma_wait3A_558 = arith.constant 0 : i32
        %dma_wait3A_559 = arith.constant 0 : i32
        %dma_wait3A_560 = tpu.memref_slice %arg6[%dma_wait3A_558, %dma_wait3A_559] : memref<180224x128xf32, #tpu.memory_space<hbm>> -> memref<32x128xf32, #tpu.memory_space<hbm>>
        %dma_wait3A_561 = arith.constant 0 : i32
        %dma_wait3A_562 = arith.constant 0 : i32
        %dma_wait3A_563 = tpu.memref_slice %arg6[%dma_wait3A_561, %dma_wait3A_562] : memref<180224x128xf32, #tpu.memory_space<hbm>> -> memref<32x128xf32, #tpu.memory_space<hbm>>
        tpu.wait_dma2 semaphore(%arg28 : memref<!tpu.dma_semaphore, #tpu.memory_space<semaphore_mem>>) src(%arg19 : memref<32x128xf32, #tpu.memory_space<vmem>>) dst(%dma_wait3A_563 : memref<32x128xf32, #tpu.memory_space<hbm>>)
        %add3A_564 = arith.constant 3 : i32
        %add3A_565 = arith.addi %mul3A_471, %add3A_564 : i32
        %mul3A_566 = arith.constant 32 : i32
        %mul3A_567 = arith.muli %add3A_565, %mul3A_566 : i32
        %dma_start3A_568 = tpu.memref_slice %arg9[%mul3A_567] : memref<5632xi32, #tpu.memory_space<vmem>> -> memref<32xi32, #tpu.memory_space<vmem>>
        %dma_start3A_569 = arith.constant 0 : i32
        %dma_start3A_570 = arith.constant 0 : i32
        %dma_start3A_571 = tpu.memref_slice %arg3[%dma_start3A_569, %dma_start3A_570] : memref<160000x256xi32, #tpu.memory_space<hbm>> -> memref<160000x256xi32, #tpu.memory_space<hbm>>
        tpu.enqueue_indirect_dma source(%dma_start3A_571 : memref<160000x256xi32, #tpu.memory_space<hbm>>) target(%arg17 : memref<32x256xi32, #tpu.memory_space<vmem>>) offsets(%dma_start3A_568 : memref<32xi32, #tpu.memory_space<vmem>>) semaphore(%arg26 : memref<!tpu.dma_semaphore, #tpu.memory_space<semaphore_mem>>)
        %dma_start3A_572 = tpu.memref_slice %arg9[%mul3A_567] : memref<5632xi32, #tpu.memory_space<vmem>> -> memref<32xi32, #tpu.memory_space<vmem>>
        %dma_start3A_573 = arith.constant 0 : i32
        %dma_start3A_574 = arith.constant 0 : i32
        %dma_start3A_575 = tpu.memref_slice %arg4[%dma_start3A_573, %dma_start3A_574] : memref<160000x128xf32, #tpu.memory_space<hbm>> -> memref<160000x128xf32, #tpu.memory_space<hbm>>
        tpu.enqueue_indirect_dma source(%dma_start3A_575 : memref<160000x128xf32, #tpu.memory_space<hbm>>) target(%arg19 : memref<32x128xf32, #tpu.memory_space<vmem>>) offsets(%dma_start3A_572 : memref<32xi32, #tpu.memory_space<vmem>>) semaphore(%arg26 : memref<!tpu.dma_semaphore, #tpu.memory_space<semaphore_mem>>)
      } else {
      }
    }
    %scan3A_440 = arith.constant 88 : i32
    %dma_wait3A_441 = arith.constant 0 : i32
    %dma_wait3A_442 = arith.constant 0 : i32
    %dma_wait3A_443 = tpu.memref_slice %arg5[%dma_wait3A_441, %dma_wait3A_442] : memref<180224x256xi32, #tpu.memory_space<hbm>> -> memref<32x256xi32, #tpu.memory_space<hbm>>
    %dma_wait3A_444 = arith.constant 0 : i32
    %dma_wait3A_445 = arith.constant 0 : i32
    %dma_wait3A_446 = tpu.memref_slice %arg5[%dma_wait3A_444, %dma_wait3A_445] : memref<180224x256xi32, #tpu.memory_space<hbm>> -> memref<32x256xi32, #tpu.memory_space<hbm>>
    tpu.wait_dma2 semaphore(%arg27 : memref<!tpu.dma_semaphore, #tpu.memory_space<semaphore_mem>>) src(%arg16 : memref<32x256xi32, #tpu.memory_space<vmem>>) dst(%dma_wait3A_446 : memref<32x256xi32, #tpu.memory_space<hbm>>)
    %dma_wait3A_447 = arith.constant 0 : i32
    %dma_wait3A_448 = arith.constant 0 : i32
    %dma_wait3A_449 = tpu.memref_slice %arg6[%dma_wait3A_447, %dma_wait3A_448] : memref<180224x128xf32, #tpu.memory_space<hbm>> -> memref<32x128xf32, #tpu.memory_space<hbm>>
    %dma_wait3A_450 = arith.constant 0 : i32
    %dma_wait3A_451 = arith.constant 0 : i32
    %dma_wait3A_452 = tpu.memref_slice %arg6[%dma_wait3A_450, %dma_wait3A_451] : memref<180224x128xf32, #tpu.memory_space<hbm>> -> memref<32x128xf32, #tpu.memory_space<hbm>>
    tpu.wait_dma2 semaphore(%arg27 : memref<!tpu.dma_semaphore, #tpu.memory_space<semaphore_mem>>) src(%arg18 : memref<32x128xf32, #tpu.memory_space<vmem>>) dst(%dma_wait3A_452 : memref<32x128xf32, #tpu.memory_space<hbm>>)
    %dma_wait3A_453 = arith.constant 0 : i32
    %dma_wait3A_454 = arith.constant 0 : i32
    %dma_wait3A_455 = tpu.memref_slice %arg5[%dma_wait3A_453, %dma_wait3A_454] : memref<180224x256xi32, #tpu.memory_space<hbm>> -> memref<32x256xi32, #tpu.memory_space<hbm>>
    %dma_wait3A_456 = arith.constant 0 : i32
    %dma_wait3A_457 = arith.constant 0 : i32
    %dma_wait3A_458 = tpu.memref_slice %arg5[%dma_wait3A_456, %dma_wait3A_457] : memref<180224x256xi32, #tpu.memory_space<hbm>> -> memref<32x256xi32, #tpu.memory_space<hbm>>
    tpu.wait_dma2 semaphore(%arg28 : memref<!tpu.dma_semaphore, #tpu.memory_space<semaphore_mem>>) src(%arg17 : memref<32x256xi32, #tpu.memory_space<vmem>>) dst(%dma_wait3A_458 : memref<32x256xi32, #tpu.memory_space<hbm>>)
    %dma_wait3A_459 = arith.constant 0 : i32
    %dma_wait3A_460 = arith.constant 0 : i32
    %dma_wait3A_461 = tpu.memref_slice %arg6[%dma_wait3A_459, %dma_wait3A_460] : memref<180224x128xf32, #tpu.memory_space<hbm>> -> memref<32x128xf32, #tpu.memory_space<hbm>>
    %dma_wait3A_462 = arith.constant 0 : i32
    %dma_wait3A_463 = arith.constant 0 : i32
    %dma_wait3A_464 = tpu.memref_slice %arg6[%dma_wait3A_462, %dma_wait3A_463] : memref<180224x128xf32, #tpu.memory_space<hbm>> -> memref<32x128xf32, #tpu.memory_space<hbm>>
    tpu.wait_dma2 semaphore(%arg28 : memref<!tpu.dma_semaphore, #tpu.memory_space<semaphore_mem>>) src(%arg19 : memref<32x128xf32, #tpu.memory_space<vmem>>) dst(%dma_wait3A_464 : memref<32x128xf32, #tpu.memory_space<hbm>>)
    return
  }
}

module attributes {stable_mosaic.version = 14 : i64} {
  func.func @_edge_kernel(%arg0: i32, %arg1: memref<1000x128xi32, #tpu.memory_space<vmem>>, %arg2: memref<1000x128xi32, #tpu.memory_space<vmem>>, %arg3: memref<1000x8xf32, #tpu.memory_space<vmem>>, %arg4: memref<1000x16xf32, #tpu.memory_space<vmem>>, %arg5: memref<512x512xbf16, #tpu.memory_space<vmem>>, %arg6: memref<24x512xbf16, #tpu.memory_space<vmem>>, %arg7: memref<512x512xbf16, #tpu.memory_space<vmem>>, %arg8: memref<512x512xbf16, #tpu.memory_space<vmem>>, %arg9: memref<512x128xbf16, #tpu.memory_space<vmem>>, %arg10: memref<8x512xf32, #tpu.memory_space<vmem>>, %arg11: memref<1000x256xi32, #tpu.memory_space<vmem>>, %arg12: memref<1000x128xf32, #tpu.memory_space<vmem>>) attributes {dimension_semantics = [#tpu.dimension_semantics<arbitrary>], iteration_bounds = array<i64: 160>, scalar_prefetch = 0 : i64, scratch_operands = 0 : i64, tpu.core_type = #tpu.core_type<tc>, window_params = [{transform_indices = @transform_0, window_bounds = array<i64: 1000, 128>}, {transform_indices = @transform_1, window_bounds = array<i64: 1000, 128>}, {transform_indices = @transform_2, window_bounds = array<i64: 1000, 8>}, {transform_indices = @transform_3, window_bounds = array<i64: 1000, 16>}, {pipeline_mode = #tpu.pipeline_mode<synchronous>, transform_indices = @transform_4, window_bounds = array<i64: 512, 512>}, {pipeline_mode = #tpu.pipeline_mode<synchronous>, transform_indices = @transform_5, window_bounds = array<i64: 24, 512>}, {pipeline_mode = #tpu.pipeline_mode<synchronous>, transform_indices = @transform_6, window_bounds = array<i64: 512, 512>}, {pipeline_mode = #tpu.pipeline_mode<synchronous>, transform_indices = @transform_7, window_bounds = array<i64: 512, 512>}, {pipeline_mode = #tpu.pipeline_mode<synchronous>, transform_indices = @transform_8, window_bounds = array<i64: 512, 128>}, {pipeline_mode = #tpu.pipeline_mode<synchronous>, transform_indices = @transform_9, window_bounds = array<i64: 8, 512>}, {transform_indices = @transform_10, window_bounds = array<i64: 1000, 256>}, {transform_indices = @transform_11, window_bounds = array<i64: 1000, 128>}]} {
    %get3A = arith.constant 0 : index
    %get3A_0 = arith.constant 0 : index
    %get3A_1 = vector.load %arg1[%get3A, %get3A_0] : memref<1000x128xi32, #tpu.memory_space<vmem>>, vector<1000x128xi32>
    %shift_left3A = arith.constant 16 : i32
    %shift_left3A_2 = vector.broadcast %shift_left3A : i32 to vector<1000x128xi32>
    %shift_left3A_3 = arith.shli %get3A_1, %shift_left3A_2 : vector<1000x128xi32>
    %bitcast_convert_type3A = tpu.bitcast %shift_left3A_3 : vector<1000x128xi32> -> vector<1000x128xf32>
    %and3A = arith.constant -65536 : i32
    %and3A_4 = vector.broadcast %and3A : i32 to vector<1000x128xi32>
    %and3A_5 = arith.andi %get3A_1, %and3A_4 : vector<1000x128xi32>
    %bitcast_convert_type3A_6 = tpu.bitcast %and3A_5 : vector<1000x128xi32> -> vector<1000x128xf32>
    %get3A_7 = arith.constant 0 : index
    %get3A_8 = arith.constant 0 : index
    %get3A_9 = vector.load %arg2[%get3A_7, %get3A_8] : memref<1000x128xi32, #tpu.memory_space<vmem>>, vector<1000x128xi32>
    %shift_left3A_10 = arith.constant 16 : i32
    %shift_left3A_11 = vector.broadcast %shift_left3A_10 : i32 to vector<1000x128xi32>
    %shift_left3A_12 = arith.shli %get3A_9, %shift_left3A_11 : vector<1000x128xi32>
    %bitcast_convert_type3A_13 = tpu.bitcast %shift_left3A_12 : vector<1000x128xi32> -> vector<1000x128xf32>
    %and3A_14 = arith.constant -65536 : i32
    %and3A_15 = vector.broadcast %and3A_14 : i32 to vector<1000x128xi32>
    %and3A_16 = arith.andi %get3A_9, %and3A_15 : vector<1000x128xi32>
    %bitcast_convert_type3A_17 = tpu.bitcast %and3A_16 : vector<1000x128xi32> -> vector<1000x128xf32>
    %concatenate3A = tpu.concatenate %bitcast_convert_type3A, %bitcast_convert_type3A_6, %bitcast_convert_type3A_13, %bitcast_convert_type3A_17 in 1 : vector<1000x128xf32>, vector<1000x128xf32>, vector<1000x128xf32>, vector<1000x128xf32> -> vector<1000x512xf32>
    %convert_element_type3A = arith.truncf %concatenate3A : vector<1000x512xf32> to vector<1000x512xbf16>
    %get3A_18 = arith.constant 0 : index
    %get3A_19 = arith.constant 0 : index
    %get3A_20 = vector.load %arg3[%get3A_18, %get3A_19] : memref<1000x8xf32, #tpu.memory_space<vmem>>, vector<1000x8xf32>
    %slice3A = vector.extract_strided_slice %get3A_20 {offsets = [0, 4], sizes = [1000, 1], strides = [1, 1]} : vector<1000x8xf32> to vector<1000x1xf32>
    %get3A_21 = arith.constant 0 : index
    %get3A_22 = arith.constant 0 : index
    %get3A_23 = vector.load %arg4[%get3A_21, %get3A_22] : memref<1000x16xf32, #tpu.memory_space<vmem>>, vector<1000x16xf32>
    %broadcast_in_dim3A = vector.shape_cast %slice3A : vector<1000x1xf32> to vector<1000x1xf32>
    %broadcast_in_dim3A_24 = vector.broadcast %broadcast_in_dim3A : vector<1000x1xf32> to vector<1000x8xf32>
    %concatenate3A_25 = tpu.concatenate %get3A_23, %broadcast_in_dim3A_24 in 1 : vector<1000x16xf32>, vector<1000x8xf32> -> vector<1000x24xf32>
    %convert_element_type3A_26 = arith.truncf %concatenate3A_25 : vector<1000x24xf32> to vector<1000x24xbf16>
    %get3A_27 = arith.constant 0 : index
    %get3A_28 = arith.constant 0 : index
    %get3A_29 = vector.load %arg5[%get3A_27, %get3A_28] : memref<512x512xbf16, #tpu.memory_space<vmem>>, vector<512x512xbf16>
    %dot_general3A = arith.constant dense<0.000000e+00> : vector<1000x512xf32>
    %dot_general3A_30 = tpu.matmul %convert_element_type3A, %get3A_29, %dot_general3A {dimension_numbers = #tpu.dot_dimension_numbers<[1], [0], [0], [1], [0, 0, 1, 1], [], []>, transpose_lhs_hint = false} : vector<1000x512xbf16>, vector<512x512xbf16>, vector<1000x512xf32> -> vector<1000x512xf32>
    %get3A_31 = arith.constant 0 : index
    %get3A_32 = arith.constant 0 : index
    %get3A_33 = vector.load %arg6[%get3A_31, %get3A_32] : memref<24x512xbf16, #tpu.memory_space<vmem>>, vector<24x512xbf16>
    %dot_general3A_34 = arith.constant dense<0.000000e+00> : vector<1000x512xf32>
    %dot_general3A_35 = tpu.matmul %convert_element_type3A_26, %get3A_33, %dot_general3A_34 {dimension_numbers = #tpu.dot_dimension_numbers<[1], [0], [0], [1], [0, 0, 1, 1], [], []>, transpose_lhs_hint = false} : vector<1000x24xbf16>, vector<24x512xbf16>, vector<1000x512xf32> -> vector<1000x512xf32>
    %add3A = arith.addf %dot_general3A_30, %dot_general3A_35 : vector<1000x512xf32>
    %get3A_36 = arith.constant 0 : index
    %get3A_37 = arith.constant 0 : index
    %get3A_38 = vector.load %arg10[%get3A_36, %get3A_37] : memref<8x512xf32, #tpu.memory_space<vmem>>, vector<1x512xf32>
    %add3A_39 = vector.broadcast %get3A_38 : vector<1x512xf32> to vector<1000x512xf32>
    %add3A_40 = arith.addf %add3A, %add3A_39 : vector<1000x512xf32>
    %convert_element_type3A_41 = arith.truncf %add3A_40 : vector<1000x512xf32> to vector<1000x512xbf16>
    %logistic3A = arith.negf %convert_element_type3A_41 : vector<1000x512xbf16>
    %logistic3A_42 = math.exp %logistic3A : vector<1000x512xbf16>
    %logistic3A_43 = arith.constant 1.000000e+00 : bf16
    %logistic3A_44 = vector.broadcast %logistic3A_43 : bf16 to vector<1000x512xbf16>
    %logistic3A_45 = arith.addf %logistic3A_44, %logistic3A_42 : vector<1000x512xbf16>
    %logistic3A_46 = arith.divf %logistic3A_44, %logistic3A_45 : vector<1000x512xbf16>
    %mul3A = arith.mulf %convert_element_type3A_41, %logistic3A_46 : vector<1000x512xbf16>
    %get3A_47 = arith.constant 0 : index
    %get3A_48 = arith.constant 0 : index
    %get3A_49 = vector.load %arg7[%get3A_47, %get3A_48] : memref<512x512xbf16, #tpu.memory_space<vmem>>, vector<512x512xbf16>
    %dot_general3A_50 = arith.constant dense<0.000000e+00> : vector<1000x512xf32>
    %dot_general3A_51 = tpu.matmul %mul3A, %get3A_49, %dot_general3A_50 {dimension_numbers = #tpu.dot_dimension_numbers<[1], [0], [0], [1], [0, 0, 1, 1], [], []>, transpose_lhs_hint = false} : vector<1000x512xbf16>, vector<512x512xbf16>, vector<1000x512xf32> -> vector<1000x512xf32>
    %get3A_52 = arith.constant 1 : index
    %get3A_53 = arith.constant 0 : index
    %get3A_54 = vector.load %arg10[%get3A_52, %get3A_53] : memref<8x512xf32, #tpu.memory_space<vmem>>, vector<1x512xf32>
    %add3A_55 = vector.broadcast %get3A_54 : vector<1x512xf32> to vector<1000x512xf32>
    %add3A_56 = arith.addf %dot_general3A_51, %add3A_55 : vector<1000x512xf32>
    %convert_element_type3A_57 = arith.truncf %add3A_56 : vector<1000x512xf32> to vector<1000x512xbf16>
    %logistic3A_58 = arith.negf %convert_element_type3A_57 : vector<1000x512xbf16>
    %logistic3A_59 = math.exp %logistic3A_58 : vector<1000x512xbf16>
    %logistic3A_60 = arith.constant 1.000000e+00 : bf16
    %logistic3A_61 = vector.broadcast %logistic3A_60 : bf16 to vector<1000x512xbf16>
    %logistic3A_62 = arith.addf %logistic3A_61, %logistic3A_59 : vector<1000x512xbf16>
    %logistic3A_63 = arith.divf %logistic3A_61, %logistic3A_62 : vector<1000x512xbf16>
    %mul3A_64 = arith.mulf %convert_element_type3A_57, %logistic3A_63 : vector<1000x512xbf16>
    %slice3A_65 = vector.extract_strided_slice %mul3A_64 {offsets = [0, 0], sizes = [1000, 256], strides = [1, 1]} : vector<1000x512xbf16> to vector<1000x256xbf16>
    %bitcast_convert_type3A_66 = tpu.bitcast %slice3A_65 : vector<1000x256xbf16> -> vector<1000x256xi16>
    %convert_element_type3A_67 = arith.extui %bitcast_convert_type3A_66 : vector<1000x256xi16> to vector<1000x256xi32>
    %slice3A_68 = vector.extract_strided_slice %mul3A_64 {offsets = [0, 256], sizes = [1000, 256], strides = [1, 1]} : vector<1000x512xbf16> to vector<1000x256xbf16>
    %bitcast_convert_type3A_69 = tpu.bitcast %slice3A_68 : vector<1000x256xbf16> -> vector<1000x256xi16>
    %convert_element_type3A_70 = arith.extui %bitcast_convert_type3A_69 : vector<1000x256xi16> to vector<1000x256xi32>
    %shift_left3A_71 = arith.constant 16 : i32
    %shift_left3A_72 = vector.broadcast %shift_left3A_71 : i32 to vector<1000x256xi32>
    %shift_left3A_73 = arith.shli %convert_element_type3A_70, %shift_left3A_72 : vector<1000x256xi32>
    %or3A = arith.ori %convert_element_type3A_67, %shift_left3A_73 : vector<1000x256xi32>
    %bitcast_convert_type3A_74 = tpu.bitcast %or3A : vector<1000x256xi32> -> vector<1000x256xi32>
    %swap3A = arith.constant 0 : index
    %swap3A_75 = arith.constant 0 : index
    %swap3A_76 = vector.load %arg11[%swap3A, %swap3A_75] : memref<1000x256xi32, #tpu.memory_space<vmem>>, vector<1000x256xi32>
    tpu.vector_store %arg11[%swap3A, %swap3A_75], %bitcast_convert_type3A_74 {strides = array<i32>} : memref<1000x256xi32, #tpu.memory_space<vmem>>, vector<1000x256xi32>,
    %get3A_77 = arith.constant 0 : index
    %get3A_78 = arith.constant 0 : index
    %get3A_79 = vector.load %arg8[%get3A_77, %get3A_78] : memref<512x512xbf16, #tpu.memory_space<vmem>>, vector<512x512xbf16>
    %dot_general3A_80 = arith.constant dense<0.000000e+00> : vector<1000x512xf32>
    %dot_general3A_81 = tpu.matmul %mul3A_64, %get3A_79, %dot_general3A_80 {dimension_numbers = #tpu.dot_dimension_numbers<[1], [0], [0], [1], [0, 0, 1, 1], [], []>, transpose_lhs_hint = false} : vector<1000x512xbf16>, vector<512x512xbf16>, vector<1000x512xf32> -> vector<1000x512xf32>
    %get3A_82 = arith.constant 2 : index
    %get3A_83 = arith.constant 0 : index
    %get3A_84 = vector.load %arg10[%get3A_82, %get3A_83] : memref<8x512xf32, #tpu.memory_space<vmem>>, vector<1x512xf32>
    %add3A_85 = vector.broadcast %get3A_84 : vector<1x512xf32> to vector<1000x512xf32>
    %add3A_86 = arith.addf %dot_general3A_81, %add3A_85 : vector<1000x512xf32>
    %convert_element_type3A_87 = arith.truncf %add3A_86 : vector<1000x512xf32> to vector<1000x512xbf16>
    %logistic3A_88 = arith.negf %convert_element_type3A_87 : vector<1000x512xbf16>
    %logistic3A_89 = math.exp %logistic3A_88 : vector<1000x512xbf16>
    %logistic3A_90 = arith.constant 1.000000e+00 : bf16
    %logistic3A_91 = vector.broadcast %logistic3A_90 : bf16 to vector<1000x512xbf16>
    %logistic3A_92 = arith.addf %logistic3A_91, %logistic3A_89 : vector<1000x512xbf16>
    %logistic3A_93 = arith.divf %logistic3A_91, %logistic3A_92 : vector<1000x512xbf16>
    %mul3A_94 = arith.mulf %convert_element_type3A_87, %logistic3A_93 : vector<1000x512xbf16>
    %get3A_95 = arith.constant 0 : index
    %get3A_96 = arith.constant 0 : index
    %get3A_97 = vector.load %arg9[%get3A_95, %get3A_96] : memref<512x128xbf16, #tpu.memory_space<vmem>>, vector<512x128xbf16>
    %dot_general3A_98 = arith.constant dense<0.000000e+00> : vector<1000x128xf32>
    %dot_general3A_99 = tpu.matmul %mul3A_94, %get3A_97, %dot_general3A_98 {dimension_numbers = #tpu.dot_dimension_numbers<[1], [0], [0], [1], [0, 0, 1, 1], [], []>, transpose_lhs_hint = false} : vector<1000x512xbf16>, vector<512x128xbf16>, vector<1000x128xf32> -> vector<1000x128xf32>
    %slice3A_100 = vector.extract_strided_slice %dot_general3A_99 {offsets = [0, 0], sizes = [1000, 1], strides = [1, 1]} : vector<1000x128xf32> to vector<1000x1xf32>
    %mul3A_101 = vector.broadcast %slice3A_100 : vector<1000x1xf32> to vector<1000x8xf32>
    %mul3A_102 = arith.mulf %get3A_20, %mul3A_101 : vector<1000x8xf32>
    %broadcast_in_dim3A_103 = arith.constant 0.000000e+00 : f32
    %broadcast_in_dim3A_104 = vector.broadcast %broadcast_in_dim3A_103 : f32 to vector<1000x120xf32>
    %concatenate3A_105 = tpu.concatenate %mul3A_102, %broadcast_in_dim3A_104 in 1 : vector<1000x8xf32>, vector<1000x120xf32> -> vector<1000x128xf32>
    %get3A_106 = arith.constant 3 : index
    %get3A_107 = arith.constant 0 : index
    %get3A_108 = vector.load %arg10[%get3A_106, %get3A_107] : memref<8x512xf32, #tpu.memory_space<vmem>>, vector<1x128xf32>
    %add3A_109 = vector.broadcast %get3A_108 : vector<1x128xf32> to vector<1000x128xf32>
    %add3A_110 = arith.addf %concatenate3A_105, %add3A_109 : vector<1000x128xf32>
    %swap3A_111 = arith.constant 0 : index
    %swap3A_112 = arith.constant 0 : index
    %swap3A_113 = vector.load %arg12[%swap3A_111, %swap3A_112] : memref<1000x128xf32, #tpu.memory_space<vmem>>, vector<1000x128xf32>
    tpu.vector_store %arg12[%swap3A_111, %swap3A_112], %add3A_110 {strides = array<i32>} : memref<1000x128xf32, #tpu.memory_space<vmem>>, vector<1000x128xf32>,
    return
  }
  func.func @transform_0(%arg0: i32) -> (i32, i32) {
    %c0_i32 = arith.constant 0 : i32
    %c0_i32_0 = arith.constant 0 : i32
    return %arg0, %c0_i32 : i32, i32
  }
  func.func @transform_1(%arg0: i32) -> (i32, i32) {
    %c0_i32 = arith.constant 0 : i32
    %c0_i32_0 = arith.constant 0 : i32
    return %arg0, %c0_i32 : i32, i32
  }
  func.func @transform_2(%arg0: i32) -> (i32, i32) {
    %c0_i32 = arith.constant 0 : i32
    %c0_i32_0 = arith.constant 0 : i32
    return %arg0, %c0_i32 : i32, i32
  }
  func.func @transform_3(%arg0: i32) -> (i32, i32) {
    %c0_i32 = arith.constant 0 : i32
    %c0_i32_0 = arith.constant 0 : i32
    return %arg0, %c0_i32 : i32, i32
  }
  func.func @transform_4(%arg0: i32) -> (i32, i32) {
    %c0_i32 = arith.constant 0 : i32
    %c0_i32_0 = arith.constant 0 : i32
    %c0_i32_1 = arith.constant 0 : i32
    return %c0_i32, %c0_i32_0 : i32, i32
  }
  func.func @transform_5(%arg0: i32) -> (i32, i32) {
    %c0_i32 = arith.constant 0 : i32
    %c0_i32_0 = arith.constant 0 : i32
    %c0_i32_1 = arith.constant 0 : i32
    return %c0_i32, %c0_i32_0 : i32, i32
  }
  func.func @transform_6(%arg0: i32) -> (i32, i32) {
    %c0_i32 = arith.constant 0 : i32
    %c0_i32_0 = arith.constant 0 : i32
    %c0_i32_1 = arith.constant 0 : i32
    return %c0_i32, %c0_i32_0 : i32, i32
  }
  func.func @transform_7(%arg0: i32) -> (i32, i32) {
    %c0_i32 = arith.constant 0 : i32
    %c0_i32_0 = arith.constant 0 : i32
    %c0_i32_1 = arith.constant 0 : i32
    return %c0_i32, %c0_i32_0 : i32, i32
  }
  func.func @transform_8(%arg0: i32) -> (i32, i32) {
    %c0_i32 = arith.constant 0 : i32
    %c0_i32_0 = arith.constant 0 : i32
    %c0_i32_1 = arith.constant 0 : i32
    return %c0_i32, %c0_i32_0 : i32, i32
  }
  func.func @transform_9(%arg0: i32) -> (i32, i32) {
    %c0_i32 = arith.constant 0 : i32
    %c0_i32_0 = arith.constant 0 : i32
    %c0_i32_1 = arith.constant 0 : i32
    return %c0_i32, %c0_i32_0 : i32, i32
  }
  func.func @transform_10(%arg0: i32) -> (i32, i32) {
    %c0_i32 = arith.constant 0 : i32
    %c0_i32_0 = arith.constant 0 : i32
    return %arg0, %c0_i32 : i32, i32
  }
  func.func @transform_11(%arg0: i32) -> (i32, i32) {
    %c0_i32 = arith.constant 0 : i32
    %c0_i32_0 = arith.constant 0 : i32
    return %arg0, %c0_i32 : i32, i32
  }
}

module attributes {stable_mosaic.version = 14 : i64} {
  func.func @_agg_kernel(%arg0: i32, %arg1: i32, %arg2: memref<1x1x512xi32, #tpu.memory_space<vmem>>, %arg3: memref<512x256xi32, #tpu.memory_space<vmem>>, %arg4: memref<512x128xf32, #tpu.memory_space<vmem>>, %arg5: memref<384x512xf32, #tpu.memory_space<vmem>>, %arg6: memref<384x128xf32, #tpu.memory_space<vmem>>) attributes {dimension_semantics = [#tpu.dimension_semantics<arbitrary>, #tpu.dimension_semantics<arbitrary>], iteration_bounds = array<i64: 32, 11>, scalar_prefetch = 0 : i64, scratch_operands = 0 : i64, tpu.core_type = #tpu.core_type<tc>, window_params = [{transform_indices = @transform_0, window_bounds = array<i64: 1, 1, 512>}, {transform_indices = @transform_1, window_bounds = array<i64: 512, 256>}, {transform_indices = @transform_2, window_bounds = array<i64: 512, 128>}, {transform_indices = @transform_3, window_bounds = array<i64: 384, 512>}, {transform_indices = @transform_4, window_bounds = array<i64: 384, 128>}]} {
    %get3A = arith.constant 0 : index
    %get3A_0 = arith.constant 0 : index
    %get3A_1 = arith.constant 0 : index
    %get3A_2 = vector.load %arg2[%get3A, %get3A_0, %get3A_1] : memref<1x1x512xi32, #tpu.memory_space<vmem>>, vector<1x1x512xi32>
    %reshape3A = vector.shape_cast %get3A_2 : vector<1x1x512xi32> to vector<1x512xi32>
    %broadcast_in_dim3A = vector.shape_cast %reshape3A : vector<1x512xi32> to vector<1x512xi32>
    %broadcast_in_dim3A_3 = vector.broadcast %broadcast_in_dim3A : vector<1x512xi32> to vector<384x512xi32>
    %iota3A = tpu.iota {dimensions = array<i32: 0>} : vector<384x512xi32>
    %eq3A = arith.cmpi eq, %broadcast_in_dim3A_3, %iota3A : vector<384x512xi32>
    %convert_element_type3A = arith.extui %eq3A : vector<384x512xi1> to vector<384x512xi32>
    %convert_element_type3A_4 = arith.sitofp %convert_element_type3A : vector<384x512xi32> to vector<384x512xf32>
    %convert_element_type3A_5 = arith.truncf %convert_element_type3A_4 : vector<384x512xf32> to vector<384x512xbf16>
    %get3A_6 = arith.constant 0 : index
    %get3A_7 = arith.constant 0 : index
    %get3A_8 = vector.load %arg3[%get3A_6, %get3A_7] : memref<512x256xi32, #tpu.memory_space<vmem>>, vector<512x256xi32>
    %shift_left3A = arith.constant 16 : i32
    %shift_left3A_9 = vector.broadcast %shift_left3A : i32 to vector<512x256xi32>
    %shift_left3A_10 = arith.shli %get3A_8, %shift_left3A_9 : vector<512x256xi32>
    %bitcast_convert_type3A = tpu.bitcast %shift_left3A_10 : vector<512x256xi32> -> vector<512x256xf32>
    %and3A = arith.constant -65536 : i32
    %and3A_11 = vector.broadcast %and3A : i32 to vector<512x256xi32>
    %and3A_12 = arith.andi %get3A_8, %and3A_11 : vector<512x256xi32>
    %bitcast_convert_type3A_13 = tpu.bitcast %and3A_12 : vector<512x256xi32> -> vector<512x256xf32>
    %concatenate3A = tpu.concatenate %bitcast_convert_type3A, %bitcast_convert_type3A_13 in 1 : vector<512x256xf32>, vector<512x256xf32> -> vector<512x512xf32>
    %convert_element_type3A_14 = arith.truncf %concatenate3A : vector<512x512xf32> to vector<512x512xbf16>
    %dot_general3A = arith.constant dense<0.000000e+00> : vector<384x512xf32>
    %dot_general3A_15 = tpu.matmul %convert_element_type3A_5, %convert_element_type3A_14, %dot_general3A {dimension_numbers = #tpu.dot_dimension_numbers<[1], [0], [0], [1], [0, 0, 1, 1], [], []>, transpose_lhs_hint = false} : vector<384x512xbf16>, vector<512x512xbf16>, vector<384x512xf32> -> vector<384x512xf32>
    %get3A_16 = arith.constant 0 : index
    %get3A_17 = arith.constant 0 : index
    %get3A_18 = vector.load %arg4[%get3A_16, %get3A_17] : memref<512x128xf32, #tpu.memory_space<vmem>>, vector<512x128xf32>
    %convert_element_type3A_19 = arith.truncf %get3A_18 : vector<512x128xf32> to vector<512x128xbf16>
    %dot_general3A_20 = arith.constant dense<0.000000e+00> : vector<384x128xf32>
    %dot_general3A_21 = tpu.matmul %convert_element_type3A_5, %convert_element_type3A_19, %dot_general3A_20 {dimension_numbers = #tpu.dot_dimension_numbers<[1], [0], [0], [1], [0, 0, 1, 1], [], []>, transpose_lhs_hint = false} : vector<384x512xbf16>, vector<512x128xbf16>, vector<384x128xf32> -> vector<384x128xf32>
    %eq3A_22 = arith.constant 0 : i32
    %eq3A_23 = arith.cmpi eq, %arg1, %eq3A_22 : i32
    %convert_element_type3A_24 = arith.extui %eq3A_23 : i1 to i32
    %cond3A = arith.constant 0 : i32
    %cond3A_25 = arith.cmpi ne, %convert_element_type3A_24, %cond3A : i32
    scf.if %cond3A_25 {
      %broadcast_in_dim3A_38 = arith.constant 0.000000e+00 : f32
      %broadcast_in_dim3A_39 = vector.broadcast %broadcast_in_dim3A_38 : f32 to vector<384x512xf32>
      %swap3A_40 = arith.constant 0 : index
      %swap3A_41 = arith.constant 0 : index
      %swap3A_42 = vector.load %arg5[%swap3A_40, %swap3A_41] : memref<384x512xf32, #tpu.memory_space<vmem>>, vector<384x512xf32>
      tpu.vector_store %arg5[%swap3A_40, %swap3A_41], %broadcast_in_dim3A_39 {strides = array<i32>} : memref<384x512xf32, #tpu.memory_space<vmem>>, vector<384x512xf32>,
      %broadcast_in_dim3A_43 = arith.constant 0.000000e+00 : f32
      %broadcast_in_dim3A_44 = vector.broadcast %broadcast_in_dim3A_43 : f32 to vector<384x128xf32>
      %swap3A_45 = arith.constant 0 : index
      %swap3A_46 = arith.constant 0 : index
      %swap3A_47 = vector.load %arg6[%swap3A_45, %swap3A_46] : memref<384x128xf32, #tpu.memory_space<vmem>>, vector<384x128xf32>
      tpu.vector_store %arg6[%swap3A_45, %swap3A_46], %broadcast_in_dim3A_44 {strides = array<i32>} : memref<384x128xf32, #tpu.memory_space<vmem>>, vector<384x128xf32>,
    } else {
    }
    %get3A_26 = arith.constant 0 : index
    %get3A_27 = arith.constant 0 : index
    %get3A_28 = vector.load %arg5[%get3A_26, %get3A_27] : memref<384x512xf32, #tpu.memory_space<vmem>>, vector<384x512xf32>
    %add3A = arith.addf %get3A_28, %dot_general3A_15 : vector<384x512xf32>
    %swap3A = arith.constant 0 : index
    %swap3A_29 = arith.constant 0 : index
    %swap3A_30 = vector.load %arg5[%swap3A, %swap3A_29] : memref<384x512xf32, #tpu.memory_space<vmem>>, vector<384x512xf32>
    tpu.vector_store %arg5[%swap3A, %swap3A_29], %add3A {strides = array<i32>} : memref<384x512xf32, #tpu.memory_space<vmem>>, vector<384x512xf32>,
    %get3A_31 = arith.constant 0 : index
    %get3A_32 = arith.constant 0 : index
    %get3A_33 = vector.load %arg6[%get3A_31, %get3A_32] : memref<384x128xf32, #tpu.memory_space<vmem>>, vector<384x128xf32>
    %add3A_34 = arith.addf %get3A_33, %dot_general3A_21 : vector<384x128xf32>
    %swap3A_35 = arith.constant 0 : index
    %swap3A_36 = arith.constant 0 : index
    %swap3A_37 = vector.load %arg6[%swap3A_35, %swap3A_36] : memref<384x128xf32, #tpu.memory_space<vmem>>, vector<384x128xf32>
    tpu.vector_store %arg6[%swap3A_35, %swap3A_36], %add3A_34 {strides = array<i32>} : memref<384x128xf32, #tpu.memory_space<vmem>>, vector<384x128xf32>,
    return
  }
  func.func @transform_0(%arg0: i32, %arg1: i32) -> (i32, i32, i32) {
    %mul3A = arith.constant 11 : i32
    %mul3A_0 = arith.muli %arg0, %mul3A : i32
    %add3A = arith.addi %mul3A_0, %arg1 : i32
    %c0_i32 = arith.constant 0 : i32
    %c0_i32_1 = arith.constant 0 : i32
    %c0_i32_2 = arith.constant 0 : i32
    return %add3A, %c0_i32, %c0_i32_1 : i32, i32, i32
  }
  func.func @transform_1(%arg0: i32, %arg1: i32) -> (i32, i32) {
    %mul3A = arith.constant 11 : i32
    %mul3A_0 = arith.muli %arg0, %mul3A : i32
    %add3A = arith.addi %mul3A_0, %arg1 : i32
    %c0_i32 = arith.constant 0 : i32
    %c0_i32_1 = arith.constant 0 : i32
    return %add3A, %c0_i32 : i32, i32
  }
  func.func @transform_2(%arg0: i32, %arg1: i32) -> (i32, i32) {
    %mul3A = arith.constant 11 : i32
    %mul3A_0 = arith.muli %arg0, %mul3A : i32
    %add3A = arith.addi %mul3A_0, %arg1 : i32
    %c0_i32 = arith.constant 0 : i32
    %c0_i32_1 = arith.constant 0 : i32
    return %add3A, %c0_i32 : i32, i32
  }
  func.func @transform_3(%arg0: i32, %arg1: i32) -> (i32, i32) {
    %c0_i32 = arith.constant 0 : i32
    %c0_i32_0 = arith.constant 0 : i32
    return %arg0, %c0_i32 : i32, i32
  }
  func.func @transform_4(%arg0: i32, %arg1: i32) -> (i32, i32) {
    %c0_i32 = arith.constant 0 : i32
    %c0_i32_0 = arith.constant 0 : i32
    return %arg0, %c0_i32 : i32, i32
  }
}

module attributes {stable_mosaic.version = 14 : i64} {
  func.func @_node_kernel(%arg0: i32, %arg1: memref<1000x256xf32, #tpu.memory_space<vmem>>, %arg2: memref<1000x512xf32, #tpu.memory_space<vmem>>, %arg3: memref<1000x128xf32, #tpu.memory_space<vmem>>, %arg4: memref<1000x16xf32, #tpu.memory_space<vmem>>, %arg5: memref<256x512xbf16, #tpu.memory_space<vmem>>, %arg6: memref<512x512xbf16, #tpu.memory_space<vmem>>, %arg7: memref<512x256xbf16, #tpu.memory_space<vmem>>, %arg8: memref<8x512xf32, #tpu.memory_space<vmem>>, %arg9: memref<1000x256xf32, #tpu.memory_space<vmem>>, %arg10: memref<1000x16xf32, #tpu.memory_space<vmem>>) attributes {dimension_semantics = [#tpu.dimension_semantics<arbitrary>], iteration_bounds = array<i64: 10>, scalar_prefetch = 0 : i64, scratch_operands = 0 : i64, tpu.core_type = #tpu.core_type<tc>, window_params = [{transform_indices = @transform_0, window_bounds = array<i64: 1000, 256>}, {transform_indices = @transform_1, window_bounds = array<i64: 1000, 512>}, {transform_indices = @transform_2, window_bounds = array<i64: 1000, 128>}, {transform_indices = @transform_3, window_bounds = array<i64: 1000, 16>}, {pipeline_mode = #tpu.pipeline_mode<synchronous>, transform_indices = @transform_4, window_bounds = array<i64: 256, 512>}, {pipeline_mode = #tpu.pipeline_mode<synchronous>, transform_indices = @transform_5, window_bounds = array<i64: 512, 512>}, {pipeline_mode = #tpu.pipeline_mode<synchronous>, transform_indices = @transform_6, window_bounds = array<i64: 512, 256>}, {pipeline_mode = #tpu.pipeline_mode<synchronous>, transform_indices = @transform_7, window_bounds = array<i64: 8, 512>}, {transform_indices = @transform_8, window_bounds = array<i64: 1000, 256>}, {transform_indices = @transform_9, window_bounds = array<i64: 1000, 16>}]} {
    %get3A = arith.constant 0 : index
    %get3A_0 = arith.constant 0 : index
    %get3A_1 = vector.load %arg1[%get3A, %get3A_0] : memref<1000x256xf32, #tpu.memory_space<vmem>>, vector<1000x256xf32>
    %convert_element_type3A = arith.truncf %get3A_1 : vector<1000x256xf32> to vector<1000x256xbf16>
    %get3A_2 = arith.constant 0 : index
    %get3A_3 = arith.constant 0 : index
    %get3A_4 = vector.load %arg2[%get3A_2, %get3A_3] : memref<1000x512xf32, #tpu.memory_space<vmem>>, vector<1000x512xf32>
    %convert_element_type3A_5 = arith.truncf %get3A_4 : vector<1000x512xf32> to vector<1000x512xbf16>
    %get3A_6 = arith.constant 0 : index
    %get3A_7 = arith.constant 0 : index
    %get3A_8 = vector.load %arg5[%get3A_6, %get3A_7] : memref<256x512xbf16, #tpu.memory_space<vmem>>, vector<256x512xbf16>
    %dot_general3A = arith.constant dense<0.000000e+00> : vector<1000x512xf32>
    %dot_general3A_9 = tpu.matmul %convert_element_type3A, %get3A_8, %dot_general3A {dimension_numbers = #tpu.dot_dimension_numbers<[1], [0], [0], [1], [0, 0, 1, 1], [], []>, transpose_lhs_hint = false} : vector<1000x256xbf16>, vector<256x512xbf16>, vector<1000x512xf32> -> vector<1000x512xf32>
    %get3A_10 = arith.constant 0 : index
    %get3A_11 = arith.constant 0 : index
    %get3A_12 = vector.load %arg6[%get3A_10, %get3A_11] : memref<512x512xbf16, #tpu.memory_space<vmem>>, vector<512x512xbf16>
    %dot_general3A_13 = arith.constant dense<0.000000e+00> : vector<1000x512xf32>
    %dot_general3A_14 = tpu.matmul %convert_element_type3A_5, %get3A_12, %dot_general3A_13 {dimension_numbers = #tpu.dot_dimension_numbers<[1], [0], [0], [1], [0, 0, 1, 1], [], []>, transpose_lhs_hint = false} : vector<1000x512xbf16>, vector<512x512xbf16>, vector<1000x512xf32> -> vector<1000x512xf32>
    %add3A = arith.addf %dot_general3A_9, %dot_general3A_14 : vector<1000x512xf32>
    %get3A_15 = arith.constant 0 : index
    %get3A_16 = arith.constant 0 : index
    %get3A_17 = vector.load %arg8[%get3A_15, %get3A_16] : memref<8x512xf32, #tpu.memory_space<vmem>>, vector<1x512xf32>
    %add3A_18 = vector.broadcast %get3A_17 : vector<1x512xf32> to vector<1000x512xf32>
    %add3A_19 = arith.addf %add3A, %add3A_18 : vector<1000x512xf32>
    %convert_element_type3A_20 = arith.truncf %add3A_19 : vector<1000x512xf32> to vector<1000x512xbf16>
    %logistic3A = arith.negf %convert_element_type3A_20 : vector<1000x512xbf16>
    %logistic3A_21 = math.exp %logistic3A : vector<1000x512xbf16>
    %logistic3A_22 = arith.constant 1.000000e+00 : bf16
    %logistic3A_23 = vector.broadcast %logistic3A_22 : bf16 to vector<1000x512xbf16>
    %logistic3A_24 = arith.addf %logistic3A_23, %logistic3A_21 : vector<1000x512xbf16>
    %logistic3A_25 = arith.divf %logistic3A_23, %logistic3A_24 : vector<1000x512xbf16>
    %mul3A = arith.mulf %convert_element_type3A_20, %logistic3A_25 : vector<1000x512xbf16>
    %get3A_26 = arith.constant 0 : index
    %get3A_27 = arith.constant 0 : index
    %get3A_28 = vector.load %arg7[%get3A_26, %get3A_27] : memref<512x256xbf16, #tpu.memory_space<vmem>>, vector<512x256xbf16>
    %dot_general3A_29 = arith.constant dense<0.000000e+00> : vector<1000x256xf32>
    %dot_general3A_30 = tpu.matmul %mul3A, %get3A_28, %dot_general3A_29 {dimension_numbers = #tpu.dot_dimension_numbers<[1], [0], [0], [1], [0, 0, 1, 1], [], []>, transpose_lhs_hint = false} : vector<1000x512xbf16>, vector<512x256xbf16>, vector<1000x256xf32> -> vector<1000x256xf32>
    %get3A_31 = arith.constant 1 : index
    %get3A_32 = arith.constant 0 : index
    %get3A_33 = vector.load %arg8[%get3A_31, %get3A_32] : memref<8x512xf32, #tpu.memory_space<vmem>>, vector<1x256xf32>
    %add3A_34 = vector.broadcast %get3A_33 : vector<1x256xf32> to vector<1000x256xf32>
    %add3A_35 = arith.addf %dot_general3A_30, %add3A_34 : vector<1000x256xf32>
    %get3A_36 = arith.constant 0 : index
    %get3A_37 = arith.constant 0 : index
    %get3A_38 = vector.load %arg1[%get3A_36, %get3A_37] : memref<1000x256xf32, #tpu.memory_space<vmem>>, vector<1000x256xf32>
    %add3A_39 = arith.addf %get3A_38, %add3A_35 : vector<1000x256xf32>
    %swap3A = arith.constant 0 : index
    %swap3A_40 = arith.constant 0 : index
    %swap3A_41 = vector.load %arg9[%swap3A, %swap3A_40] : memref<1000x256xf32, #tpu.memory_space<vmem>>, vector<1000x256xf32>
    tpu.vector_store %arg9[%swap3A, %swap3A_40], %add3A_39 {strides = array<i32>} : memref<1000x256xf32, #tpu.memory_space<vmem>>, vector<1000x256xf32>,
    %get3A_42 = arith.constant 0 : index
    %get3A_43 = arith.constant 0 : index
    %get3A_44 = vector.load %arg3[%get3A_42, %get3A_43] : memref<1000x128xf32, #tpu.memory_space<vmem>>, vector<1000x128xf32>
    %slice3A = vector.extract_strided_slice %get3A_44 {offsets = [0, 0], sizes = [1000, 16], strides = [1, 1]} : vector<1000x128xf32> to vector<1000x16xf32>
    %slice3A_45 = vector.extract_strided_slice %slice3A {offsets = [0, 3], sizes = [1000, 1], strides = [1, 1]} : vector<1000x16xf32> to vector<1000x1xf32>
    %jit3A = arith.constant 1.000000e+00 : f32
    %max3A = vector.broadcast %jit3A : f32 to vector<1000x1xf32>
    %max3A_46 = arith.maximumf %max3A, %slice3A_45 : vector<1000x1xf32>
    %get3A_47 = arith.constant 0 : index
    %get3A_48 = arith.constant 0 : index
    %get3A_49 = vector.load %arg4[%get3A_47, %get3A_48] : memref<1000x16xf32, #tpu.memory_space<vmem>>, vector<1000x16xf32>
    %div3A = vector.broadcast %max3A_46 : vector<1000x1xf32> to vector<1000x16xf32>
    %div3A_50 = arith.divf %slice3A, %div3A : vector<1000x16xf32>
    %add3A_51 = arith.addf %get3A_49, %div3A_50 : vector<1000x16xf32>
    %swap3A_52 = arith.constant 0 : index
    %swap3A_53 = arith.constant 0 : index
    %swap3A_54 = vector.load %arg10[%swap3A_52, %swap3A_53] : memref<1000x16xf32, #tpu.memory_space<vmem>>, vector<1000x16xf32>
    tpu.vector_store %arg10[%swap3A_52, %swap3A_53], %add3A_51 {strides = array<i32>} : memref<1000x16xf32, #tpu.memory_space<vmem>>, vector<1000x16xf32>,
    return
  }
  func.func @transform_0(%arg0: i32) -> (i32, i32) {
    %c0_i32 = arith.constant 0 : i32
    %c0_i32_0 = arith.constant 0 : i32
    return %arg0, %c0_i32 : i32, i32
  }
  func.func @transform_1(%arg0: i32) -> (i32, i32) {
    %c0_i32 = arith.constant 0 : i32
    %c0_i32_0 = arith.constant 0 : i32
    return %arg0, %c0_i32 : i32, i32
  }
  func.func @transform_2(%arg0: i32) -> (i32, i32) {
    %c0_i32 = arith.constant 0 : i32
    %c0_i32_0 = arith.constant 0 : i32
    return %arg0, %c0_i32 : i32, i32
  }
  func.func @transform_3(%arg0: i32) -> (i32, i32) {
    %c0_i32 = arith.constant 0 : i32
    %c0_i32_0 = arith.constant 0 : i32
    return %arg0, %c0_i32 : i32, i32
  }
  func.func @transform_4(%arg0: i32) -> (i32, i32) {
    %c0_i32 = arith.constant 0 : i32
    %c0_i32_0 = arith.constant 0 : i32
    %c0_i32_1 = arith.constant 0 : i32
    return %c0_i32, %c0_i32_0 : i32, i32
  }
  func.func @transform_5(%arg0: i32) -> (i32, i32) {
    %c0_i32 = arith.constant 0 : i32
    %c0_i32_0 = arith.constant 0 : i32
    %c0_i32_1 = arith.constant 0 : i32
    return %c0_i32, %c0_i32_0 : i32, i32
  }
  func.func @transform_6(%arg0: i32) -> (i32, i32) {
    %c0_i32 = arith.constant 0 : i32
    %c0_i32_0 = arith.constant 0 : i32
    %c0_i32_1 = arith.constant 0 : i32
    return %c0_i32, %c0_i32_0 : i32, i32
  }
  func.func @transform_7(%arg0: i32) -> (i32, i32) {
    %c0_i32 = arith.constant 0 : i32
    %c0_i32_0 = arith.constant 0 : i32
    %c0_i32_1 = arith.constant 0 : i32
    return %c0_i32, %c0_i32_0 : i32, i32
  }
  func.func @transform_8(%arg0: i32) -> (i32, i32) {
    %c0_i32 = arith.constant 0 : i32
    %c0_i32_0 = arith.constant 0 : i32
    return %arg0, %c0_i32 : i32, i32
  }
  func.func @transform_9(%arg0: i32) -> (i32, i32) {
    %c0_i32 = arith.constant 0 : i32
    %c0_i32_0 = arith.constant 0 : i32
    return %arg0, %c0_i32 : i32, i32
  }
}

</mosaic_0001>

<sc_bundles>
// kernel: kernel.10.cloned.1.call-start
scs
__scs_entry_jumppad:
0x0: {  	(pc) =	sbr.rel $0x88, $3  }
0x1: {  	(tag) =	ssettag $0x0;
	lr =	simm.s32 $0x1  }
0x2: {  	[smem:$0x3F92] =	sst lr;
	_ =	strace $0xD0000000  }
0x3: {  	_ = 	snop  }
0x4: {  	_ = 	snop  }
0x5: {  	_ = 	snop  }
0x6: {  	_ = 	snop  }
0x7: {  	_ = 	snop  }
__scs_overlays_trampoline_lowered:
0x8: {  	[smem:$0x3FA1] =	sst s0  }
0x9: {  	[smem:$0x3FA2] =	sst s1  }
0xa: {  	[smem:$0x3FA3] =	sst s2  }
0xb: {  	[smem:$0x3FA4] =	sst s3  }
0xc: {  	[smem:$0x3FA5] =	sst s4  }
0xd: {  	[smem:$0x3FA6] =	sst s5  }
0xe: {  	[smem:$0x3FA7] =	sst s6  }
0xf: {  	[smem:$0x3FA8] =	sst s7  }
0x10: {  	[smem:$0x3FA9] =	sst s8  }
0x11: {  	[smem:$0x3FAA] =	sst s9;
	s0 =	simm.s32 @!p0 $0x0  }
0x12: {  	s1 =	sld [smem:$0x3F90];
	s0 =	simm.s32 @p0 $0x1  }
0x13: {  	[smem:$0x3FAB] =	sst s0;
	s0 =	simm.s32 @!p1 $0x0  }
0x14: {  	s2 =	sld [smem:$0x3F8F];
	s0 =	simm.s32 @p1 $0x1  }
0x15: {  	[smem:$0x3FAC] =	sst s0;
	s0 =	simm.s32 @!p2 $0x0  }
0x16: {  	s3 =	sld [smem:$0x3FDB];
	s0 =	simm.s32 @p2 $0x1  }
0x17: {  	s4 =	simm.s32 $0x1BF5;
	[smem:$0x3FAE] =	sst s0  }
0x18: {  	s0 =	sld [smem:$0x3F91];
	_ =	swait.ge [sflag:s4], $0x0  }
0x19: {  	s7 =	sld [smem:$0x3F92]  }
0x1a: {  	s8 =	sadd.s32 $0xFFFFE003, lr  }
0x1b: {  	s9 =	sadd.s32 $0xFFFFFEF7, lr;
	s5 =	simm.s32 $0xFFFFFFFF;
	p2 =	slt.u32 s8, $0xFFFFF086  }
0x1c: {  	p1 =	slt.u32 s9, $0xF7A;
	s5 =	simm.s32 @!p2 $0x0  }
0x1d: {  	s5 =	simm.s32 @p1 $0x1;
	p0 =	seq.s32 s7, s2  }
0x1e: {  	s7 =	smul.u32 @!p0 $0xF7A, s2;
	p2 =	seq.s32 @!p0 s5, $0x0  }
0x1f: {  	s9 =	smul.u32 $0xF7A, s1;
	s8 =	simm.s32 @!p0 $0x1BF5;
	p2 =	por !p2, p0  }
0x20: {  	[sflag:s8] =	ssyncset.s32 @!p0 $0xFFFFF086;
	s6 =	sadd.s32 @!p0 s3, s7;
	s7 =	simm.s32 @!p0 $0x108  }
0x21: {  	s3 =	sadd.s32 s3, s9;
	s6 =	sadd.s32 @!p0 $0x88, s6;
	s7 =	simm.s32 @p2 $0x1082  }
0x22: {  	[simem:s7], [sflag:s8] =	dma.local @!p0 [hbm:s6], $0xF7A  }
0x23: {  	s9 =	sor.u32 $0xD0000000, s2;
	s6 =	simm.s32 $0x108;
	_ =	swait.ge @!p0 [sflag:s8], $0x0  }
0x24: {  	s3 =	sadd.s32 $0x88, s3;
	s6 =	simm.s32 @!p1 $0x1082;
	[sflag:s4] =	ssyncset.s32 $0xFFFFF086  }
0x25: {  	[simem:s6], [sflag:s4] =	dma.local [hbm:s3], $0xF7A  }
0x26: {  	[smem:$0x3F92] =	sst s1;
	(tag) =	ssettag s2;
	_ =	strace s9  }
0x27: {  	s1 =	sld [smem:$0x3FA2]  }
0x28: {  	s2 =	sld [smem:$0x3FA3]  }
0x29: {  	s4 =	sld [smem:$0x3FA5]  }
0x2a: {  	p0 =	seq.s32 s5, $0x0;
	s5 =	sld [smem:$0x3FA6]  }
0x2b: {  	s6 =	sld [smem:$0x3FA7]  }
0x2c: {  	s7 =	sld [smem:$0x3FA8]  }
0x2d: {  	s3 =	simm.s32 $0x108;
	s8 =	sld [smem:$0x3FA9]  }
0x2e: {  	s3 =	simm.s32 @!p0 $0x1082;
	s9 =	sld [smem:$0x3FAA]  }
0x2f: {  	lr =	sadd.s32 s0, s3;
	s0 =	sld [smem:$0x3FA1]  }
0x30: {  	s3 =	sld [smem:$0x3FA4]  }
0x31: {  	[smem:$0x3FAD] =	sst s10  }
0x32: {  	s10 =	sld [smem:$0x3FAB];
	_ =	sdelay $0x3  }
0x33: {  	p0 =	seq.s32 s10, $0x1;
	s10 =	sld [smem:$0x3FAD];
	_ =	sdelay $0x3  }
0x34: {  	[smem:$0x3FAD] =	sst s10  }
0x35: {  	s10 =	sld [smem:$0x3FAC];
	_ =	sdelay $0x3  }
0x36: {  	p1 =	seq.s32 s10, $0x1;
	s10 =	sld [smem:$0x3FAD];
	_ =	sdelay $0x3  }
0x37: {  	[smem:$0x3FAD] =	sst s10  }
0x38: {  	s10 =	sld [smem:$0x3FAE]  }
0x39: {  	_ = 	snop;
	(pc) =	sbr.ind lr, $3  }
0x3a: {  	_ = 	snop  }
0x3b: {  	_ = 	snop  }
0x3c: {  	p2 =	seq.s32 s10, $0x1;
	s10 =	sld [smem:$0x3FAD]  }
0x3d: {  	_ =	shalt  }
0x3e: {  	_ =	shalt  }
0x3f: {  	_ =	shalt  }
0x40: {  	_ =	shalt  }
0x41: {  	_ =	shalt  }
0x42: {  	_ =	shalt  }
0x43: {  	_ =	shalt  }
0x44: {  	_ =	shalt  }
0x45: {  	_ =	shalt  }
0x46: {  	_ =	shalt  }
0x47: {  	_ =	shalt  }
0x48: {  	_ =	shalt  }
0x49: {  	_ =	shalt  }
0x4a: {  	_ =	shalt  }
0x4b: {  	_ =	shalt  }
0x4c: {  	_ =	shalt  }
0x4d: {  	_ =	shalt  }
0x4e: {  	_ =	shalt  }
0x4f: {  	_ =	shalt  }
0x50: {  	_ =	shalt  }
0x51: {  	_ =	shalt  }
0x52: {  	_ =	shalt  }
0x53: {  	_ =	shalt  }
0x54: {  	_ =	shalt  }
0x55: {  	_ =	shalt  }
0x56: {  	_ =	shalt  }
0x57: {  	_ =	shalt  }
0x58: {  	_ =	shalt  }
0x59: {  	_ =	shalt  }
0x5a: {  	_ =	shalt  }
0x5b: {  	_ =	shalt  }
0x5c: {  	_ =	shalt  }
0x5d: {  	_ =	shalt  }
0x5e: {  	_ =	shalt  }
0x5f: {  	_ =	shalt  }
0x60: {  	_ =	shalt  }
0x61: {  	_ =	shalt  }
0x62: {  	_ =	shalt  }
0x63: {  	_ =	shalt  }
0x64: {  	_ =	shalt  }
0x65: {  	_ =	shalt  }
0x66: {  	_ =	shalt  }
0x67: {  	_ =	shalt  }
0x68: {  	_ =	shalt  }
0x69: {  	_ =	shalt  }
0x6a: {  	_ =	shalt  }
0x6b: {  	_ =	shalt  }
0x6c: {  	_ =	shalt  }
0x6d: {  	_ =	shalt  }
0x6e: {  	_ =	shalt  }
0x6f: {  	_ =	shalt  }
0x70: {  	_ =	shalt  }
0x71: {  	_ =	shalt  }
0x72: {  	_ =	shalt  }
0x73: {  	_ =	shalt  }
0x74: {  	_ =	shalt  }
0x75: {  	_ =	shalt  }
0x76: {  	_ =	shalt  }
0x77: {  	_ =	shalt  }
0x78: {  	_ =	shalt  }
0x79: {  	_ =	shalt  }
0x7a: {  	_ =	shalt  }
0x7b: {  	_ =	shalt  }
0x7c: {  	_ =	shalt  }
0x7d: {  	_ =	shalt  }
0x7e: {  	_ =	shalt  }
0x7f: {  	_ =	shalt  }
0x80: {  	_ =	shalt  }
0x81: {  	_ =	shalt  }
0x82: {  	_ =	shalt  }
0x83: {  	_ =	shalt  }
0x84: {  	_ =	shalt  }
0x85: {  	_ =	shalt  }
0x86: {  	_ =	shalt  }
0x87: {  	_ =	shalt  }
.Lfunc_end0:
.L_simem_size_0:
called_computation.1_lowered:
.L_overlay_start_0:
0x88: {  	s2 =	sld [smem:$0x3FD9]  }
0x89: {  	s3 =	sld [smem:$0x3FFE];
	_ =	sdelay $0x1  }
0x8a: {  	s1 =	srdreg.scid  }
0x8b: {  	s0 =	sand.u32 $0x1, s1  }
0x8c: {  	s14 =	sshll.u32 s0, $0xA;
	s2 =	sadd.s32 s3, s2  }
0x8d: {  	s2 =	sadd.s32 s2, s14  }
0x8e: {  	[smem:$0x3FB9] =	sst s2  }
0x8f: {  	_ = 	snop  }
0x90: {  	s2 =	sld [smem:$0x3FD0];
	_ =	sdelay $0x2  }
0x91: {  	s15 =	simm.s32 $0xA;
	s4 =	simm.s32 $0x10  }
0x92: {  	[smem:s4], [sflag:s15] =	dma.local [hbm:s2], $0x1  }
0x93: {  	_ =	swait.eq [sflag:s15], $0x1  }
0x94: {  	[sflag:s15] =	ssyncset.done $0x0  }
0x95: {  	[sflag:s15] =	ssyncadd.s32 $0xFFFFFFFF  }
0x96: {  	s16 =	sld [smem:$0x12];
	(tm) =	ssettm $0x1  }
0x97: {  	s17 =	sld [smem:$0x3FFB];
	_ =	sdelay $0x3  }
0x98: {  	_ =	strace s17  }
0x99: {  	s3 =	sld [smem:$0x3FFC];
	_ =	sdelay $0x3  }
0x9a: {  	_ =	strace s3  }
0x9b: {  	s3 =	sld [smem:$0x3FFD];
	_ =	sdelay $0x3  }
0x9c: {  	_ =	strace s3  }
0x9d: {  	_ =	strace $0x8FFFFFFF  }
0x9e: {  	s18 =	sld [smem:$0x3FDB];
	_ =	sdelay $0x1  }
0x9f: {  	s19 =	simm.s32 $_scs_section_size  }
0xa0: {  	s5 =	simm.s32 $_size__tile_overlayer_lowered;
	s6 =	simm.s32 $_tile_overlayer_lowered  }
0xa1: {  	s22 =	simm.s32 $0x1BFF;
	s21 =	sshll.u32 s6, $0x1;
	s3 =	sadd.s32 s19, s18  }
0xa2: {  	s7 =	simm.s32 $0x0;
	s20 =	sshll.u32 s5, $0x1;
	s5 =	sadd.s32 s21, s3  }
0xa3: {  	[timem:s7], [sflag:s22] =	dma.local [hbm:s5], s20  }
0xa4: {  	_ =	swait.ge [sflag:s22], s20  }
0xa5: {  	s4 =	ssub.s32 $0x0, s20;
	[sflag:s22] =	ssyncset.done $0x0  }
0xa6: {  	[sflag:s22] =	ssyncadd.s32 s4;
	_ =	sdelay $0x1  }
0xa7: {  	s23 =	simm.s32 $0x1B8B  }
0xa8: {  	_ =	swait.ge [sflag:s23], $0x1  }
0xa9: {  	[sflag:s23] =	ssyncset.done $0x0  }
0xaa: {  	s25 =	simm.s32 $0x1B8E;
	s24 =	sld [smem:$0x3FFE];
	[sflag:s23] =	ssyncadd.s32 $0xFFFFFFFF  }
0xab: {  	s26 =	simm.s32 $execute0_lowered;
	[smem:$0x3FD2] =	sst s25  }
0xac: {  	s5 =	sshll.u32 s26, $0x1;
	_ =	strace $0x80000049;
	[dreg:$0x1] =	wrdreg $0xFFFFFFFF  }
0xad: {  	s28 =	simm.s32 $_size_execute0_lowered;
	s3 =	sadd.s32 s3, s5;
	[dreg:$0x0] =	wrdreg $0x0  }
0xae: {  	s5 =	sshll.u32 s28, $0x1;
	[dreg:$0x2] =	wrdreg s3  }
0xaf: {  	[dreg:$0x3] =	wrdreg s5  }
0xb0: {  	[dreg:$0x4] =	wrdreg $0xC0  }
0xb1: {  	_ =	task [dreg:s7], $0x5FFFF  }
0xb2: {  	[dreg:$0x1] =	wrdreg $0xFFFFFFFF  }
0xb3: {  	[dreg:$0x0] =	wrdreg $0x60  }
0xb4: {  	[dreg:$0x2] =	wrdreg s24  }
0xb5: {  	[dreg:$0x3] =	wrdreg s16  }
0xb6: {  	[dreg:$0x4] =	wrdreg $0x103800  }
0xb7: {  	[dreg:$0x5] =	wrdreg $0x137800  }
0xb8: {  	[dreg:$0x6] =	wrdreg $0x16B800  }
0xb9: {  	[dreg:$0x7] =	wrdreg $0x9  }
0xba: {  	_ =	task.clear_ibuf [dreg:s7], $0x8FFFF;
	_ =	strace $0x90000049  }
0xbb: {  	s29 =	simm.s32 $0x9;
	_ =	strace $0x8000004B  }
0xbc: {  	_ =	swait.ge [sflag:s29], $0x1  }
0xbd: {  	[sflag:s29] =	ssyncadd.s32 $0xFFFFFFFF  }
0xbe: {  	_ =	strace $0x9000004B  }
0xbf: {  	_ =	sfence  }
0xc0: {  	s30 =	sld [smem:$0x0];
	_ =	sdelay $0x2  }
0xc1: {  	s31 =	sshll.u32 s1, $0xD;
	s1 =	sshrl.u32 s1, $0x2  }
0xc2: {  	s3 =	sand.u32 $0x4000, s31;
	s1 =	sadd.s32 s1, s30  }
0xc3: {  	s0 =	sor.u32 s3, s0;
	s1 =	sshll.u32 s1, $0x11  }
0xc4: {  	s0 =	sor.u32 s1, s0  }
0xc5: {  	s0 =	sadd.s32 $0x8F2B, s0  }
0xc6: {  	[sflag:s0] =	ssyncadd.remote.s32 $0x1  }
0xc7: {  	_ =	sfence.sel $0xFFFF  }
0xc8: {  	[dreg:$0x0] =	wrdreg $0xFFFFFFFF;
	(pc) =	sbr.abs _section_cstart, $3  }
0xc9: {  	[dreg:$0x1] =	wrdreg $0xFFFFFFFF  }
0xca: {  	_ =	task.clear_ibuf [dreg:s7], $0x2FFFF;
	_ =	strace $0x9FFFFFFF  }
0xcb: {  	(tm) =	ssettm $0x7FFFFFFF  }
tec
execute0_lowered:
.L_overlay_start_1:
0x0: {  	(tag) =	ssettag $0x1  }
0x1: {  	s5 =	rddreg [dreg:$0x1]  }
0x2: {  	s0 =	rddreg [dreg:$0x2]  }
0x3: {  	s1 =	srdreg.scid;
	s3 =	rddreg [dreg:$0x3]  }
0x4: {  	s14 =	simm.s32 $0x0;
	s2 =	sand.u32 $0x1, s1;
	s1 =	stileid.u32  }
0x5: {  	[smem:$0x7FF] =	sst s14;
	s9 =	sor.u32 $0x10, s1  }
0x6: {  	s18 =	sor.u32 $0x20, s1;
	[dreg:$0x8] =	wrdreg s9  }
0x7: {  	s20 =	sor.u32 $0x30, s1;
	[dreg:$0xb] =	wrdreg s18  }
0x8: {  	s22 =	sor.u32 $0x40, s1;
	[dreg:$0xd] =	wrdreg s20  }
0x9: {  	s4 =	ssub.s32 $0x2, s2;
	s28 =	sor.u32 $0x50, s1;
	[dreg:$0xf] =	wrdreg s22  }
0xa: {  	s7 =	sshll.u32 s2, $0x4;
	s29 =	sor.u32 $0x60, s1;
	[dreg:$0x16] =	wrdreg s28  }
0xb: {  	s8 =	smul.u32 $0x340, s1;
	s30 =	sor.u32 $0x70, s1;
	[dreg:$0x17] =	wrdreg s29  }
0xc: {  	s11 =	sor.u32 $0x80, s1;
	s13 =	sor.u32 $0x90, s1;
	[dreg:$0x19] =	wrdreg s30  }
0xd: {  	s6 =	sshrl.u32 s4, $0x1;
	s15 =	sor.u32 s1, s7;
	[dreg:$0x1e] =	wrdreg s11  }
0xe: {  	s16 =	smul.u32 $0x340, s9;
	[smem:$0x7DD] =	sst s13;
	s17 =	sadd.s32 s8, s0  }
0xf: {  	s4 =	ssub.s32 s4, s6;
	s8 =	sadd.s32 s8, s3;
	[dreg:$0x9] =	wrdreg s17  }
0x10: {  	s6 =	smul.u32 $0x1600, s15;
	s15 =	sor.u32 $0xA0, s1;
	[dreg:$0xa] =	wrdreg s8  }
0x11: {  	s21 =	smul.u32 $0x340, s20;
	s19 =	sadd.s32 s16, s0;
	[smem:$0x7E0] =	sst s15  }
0x12: {  	s23 =	smul.u32 $0x340, s22;
	s7 =	sadd.s32 s16, s3;
	[dreg:$0xc] =	wrdreg s19  }
0x13: {  	s24 =	sadd.s32 s21, s0;
	[dreg:$0xe] =	wrdreg s7  }
0x14: {  	s14 =	smul.u32 $0x340, s13;
	s25 =	sadd.s32 s23, s0;
	[dreg:$0x12] =	wrdreg s24  }
0x15: {  	s26 =	sadd.s32 s23, s3;
	[dreg:$0x14] =	wrdreg s25  }
0x16: {  	s8 =	smul.u32 $0x340, s18;
	s18 =	sadd.s32 s14, s0;
	[dreg:$0x15] =	wrdreg s26  }
0x17: {  	s23 =	sor.u32 $0xD0, s1;
	[smem:$0x7E1] =	sst s18  }
0x18: {  	s7 =	sadd.s32 s21, s3;
	[smem:$0x7E8] =	sst s23  }
0x19: {  	s19 =	sor.u32 $0xB0, s1;
	[dreg:$0x13] =	wrdreg s7  }
0x1a: {  	s21 =	sor.u32 $0xC0, s1;
	[smem:$0x7E4] =	sst s19  }
0x1b: {  	s25 =	sor.u32 $0xE0, s1;
	[smem:$0x7E6] =	sst s21  }
0x1c: {  	s17 =	smul.u32 $0x340, s15;
	s10 =	sadd.s32 s8, s0;
	[smem:$0x7EA] =	sst s25  }
0x1d: {  	s6 =	sshrl.u32 s6, $0x3;
	s8 =	sadd.s32 s8, s3;
	[dreg:$0x10] =	wrdreg s10  }
0x1e: {  	s5 =	sadd.s32 s5, s6;
	[dreg:$0x11] =	wrdreg s8  }
0x1f: {  	s7 =	smul.u32 $0x340, s28;
	s20 =	sadd.s32 s17, s0;
	[dreg:$0x18] =	wrdreg s5  }
0x20: {  	s28 =	sor.u32 $0xF0, s1;
	[smem:$0x7E3] =	sst s20  }
0x21: {  	s6 =	smul.u32 $0x340, s11;
	[smem:$0x7ED] =	sst s28;
	s31 =	sadd.s32 s7, s0  }
0x22: {  	s7 =	sadd.s32 s7, s3;
	[dreg:$0x1a] =	wrdreg s31  }
0x23: {  	s22 =	smul.u32 $0x340, s21;
	s16 =	sadd.s32 s6, s0;
	[dreg:$0x1b] =	wrdreg s7  }
0x24: {  	s6 =	sadd.s32 s6, s3;
	[smem:$0x7DE] =	sst s16  }
0x25: {  	s8 =	smul.u32 $0x340, s29;
	s29 =	sadd.s32 s22, s0;
	[smem:$0x7DF] =	sst s6  }
0x26: {  	[smem:$0x7EB] =	sst s29  }
0x27: {  	s5 =	smul.u32 $0x340, s30;
	s9 =	sadd.s32 s8, s0;
	s16 =	rddreg [dreg:$0x0]  }
0x28: {  	s10 =	sadd.s32 s8, s3;
	[dreg:$0x1c] =	wrdreg s9  }
0x29: {  	s12 =	sadd.s32 s5, s0;
	[dreg:$0x1d] =	wrdreg s10  }
0x2a: {  	s30 =	smul.u32 $0x340, s28;
	s5 =	sadd.s32 s5, s3;
	[dreg:$0x1f] =	wrdreg s12  }
0x2b: {  	s6 =	sadd.s32 s17, s3;
	[smem:$0x7DC] =	sst s5  }
0x2c: {  	s11 =	sadd.s32 s30, s0;
	[smem:$0x7E5] =	sst s6  }
0x2d: {  	s26 =	smul.u32 $0x340, s25;
	s5 =	sadd.s32 s14, s3;
	[smem:$0x7F2] =	sst s11  }
0x2e: {  	s6 =	sadd.s32 s22, s3;
	[smem:$0x7E2] =	sst s5  }
0x2f: {  	s10 =	sadd.s32 s26, s0;
	[smem:$0x7EC] =	sst s6  }
0x30: {  	s7 =	smul.u32 $0x340, s23;
	s12 =	sadd.s32 s30, s3;
	[smem:$0x7F0] =	sst s10  }
0x31: {  	s21 =	smul.u32 $0x16000, s1;
	[smem:$0x7F3] =	sst s12  }
0x32: {  	s5 =	smul.u32 $0x340, s19;
	s31 =	sadd.s32 s7, s0;
	s19 =	rddreg [dreg:$0x4]  }
0x33: {  	s20 =	smul.u32 $0x160000, s2;
	s7 =	sadd.s32 s7, s3;
	[smem:$0x7EE] =	sst s31  }
0x34: {  	s28 =	smax.u32 s4, $0x1;
	[smem:$0x7EF] =	sst s7;
	s24 =	sadd.s32 s5, s0  }
0x35: {  	s23 =	simm.s32 $0x6800;
	s5 =	sadd.s32 s5, s3;
	[smem:$0x7E7] =	sst s24  }
0x36: {  	s9 =	smul.u32 $0xD000, s1;
	[smem:$0x7E9] =	sst s5;
	s5 =	sadd.s32 s26, s3  }
0x37: {  	s22 =	simm.s32 $0x3400;
	s6 =	sadd.s32 s20, s16;
	[smem:$0x7F1] =	sst s5  }
0x38: {  	s13 =	sshrl.u32 s9, $0x2;
	_ =	strace $0x8000004A;
	[dreg:$0x6] =	wrdreg s22  }
0x39: {  	s24 =	sadd.s32 $0x8800, s16;
	s26 =	sshll.u32 s1, $0x4;
	[dreg:$0x7] =	wrdreg s23  }
0x3a: {  	v3 =	vimm.s32 $0xECA86420;
	v2 =	vimm.s32 $0x140;
	vm0 =	vcmask $0xB08;
	s11 =	sadd.s32 s13, s0;
	s0 =	sadd.s32 s26, s19;
	[smem:$0x7F4] =	sst s24  }
0x3b: {  	vm1 =	vcmask $0x1310;
	vm2 =	vcmask $0x1B18;
	vm3 =	vcmask $0x300;
	s17 =	smul.u32 $0x2C000, s1;
	s7 =	sadd.s32 s21, s6;
	[smem:$0x7F5] =	sst s0  }
0x3c: {  	v1 =	vimm.s32 $0x0;
	vm4 =	vcmask $0x2320;
	vm5 =	vcmask $0x2B28;
	s31 =	smul.u32 $0x2710, s1;
	s30 =	sadd.s32 $0x58D800, s7;
	[smem:$0x7F6] =	sst s28  }
0x3d: {  	vm6 =	vcmask $0x3330;
	v4 =	vlaneseq.u32;
	vm7 =	vcmask $0x3B38;
	s14 =	smul.u32 $0x2C0000, s2;
	[smem:$0x7F8] =	sst s30  }
0x3e: {  	vm8 =	vmmov $0xff;
	vm11 =	vcmask $0xF0C;
	vm12 =	vcmask $0x1714;
	s2 =	smul.u32 $0xFFFFEC00, s2;
	s15 =	sadd.s32 s13, s3;
	[smem:$0x7F9] =	sst s31  }
.Ltmp0:
0x3f: {  	vm13 =	vcmask $0x1F1C;
	vm14 =	vcmask $0x2724;
	vm15 =	vcmask $0x2F2C;
	[smem:$0x7FA] =	sst s15;
	(pc) =	sbr.rel .LBB2_1-.Ltmp0, $4  }
0x40: {  	vm9 =	vcmask $0x3734;
	vm10 =	vmmov $0xffff;
	v9 =	vimm.s32 $0x0;
	s25 =	sadd.s32 $0x9D1800, s16;
	s18 =	sadd.s32 s14, s16;
	[smem:$0x7FB] =	sst s11  }
0x41: {  	v3 =	vunpack.c.l.s4.s8 v3;
	v5 =	vmul.u32 $0x2, v4;
	v6 =	vand.u32 $0x7, v4;
	s3 =	sadd.s32 $0xEB3800, s16;
	s5 =	sadd.s32 s17, s18;
	[smem:$0x7FC] =	sst s25  }
0x42: {  	v7 =	vshrl.u32 v4, $0x3;
	v8 =	vor.u32 $0x8, v4;
	v9 =	vsel vm10, $0xFFFFFFFF, v9;
	s29 =	sadd.s32 $0xD800, s5;
	[smem:$0x7FD] =	sst s3  }
0x43: {  	v7 =	vmul.u32 $0x8, v7;
	v3 =	vunpack.c.0.s8.s32 v3;
	s4 =	simm.s32 $0x6;
	v0 =	vmov s2;
	s1 =	simm.s32 $0x0;
	[tilespmem:$0x1FFF0] =	vst v9;
	[smem:$0x7F7] =	sst s29  }
.LBB2_44:
0x44: {  	_ =	swait.ge [sflag:s24], $0x2000  }
0x45: {  	[sflag:s24] =	ssyncset.done $0x0  }
0x46: {  	[sflag:s24] =	ssyncadd.s32 $0xFFFFE000  }
0x47: {  	_ =	swait.ge [sflag:s24], $0x1000  }
0x48: {  	[sflag:s24] =	ssyncset.done $0x0  }
0x49: {  	[sflag:s24] =	ssyncadd.s32 $0xFFFFF000  }
0x4a: {  	_ =	swait.ge [sflag:s25], $0x2000  }
0x4b: {  	[sflag:s25] =	ssyncset.done $0x0  }
0x4c: {  	[sflag:s25] =	ssyncadd.s32 $0xFFFFE000  }
0x4d: {  	_ =	swait.ge [sflag:s25], $0x1000  }
0x4e: {  	s1 =	sld [smem:$0x7DB]  }
0x4f: {  	s0 =	sld [smem:$0x7F6];
	_ =	sdelay $0x1  }
0x50: {  	s1 =	sadd.s32 $0x1, s1  }
0x51: {  	p0 =	sne.s32 s1, s0  }
.Ltmp1:
0x52: {  	_ = 	snop;
	(pc) =	sbr.rel @!p0 .LBB2_45-.Ltmp1, $3  }
0x53: {  	_ =	sdelay $0x1  }
0x54: {  	[sflag:s25] =	ssyncset.done $0x0  }
0x55: {  	[sflag:s25] =	ssyncadd.s32 $0xFFFFF000  }
.LBB2_1:
0x56: {  	[smem:$0x7DB] =	sst s1;
	s3 =	simm.s32 $0x40;
	s5 =	simm.s32 $0x0  }
.LBB2_2:
0x57: {  	p0 =	sne.s32 s3, $0x57C0;
	[tilespmem:s5+$0x800] =	vst v1;
	s9 =	smov.u32 s3;
	s3 =	sadd.s32 $0x40, s3  }
.Ltmp2:
0x58: {  	[tilespmem:s5+$0x1E00] =	vst v2;
	(pc) =	sbr.rel @p0 .LBB2_2-.Ltmp2, $2  }
0x59: {  	_ =	sdelay $0x2  }
0x5a: {  	s5 =	sshra.s32 s9, $0x2  }
0x5b: {  	[tilespmem:s5+$0x800] =	vst v1  }
0x5c: {  	[tilespmem:s5+$0x1E00] =	vst v2  }
0x5d: {  	s14 =	sld [smem:$0x7F9];
	s0 =	simm.s32 $0x0;
	[tilespmem:$0x9C00] =	vst v1  }
.LBB2_4:
0x5e: {  	s29 =	sld [smem:$0x7F9]  }
0x5f: {  	s3 =	smul.u32 $0x7D0, s0  }
0x60: {  	s30 =	sld [smem:$0x7F4]  }
0x61: {  	s3 =	sadd.s32 s29, s3  }
0x62: {  	s3 =	sshrl.u32 s3, $0x3  }
0x63: {  	[smem:$0x7D9] =	sst s0;
	s31 =	simm.s32 $0x0;
	s3 =	sadd.s32 s30, s3  }
0x64: {  	[tilespmem:s31], [sflag:$0x6] =	stream.linear.gather [hbm4b:s3+s31], $0x7D0, $0x38;
	[tilespmem:$0x16B90] =	vst v63  }
0x65: {  	_ =	swait.ge [sflag:s4], $0x7D0  }
0x66: {  	[sflag:s4] =	ssyncset.done $0x0  }
0x67: {  	s15 =	simm.s32 $0x0;
	[smem:$0x7DA] =	sst s14;
	[sflag:s4] =	ssyncadd.s32 $0xFFFFF830  }
.LBB2_5:
0x68: {  	s3 =	sshra.s32 s15, $0x2  }
0x69: {  	v9 =	vld [tilespmem:s3+$0x0];
	_ =	sdelay $0x4  }
0x6a: {  	v9 =	vadd.s32 v0, v9  }
0x6b: {  	(v2sf) =	vpush v9, $0xD;
	_ =	sdelay $0x1  }
0x6c: {  	(v2sf) =	vpush v9, $0xC;
	_ =	sdelay $0x1  }
0x6d: {  	(v2sf) =	vpush v9, $0xE;
	_ =	sdelay $0x1  }
0x6e: {  	(v2sf) =	vpush v9, $0xF;
	_ =	sdelay $0x1  }
0x6f: {  	(v2sf) =	vpush v9, $0x9;
	_ =	sdelay $0x1  }
0x70: {  	(v2sf) =	vpush v9, $0x8;
	_ =	sdelay $0x1  }
0x71: {  	(v2sf) =	vpush v9, $0xA;
	_ =	sdelay $0x1  }
0x72: {  	(v2sf) =	vpush v9, $0xB  }
0x73: {  	(v2sf) =	vpush v9, $0x0;
	s5 =	spop (v2sf)  }
0x74: {  	(v2sf) =	vpush v9, $0x1;
	s16 =	smulhi.u32 $0x66666667, s5;
	s3 =	sshra.s32 s5, $0x1F  }
0x75: {  	s21 =	spop (v2sf);
	s3 =	smul.u32 $0x66666667, s3  }
0x76: {  	s24 =	smulhi.u32 $0x66666667, s21;
	s21 =	sshra.s32 s21, $0x1F  }
0x77: {  	(v2sf) =	vpush v9, $0x2;
	s22 =	spop (v2sf);
	s21 =	smul.u32 $0x66666667, s21  }
0x78: {  	s26 =	smulhi.u32 $0x66666667, s22;
	s22 =	sshra.s32 s22, $0x1F  }
0x79: {  	(v2sf) =	vpush v9, $0x3;
	s23 =	spop (v2sf);
	s28 =	smul.u32 $0x66666667, s22  }
0x7a: {  	(v2sf) =	vpush v9, $0x4;
	s29 =	smulhi.u32 $0x66666667, s23;
	s23 =	sshra.s32 s23, $0x1F  }
0x7b: {  	(v2sf) =	vpush v9, $0x5;
	s25 =	spop (v2sf);
	s17 =	smul.u32 $0x66666667, s23  }
0x7c: {  	(v2sf) =	vpush v9, $0x6;
	s19 =	smulhi.u32 $0x66666667, s25;
	s8 =	sshra.s32 s25, $0x1F  }
0x7d: {  	(v2sf) =	vpush v9, $0x7;
	s6 =	spop (v2sf);
	s7 =	smul.u32 $0x66666667, s8  }
0x7e: {  	s5 =	smulhi.u32 $0x66666667, s6;
	s22 =	sshra.s32 s6, $0x1F  }
0x7f: {  	s30 =	spop (v2sf);
	s12 =	smul.u32 $0x66666667, s22  }
0x80: {  	s11 =	smulhi.u32 $0x66666667, s30;
	s13 =	sshra.s32 s30, $0x1F  }
0x81: {  	s9 =	spop (v2sf);
	s22 =	sadd.s32 s3, s16;
	s1 =	smul.u32 $0x66666667, s13  }
0x82: {  	s4 =	spop (v2sf);
	s31 =	smulhi.u32 $0x66666667, s9;
	s25 =	sshra.s32 s9, $0x1F  }
0x83: {  	s2 =	spop (v2sf);
	s16 =	smul.u32 $0x66666667, s25;
	s25 =	sadd.s32 s21, s24  }
0x84: {  	s0 =	smulhi.u32 $0x66666667, s4;
	s18 =	sshra.s32 s4, $0x1F;
	s4 =	sshrl.u32 s22, $0x1F  }
0x85: {  	s24 =	sadd.s32 s28, s26;
	s21 =	sadd.s32 s17, s29;
	s29 =	sadd.s32 s7, s19  }
0x86: {  	s3 =	sadd.s32 s12, s5;
	s10 =	spop (v2sf);
	s9 =	smul.u32 $0x66666667, s18  }
0x87: {  	s20 =	sshrl.u32 s25, $0x1F;
	s13 =	smulhi.u32 $0x66666667, s2;
	s2 =	sshra.s32 s2, $0x1F  }
0x88: {  	s18 =	sshrl.u32 s24, $0x1F;
	s8 =	spop (v2sf);
	s2 =	smul.u32 $0x66666667, s2  }
0x89: {  	s7 =	smulhi.u32 $0x66666667, s10;
	s10 =	sshra.s32 s10, $0x1F;
	s30 =	spop (v2sf)  }
0x8a: {  	s28 =	sadd.s32 s1, s11;
	s19 =	smul.u32 $0x66666667, s10;
	s6 =	spop (v2sf)  }
0x8b: {  	s1 =	smulhi.u32 $0x66666667, s8;
	s8 =	sshra.s32 s8, $0x1F;
	s23 =	spop (v2sf)  }
0x8c: {  	s17 =	sshrl.u32 s21, $0x1F;
	s8 =	smul.u32 $0x66666667, s8;
	s12 =	spop (v2sf)  }
0x8d: {  	s26 =	sadd.s32 s16, s31;
	s16 =	smulhi.u32 $0x66666667, s12;
	s10 =	sshra.s32 s12, $0x1F  }
0x8e: {  	s11 =	sshrl.u32 s29, $0x1F;
	s0 =	sadd.s32 s9, s0;
	s10 =	smul.u32 $0x66666667, s10  }
0x8f: {  	s5 =	sadd.s32 s19, s7;
	s19 =	smulhi.u32 $0x66666667, s30;
	s30 =	sshra.s32 s30, $0x1F  }
0x90: {  	s9 =	sshrl.u32 s28, $0x1F;
	s12 =	smul.u32 $0x66666667, s30;
	s30 =	sadd.s32 s10, s16  }
0x91: {  	s2 =	sadd.s32 s2, s13;
	s13 =	sshrl.u32 s3, $0x1F;
	s31 =	sshra.s32 s30, $0x1F  }
0x92: {  	v11 =	vmov s20;
	s3 =	sshra.s32 s3, $0x7;
	s20 =	sshrl.u32 s2, $0x1F;
	s16 =	sshra.s32 s0, $0x7;
	v10 =	vmov s31  }
0x93: {  	vm10 =	vcmask $0x704;
	v11 =	vsel vm0, s4, v11;
	s7 =	sadd.s32 s12, s19;
	s19 =	sshrl.u32 s0, $0x1F;
	s0 =	sshra.s32 s0, $0x1F;
	v10 =	vsel vm3, s16, v10  }
0x94: {  	v11 =	vsel vm1, s18, v11;
	v13 =	vmov s13;
	s13 =	sshra.s32 s25, $0x7;
	s1 =	sadd.s32 s8, s1;
	s31 =	sshra.s32 s2, $0x7;
	v10 =	vsel vm10, s0, v10  }
0x95: {  	v11 =	vsel vm2, s17, v11;
	s4 =	smulhi.u32 $0x66666667, s6;
	s6 =	sshra.s32 s6, $0x1F;
	s2 =	sshra.s32 s2, $0x1F;
	v10 =	vsel vm0, s31, v10  }
0x96: {  	v14 =	vmov s3;
	s18 =	sshra.s32 s5, $0x7;
	s6 =	smul.u32 $0x66666667, s6;
	s17 =	sshra.s32 s23, $0x1F;
	v12 =	vmov s19;
	v10 =	vsel vm11, s2, v10  }
0x97: {  	v13 =	vsel vm0, s11, v13;
	s12 =	sshrl.u32 s5, $0x1F;
	s5 =	sshra.s32 s5, $0x1F;
	s10 =	sshrl.u32 s26, $0x1F;
	v12 =	vnsel vm3, $0x0, v12;
	v10 =	vsel vm1, s18, v10  }
0x98: {  	v58 =	vmov s13;
	v12 =	vsel vm0, s20, v12;
	s16 =	smulhi.u32 $0x66666667, s23;
	s23 =	sadd.s32 s6, s4;
	s6 =	sshra.s32 s1, $0x7;
	v10 =	vsel vm12, s5, v10  }
0x99: {  	v13 =	vsel vm1, s9, v13;
	s19 =	sshrl.u32 s1, $0x1F;
	s20 =	smul.u32 $0x66666667, s17;
	v12 =	vsel vm1, s12, v12;
	s1 =	sshra.s32 s1, $0x1F;
	v10 =	vsel vm2, s6, v10  }
0x9a: {  	v13 =	vsel vm2, s10, v13;
	s17 =	sshra.s32 s22, $0x7;
	s12 =	sshra.s32 s7, $0x7;
	v12 =	vsel vm2, s19, v12;
	s31 =	sshrl.u32 s7, $0x1F;
	v10 =	vsel vm13, s1, v10  }
0x9b: {  	v11 =	vcombine.low v13, v11;
	s9 =	sshrl.u32 s23, $0x1F;
	v12 =	vsel vm4, s31, v12;
	s2 =	sadd.s32 s20, s16;
	s16 =	sshra.s32 s7, $0x1F;
	v10 =	vsel vm4, s12, v10  }
0x9c: {  	v13 =	vsel vm0, s17, v58;
	s19 =	sshra.s32 s23, $0x7;
	s20 =	sshra.s32 s24, $0x7;
	v12 =	vsel vm5, s9, v12;
	s18 =	sshra.s32 s29, $0x7;
	v10 =	vsel vm14, s16, v10  }
0x9d: {  	s22 =	sshra.s32 s28, $0x7;
	s0 =	sshra.s32 s23, $0x1F;
	s11 =	sshrl.u32 s2, $0x1F;
	v13 =	vsel vm1, s20, v13;
	v14 =	vsel vm0, s18, v14;
	v10 =	vsel vm5, s19, v10  }
0x9e: {  	s23 =	sshra.s32 s21, $0x7;
	s24 =	sshra.s32 s26, $0x7;
	s25 =	sshra.s32 s2, $0x7;
	v12 =	vsel vm6, s11, v12;
	v14 =	vsel vm1, s22, v14;
	v10 =	vsel vm15, s0, v10  }
0x9f: {  	s26 =	sshrl.u32 s30, $0x1F;
	s28 =	sshra.s32 s2, $0x1F;
	v13 =	vsel vm2, s23, v13;
	v14 =	vsel vm2, s24, v14;
	v10 =	vsel vm6, s25, v10  }
0xa0: {  	s29 =	sshra.s32 s30, $0x7;
	v12 =	vsel vm7, s26, v12;
	v13 =	vcombine.low v14, v13;
	v10 =	vsel vm9, s28, v10  }
0xa1: {  	v11 =	vperm.xlane v11, v3;
	v12 =	vperm.xlane v12, v5;
	v10 =	vsel vm7, s29, v10  }
0xa2: {  	v13 =	vperm.xlane v13, v3;
	v10 =	vperm.xlane v10, v5;
	_ =	sdelay $0x1  }
0xa3: {  	v11 =	vsel vm8, v12, v11;
	v10 =	vsel vm8, v10, v13  }
0xa4: {  	v10 =	vadd.s32 v11, v10  }
0xa5: {  	v11 =	vmul.u32 $0xFFFFFEC0, v10  }
0xa6: {  	v59 =	vsub.s32 $0x0, v9  }
0xa7: {  	vm9 =	vlt.s32 v9, $0x1;
	vm10 =	vne.s32 v11, v59  }
0xa8: {  	vm9 =	vmand vm9, vm10  }
0xa9: {  	v11 =	vsel vm9, $0xFFFFFFFF, v1  }
0xaa: {  	v10 =	vadd.s32 v11, v10  }
0xab: {  	vm9 =	vgt.s32 v10, $0x0  }
0xac: {  	v10 =	vnsel vm9, $0x0, v10  }
0xad: {  	vm9 =	vlt.u32 v9, $0x1400;
	v10 =	vmin.u32 v10, $0xF  }
0xae: {  	(xrf1) =	vunique.msk.u32 vm9, v10;
	_ =	sdelay $0x7  }
0xaf: {  	s6 =	simm.s32 $0x9C00  }
0xb0: {  	v11 =	vld.idx.msk [tilespmem:v10+s6+$0x0], $0xffff;
	_ =	sdelay $0x2  }
0xb1: {  	v60 =	vmul.u32 $0x340, v10  }
0xb2: {  	v63 =	vor.u32 s14, v4  }
0xb3: {  	vm2 =	vmmov vm1;
	vm1 =	vmmov vm0;
	v11 =	vadd.s32 v60, v11;
	_, v61, vm10 =	vpop (xrf1)  }
0xb4: {  	vm0 =	vmmov vm8;
	vm8 =	vmmov vm7;
	v11 =	vadd.s32 v61, v11  }
0xb5: {  	vm7 =	vmmov vm6;
	vm6 =	vmmov vm5;
	v11 =	vadd.s32 $0xFFFFFFFF, v11  }
0xb6: {  	vm5 =	vmmov vm4;
	vm4 =	vmmov vm3;
	vm10 =	vmand vm9, vm10  }
0xb7: {  	p0 =	sne.s32 s15, $0x1F00;
	vm3 =	vmmov vm15;
	vm15 =	vmmov vm14;
	vm14 =	vmmov vm13  }
.Ltmp3:
0xb8: {  	vm13 =	vmmov vm14;
	vm14 =	vmmov vm15;
	v62 =	vmul.u32 $0xFFFFFEC0, v10;
	(pc) =	sbr.rel @p0 .LBB2_5-.Ltmp3, $4  }
0xb9: {  	s30 =	rddreg [dreg:$0x6];
	vm15 =	vmmov vm3;
	vm3 =	vmmov vm4;
	vm4 =	vmmov vm5  }
0xba: {  	s31 =	rddreg [dreg:$0x7];
	vm5 =	vmmov vm6;
	vm6 =	vmmov vm7;
	v9 =	vadd.s32 v9, v62;
	[tilespmem:v11+s30+$0x0] =	vst.idx.msk vm9, v63  }
0xbb: {  	vm7 =	vmmov vm8;
	vm8 =	vmmov vm0;
	vm0 =	vmmov vm1;
	[tilespmem:v11+s31+$0x0] =	vst.idx.msk vm9, v9  }
0xbc: {  	s14 =	sadd.s32 $0x10, s14;
	s15 =	sadd.s32 $0x40, s15;
	vm1 =	vmmov vm2;
	vm2 =	vcmask $0x1B18;
	vm9 =	vcmask $0x3734;
	[tilespmem:v10+s6+$0x0] =	vst.idx.add.s32.msk vm10, v61  }
0xbd: {  	s0 =	sld [smem:$0x7D9];
	_ =	sdelay $0x2  }
0xbe: {  	s0 =	sadd.s32 $0x1, s0  }
0xbf: {  	p0 =	sne.s32 s0, $0x5  }
.Ltmp4:
0xc0: {  	_ = 	snop;
	(pc) =	sbr.rel @p0 .LBB2_4-.Ltmp4, $2  }
0xc1: {  	s14 =	sld [smem:$0x7DA];
	_ =	sdelay $0x2  }
0xc2: {  	s4 =	simm.s32 $0x6;
	s14 =	sadd.s32 $0x7D0, s14  }
0xc3: {  	s11 =	sld [smem:$0x7FB];
	_ =	sdelay $0x2  }
0xc4: {  	s1 =	simm.s32 $0x3400;
	s0 =	sadd.s32 $0x0, s11  }
0xc5: {  	[spmem:s0] =	stream.linear.scatter [tilespmem:s1], [sflag:$0x6], $0x340, $0x38;
	[tilespmem:$0x16B90] =	vst v63  }
0xc6: {  	_ =	swait.ge [sflag:s4], $0x340  }
0xc7: {  	s10 =	sld [smem:$0x7FA];
	_ =	sdelay $0x1  }
0xc8: {  	[sflag:s4] =	ssyncset.done $0x0  }
0xc9: {  	s31 =	simm.s32 $0x6800;
	[sflag:s4] =	ssyncadd.s32 $0xFFFFFCC0;
	s30 =	sadd.s32 $0x0, s10  }
0xca: {  	[spmem:s30] =	stream.linear.scatter [tilespmem:s31], [sflag:$0x6], $0x340, $0x38;
	[tilespmem:$0x16B90] =	vst v63  }
0xcb: {  	_ =	swait.ge [sflag:s4], $0x340  }
0xcc: {  	s5 =	simm.s32 $0x1A00;
	s3 =	simm.s32 $0x340;
	[sflag:s4] =	ssyncset.done $0x0  }
.LBB2_8:
0xcd: {  	s0 =	sadd.s32 s3, s11  }
0xce: {  	s1 =	sadd.s32 $0x3400, s3;
	[sflag:s4] =	ssyncadd.s32 $0xFFFFFCC0;
	s2 =	smov.u32 s5  }
0xcf: {  	[spmem:s0] =	stream.linear.scatter [tilespmem:s1], [sflag:$0x6], $0x340, $0x38;
	[tilespmem:$0x16B90] =	vst v63  }
0xd0: {  	p0 =	sne.s32 s5, $0xC300;
	s5 =	sadd.s32 $0xD00, s5;
	_ =	swait.ge [sflag:s4], $0x340  }
.Ltmp5:
0xd1: {  	[sflag:s4] =	ssyncset.done $0x0;
	(pc) =	sbr.rel @p0 .LBB2_8-.Ltmp5, $4  }
0xd2: {  	s0 =	sadd.s32 s3, s10;
	s1 =	sadd.s32 $0x6800, s3;
	[sflag:s4] =	ssyncadd.s32 $0xFFFFFCC0  }
0xd3: {  	[spmem:s0] =	stream.linear.scatter [tilespmem:s1], [sflag:$0x6], $0x340, $0x38;
	[tilespmem:$0x16B90] =	vst v63  }
0xd4: {  	_ =	swait.ge [sflag:s4], $0x340  }
0xd5: {  	s3 =	sshra.s32 s2, $0x2;
	[sflag:s4] =	ssyncset.done $0x0  }
0xd6: {  	s0 =	sadd.s32 s3, s11;
	s1 =	sadd.s32 $0x3400, s3;
	[sflag:s4] =	ssyncadd.s32 $0xFFFFFCC0  }
0xd7: {  	[spmem:s0] =	stream.linear.scatter [tilespmem:s1], [sflag:$0x6], $0x340, $0x38;
	[tilespmem:$0x16B90] =	vst v63  }
0xd8: {  	_ =	swait.ge [sflag:s4], $0x340  }
0xd9: {  	[sflag:s4] =	ssyncset.done $0x0  }
0xda: {  	s23 =	sadd.s32 s3, s10;
	s24 =	sadd.s32 $0x6800, s3;
	[sflag:s4] =	ssyncadd.s32 $0xFFFFFCC0  }
0xdb: {  	[spmem:s23] =	stream.linear.scatter [tilespmem:s24], [sflag:$0x6], $0x340, $0x38;
	[tilespmem:$0x16B90] =	vst v63  }
0xdc: {  	_ =	swait.ge [sflag:s4], $0x340  }
0xdd: {  	s25 =	sld [smem:$0x7F5]  }
0xde: {  	[sflag:s4] =	ssyncset.done $0x0  }
0xdf: {  	[sflag:s4] =	ssyncadd.s32 $0xFFFFFCC0  }
0xe0: {  	[spmem:s25] =	stream.linear.scatter [tilespmem:s6], [sflag:$0x6], $0x10, $0x38;
	[tilespmem:$0x16B90] =	vst v63  }
0xe1: {  	_ =	swait.ge [sflag:s4], $0x10  }
0xe2: {  	[sflag:s4] =	ssyncset.done $0x0  }
0xe3: {  	[sflag:s4] =	ssyncadd.s32 $0xFFFFFFF0  }
0xe4: {  	[bflag:$0x0] =	sbarrier.arrive $0xFFFF  }
0xe5: {  	s28 =	simm.s32 $0x1;
	s0 =	simm.s32 $0x0;
	s26 =	rddreg [dreg:$0x4]  }
0xe6: {  	[smem:s0], [sflag:$0x1] =	stream.linear.gather [spmem:s26], $0x100, $0x38;
	[tilespmem:$0x16B90] =	vst v63  }
0xe7: {  	_ =	swait.ge [sflag:s28], $0x100  }
0xe8: {  	[sflag:s28] =	ssyncset.done $0x0  }
0xe9: {  	s29 =	rddreg [dreg:$0x9];
	[sflag:s28] =	ssyncadd.s32 $0xFFFFFF00  }
0xea: {  	s3 =	simm.s32 $0x9C80;
	[smem:$0x100] =	sst s0  }
0xeb: {  	[tilespmem:s3], [sflag:$0x6] =	stream.linear.gather [spmem:s29], $0x340, $0x38;
	[tilespmem:$0x16B90] =	vst v63  }
0xec: {  	_ =	swait.ge [sflag:s4], $0x340  }
0xed: {  	[sflag:s4] =	ssyncset.done $0x0  }
0xee: {  	s9 =	simm.s32 $0xA000;
	s30 =	rddreg [dreg:$0xa];
	[sflag:s4] =	ssyncadd.s32 $0xFFFFFCC0  }
0xef: {  	[tilespmem:s9], [sflag:$0x6] =	stream.linear.gather [spmem:s30], $0x340, $0x38;
	[tilespmem:$0x16B90] =	vst v63  }
0xf0: {  	_ =	swait.ge [sflag:s4], $0x340  }
0xf1: {  	[sflag:s4] =	ssyncset.done $0x0  }
0xf2: {  	s31 =	stileid.u32;
	[sflag:s4] =	ssyncadd.s32 $0xFFFFFCC0  }
0xf3: {  	s5 =	sld [smem:s31+$0x0];
	_ =	sdelay $0x2  }
0xf4: {  	p0 =	sle.s32 s5, $0x0  }
0xf5: {  	v10 =	vld @!p0 [tilespmem:s3+$0x0];
	_ =	sdelay $0x1  }
0xf6: {  	v11 =	vlaneseq.u32 @!p0  }
0xf7: {  	v9 =	vmov s5;
	v11 =	vor.u32 @!p0 s0, v11  }
0xf8: {  	s13 =	simm.s32 $0x800;
	vm9 =	vlt.s32 @!p0 v11, v9  }
0xf9: {  	[tilespmem:s13+$0x0] =	vst.msk @!p0 vm9, v10  }
0xfa: {  	v10 =	vld @!p0 [tilespmem:s9+$0x0]  }
0xfb: {  	s14 =	simm.s32 $0x1E00;
	s15 =	simm.s32 $0x10  }
0xfc: {  	s2 =	simm.s32 $0x0;
	s7 =	simm.s32 $0x9C80;
	s8 =	simm.s32 $0xA000  }
0xfd: {  	s12 =	simm.s32 $0xB380;
	s17 =	simm.s32 $0xC380;
	s18 =	simm.s32 $0xCB80  }
0xfe: {  	s19 =	simm.s32 $0xD380;
	s20 =	simm.s32 $0xDB80;
	s6 =	sld [smem:$0x7FC]  }
.LBB2_10:
0xff: {  	[tilespmem:s14+$0x0] =	vst.msk @!p0 vm9, v10;
	p0 =	sge.s32 s15, s5  }
0x100: {  	s3 =	sadd.s32 $0x10, s3;
	s0 =	smov.u32 s15;
	s15 =	sadd.s32 $0x10, s15  }
0x101: {  	v10 =	vld @!p0 [tilespmem:s3+$0x0];
	p1 =	sne.s32 s15, $0x340;
	_ =	sdelay $0x1  }
0x102: {  	v11 =	vlaneseq.u32 @!p0  }
0x103: {  	v11 =	vor.u32 @!p0 s0, v11  }
0x104: {  	s13 =	sadd.s32 $0x10, s13;
	vm9 =	vlt.s32 @!p0 v11, v9  }
0x105: {  	s9 =	sadd.s32 $0x10, s9;
	[tilespmem:s13+$0x0] =	vst.msk @!p0 vm9, v10  }
.Ltmp6:
0x106: {  	v10 =	vld @!p0 [tilespmem:s9+$0x0];
	(pc) =	sbr.rel @p1 .LBB2_10-.Ltmp6, $2  }
0x107: {  	_ =	sdelay $0x2  }
0x108: {  	s14 =	sadd.s32 $0x10, s14  }
0x109: {  	[tilespmem:s14+$0x0] =	vst.msk @!p0 vm9, v10;
	s3 =	simm.s32 $0x9C80;
	s0 =	rddreg [dreg:$0xc]  }
0x10a: {  	[tilespmem:s3], [sflag:$0x6] =	stream.linear.gather [spmem:s0], $0x340, $0x38;
	[tilespmem:$0x16B90] =	vst v63  }
0x10b: {  	_ =	swait.ge [sflag:s4], $0x340  }
0x10c: {  	[sflag:s4] =	ssyncset.done $0x0  }
0x10d: {  	s9 =	simm.s32 $0xA000;
	s29 =	rddreg [dreg:$0xe];
	[sflag:s4] =	ssyncadd.s32 $0xFFFFFCC0  }
0x10e: {  	[tilespmem:s9], [sflag:$0x6] =	stream.linear.gather [spmem:s29], $0x340, $0x38;
	[tilespmem:$0x16B90] =	vst v63  }
0x10f: {  	_ =	swait.ge [sflag:s4], $0x340  }
0x110: {  	[sflag:s4] =	ssyncset.done $0x0  }
0x111: {  	s30 =	rddreg [dreg:$0x8];
	[sflag:s4] =	ssyncadd.s32 $0xFFFFFCC0  }
0x112: {  	s13 =	sld [smem:s30+$0x0];
	_ =	sdelay $0x2  }
0x113: {  	p0 =	sle.s32 s13, $0x0  }
0x114: {  	v10 =	vld @!p0 [tilespmem:s3+$0x0];
	_ =	sdelay $0x1  }
0x115: {  	s31 =	sshll.u32 s5, $0x2;
	s1 =	simm.s32 $0x0;
	v11 =	vlaneseq.u32 @!p0  }
0x116: {  	s0 =	sshra.s32 s31, $0x2;
	v9 =	vmov s13;
	v11 =	vor.u32 @!p0 s1, v11  }
0x117: {  	s14 =	sadd.s32 $0x800, s0;
	vm9 =	vlt.s32 @!p0 v11, v9  }
0x118: {  	[tilespmem:s14+$0x0] =	vst.msk @!p0 vm9, v10  }
0x119: {  	v10 =	vld @!p0 [tilespmem:s9+$0x0];
	_ =	sdelay $0x3  }
0x11a: {  	s21 =	simm.s32 $0x10;
	s15 =	sadd.s32 $0x1E00, s0  }
.LBB2_12:
0x11b: {  	[tilespmem:s15+$0x0] =	vst.msk @!p0 vm9, v10;
	p0 =	sge.s32 s21, s13  }
0x11c: {  	s3 =	sadd.s32 $0x10, s3;
	s0 =	smov.u32 s21;
	s21 =	sadd.s32 $0x10, s21  }
0x11d: {  	v10 =	vld @!p0 [tilespmem:s3+$0x0];
	p1 =	sne.s32 s21, $0x340;
	_ =	sdelay $0x1  }
0x11e: {  	v11 =	vlaneseq.u32 @!p0  }
0x11f: {  	v11 =	vor.u32 @!p0 s0, v11  }
0x120: {  	s14 =	sadd.s32 $0x10, s14;
	vm9 =	vlt.s32 @!p0 v11, v9  }
0x121: {  	s9 =	sadd.s32 $0x10, s9;
	[tilespmem:s14+$0x0] =	vst.msk @!p0 vm9, v10  }
.Ltmp7:
0x122: {  	v10 =	vld @!p0 [tilespmem:s9+$0x0];
	(pc) =	sbr.rel @p1 .LBB2_12-.Ltmp7, $2  }
0x123: {  	_ =	sdelay $0x2  }
0x124: {  	s15 =	sadd.s32 $0x10, s15  }
0x125: {  	s31 =	sadd.s32 s5, s13;
	s0 =	rddreg [dreg:$0x10]  }
0x126: {  	[tilespmem:s15+$0x0] =	vst.msk @!p0 vm9, v10;
	s3 =	simm.s32 $0x9C80;
	[smem:$0x100] =	sst s31  }
0x127: {  	[tilespmem:s3], [sflag:$0x6] =	stream.linear.gather [spmem:s0], $0x340, $0x38;
	[tilespmem:$0x16B90] =	vst v63  }
0x128: {  	_ =	swait.ge [sflag:s4], $0x340  }
0x129: {  	[sflag:s4] =	ssyncset.done $0x0  }
0x12a: {  	s9 =	simm.s32 $0xA000;
	s28 =	rddreg [dreg:$0x11];
	[sflag:s4] =	ssyncadd.s32 $0xFFFFFCC0  }
0x12b: {  	[tilespmem:s9], [sflag:$0x6] =	stream.linear.gather [spmem:s28], $0x340, $0x38;
	[tilespmem:$0x16B90] =	vst v63  }
0x12c: {  	_ =	swait.ge [sflag:s4], $0x340  }
0x12d: {  	[sflag:s4] =	ssyncset.done $0x0  }
0x12e: {  	s29 =	rddreg [dreg:$0xb];
	[sflag:s4] =	ssyncadd.s32 $0xFFFFFCC0  }
0x12f: {  	s5 =	sld [smem:s29+$0x0];
	_ =	sdelay $0x2  }
0x130: {  	p0 =	sle.s32 s5, $0x0  }
0x131: {  	v10 =	vld @!p0 [tilespmem:s3+$0x0];
	_ =	sdelay $0x1  }
0x132: {  	s1 =	simm.s32 $0x0;
	s30 =	sshll.u32 s31, $0x2;
	v11 =	vlaneseq.u32 @!p0  }
0x133: {  	s0 =	sshra.s32 s30, $0x2;
	v9 =	vmov s5;
	v11 =	vor.u32 @!p0 s1, v11  }
0x134: {  	s13 =	sadd.s32 $0x800, s0;
	vm9 =	vlt.s32 @!p0 v11, v9  }
0x135: {  	[tilespmem:s13+$0x0] =	vst.msk @!p0 vm9, v10  }
0x136: {  	v10 =	vld @!p0 [tilespmem:s9+$0x0];
	_ =	sdelay $0x3  }
0x137: {  	s15 =	simm.s32 $0x10;
	s14 =	sadd.s32 $0x1E00, s0  }
.LBB2_14:
0x138: {  	[tilespmem:s14+$0x0] =	vst.msk @!p0 vm9, v10;
	p0 =	sge.s32 s15, s5  }
0x139: {  	s3 =	sadd.s32 $0x10, s3;
	s0 =	smov.u32 s15;
	s15 =	sadd.s32 $0x10, s15  }
0x13a: {  	v10 =	vld @!p0 [tilespmem:s3+$0x0];
	p1 =	sne.s32 s15, $0x340;
	_ =	sdelay $0x1  }
0x13b: {  	v11 =	vlaneseq.u32 @!p0  }
0x13c: {  	v11 =	vor.u32 @!p0 s0, v11  }
0x13d: {  	s13 =	sadd.s32 $0x10, s13;
	vm9 =	vlt.s32 @!p0 v11, v9  }
0x13e: {  	s9 =	sadd.s32 $0x10, s9;
	[tilespmem:s13+$0x0] =	vst.msk @!p0 vm9, v10  }
.Ltmp8:
0x13f: {  	v10 =	vld @!p0 [tilespmem:s9+$0x0];
	(pc) =	sbr.rel @p1 .LBB2_14-.Ltmp8, $2  }
0x140: {  	_ =	sdelay $0x2  }
0x141: {  	s14 =	sadd.s32 $0x10, s14  }
0x142: {  	[tilespmem:s14+$0x0] =	vst.msk @!p0 vm9, v10;
	s3 =	simm.s32 $0x9C80;
	s0 =	rddreg [dreg:$0x12]  }
0x143: {  	[tilespmem:s3], [sflag:$0x6] =	stream.linear.gather [spmem:s0], $0x340, $0x38;
	[tilespmem:$0x16B90] =	vst v63  }
0x144: {  	_ =	swait.ge [sflag:s4], $0x340  }
0x145: {  	[sflag:s4] =	ssyncset.done $0x0  }
0x146: {  	s9 =	simm.s32 $0xA000;
	s28 =	rddreg [dreg:$0x13];
	[sflag:s4] =	ssyncadd.s32 $0xFFFFFCC0  }
0x147: {  	[tilespmem:s9], [sflag:$0x6] =	stream.linear.gather [spmem:s28], $0x340, $0x38;
	[tilespmem:$0x16B90] =	vst v63  }
0x148: {  	_ =	swait.ge [sflag:s4], $0x340  }
0x149: {  	[sflag:s4] =	ssyncset.done $0x0  }
0x14a: {  	s29 =	rddreg [dreg:$0xd];
	[sflag:s4] =	ssyncadd.s32 $0xFFFFFCC0  }
0x14b: {  	s14 =	sld [smem:s29+$0x0];
	_ =	sdelay $0x2  }
0x14c: {  	p0 =	sle.s32 s14, $0x0  }
0x14d: {  	v10 =	vld @!p0 [tilespmem:s3+$0x0]  }
0x14e: {  	s13 =	sadd.s32 s31, s5  }
0x14f: {  	s1 =	simm.s32 $0x0;
	s30 =	sshll.u32 s13, $0x2;
	v11 =	vlaneseq.u32 @!p0  }
0x150: {  	s0 =	sshra.s32 s30, $0x2;
	v9 =	vmov s14;
	v11 =	vor.u32 @!p0 s1, v11  }
0x151: {  	s15 =	sadd.s32 $0x800, s0;
	vm9 =	vlt.s32 @!p0 v11, v9  }
0x152: {  	[tilespmem:s15+$0x0] =	vst.msk @!p0 vm9, v10  }
0x153: {  	v10 =	vld @!p0 [tilespmem:s9+$0x0];
	_ =	sdelay $0x3  }
0x154: {  	s22 =	simm.s32 $0x10;
	s21 =	sadd.s32 $0x1E00, s0  }
.LBB2_16:
0x155: {  	[tilespmem:s21+$0x0] =	vst.msk @!p0 vm9, v10;
	p0 =	sge.s32 s22, s14  }
0x156: {  	s3 =	sadd.s32 $0x10, s3;
	s0 =	smov.u32 s22;
	s22 =	sadd.s32 $0x10, s22  }
0x157: {  	v10 =	vld @!p0 [tilespmem:s3+$0x0];
	p1 =	sne.s32 s22, $0x340;
	_ =	sdelay $0x1  }
0x158: {  	v11 =	vlaneseq.u32 @!p0  }
0x159: {  	v11 =	vor.u32 @!p0 s0, v11  }
0x15a: {  	s15 =	sadd.s32 $0x10, s15;
	vm9 =	vlt.s32 @!p0 v11, v9  }
0x15b: {  	s9 =	sadd.s32 $0x10, s9;
	[tilespmem:s15+$0x0] =	vst.msk @!p0 vm9, v10  }
.Ltmp9:
0x15c: {  	v10 =	vld @!p0 [tilespmem:s9+$0x0];
	(pc) =	sbr.rel @p1 .LBB2_16-.Ltmp9, $2  }
0x15d: {  	_ =	sdelay $0x2  }
0x15e: {  	s21 =	sadd.s32 $0x10, s21  }
0x15f: {  	s3 =	sadd.s32 s13, s14;
	s0 =	rddreg [dreg:$0x14]  }
0x160: {  	[tilespmem:s21+$0x0] =	vst.msk @!p0 vm9, v10;
	s13 =	simm.s32 $0x9C80;
	[smem:$0x100] =	sst s3  }
0x161: {  	[tilespmem:s13], [sflag:$0x6] =	stream.linear.gather [spmem:s0], $0x340, $0x38;
	[tilespmem:$0x16B90] =	vst v63  }
0x162: {  	_ =	swait.ge [sflag:s4], $0x340  }
0x163: {  	[sflag:s4] =	ssyncset.done $0x0  }
0x164: {  	s15 =	simm.s32 $0xA000;
	s28 =	rddreg [dreg:$0x15];
	[sflag:s4] =	ssyncadd.s32 $0xFFFFFCC0  }
0x165: {  	[tilespmem:s15], [sflag:$0x6] =	stream.linear.gather [spmem:s28], $0x340, $0x38;
	[tilespmem:$0x16B90] =	vst v63  }
0x166: {  	_ =	swait.ge [sflag:s4], $0x340  }
0x167: {  	[sflag:s4] =	ssyncset.done $0x0  }
0x168: {  	s29 =	rddreg [dreg:$0xf];
	[sflag:s4] =	ssyncadd.s32 $0xFFFFFCC0  }
0x169: {  	s9 =	sld [smem:s29+$0x0];
	_ =	sdelay $0x2  }
0x16a: {  	p0 =	sle.s32 s9, $0x0  }
0x16b: {  	v10 =	vld @!p0 [tilespmem:s13+$0x0];
	_ =	sdelay $0x1  }
0x16c: {  	s1 =	simm.s32 $0x0;
	s30 =	sshll.u32 s3, $0x2;
	v11 =	vlaneseq.u32 @!p0  }
0x16d: {  	s0 =	sshra.s32 s30, $0x2;
	v9 =	vmov s9;
	v11 =	vor.u32 @!p0 s1, v11  }
0x16e: {  	s21 =	sadd.s32 $0x800, s0;
	vm9 =	vlt.s32 @!p0 v11, v9  }
0x16f: {  	[tilespmem:s21+$0x0] =	vst.msk @!p0 vm9, v10  }
0x170: {  	v10 =	vld @!p0 [tilespmem:s15+$0x0];
	_ =	sdelay $0x3  }
0x171: {  	s23 =	simm.s32 $0x10;
	s22 =	sadd.s32 $0x1E00, s0  }
.LBB2_18:
0x172: {  	[tilespmem:s22+$0x0] =	vst.msk @!p0 vm9, v10;
	p0 =	sge.s32 s23, s9  }
0x173: {  	s13 =	sadd.s32 $0x10, s13;
	s0 =	smov.u32 s23;
	s23 =	sadd.s32 $0x10, s23  }
0x174: {  	v10 =	vld @!p0 [tilespmem:s13+$0x0];
	p1 =	sne.s32 s23, $0x340;
	_ =	sdelay $0x1  }
0x175: {  	v11 =	vlaneseq.u32 @!p0  }
0x176: {  	v11 =	vor.u32 @!p0 s0, v11  }
0x177: {  	s21 =	sadd.s32 $0x10, s21;
	vm9 =	vlt.s32 @!p0 v11, v9  }
0x178: {  	s15 =	sadd.s32 $0x10, s15;
	[tilespmem:s21+$0x0] =	vst.msk @!p0 vm9, v10  }
.Ltmp10:
0x179: {  	v10 =	vld @!p0 [tilespmem:s15+$0x0];
	(pc) =	sbr.rel @p1 .LBB2_18-.Ltmp10, $2  }
0x17a: {  	_ =	sdelay $0x2  }
0x17b: {  	s22 =	sadd.s32 $0x10, s22  }
0x17c: {  	[tilespmem:s22+$0x0] =	vst.msk @!p0 vm9, v10;
	s13 =	simm.s32 $0x9C80;
	s0 =	rddreg [dreg:$0x1a]  }
0x17d: {  	[tilespmem:s13], [sflag:$0x6] =	stream.linear.gather [spmem:s0], $0x340, $0x38;
	[tilespmem:$0x16B90] =	vst v63  }
0x17e: {  	_ =	swait.ge [sflag:s4], $0x340  }
0x17f: {  	[sflag:s4] =	ssyncset.done $0x0  }
0x180: {  	s15 =	simm.s32 $0xA000;
	s28 =	rddreg [dreg:$0x1b];
	[sflag:s4] =	ssyncadd.s32 $0xFFFFFCC0  }
0x181: {  	[tilespmem:s15], [sflag:$0x6] =	stream.linear.gather [spmem:s28], $0x340, $0x38;
	[tilespmem:$0x16B90] =	vst v63  }
0x182: {  	_ =	swait.ge [sflag:s4], $0x340  }
0x183: {  	[sflag:s4] =	ssyncset.done $0x0  }
0x184: {  	s29 =	rddreg [dreg:$0x16];
	[sflag:s4] =	ssyncadd.s32 $0xFFFFFCC0  }
0x185: {  	s21 =	sld [smem:s29+$0x0];
	_ =	sdelay $0x2  }
0x186: {  	p0 =	sle.s32 s21, $0x0  }
0x187: {  	v10 =	vld @!p0 [tilespmem:s13+$0x0]  }
0x188: {  	s3 =	sadd.s32 s3, s9  }
0x189: {  	s1 =	simm.s32 $0x0;
	s30 =	sshll.u32 s3, $0x2;
	v11 =	vlaneseq.u32 @!p0  }
0x18a: {  	s0 =	sshra.s32 s30, $0x2;
	v9 =	vmov s21;
	v11 =	vor.u32 @!p0 s1, v11  }
0x18b: {  	s22 =	sadd.s32 $0x800, s0;
	vm9 =	vlt.s32 @!p0 v11, v9  }
0x18c: {  	[tilespmem:s22+$0x0] =	vst.msk @!p0 vm9, v10  }
0x18d: {  	v10 =	vld @!p0 [tilespmem:s15+$0x0];
	_ =	sdelay $0x3  }
0x18e: {  	s24 =	simm.s32 $0x10;
	s23 =	sadd.s32 $0x1E00, s0  }
.LBB2_20:
0x18f: {  	[tilespmem:s23+$0x0] =	vst.msk @!p0 vm9, v10;
	p0 =	sge.s32 s24, s21  }
0x190: {  	s13 =	sadd.s32 $0x10, s13;
	s0 =	smov.u32 s24;
	s24 =	sadd.s32 $0x10, s24  }
0x191: {  	v10 =	vld @!p0 [tilespmem:s13+$0x0];
	p1 =	sne.s32 s24, $0x340;
	_ =	sdelay $0x1  }
0x192: {  	v11 =	vlaneseq.u32 @!p0  }
0x193: {  	v11 =	vor.u32 @!p0 s0, v11  }
0x194: {  	s22 =	sadd.s32 $0x10, s22;
	vm9 =	vlt.s32 @!p0 v11, v9  }
0x195: {  	s15 =	sadd.s32 $0x10, s15;
	[tilespmem:s22+$0x0] =	vst.msk @!p0 vm9, v10  }
.Ltmp11:
0x196: {  	v10 =	vld @!p0 [tilespmem:s15+$0x0];
	(pc) =	sbr.rel @p1 .LBB2_20-.Ltmp11, $2  }
0x197: {  	_ =	sdelay $0x2  }
0x198: {  	s23 =	sadd.s32 $0x10, s23  }
0x199: {  	s3 =	sadd.s32 s3, s21;
	s0 =	rddreg [dreg:$0x1c]  }
0x19a: {  	[tilespmem:s23+$0x0] =	vst.msk @!p0 vm9, v10;
	s13 =	simm.s32 $0x9C80;
	[smem:$0x100] =	sst s3  }
0x19b: {  	[tilespmem:s13], [sflag:$0x6] =	stream.linear.gather [spmem:s0], $0x340, $0x38;
	[tilespmem:$0x16B90] =	vst v63  }
0x19c: {  	_ =	swait.ge [sflag:s4], $0x340  }
0x19d: {  	[sflag:s4] =	ssyncset.done $0x0  }
0x19e: {  	s15 =	simm.s32 $0xA000;
	s28 =	rddreg [dreg:$0x1d];
	[sflag:s4] =	ssyncadd.s32 $0xFFFFFCC0  }
0x19f: {  	[tilespmem:s15], [sflag:$0x6] =	stream.linear.gather [spmem:s28], $0x340, $0x38;
	[tilespmem:$0x16B90] =	vst v63  }
0x1a0: {  	_ =	swait.ge [sflag:s4], $0x340  }
0x1a1: {  	[sflag:s4] =	ssyncset.done $0x0  }
0x1a2: {  	s29 =	rddreg [dreg:$0x17];
	[sflag:s4] =	ssyncadd.s32 $0xFFFFFCC0  }
0x1a3: {  	s22 =	sld [smem:s29+$0x0];
	_ =	sdelay $0x2  }
0x1a4: {  	p0 =	sle.s32 s22, $0x0  }
0x1a5: {  	v10 =	vld @!p0 [tilespmem:s13+$0x0];
	_ =	sdelay $0x1  }
0x1a6: {  	s1 =	simm.s32 $0x0;
	s30 =	sshll.u32 s3, $0x2;
	v11 =	vlaneseq.u32 @!p0  }
0x1a7: {  	s0 =	sshra.s32 s30, $0x2;
	v9 =	vmov s22;
	v11 =	vor.u32 @!p0 s1, v11  }
0x1a8: {  	s23 =	sadd.s32 $0x800, s0;
	vm9 =	vlt.s32 @!p0 v11, v9  }
0x1a9: {  	[tilespmem:s23+$0x0] =	vst.msk @!p0 vm9, v10  }
0x1aa: {  	v10 =	vld @!p0 [tilespmem:s15+$0x0];
	_ =	sdelay $0x3  }
0x1ab: {  	s25 =	simm.s32 $0x10;
	s24 =	sadd.s32 $0x1E00, s0  }
.LBB2_22:
0x1ac: {  	[tilespmem:s24+$0x0] =	vst.msk @!p0 vm9, v10;
	p0 =	sge.s32 s25, s22  }
0x1ad: {  	s13 =	sadd.s32 $0x10, s13;
	s0 =	smov.u32 s25;
	s25 =	sadd.s32 $0x10, s25  }
0x1ae: {  	v10 =	vld @!p0 [tilespmem:s13+$0x0];
	p1 =	sne.s32 s25, $0x340;
	_ =	sdelay $0x1  }
0x1af: {  	v11 =	vlaneseq.u32 @!p0  }
0x1b0: {  	v11 =	vor.u32 @!p0 s0, v11  }
0x1b1: {  	s23 =	sadd.s32 $0x10, s23;
	vm9 =	vlt.s32 @!p0 v11, v9  }
0x1b2: {  	s15 =	sadd.s32 $0x10, s15;
	[tilespmem:s23+$0x0] =	vst.msk @!p0 vm9, v10  }
.Ltmp12:
0x1b3: {  	v10 =	vld @!p0 [tilespmem:s15+$0x0];
	(pc) =	sbr.rel @p1 .LBB2_22-.Ltmp12, $2  }
0x1b4: {  	_ =	sdelay $0x2  }
0x1b5: {  	s24 =	sadd.s32 $0x10, s24  }
0x1b6: {  	[tilespmem:s24+$0x0] =	vst.msk @!p0 vm9, v10;
	s0 =	rddreg [dreg:$0x1f]  }
0x1b7: {  	[tilespmem:s7], [sflag:$0x6] =	stream.linear.gather [spmem:s0], $0x340, $0x38;
	[tilespmem:$0x16B90] =	vst v63  }
0x1b8: {  	_ =	swait.ge [sflag:s4], $0x340  }
0x1b9: {  	s26 =	sld [smem:$0x7DC]  }
0x1ba: {  	[sflag:s4] =	ssyncset.done $0x0  }
0x1bb: {  	[sflag:s4] =	ssyncadd.s32 $0xFFFFFCC0  }
0x1bc: {  	[tilespmem:s8], [sflag:$0x6] =	stream.linear.gather [spmem:s26], $0x340, $0x38;
	[tilespmem:$0x16B90] =	vst v63  }
0x1bd: {  	_ =	swait.ge [sflag:s4], $0x340  }
0x1be: {  	[sflag:s4] =	ssyncset.done $0x0  }
0x1bf: {  	s28 =	rddreg [dreg:$0x19];
	[sflag:s4] =	ssyncadd.s32 $0xFFFFFCC0  }
0x1c0: {  	s13 =	sld [smem:s28+$0x0];
	_ =	sdelay $0x2  }
0x1c1: {  	s3 =	sadd.s32 s3, s22;
	p0 =	sle.s32 s13, $0x0  }
0x1c2: {  	s1 =	simm.s32 $0x0;
	s29 =	sshll.u32 s3, $0x2;
	v10 =	vlaneseq.u32 @!p0  }
0x1c3: {  	s0 =	sshra.s32 s29, $0x2;
	v9 =	vmov s13;
	v10 =	vor.u32 @!p0 s1, v10  }
0x1c4: {  	s30 =	sadd.s32 $0x800, s0;
	s15 =	simm.s32 @!p0 $0x0;
	vm9 =	vlt.s32 @!p0 v10, v9;
	p0 =	por p0, p0  }
0x1c5: {  	v10 =	vmov s30;
	v11 =	vld @!p0 [tilespmem:s15+$0x9C80];
	_ =	sdelay $0x4  }
0x1c6: {  	s0 =	sadd.s32 $0x1E00, s0;
	[tilespmem:v10+s15+$0x0 ss:$0x1] =	vst.idx.msk @!p0 vm9, v11  }
0x1c7: {  	v11 =	vmov s0;
	v12 =	vld @!p0 [tilespmem:s15+$0xA000]  }
0x1c8: {  	s23 =	simm.s32 $0x40;
	s24 =	simm.s32 $0x10  }
.LBB2_24:
0x1c9: {  	p2 =	sge.s32 s24, s13;
	s0 =	smov.u32 s23;
	s23 =	sadd.s32 $0x40, s23  }
0x1ca: {  	v13 =	vlaneseq.u32 @!p2;
	p1 =	sne.s32 s23, $0xD00  }
0x1cb: {  	v13 =	vor.u32 @!p2 s24, v13  }
0x1cc: {  	[tilespmem:v11+s15+$0x0 ss:$0x1] =	vst.idx.msk @!p0 vm9, v12;
	s15 =	sshra.s32 @!p2 s0, $0x2;
	vm9 =	vlt.s32 @!p2 v13, v9;
	p0 =	por p2, p2  }
0x1cd: {  	v12 =	vld @!p0 [tilespmem:s15+$0x9C80];
	_ =	sdelay $0x2  }
.Ltmp13:
0x1ce: {  	(pc) =	sbr.rel @p1 .LBB2_24-.Ltmp13, $4  }
0x1cf: {  	_ = 	snop  }
0x1d0: {  	[tilespmem:v10+s15+$0x0 ss:$0x1] =	vst.idx.msk @!p0 vm9, v12  }
0x1d1: {  	v12 =	vld @!p0 [tilespmem:s15+$0xA000]  }
0x1d2: {  	s24 =	sadd.s32 $0x10, s24  }
0x1d3: {  	_ =	sdelay $0x2  }
0x1d4: {  	s0 =	sld [smem:$0x7DE]  }
0x1d5: {  	s3 =	sadd.s32 s3, s13  }
0x1d6: {  	[smem:$0x100] =	sst s3;
	[tilespmem:v11+s15+$0x0 ss:$0x1] =	vst.idx.msk @!p0 vm9, v12  }
0x1d7: {  	[tilespmem:s7], [sflag:$0x6] =	stream.linear.gather [spmem:s0], $0x340, $0x38;
	[tilespmem:$0x16B90] =	vst v63  }
0x1d8: {  	_ =	swait.ge [sflag:s4], $0x340  }
0x1d9: {  	s26 =	sld [smem:$0x7DF]  }
0x1da: {  	[sflag:s4] =	ssyncset.done $0x0  }
0x1db: {  	[sflag:s4] =	ssyncadd.s32 $0xFFFFFCC0  }
0x1dc: {  	[tilespmem:s8], [sflag:$0x6] =	stream.linear.gather [spmem:s26], $0x340, $0x38;
	[tilespmem:$0x16B90] =	vst v63  }
0x1dd: {  	_ =	swait.ge [sflag:s4], $0x340  }
0x1de: {  	[sflag:s4] =	ssyncset.done $0x0  }
0x1df: {  	s28 =	rddreg [dreg:$0x1e];
	[sflag:s4] =	ssyncadd.s32 $0xFFFFFCC0  }
0x1e0: {  	s15 =	sld [smem:s28+$0x0];
	_ =	sdelay $0x2  }
0x1e1: {  	p0 =	sle.s32 s15, $0x0  }
0x1e2: {  	s1 =	simm.s32 $0x0;
	s29 =	sshll.u32 s3, $0x2;
	v10 =	vlaneseq.u32 @!p0  }
0x1e3: {  	s0 =	sshra.s32 s29, $0x2;
	v9 =	vmov s15;
	v10 =	vor.u32 @!p0 s1, v10  }
0x1e4: {  	s30 =	sadd.s32 $0x800, s0;
	s23 =	simm.s32 @!p0 $0x0;
	vm9 =	vlt.s32 @!p0 v10, v9;
	p0 =	por p0, p0  }
0x1e5: {  	v10 =	vmov s30;
	v11 =	vld @!p0 [tilespmem:s23+$0x9C80];
	_ =	sdelay $0x4  }
0x1e6: {  	s0 =	sadd.s32 $0x1E00, s0;
	[tilespmem:v10+s23+$0x0 ss:$0x1] =	vst.idx.msk @!p0 vm9, v11  }
0x1e7: {  	v11 =	vmov s0;
	v12 =	vld @!p0 [tilespmem:s23+$0xA000]  }
0x1e8: {  	s24 =	simm.s32 $0x40;
	s25 =	simm.s32 $0x10  }
.LBB2_26:
0x1e9: {  	p2 =	sge.s32 s25, s15;
	s0 =	smov.u32 s24;
	s24 =	sadd.s32 $0x40, s24  }
0x1ea: {  	v13 =	vlaneseq.u32 @!p2;
	p1 =	sne.s32 s24, $0xD00  }
0x1eb: {  	v13 =	vor.u32 @!p2 s25, v13  }
0x1ec: {  	[tilespmem:v11+s23+$0x0 ss:$0x1] =	vst.idx.msk @!p0 vm9, v12;
	s23 =	sshra.s32 @!p2 s0, $0x2;
	vm9 =	vlt.s32 @!p2 v13, v9;
	p0 =	por p2, p2  }
0x1ed: {  	v12 =	vld @!p0 [tilespmem:s23+$0x9C80];
	_ =	sdelay $0x2  }
.Ltmp14:
0x1ee: {  	(pc) =	sbr.rel @p1 .LBB2_26-.Ltmp14, $4  }
0x1ef: {  	_ = 	snop  }
0x1f0: {  	[tilespmem:v10+s23+$0x0 ss:$0x1] =	vst.idx.msk @!p0 vm9, v12  }
0x1f1: {  	v12 =	vld @!p0 [tilespmem:s23+$0xA000]  }
0x1f2: {  	s25 =	sadd.s32 $0x10, s25  }
0x1f3: {  	_ =	sdelay $0x2  }
0x1f4: {  	s0 =	sld [smem:$0x7E1];
	_ =	sdelay $0x1  }
0x1f5: {  	[tilespmem:v11+s23+$0x0 ss:$0x1] =	vst.idx.msk @!p0 vm9, v12  }
0x1f6: {  	[tilespmem:s7], [sflag:$0x6] =	stream.linear.gather [spmem:s0], $0x340, $0x38;
	[tilespmem:$0x16B90] =	vst v63  }
0x1f7: {  	_ =	swait.ge [sflag:s4], $0x340  }
0x1f8: {  	s26 =	sld [smem:$0x7E2]  }
0x1f9: {  	[sflag:s4] =	ssyncset.done $0x0  }
0x1fa: {  	[sflag:s4] =	ssyncadd.s32 $0xFFFFFCC0  }
0x1fb: {  	[tilespmem:s8], [sflag:$0x6] =	stream.linear.gather [spmem:s26], $0x340, $0x38;
	[tilespmem:$0x16B90] =	vst v63  }
0x1fc: {  	_ =	swait.ge [sflag:s4], $0x340  }
0x1fd: {  	s28 =	sld [smem:$0x7DD]  }
0x1fe: {  	[sflag:s4] =	ssyncset.done $0x0  }
0x1ff: {  	[sflag:s4] =	ssyncadd.s32 $0xFFFFFCC0  }
0x200: {  	s25 =	sld [smem:s28+$0x0];
	_ =	sdelay $0x2  }
0x201: {  	s3 =	sadd.s32 s3, s15;
	p0 =	sle.s32 s25, $0x0  }
0x202: {  	s1 =	simm.s32 $0x0;
	s29 =	sshll.u32 s3, $0x2;
	v10 =	vlaneseq.u32 @!p0  }
0x203: {  	s0 =	sshra.s32 s29, $0x2;
	v9 =	vmov s25;
	v10 =	vor.u32 @!p0 s1, v10  }
0x204: {  	s30 =	sadd.s32 $0x800, s0;
	s23 =	simm.s32 @!p0 $0x0;
	vm9 =	vlt.s32 @!p0 v10, v9;
	p0 =	por p0, p0  }
0x205: {  	v10 =	vmov s30;
	v11 =	vld @!p0 [tilespmem:s23+$0x9C80];
	_ =	sdelay $0x4  }
0x206: {  	s0 =	sadd.s32 $0x1E00, s0;
	[tilespmem:v10+s23+$0x0 ss:$0x1] =	vst.idx.msk @!p0 vm9, v11  }
0x207: {  	v11 =	vmov s0;
	v12 =	vld @!p0 [tilespmem:s23+$0xA000]  }
0x208: {  	s24 =	simm.s32 $0x40;
	s26 =	simm.s32 $0x10  }
.LBB2_28:
0x209: {  	p2 =	sge.s32 s26, s25;
	s0 =	smov.u32 s24;
	s24 =	sadd.s32 $0x40, s24  }
0x20a: {  	v13 =	vlaneseq.u32 @!p2;
	p1 =	sne.s32 s24, $0xD00  }
0x20b: {  	v13 =	vor.u32 @!p2 s26, v13  }
0x20c: {  	[tilespmem:v11+s23+$0x0 ss:$0x1] =	vst.idx.msk @!p0 vm9, v12;
	s23 =	sshra.s32 @!p2 s0, $0x2;
	vm9 =	vlt.s32 @!p2 v13, v9;
	p0 =	por p2, p2  }
0x20d: {  	v12 =	vld @!p0 [tilespmem:s23+$0x9C80];
	_ =	sdelay $0x2  }
.Ltmp15:
0x20e: {  	(pc) =	sbr.rel @p1 .LBB2_28-.Ltmp15, $4  }
0x20f: {  	_ = 	snop  }
0x210: {  	[tilespmem:v10+s23+$0x0 ss:$0x1] =	vst.idx.msk @!p0 vm9, v12  }
0x211: {  	v12 =	vld @!p0 [tilespmem:s23+$0xA000]  }
0x212: {  	s26 =	sadd.s32 $0x10, s26  }
0x213: {  	_ =	sdelay $0x2  }
0x214: {  	s0 =	sld [smem:$0x7E3]  }
0x215: {  	s3 =	sadd.s32 s3, s25  }
0x216: {  	[smem:$0x100] =	sst s3;
	[tilespmem:v11+s23+$0x0 ss:$0x1] =	vst.idx.msk @!p0 vm9, v12  }
0x217: {  	[tilespmem:s7], [sflag:$0x6] =	stream.linear.gather [spmem:s0], $0x340, $0x38;
	[tilespmem:$0x16B90] =	vst v63  }
0x218: {  	_ =	swait.ge [sflag:s4], $0x340  }
0x219: {  	s24 =	sld [smem:$0x7E5]  }
0x21a: {  	[sflag:s4] =	ssyncset.done $0x0  }
0x21b: {  	[sflag:s4] =	ssyncadd.s32 $0xFFFFFCC0  }
0x21c: {  	[tilespmem:s8], [sflag:$0x6] =	stream.linear.gather [spmem:s24], $0x340, $0x38;
	[tilespmem:$0x16B90] =	vst v63  }
0x21d: {  	_ =	swait.ge [sflag:s4], $0x340  }
0x21e: {  	s26 =	sld [smem:$0x7E0]  }
0x21f: {  	[sflag:s4] =	ssyncset.done $0x0  }
0x220: {  	[sflag:s4] =	ssyncadd.s32 $0xFFFFFCC0  }
0x221: {  	s28 =	sld [smem:s26+$0x0];
	_ =	sdelay $0x2  }
0x222: {  	p0 =	sle.s32 s28, $0x0  }
0x223: {  	s1 =	simm.s32 $0x0;
	s29 =	sshll.u32 s3, $0x2;
	v10 =	vlaneseq.u32 @!p0  }
0x224: {  	s0 =	sshra.s32 s29, $0x2;
	v9 =	vmov s28;
	v10 =	vor.u32 @!p0 s1, v10  }
0x225: {  	s30 =	sadd.s32 $0x800, s0;
	s23 =	simm.s32 @!p0 $0x0;
	vm9 =	vlt.s32 @!p0 v10, v9;
	p0 =	por p0, p0  }
0x226: {  	v10 =	vmov s30;
	v11 =	vld @!p0 [tilespmem:s23+$0x9C80];
	_ =	sdelay $0x4  }
0x227: {  	s0 =	sadd.s32 $0x1E00, s0;
	[tilespmem:v10+s23+$0x0 ss:$0x1] =	vst.idx.msk @!p0 vm9, v11  }
0x228: {  	v11 =	vmov s0;
	v12 =	vld @!p0 [tilespmem:s23+$0xA000]  }
0x229: {  	s24 =	simm.s32 $0x40;
	s26 =	simm.s32 $0x10  }
.LBB2_30:
0x22a: {  	p2 =	sge.s32 s26, s28;
	s0 =	smov.u32 s24;
	s24 =	sadd.s32 $0x40, s24  }
0x22b: {  	v13 =	vlaneseq.u32 @!p2;
	p1 =	sne.s32 s24, $0xD00  }
0x22c: {  	v13 =	vor.u32 @!p2 s26, v13  }
0x22d: {  	[tilespmem:v11+s23+$0x0 ss:$0x1] =	vst.idx.msk @!p0 vm9, v12;
	s23 =	sshra.s32 @!p2 s0, $0x2;
	vm9 =	vlt.s32 @!p2 v13, v9;
	p0 =	por p2, p2  }
0x22e: {  	v12 =	vld @!p0 [tilespmem:s23+$0x9C80];
	_ =	sdelay $0x2  }
.Ltmp16:
0x22f: {  	(pc) =	sbr.rel @p1 .LBB2_30-.Ltmp16, $4  }
0x230: {  	_ = 	snop  }
0x231: {  	[tilespmem:v10+s23+$0x0 ss:$0x1] =	vst.idx.msk @!p0 vm9, v12  }
0x232: {  	v12 =	vld @!p0 [tilespmem:s23+$0xA000]  }
0x233: {  	s26 =	sadd.s32 $0x10, s26  }
0x234: {  	_ =	sdelay $0x2  }
0x235: {  	s0 =	sld [smem:$0x7E7];
	_ =	sdelay $0x1  }
0x236: {  	[tilespmem:v11+s23+$0x0 ss:$0x1] =	vst.idx.msk @!p0 vm9, v12  }
0x237: {  	[tilespmem:s7], [sflag:$0x6] =	stream.linear.gather [spmem:s0], $0x340, $0x38;
	[tilespmem:$0x16B90] =	vst v63  }
0x238: {  	_ =	swait.ge [sflag:s4], $0x340  }
0x239: {  	s23 =	sld [smem:$0x7E9]  }
0x23a: {  	[sflag:s4] =	ssyncset.done $0x0  }
0x23b: {  	[sflag:s4] =	ssyncadd.s32 $0xFFFFFCC0  }
0x23c: {  	[tilespmem:s8], [sflag:$0x6] =	stream.linear.gather [spmem:s23], $0x340, $0x38;
	[tilespmem:$0x16B90] =	vst v63  }
0x23d: {  	_ =	swait.ge [sflag:s4], $0x340  }
0x23e: {  	s24 =	sld [smem:$0x7E4]  }
0x23f: {  	[sflag:s4] =	ssyncset.done $0x0  }
0x240: {  	[sflag:s4] =	ssyncadd.s32 $0xFFFFFCC0  }
0x241: {  	s30 =	sld [smem:s24+$0x0];
	_ =	sdelay $0x2  }
0x242: {  	s3 =	sadd.s32 s3, s28;
	p0 =	sle.s32 s30, $0x0  }
0x243: {  	s1 =	simm.s32 $0x0;
	s26 =	sshll.u32 s3, $0x2;
	v10 =	vlaneseq.u32 @!p0  }
0x244: {  	s0 =	sshra.s32 s26, $0x2;
	v9 =	vmov s30;
	v10 =	vor.u32 @!p0 s1, v10  }
0x245: {  	s29 =	sadd.s32 $0x800, s0;
	s23 =	simm.s32 @!p0 $0x0;
	vm9 =	vlt.s32 @!p0 v10, v9;
	p0 =	por p0, p0  }
0x246: {  	v10 =	vmov s29;
	v11 =	vld @!p0 [tilespmem:s23+$0x9C80];
	_ =	sdelay $0x4  }
0x247: {  	s0 =	sadd.s32 $0x1E00, s0;
	[tilespmem:v10+s23+$0x0 ss:$0x1] =	vst.idx.msk @!p0 vm9, v11  }
0x248: {  	v11 =	vmov s0;
	v12 =	vld @!p0 [tilespmem:s23+$0xA000]  }
0x249: {  	s26 =	simm.s32 $0x10;
	s24 =	simm.s32 $0x40  }
.LBB2_32:
0x24a: {  	p2 =	sge.s32 s26, s30;
	s0 =	smov.u32 s24;
	s24 =	sadd.s32 $0x40, s24  }
0x24b: {  	v13 =	vlaneseq.u32 @!p2;
	p1 =	sne.s32 s24, $0xD00  }
0x24c: {  	v13 =	vor.u32 @!p2 s26, v13  }
0x24d: {  	[tilespmem:v11+s23+$0x0 ss:$0x1] =	vst.idx.msk @!p0 vm9, v12;
	s23 =	sshra.s32 @!p2 s0, $0x2;
	vm9 =	vlt.s32 @!p2 v13, v9;
	p0 =	por p2, p2  }
0x24e: {  	v12 =	vld @!p0 [tilespmem:s23+$0x9C80];
	_ =	sdelay $0x2  }
.Ltmp17:
0x24f: {  	(pc) =	sbr.rel @p1 .LBB2_32-.Ltmp17, $4  }
0x250: {  	_ = 	snop  }
0x251: {  	[tilespmem:v10+s23+$0x0 ss:$0x1] =	vst.idx.msk @!p0 vm9, v12  }
0x252: {  	v12 =	vld @!p0 [tilespmem:s23+$0xA000]  }
0x253: {  	s26 =	sadd.s32 $0x10, s26  }
0x254: {  	_ =	sdelay $0x2  }
0x255: {  	s0 =	sld [smem:$0x7EB]  }
0x256: {  	s26 =	sadd.s32 s3, s30  }
0x257: {  	[smem:$0x100] =	sst s26;
	[tilespmem:v11+s23+$0x0 ss:$0x1] =	vst.idx.msk @!p0 vm9, v12  }
0x258: {  	[tilespmem:s7], [sflag:$0x6] =	stream.linear.gather [spmem:s0], $0x340, $0x38;
	[tilespmem:$0x16B90] =	vst v63  }
0x259: {  	_ =	swait.ge [sflag:s4], $0x340  }
0x25a: {  	s10 =	sld [smem:$0x7EC]  }
0x25b: {  	[sflag:s4] =	ssyncset.done $0x0  }
0x25c: {  	[sflag:s4] =	ssyncadd.s32 $0xFFFFFCC0  }
0x25d: {  	[tilespmem:s8], [sflag:$0x6] =	stream.linear.gather [spmem:s10], $0x340, $0x38;
	[tilespmem:$0x16B90] =	vst v63  }
0x25e: {  	_ =	swait.ge [sflag:s4], $0x340  }
0x25f: {  	s11 =	sld [smem:$0x7E6]  }
0x260: {  	[sflag:s4] =	ssyncset.done $0x0  }
0x261: {  	[sflag:s4] =	ssyncadd.s32 $0xFFFFFCC0  }
0x262: {  	s24 =	sld [smem:s11+$0x0];
	_ =	sdelay $0x2  }
0x263: {  	p0 =	sle.s32 s24, $0x0  }
0x264: {  	s1 =	simm.s32 $0x0;
	s16 =	sshll.u32 s26, $0x2;
	v10 =	vlaneseq.u32 @!p0  }
0x265: {  	s0 =	sshra.s32 s16, $0x2;
	v9 =	vmov s24;
	v10 =	vor.u32 @!p0 s1, v10  }
0x266: {  	s23 =	sadd.s32 $0x800, s0;
	s3 =	simm.s32 @!p0 $0x0;
	vm9 =	vlt.s32 @!p0 v10, v9;
	p0 =	por p0, p0  }
0x267: {  	v10 =	vmov s23;
	v11 =	vld @!p0 [tilespmem:s3+$0x9C80];
	_ =	sdelay $0x4  }
0x268: {  	s0 =	sadd.s32 $0x1E00, s0;
	[tilespmem:v10+s3+$0x0 ss:$0x1] =	vst.idx.msk @!p0 vm9, v11  }
0x269: {  	v11 =	vmov s0;
	v12 =	vld @!p0 [tilespmem:s3+$0xA000]  }
0x26a: {  	s29 =	simm.s32 $0x10;
	s23 =	simm.s32 $0x40  }
.LBB2_34:
0x26b: {  	p2 =	sge.s32 s29, s24;
	s0 =	smov.u32 s23;
	s23 =	sadd.s32 $0x40, s23  }
0x26c: {  	v13 =	vlaneseq.u32 @!p2;
	p1 =	sne.s32 s23, $0xD00  }
0x26d: {  	v13 =	vor.u32 @!p2 s29, v13  }
0x26e: {  	[tilespmem:v11+s3+$0x0 ss:$0x1] =	vst.idx.msk @!p0 vm9, v12;
	s3 =	sshra.s32 @!p2 s0, $0x2;
	vm9 =	vlt.s32 @!p2 v13, v9;
	p0 =	por p2, p2  }
0x26f: {  	v12 =	vld @!p0 [tilespmem:s3+$0x9C80];
	_ =	sdelay $0x2  }
.Ltmp18:
0x270: {  	(pc) =	sbr.rel @p1 .LBB2_34-.Ltmp18, $4  }
0x271: {  	_ = 	snop  }
0x272: {  	[tilespmem:v10+s3+$0x0 ss:$0x1] =	vst.idx.msk @!p0 vm9, v12  }
0x273: {  	v12 =	vld @!p0 [tilespmem:s3+$0xA000]  }
0x274: {  	s29 =	sadd.s32 $0x10, s29  }
0x275: {  	_ =	sdelay $0x2  }
0x276: {  	s0 =	sld [smem:$0x7EE];
	_ =	sdelay $0x1  }
0x277: {  	[tilespmem:v11+s3+$0x0 ss:$0x1] =	vst.idx.msk @!p0 vm9, v12  }
0x278: {  	[tilespmem:s7], [sflag:$0x6] =	stream.linear.gather [spmem:s0], $0x340, $0x38;
	[tilespmem:$0x16B90] =	vst v63  }
0x279: {  	_ =	swait.ge [sflag:s4], $0x340  }
0x27a: {  	s10 =	sld [smem:$0x7EF]  }
0x27b: {  	[sflag:s4] =	ssyncset.done $0x0  }
0x27c: {  	[sflag:s4] =	ssyncadd.s32 $0xFFFFFCC0  }
0x27d: {  	[tilespmem:s8], [sflag:$0x6] =	stream.linear.gather [spmem:s10], $0x340, $0x38;
	[tilespmem:$0x16B90] =	vst v63  }
0x27e: {  	_ =	swait.ge [sflag:s4], $0x340  }
0x27f: {  	s11 =	sld [smem:$0x7E8]  }
0x280: {  	[sflag:s4] =	ssyncset.done $0x0  }
0x281: {  	[sflag:s4] =	ssyncadd.s32 $0xFFFFFCC0  }
0x282: {  	s3 =	sld [smem:s11+$0x0];
	_ =	sdelay $0x2  }
0x283: {  	s23 =	sadd.s32 s26, s24;
	p0 =	sle.s32 s3, $0x0  }
0x284: {  	s1 =	simm.s32 $0x0;
	s16 =	sshll.u32 s23, $0x2;
	v10 =	vlaneseq.u32 @!p0  }
0x285: {  	s0 =	sshra.s32 s16, $0x2;
	v9 =	vmov s3;
	v10 =	vor.u32 @!p0 s1, v10  }
0x286: {  	s26 =	sadd.s32 $0x800, s0;
	s29 =	simm.s32 @!p0 $0x0;
	vm9 =	vlt.s32 @!p0 v10, v9;
	p0 =	por p0, p0  }
0x287: {  	v10 =	vmov s26;
	v11 =	vld @!p0 [tilespmem:s29+$0x9C80];
	_ =	sdelay $0x4  }
0x288: {  	s0 =	sadd.s32 $0x1E00, s0;
	[tilespmem:v10+s29+$0x0 ss:$0x1] =	vst.idx.msk @!p0 vm9, v11  }
0x289: {  	v11 =	vmov s0;
	v12 =	vld @!p0 [tilespmem:s29+$0xA000]  }
0x28a: {  	s16 =	simm.s32 $0x10;
	s26 =	simm.s32 $0x40  }
.LBB2_36:
0x28b: {  	p2 =	sge.s32 s16, s3;
	s0 =	smov.u32 s26;
	s26 =	sadd.s32 $0x40, s26  }
0x28c: {  	v13 =	vlaneseq.u32 @!p2;
	p1 =	sne.s32 s26, $0xD00  }
0x28d: {  	v13 =	vor.u32 @!p2 s16, v13  }
0x28e: {  	[tilespmem:v11+s29+$0x0 ss:$0x1] =	vst.idx.msk @!p0 vm9, v12;
	s29 =	sshra.s32 @!p2 s0, $0x2;
	vm9 =	vlt.s32 @!p2 v13, v9;
	p0 =	por p2, p2  }
0x28f: {  	v12 =	vld @!p0 [tilespmem:s29+$0x9C80];
	_ =	sdelay $0x2  }
.Ltmp19:
0x290: {  	(pc) =	sbr.rel @p1 .LBB2_36-.Ltmp19, $4  }
0x291: {  	_ = 	snop  }
0x292: {  	[tilespmem:v10+s29+$0x0 ss:$0x1] =	vst.idx.msk @!p0 vm9, v12  }
0x293: {  	v12 =	vld @!p0 [tilespmem:s29+$0xA000]  }
0x294: {  	s16 =	sadd.s32 $0x10, s16  }
0x295: {  	_ =	sdelay $0x2  }
0x296: {  	s0 =	sld [smem:$0x7F0]  }
0x297: {  	s26 =	sadd.s32 s23, s3  }
0x298: {  	[smem:$0x100] =	sst s26;
	[tilespmem:v11+s29+$0x0 ss:$0x1] =	vst.idx.msk @!p0 vm9, v12  }
0x299: {  	[tilespmem:s7], [sflag:$0x6] =	stream.linear.gather [spmem:s0], $0x340, $0x38;
	[tilespmem:$0x16B90] =	vst v63  }
0x29a: {  	s29 =	sadd.s32 s5, s31;
	_ =	swait.ge [sflag:s4], $0x340  }
0x29b: {  	s0 =	sadd.s32 s14, s29;
	s23 =	sld [smem:$0x7F1]  }
0x29c: {  	s0 =	sadd.s32 s9, s0;
	[sflag:s4] =	ssyncset.done $0x0  }
0x29d: {  	s0 =	sadd.s32 s21, s0;
	[sflag:s4] =	ssyncadd.s32 $0xFFFFFCC0  }
0x29e: {  	[tilespmem:s8], [sflag:$0x6] =	stream.linear.gather [spmem:s23], $0x340, $0x38;
	[tilespmem:$0x16B90] =	vst v63  }
0x29f: {  	s0 =	sadd.s32 s22, s0;
	_ =	swait.ge [sflag:s4], $0x340  }
0x2a0: {  	s0 =	sadd.s32 s13, s0;
	s1 =	sld [smem:$0x7EA]  }
0x2a1: {  	s0 =	sadd.s32 s15, s0;
	[sflag:s4] =	ssyncset.done $0x0  }
0x2a2: {  	s0 =	sadd.s32 s25, s0;
	[sflag:s4] =	ssyncadd.s32 $0xFFFFFCC0  }
0x2a3: {  	s0 =	sadd.s32 s28, s0;
	s5 =	sld [smem:s1+$0x0]  }
0x2a4: {  	s0 =	sadd.s32 s30, s0  }
0x2a5: {  	s0 =	sadd.s32 s24, s0  }
0x2a6: {  	s3 =	sadd.s32 s3, s0;
	p0 =	sle.s32 s5, $0x0  }
0x2a7: {  	s1 =	simm.s32 $0x0;
	s0 =	sshll.u32 s3, $0x2;
	v10 =	vlaneseq.u32 @!p0  }
0x2a8: {  	s0 =	sshra.s32 s0, $0x2;
	v9 =	vmov s5;
	v10 =	vor.u32 @!p0 s1, v10  }
0x2a9: {  	s31 =	sadd.s32 $0x800, s0;
	s9 =	simm.s32 @!p0 $0x0;
	vm9 =	vlt.s32 @!p0 v10, v9;
	p0 =	por p0, p0  }
0x2aa: {  	v10 =	vmov s31;
	v11 =	vld @!p0 [tilespmem:s9+$0x9C80];
	_ =	sdelay $0x4  }
0x2ab: {  	s0 =	sadd.s32 $0x1E00, s0;
	[tilespmem:v10+s9+$0x0 ss:$0x1] =	vst.idx.msk @!p0 vm9, v11  }
0x2ac: {  	v11 =	vmov s0;
	v12 =	vld @!p0 [tilespmem:s9+$0xA000]  }
0x2ad: {  	s14 =	simm.s32 $0x10;
	s13 =	simm.s32 $0x40  }
.LBB2_38:
0x2ae: {  	p2 =	sge.s32 s14, s5;
	s0 =	smov.u32 s13;
	s13 =	sadd.s32 $0x40, s13  }
0x2af: {  	v13 =	vlaneseq.u32 @!p2;
	p1 =	sne.s32 s13, $0xD00  }
0x2b0: {  	v13 =	vor.u32 @!p2 s14, v13  }
0x2b1: {  	[tilespmem:v11+s9+$0x0 ss:$0x1] =	vst.idx.msk @!p0 vm9, v12;
	s9 =	sshra.s32 @!p2 s0, $0x2;
	vm9 =	vlt.s32 @!p2 v13, v9;
	p0 =	por p2, p2  }
0x2b2: {  	v12 =	vld @!p0 [tilespmem:s9+$0x9C80];
	_ =	sdelay $0x2  }
.Ltmp20:
0x2b3: {  	(pc) =	sbr.rel @p1 .LBB2_38-.Ltmp20, $4  }
0x2b4: {  	_ = 	snop  }
0x2b5: {  	[tilespmem:v10+s9+$0x0 ss:$0x1] =	vst.idx.msk @!p0 vm9, v12  }
0x2b6: {  	v12 =	vld @!p0 [tilespmem:s9+$0xA000]  }
0x2b7: {  	s14 =	sadd.s32 $0x10, s14  }
0x2b8: {  	_ =	sdelay $0x2  }
0x2b9: {  	s0 =	sld [smem:$0x7F2];
	_ =	sdelay $0x1  }
0x2ba: {  	[tilespmem:v11+s9+$0x0 ss:$0x1] =	vst.idx.msk @!p0 vm9, v12;
	s9 =	simm.s32 $0x9C80  }
0x2bb: {  	[tilespmem:s9], [sflag:$0x6] =	stream.linear.gather [spmem:s0], $0x340, $0x38;
	[tilespmem:$0x16B90] =	vst v63  }
0x2bc: {  	_ =	swait.ge [sflag:s4], $0x340  }
0x2bd: {  	s29 =	sld [smem:$0x7F3]  }
0x2be: {  	[sflag:s4] =	ssyncset.done $0x0  }
0x2bf: {  	s13 =	simm.s32 $0xA000;
	[sflag:s4] =	ssyncadd.s32 $0xFFFFFCC0  }
0x2c0: {  	[tilespmem:s13], [sflag:$0x6] =	stream.linear.gather [spmem:s29], $0x340, $0x38;
	[tilespmem:$0x16B90] =	vst v63  }
0x2c1: {  	_ =	swait.ge [sflag:s4], $0x340  }
0x2c2: {  	s30 =	sld [smem:$0x7ED]  }
0x2c3: {  	[sflag:s4] =	ssyncset.done $0x0  }
0x2c4: {  	[sflag:s4] =	ssyncadd.s32 $0xFFFFFCC0  }
0x2c5: {  	s14 =	sld [smem:s30+$0x0];
	_ =	sdelay $0x2  }
0x2c6: {  	p0 =	sle.s32 s14, $0x0  }
0x2c7: {  	v10 =	vld @!p0 [tilespmem:s9+$0x0]  }
0x2c8: {  	s31 =	sadd.s32 s5, s3  }
0x2c9: {  	s1 =	simm.s32 $0x0;
	s0 =	sshll.u32 s31, $0x2;
	v11 =	vlaneseq.u32 @!p0  }
0x2ca: {  	s0 =	sshra.s32 s0, $0x2;
	v9 =	vmov s14;
	v11 =	vor.u32 @!p0 s1, v11  }
0x2cb: {  	s3 =	sadd.s32 $0x800, s0;
	vm9 =	vlt.s32 @!p0 v11, v9  }
0x2cc: {  	[tilespmem:s3+$0x0] =	vst.msk @!p0 vm9, v10  }
0x2cd: {  	v10 =	vld @!p0 [tilespmem:s13+$0x0]  }
0x2ce: {  	s5 =	sadd.s32 s26, s5  }
0x2cf: {  	s21 =	simm.s32 $0x10;
	s7 =	simm.s32 $0xA380;
	s8 =	simm.s32 $0xAB80  }
0x2d0: {  	s16 =	simm.s32 $0xE380;
	s22 =	simm.s32 $0x2;
	s23 =	simm.s32 $0x3  }
0x2d1: {  	s24 =	simm.s32 $0x4;
	s25 =	simm.s32 $0x5;
	s15 =	sadd.s32 $0x1E00, s0  }
.LBB2_40:
0x2d2: {  	[tilespmem:s15+$0x0] =	vst.msk @!p0 vm9, v10;
	p0 =	sge.s32 s21, s14  }
0x2d3: {  	s9 =	sadd.s32 $0x10, s9;
	s0 =	smov.u32 s21;
	s21 =	sadd.s32 $0x10, s21  }
0x2d4: {  	v10 =	vld @!p0 [tilespmem:s9+$0x0];
	p1 =	sne.s32 s21, $0x340;
	_ =	sdelay $0x1  }
0x2d5: {  	v11 =	vlaneseq.u32 @!p0  }
0x2d6: {  	v11 =	vor.u32 @!p0 s0, v11  }
0x2d7: {  	s3 =	sadd.s32 $0x10, s3;
	vm9 =	vlt.s32 @!p0 v11, v9  }
0x2d8: {  	s13 =	sadd.s32 $0x10, s13;
	[tilespmem:s3+$0x0] =	vst.msk @!p0 vm9, v10  }
.Ltmp21:
0x2d9: {  	v10 =	vld @!p0 [tilespmem:s13+$0x0];
	(pc) =	sbr.rel @p1 .LBB2_40-.Ltmp21, $2  }
0x2da: {  	_ =	sdelay $0x2  }
0x2db: {  	s15 =	sadd.s32 $0x10, s15  }
0x2dc: {  	s0 =	sadd.s32 s5, s14;
	s29 =	rddreg [dreg:$0x18]  }
0x2dd: {  	[tilespmem:s15+$0x0] =	vst.msk @!p0 vm9, v10;
	s5 =	simm.s32 $0x0;
	s1 =	simm.s32 $0x1E00;
	[smem:$0x100] =	sst s0  }
0x2de: {  	[hbm4b:s29+s5] =	stream.linear.scatter [tilespmem:s1], [sflag:$0x6], $0x1600, $0x38;
	[tilespmem:$0x16B90] =	vst v63  }
0x2df: {  	_ =	swait.ge [sflag:s4], $0x1600  }
0x2e0: {  	[sflag:s4] =	ssyncset.done $0x0  }
0x2e1: {  	[sflag:s4] =	ssyncadd.s32 $0xFFFFEA00  }
0x2e2: {  	v9 =	vld [tilespmem:$0x800];
	_ =	sdelay $0x4  }
0x2e3: {  	v10 =	vshll.u32 v9, $0x1  }
0x2e4: {  	v9 =	vand.u32 $0x7, v9;
	v10 =	vand.u32 $0xFFFFFFF0, v10  }
0x2e5: {  	v9 =	vor.u32 v9, v10  }
0x2e6: {  	v10 =	vperm.xlane v9, v6  }
0x2e7: {  	v11 =	vld [tilespmem:$0x1FFF0]  }
0x2e8: {  	v9 =	vperm.xlane v9, v8;
	v10 =	vadd.s32 v7, v10;
	_ =	sdelay $0x1  }
0x2e9: {  	v9 =	vadd.s32 v7, v9;
	_ =	sdelay $0x1  }
0x2ea: {  	vm9 =	vnez.u8 v11  }
0x2eb: {  	[tilespmem:s7], [sflag:$0x2] =	stream.indirect_vreg.gather [hbm4b:s6+s5], $0x80, v10, vm9, $0xb8;
	[tilespmem:$0x16B90] =	vst v63  }
0x2ec: {  	_ = 	snop  }
0x2ed: {  	[tilespmem:s8], [sflag:$0x2] =	stream.indirect_vreg.gather [hbm4b:s6+s5], $0x80, v9, vm9, $0xb8;
	[tilespmem:$0x16B90] =	vst v63  }
0x2ee: {  	v9 =	vld [tilespmem:$0x810];
	_ =	sdelay $0x4  }
0x2ef: {  	v10 =	vshll.u32 v9, $0x1  }
0x2f0: {  	v9 =	vand.u32 $0x7, v9;
	v10 =	vand.u32 $0xFFFFFFF0, v10  }
0x2f1: {  	v9 =	vor.u32 v9, v10  }
0x2f2: {  	v10 =	vperm.xlane v9, v6;
	_ =	sdelay $0x1  }
0x2f3: {  	v9 =	vperm.xlane v9, v8;
	v10 =	vadd.s32 v7, v10;
	_ =	sdelay $0x1  }
0x2f4: {  	v9 =	vadd.s32 v7, v9;
	_ =	sdelay $0x2  }
0x2f5: {  	[tilespmem:s12], [sflag:$0x2] =	stream.indirect_vreg.gather [hbm4b:s6+s5], $0x80, v10, vm9, $0xb8;
	[tilespmem:$0x16B90] =	vst v63  }
0x2f6: {  	s14 =	simm.s32 $0xBB80;
	s3 =	sld [smem:$0x7FD]  }
0x2f7: {  	[tilespmem:s14], [sflag:$0x2] =	stream.indirect_vreg.gather [hbm4b:s6+s5], $0x80, v9, vm9, $0xb8;
	[tilespmem:$0x16B90] =	vst v63  }
0x2f8: {  	s15 =	simm.s32 $0x20;
	s30 =	simm.s32 $0x800  }
0x2f9: {  	[tilespmem:s16], [sflag:$0x2] =	stream.indirect.gather [hbm4b:s3+s15], $0x80, s30, s15, $0xb8;
	[tilespmem:$0x16B90] =	vst v63  }
0x2fa: {  	v9 =	vld [tilespmem:$0x820];
	_ =	sdelay $0x4  }
0x2fb: {  	v10 =	vshll.u32 v9, $0x1  }
0x2fc: {  	v9 =	vand.u32 $0x7, v9;
	v10 =	vand.u32 $0xFFFFFFF0, v10  }
0x2fd: {  	v9 =	vor.u32 v9, v10  }
0x2fe: {  	v10 =	vperm.xlane v9, v6;
	_ =	sdelay $0x1  }
0x2ff: {  	v9 =	vperm.xlane v9, v8;
	v10 =	vadd.s32 v7, v10;
	_ =	sdelay $0x1  }
0x300: {  	v9 =	vadd.s32 v7, v9;
	_ =	sdelay $0x2  }
0x301: {  	[tilespmem:s17], [sflag:$0x3] =	stream.indirect_vreg.gather [hbm4b:s6+s5], $0x80, v10, vm9, $0xb8;
	[tilespmem:$0x16B90] =	vst v63  }
0x302: {  	_ = 	snop  }
0x303: {  	[tilespmem:s18], [sflag:$0x3] =	stream.indirect_vreg.gather [hbm4b:s6+s5], $0x80, v9, vm9, $0xb8;
	[tilespmem:$0x16B90] =	vst v63  }
0x304: {  	v9 =	vld [tilespmem:$0x830];
	_ =	sdelay $0x4  }
0x305: {  	v10 =	vshll.u32 v9, $0x1  }
0x306: {  	v9 =	vand.u32 $0x7, v9;
	v10 =	vand.u32 $0xFFFFFFF0, v10  }
0x307: {  	v9 =	vor.u32 v9, v10  }
0x308: {  	v10 =	vperm.xlane v9, v6;
	_ =	sdelay $0x1  }
0x309: {  	v9 =	vperm.xlane v9, v8;
	v10 =	vadd.s32 v7, v10;
	_ =	sdelay $0x1  }
0x30a: {  	v9 =	vadd.s32 v7, v9;
	_ =	sdelay $0x2  }
0x30b: {  	[tilespmem:s19], [sflag:$0x3] =	stream.indirect_vreg.gather [hbm4b:s6+s5], $0x80, v10, vm9, $0xb8;
	[tilespmem:$0x16B90] =	vst v63  }
0x30c: {  	s9 =	sld [smem:$0x7F8]  }
0x30d: {  	[tilespmem:s20], [sflag:$0x3] =	stream.indirect_vreg.gather [hbm4b:s6+s5], $0x80, v9, vm9, $0xb8;
	[tilespmem:$0x16B90] =	vst v63  }
0x30e: {  	s31 =	simm.s32 $0x820;
	s21 =	simm.s32 $0xF380;
	s13 =	sld [smem:$0x7F7]  }
0x30f: {  	vm9 =	vcmask $0x3734;
	[tilespmem:s21], [sflag:$0x3] =	stream.indirect.gather [hbm4b:s3+s15], $0x80, s31, s15, $0xb8;
	[tilespmem:$0x16B90] =	vst v63  }
.LBB2_42:
0x310: {  	_ =	swait.ge [sflag:s22], $0x2000  }
0x311: {  	[sflag:s22] =	ssyncset.done $0x0  }
0x312: {  	[sflag:s22] =	ssyncadd.s32 $0xFFFFE000  }
0x313: {  	_ =	swait.ge [sflag:s22], $0x1000  }
0x314: {  	[sflag:s22] =	ssyncset.done $0x0  }
0x315: {  	[sflag:s22] =	ssyncadd.s32 $0xFFFFF000  }
0x316: {  	[hbm4b:s13+s2] =	stream.linear.scatter [tilespmem:s7], [sflag:$0x4], $0x2000, $0x38;
	[tilespmem:$0x16B90] =	vst v63  }
0x317: {  	_ = 	snop  }
0x318: {  	[hbm4b:s9+s2] =	stream.linear.scatter [tilespmem:s16], [sflag:$0x4], $0x1000, $0x38;
	[tilespmem:$0x16B90] =	vst v63  }
0x319: {  	_ =	swait.ge [sflag:s23], $0x2000  }
0x31a: {  	[sflag:s23] =	ssyncset.done $0x0  }
0x31b: {  	[sflag:s23] =	ssyncadd.s32 $0xFFFFE000  }
0x31c: {  	p0 =	seq.s32 s5, $0x5700;
	_ =	swait.ge [sflag:s23], $0x1000  }
.Ltmp22:
0x31d: {  	[sflag:s23] =	ssyncset.done $0x0;
	(pc) =	sbr.rel @p0 .LBB2_44-.Ltmp22, $4  }
0x31e: {  	s0 =	sadd.s32 $0x400, s13;
	[sflag:s23] =	ssyncadd.s32 $0xFFFFF000  }
0x31f: {  	[hbm4b:s0+s2] =	stream.linear.scatter [tilespmem:s17], [sflag:$0x5], $0x2000, $0x38;
	[tilespmem:$0x16B90] =	vst v63  }
0x320: {  	s31 =	sadd.s32 $0x200, s9  }
0x321: {  	[hbm4b:s31+s2] =	stream.linear.scatter [tilespmem:s21], [sflag:$0x5], $0x1000, $0x38;
	[tilespmem:$0x16B90] =	vst v63  }
0x322: {  	_ =	swait.ge [sflag:s24], $0x2000  }
0x323: {  	[sflag:s24] =	ssyncset.done $0x0  }
0x324: {  	[sflag:s24] =	ssyncadd.s32 $0xFFFFE000  }
0x325: {  	_ =	swait.ge [sflag:s24], $0x1000  }
0x326: {  	[sflag:s24] =	ssyncset.done $0x0  }
0x327: {  	s0 =	sshra.s32 s5, $0x2;
	[sflag:s24] =	ssyncadd.s32 $0xFFFFF000  }
0x328: {  	v9 =	vld [tilespmem:s0+$0x840];
	_ =	sdelay $0x4  }
0x329: {  	v10 =	vshll.u32 v9, $0x1  }
0x32a: {  	v9 =	vand.u32 $0x7, v9;
	v10 =	vand.u32 $0xFFFFFFF0, v10  }
0x32b: {  	v9 =	vor.u32 v9, v10  }
0x32c: {  	v10 =	vperm.xlane v9, v6  }
0x32d: {  	v11 =	vld [tilespmem:$0x1FFF0]  }
0x32e: {  	v9 =	vperm.xlane v9, v8;
	v10 =	vadd.s32 v7, v10;
	_ =	sdelay $0x1  }
0x32f: {  	v9 =	vadd.s32 v7, v9;
	_ =	sdelay $0x1  }
0x330: {  	vm10 =	vnez.u8 v11  }
0x331: {  	[tilespmem:s7], [sflag:$0x2] =	stream.indirect_vreg.gather [hbm4b:s6+s2], $0x80, v10, vm10, $0xb8;
	[tilespmem:$0x16B90] =	vst v63  }
0x332: {  	_ = 	snop  }
0x333: {  	[tilespmem:s8], [sflag:$0x2] =	stream.indirect_vreg.gather [hbm4b:s6+s2], $0x80, v9, vm10, $0xb8;
	[tilespmem:$0x16B90] =	vst v63  }
0x334: {  	v9 =	vld [tilespmem:s0+$0x850];
	_ =	sdelay $0x4  }
0x335: {  	v10 =	vshll.u32 v9, $0x1  }
0x336: {  	v9 =	vand.u32 $0x7, v9;
	v10 =	vand.u32 $0xFFFFFFF0, v10  }
0x337: {  	v9 =	vor.u32 v9, v10  }
0x338: {  	v10 =	vperm.xlane v9, v6;
	_ =	sdelay $0x1  }
0x339: {  	v9 =	vperm.xlane v9, v8;
	v10 =	vadd.s32 v7, v10;
	_ =	sdelay $0x1  }
0x33a: {  	v9 =	vadd.s32 v7, v9;
	_ =	sdelay $0x2  }
0x33b: {  	[tilespmem:s12], [sflag:$0x2] =	stream.indirect_vreg.gather [hbm4b:s6+s2], $0x80, v10, vm10, $0xb8;
	[tilespmem:$0x16B90] =	vst v63  }
0x33c: {  	_ = 	snop  }
0x33d: {  	[tilespmem:s14], [sflag:$0x2] =	stream.indirect_vreg.gather [hbm4b:s6+s2], $0x80, v9, vm10, $0xb8;
	[tilespmem:$0x16B90] =	vst v63  }
0x33e: {  	s1 =	sadd.s32 $0x840, s0  }
0x33f: {  	[tilespmem:s16], [sflag:$0x2] =	stream.indirect.gather [hbm4b:s3+s15], $0x80, s1, s15, $0xb8;
	[tilespmem:$0x16B90] =	vst v63  }
0x340: {  	_ =	swait.ge [sflag:s25], $0x2000  }
0x341: {  	[sflag:s25] =	ssyncset.done $0x0  }
0x342: {  	[sflag:s25] =	ssyncadd.s32 $0xFFFFE000  }
0x343: {  	_ =	swait.ge [sflag:s25], $0x1000  }
0x344: {  	[sflag:s25] =	ssyncset.done $0x0  }
0x345: {  	[sflag:s25] =	ssyncadd.s32 $0xFFFFF000  }
0x346: {  	v9 =	vld [tilespmem:s0+$0x860];
	_ =	sdelay $0x4  }
0x347: {  	v10 =	vshll.u32 v9, $0x1  }
0x348: {  	v9 =	vand.u32 $0x7, v9;
	v10 =	vand.u32 $0xFFFFFFF0, v10  }
0x349: {  	v9 =	vor.u32 v9, v10  }
0x34a: {  	v10 =	vperm.xlane v9, v6;
	_ =	sdelay $0x1  }
0x34b: {  	v9 =	vperm.xlane v9, v8;
	v10 =	vadd.s32 v7, v10;
	_ =	sdelay $0x1  }
0x34c: {  	v9 =	vadd.s32 v7, v9;
	_ =	sdelay $0x2  }
0x34d: {  	[tilespmem:s17], [sflag:$0x3] =	stream.indirect_vreg.gather [hbm4b:s6+s2], $0x80, v10, vm10, $0xb8;
	[tilespmem:$0x16B90] =	vst v63  }
0x34e: {  	_ = 	snop  }
0x34f: {  	[tilespmem:s18], [sflag:$0x3] =	stream.indirect_vreg.gather [hbm4b:s6+s2], $0x80, v9, vm10, $0xb8;
	[tilespmem:$0x16B90] =	vst v63  }
0x350: {  	v9 =	vld [tilespmem:s0+$0x870];
	_ =	sdelay $0x4  }
0x351: {  	v10 =	vshll.u32 v9, $0x1  }
0x352: {  	v9 =	vand.u32 $0x7, v9;
	v10 =	vand.u32 $0xFFFFFFF0, v10  }
0x353: {  	v9 =	vor.u32 v9, v10  }
0x354: {  	v10 =	vperm.xlane v9, v6;
	_ =	sdelay $0x1  }
0x355: {  	v10 =	vadd.s32 v7, v10  }
0x356: {  	v9 =	vperm.xlane v9, v8;
	_ =	sdelay $0x1  }
0x357: {  	v9 =	vadd.s32 v7, v9;
	_ =	sdelay $0x1  }
0x358: {  	[tilespmem:s19], [sflag:$0x3] =	stream.indirect_vreg.gather [hbm4b:s6+s2], $0x80, v10, vm10, $0xb8;
	[tilespmem:$0x16B90] =	vst v63  }
.Ltmp23:
0x359: {  	_ = 	snop;
	(pc) =	sbr.rel .LBB2_42-.Ltmp23, $4  }
0x35a: {  	s5 =	sadd.s32 $0x100, s5  }
0x35b: {  	[tilespmem:s20], [sflag:$0x3] =	stream.indirect_vreg.gather [hbm4b:s6+s2], $0x80, v9, vm10, $0xb8;
	[tilespmem:$0x16B90] =	vst v63  }
0x35c: {  	s13 =	sadd.s32 $0x800, s13;
	s9 =	sadd.s32 $0x400, s9;
	s0 =	sadd.s32 $0x860, s0  }
0x35d: {  	[tilespmem:s21], [sflag:$0x3] =	stream.indirect.gather [hbm4b:s3+s15], $0x80, s0, s15, $0xb8;
	[tilespmem:$0x16B90] =	vst v63  }
.LBB2_45:
0x35e: {  	_ =	sfence.sel $0x180000  }
0x35f: {  	[bflag:$0x0] =	sbarrier.arrive $0xFFFF  }
0x360: {  	_ =	strace $0x9000004A  }
0x361: {  	s0 =	stileid.u32;
	[bflag:$0x2] =	sbarrier.arrive $0xFFFF  }
0x362: {  	p0 =	sne.s32 s0, $0x0;
	s0 =	rddreg [dreg:$0x5]  }
0x363: {  	s0 =	sadd.s32 @!p0 $0x100000, s0  }
0x364: {  	[sflag:s0] =	ssyncadd.tile.s32 @!p0 $0x1;
	_ =	shalt  }
.Lfunc_end2:
_tile_overlayer_lowered:
.L_overlay_start_2:
0x365: {  	(tag) =	ssettag $0x2  }
0x366: {  	s0 =	rddreg [dreg:$0x0];
	s2 =	stileid.u32  }
0x367: {  	s1 =	rddreg [dreg:$0x1];
	p0 =	sne.s32 s2, $0x0  }
0x368: {  	s3 =	rddreg [dreg:$0x2];
	[bflag:$0x3] =	sbarrier.arrive $0xFFFF;
	s2 =	simm.s32 @!p0 $0x1C06  }
0x369: {  	[timem:s3], [sflag:s2] =	dma.local @!p0 [hbm:s0], s1  }
0x36a: {  	s0 =	simm.s32 @!p0 $0x6  }
0x36b: {  	_ =	swait.ge @!p0 [sflag:s0], s1  }
0x36c: {  	s1 =	ssub.s32 @!p0 $0x0, s1;
	[sflag:s0] =	ssyncset.done @!p0 $0x0  }
0x36d: {  	[sflag:s0] =	ssyncadd.s32 @!p0 s1  }
0x36e: {  	[bflag:$0x3] =	sbarrier.arrive $0xFFFF  }
0x36f: {  	_ =	shalt  }

// kernel: kernel.7.cloned.1.call-start
scs
__scs_entry_jumppad:
0x0: {  	(pc) =	sbr.rel $0x88, $3  }
0x1: {  	(tag) =	ssettag $0x0;
	lr =	simm.s32 $0x1  }
0x2: {  	[smem:$0x3F92] =	sst lr;
	_ =	strace $0xD0000000  }
0x3: {  	_ = 	snop  }
0x4: {  	_ = 	snop  }
0x5: {  	_ = 	snop  }
0x6: {  	_ = 	snop  }
0x7: {  	_ = 	snop  }
__scs_overlays_trampoline_lowered:
0x8: {  	[smem:$0x3FA1] =	sst s0  }
0x9: {  	[smem:$0x3FA2] =	sst s1  }
0xa: {  	[smem:$0x3FA3] =	sst s2  }
0xb: {  	[smem:$0x3FA4] =	sst s3  }
0xc: {  	[smem:$0x3FA5] =	sst s4  }
0xd: {  	[smem:$0x3FA6] =	sst s5  }
0xe: {  	[smem:$0x3FA7] =	sst s6  }
0xf: {  	[smem:$0x3FA8] =	sst s7  }
0x10: {  	[smem:$0x3FA9] =	sst s8  }
0x11: {  	[smem:$0x3FAA] =	sst s9;
	s0 =	simm.s32 @!p0 $0x0  }
0x12: {  	s1 =	sld [smem:$0x3F90];
	s0 =	simm.s32 @p0 $0x1  }
0x13: {  	[smem:$0x3FAB] =	sst s0;
	s0 =	simm.s32 @!p1 $0x0  }
0x14: {  	s2 =	sld [smem:$0x3F8F];
	s0 =	simm.s32 @p1 $0x1  }
0x15: {  	[smem:$0x3FAC] =	sst s0;
	s0 =	simm.s32 @!p2 $0x0  }
0x16: {  	s3 =	sld [smem:$0x3FDB];
	s0 =	simm.s32 @p2 $0x1  }
0x17: {  	s4 =	simm.s32 $0x1BF5;
	[smem:$0x3FAE] =	sst s0  }
0x18: {  	s0 =	sld [smem:$0x3F91];
	_ =	swait.ge [sflag:s4], $0x0  }
0x19: {  	s7 =	sld [smem:$0x3F92]  }
0x1a: {  	s8 =	sadd.s32 $0xFFFFE003, lr  }
0x1b: {  	s9 =	sadd.s32 $0xFFFFFEF7, lr;
	s5 =	simm.s32 $0xFFFFFFFF;
	p2 =	slt.u32 s8, $0xFFFFF086  }
0x1c: {  	p1 =	slt.u32 s9, $0xF7A;
	s5 =	simm.s32 @!p2 $0x0  }
0x1d: {  	s5 =	simm.s32 @p1 $0x1;
	p0 =	seq.s32 s7, s2  }
0x1e: {  	s7 =	smul.u32 @!p0 $0xF7A, s2;
	p2 =	seq.s32 @!p0 s5, $0x0  }
0x1f: {  	s9 =	smul.u32 $0xF7A, s1;
	s8 =	simm.s32 @!p0 $0x1BF5;
	p2 =	por !p2, p0  }
0x20: {  	[sflag:s8] =	ssyncset.s32 @!p0 $0xFFFFF086;
	s6 =	sadd.s32 @!p0 s3, s7;
	s7 =	simm.s32 @!p0 $0x108  }
0x21: {  	s3 =	sadd.s32 s3, s9;
	s6 =	sadd.s32 @!p0 $0x88, s6;
	s7 =	simm.s32 @p2 $0x1082  }
0x22: {  	[simem:s7], [sflag:s8] =	dma.local @!p0 [hbm:s6], $0xF7A  }
0x23: {  	s9 =	sor.u32 $0xD0000000, s2;
	s6 =	simm.s32 $0x108;
	_ =	swait.ge @!p0 [sflag:s8], $0x0  }
0x24: {  	s3 =	sadd.s32 $0x88, s3;
	s6 =	simm.s32 @!p1 $0x1082;
	[sflag:s4] =	ssyncset.s32 $0xFFFFF086  }
0x25: {  	[simem:s6], [sflag:s4] =	dma.local [hbm:s3], $0xF7A  }
0x26: {  	[smem:$0x3F92] =	sst s1;
	(tag) =	ssettag s2;
	_ =	strace s9  }
0x27: {  	s1 =	sld [smem:$0x3FA2]  }
0x28: {  	s2 =	sld [smem:$0x3FA3]  }
0x29: {  	s4 =	sld [smem:$0x3FA5]  }
0x2a: {  	p0 =	seq.s32 s5, $0x0;
	s5 =	sld [smem:$0x3FA6]  }
0x2b: {  	s6 =	sld [smem:$0x3FA7]  }
0x2c: {  	s7 =	sld [smem:$0x3FA8]  }
0x2d: {  	s3 =	simm.s32 $0x108;
	s8 =	sld [smem:$0x3FA9]  }
0x2e: {  	s3 =	simm.s32 @!p0 $0x1082;
	s9 =	sld [smem:$0x3FAA]  }
0x2f: {  	lr =	sadd.s32 s0, s3;
	s0 =	sld [smem:$0x3FA1]  }
0x30: {  	s3 =	sld [smem:$0x3FA4]  }
0x31: {  	[smem:$0x3FAD] =	sst s10  }
0x32: {  	s10 =	sld [smem:$0x3FAB];
	_ =	sdelay $0x3  }
0x33: {  	p0 =	seq.s32 s10, $0x1;
	s10 =	sld [smem:$0x3FAD];
	_ =	sdelay $0x3  }
0x34: {  	[smem:$0x3FAD] =	sst s10  }
0x35: {  	s10 =	sld [smem:$0x3FAC];
	_ =	sdelay $0x3  }
0x36: {  	p1 =	seq.s32 s10, $0x1;
	s10 =	sld [smem:$0x3FAD];
	_ =	sdelay $0x3  }
0x37: {  	[smem:$0x3FAD] =	sst s10  }
0x38: {  	s10 =	sld [smem:$0x3FAE]  }
0x39: {  	_ = 	snop;
	(pc) =	sbr.ind lr, $3  }
0x3a: {  	_ = 	snop  }
0x3b: {  	_ = 	snop  }
0x3c: {  	p2 =	seq.s32 s10, $0x1;
	s10 =	sld [smem:$0x3FAD]  }
0x3d: {  	_ =	shalt  }
0x3e: {  	_ =	shalt  }
0x3f: {  	_ =	shalt  }
0x40: {  	_ =	shalt  }
0x41: {  	_ =	shalt  }
0x42: {  	_ =	shalt  }
0x43: {  	_ =	shalt  }
0x44: {  	_ =	shalt  }
0x45: {  	_ =	shalt  }
0x46: {  	_ =	shalt  }
0x47: {  	_ =	shalt  }
0x48: {  	_ =	shalt  }
0x49: {  	_ =	shalt  }
0x4a: {  	_ =	shalt  }
0x4b: {  	_ =	shalt  }
0x4c: {  	_ =	shalt  }
0x4d: {  	_ =	shalt  }
0x4e: {  	_ =	shalt  }
0x4f: {  	_ =	shalt  }
0x50: {  	_ =	shalt  }
0x51: {  	_ =	shalt  }
0x52: {  	_ =	shalt  }
0x53: {  	_ =	shalt  }
0x54: {  	_ =	shalt  }
0x55: {  	_ =	shalt  }
0x56: {  	_ =	shalt  }
0x57: {  	_ =	shalt  }
0x58: {  	_ =	shalt  }
0x59: {  	_ =	shalt  }
0x5a: {  	_ =	shalt  }
0x5b: {  	_ =	shalt  }
0x5c: {  	_ =	shalt  }
0x5d: {  	_ =	shalt  }
0x5e: {  	_ =	shalt  }
0x5f: {  	_ =	shalt  }
0x60: {  	_ =	shalt  }
0x61: {  	_ =	shalt  }
0x62: {  	_ =	shalt  }
0x63: {  	_ =	shalt  }
0x64: {  	_ =	shalt  }
0x65: {  	_ =	shalt  }
0x66: {  	_ =	shalt  }
0x67: {  	_ =	shalt  }
0x68: {  	_ =	shalt  }
0x69: {  	_ =	shalt  }
0x6a: {  	_ =	shalt  }
0x6b: {  	_ =	shalt  }
0x6c: {  	_ =	shalt  }
0x6d: {  	_ =	shalt  }
0x6e: {  	_ =	shalt  }
0x6f: {  	_ =	shalt  }
0x70: {  	_ =	shalt  }
0x71: {  	_ =	shalt  }
0x72: {  	_ =	shalt  }
0x73: {  	_ =	shalt  }
0x74: {  	_ =	shalt  }
0x75: {  	_ =	shalt  }
0x76: {  	_ =	shalt  }
0x77: {  	_ =	shalt  }
0x78: {  	_ =	shalt  }
0x79: {  	_ =	shalt  }
0x7a: {  	_ =	shalt  }
0x7b: {  	_ =	shalt  }
0x7c: {  	_ =	shalt  }
0x7d: {  	_ =	shalt  }
0x7e: {  	_ =	shalt  }
0x7f: {  	_ =	shalt  }
0x80: {  	_ =	shalt  }
0x81: {  	_ =	shalt  }
0x82: {  	_ =	shalt  }
0x83: {  	_ =	shalt  }
0x84: {  	_ =	shalt  }
0x85: {  	_ =	shalt  }
0x86: {  	_ =	shalt  }
0x87: {  	_ =	shalt  }
.Lfunc_end0:
.L_simem_size_0:
called_computation_lowered:
.L_overlay_start_0:
0x88: {  	s2 =	sld [smem:$0x3FD9]  }
0x89: {  	s3 =	sld [smem:$0x3FFE];
	_ =	sdelay $0x1  }
0x8a: {  	s1 =	srdreg.scid  }
0x8b: {  	s0 =	sand.u32 $0x1, s1  }
0x8c: {  	s14 =	sshll.u32 s0, $0xA;
	s2 =	sadd.s32 s3, s2  }
0x8d: {  	s2 =	sadd.s32 s2, s14  }
0x8e: {  	[smem:$0x3FB9] =	sst s2  }
0x8f: {  	_ = 	snop  }
0x90: {  	s2 =	sld [smem:$0x3FD0];
	_ =	sdelay $0x2  }
0x91: {  	s15 =	simm.s32 $0xA;
	s4 =	simm.s32 $0x10  }
0x92: {  	[smem:s4], [sflag:s15] =	dma.local [hbm:s2], $0x1  }
0x93: {  	_ =	swait.eq [sflag:s15], $0x1  }
0x94: {  	[sflag:s15] =	ssyncset.done $0x0  }
0x95: {  	s16 =	sld [smem:$0x11];
	[sflag:s15] =	ssyncadd.s32 $0xFFFFFFFF  }
0x96: {  	s17 =	sld [smem:$0x12];
	(tm) =	ssettm $0x1  }
0x97: {  	s18 =	sld [smem:$0x3FFB];
	_ =	sdelay $0x3  }
0x98: {  	_ =	strace s18  }
0x99: {  	s4 =	sld [smem:$0x3FFC];
	_ =	sdelay $0x3  }
0x9a: {  	_ =	strace s4  }
0x9b: {  	s4 =	sld [smem:$0x3FFD];
	_ =	sdelay $0x3  }
0x9c: {  	_ =	strace s4  }
0x9d: {  	_ =	strace $0x8FFFFFFF  }
0x9e: {  	s19 =	sld [smem:$0x3FDB];
	_ =	sdelay $0x1  }
0x9f: {  	s5 =	simm.s32 $_scs_section_size  }
0xa0: {  	s6 =	simm.s32 $_size__tile_overlayer_lowered;
	s7 =	simm.s32 $_tile_overlayer_lowered  }
0xa1: {  	s22 =	simm.s32 $0x1BFF;
	s21 =	sshll.u32 s7, $0x1;
	s4 =	sadd.s32 s5, s19  }
0xa2: {  	s8 =	simm.s32 $0x0;
	s20 =	sshll.u32 s6, $0x1;
	s6 =	sadd.s32 s21, s4  }
0xa3: {  	[timem:s8], [sflag:s22] =	dma.local [hbm:s6], s20  }
0xa4: {  	_ =	swait.ge [sflag:s22], s20  }
0xa5: {  	s5 =	ssub.s32 $0x0, s20;
	[sflag:s22] =	ssyncset.done $0x0  }
0xa6: {  	[sflag:s22] =	ssyncadd.s32 s5;
	_ =	sdelay $0x1  }
0xa7: {  	s23 =	simm.s32 $0x1B8B  }
0xa8: {  	_ =	swait.ge [sflag:s23], $0x1  }
0xa9: {  	[sflag:s23] =	ssyncset.done $0x0  }
0xaa: {  	s25 =	simm.s32 $0x1B8E;
	s24 =	sld [smem:$0x3FFE];
	[sflag:s23] =	ssyncadd.s32 $0xFFFFFFFF  }
0xab: {  	s26 =	simm.s32 $execute0_lowered;
	[smem:$0x3FD2] =	sst s25  }
0xac: {  	s6 =	sshll.u32 s26, $0x1;
	_ =	strace $0x80000046;
	[dreg:$0x1] =	wrdreg $0xFFFFFFFF  }
0xad: {  	s28 =	simm.s32 $_size_execute0_lowered;
	s4 =	sadd.s32 s4, s6;
	[dreg:$0x0] =	wrdreg $0x0  }
0xae: {  	s6 =	sshll.u32 s28, $0x1;
	[dreg:$0x2] =	wrdreg s4  }
0xaf: {  	[dreg:$0x3] =	wrdreg s6  }
0xb0: {  	[dreg:$0x4] =	wrdreg $0xC0  }
0xb1: {  	_ =	task [dreg:s8], $0x5FFFF  }
0xb2: {  	[dreg:$0x1] =	wrdreg $0xFFFFFFFF  }
0xb3: {  	[dreg:$0x0] =	wrdreg $0x60  }
0xb4: {  	[dreg:$0x2] =	wrdreg s17  }
0xb5: {  	[dreg:$0x3] =	wrdreg s16  }
0xb6: {  	[dreg:$0x4] =	wrdreg s24  }
0xb7: {  	[dreg:$0x5] =	wrdreg $0x9  }
0xb8: {  	_ =	task.clear_ibuf [dreg:s8], $0x6FFFF;
	_ =	strace $0x90000046  }
0xb9: {  	s29 =	simm.s32 $0x9;
	_ =	strace $0x80000048  }
0xba: {  	_ =	swait.ge [sflag:s29], $0x1  }
0xbb: {  	[sflag:s29] =	ssyncadd.s32 $0xFFFFFFFF  }
0xbc: {  	_ =	strace $0x90000048  }
0xbd: {  	_ =	sfence  }
0xbe: {  	s30 =	sld [smem:$0x0];
	_ =	sdelay $0x2  }
0xbf: {  	s31 =	sshll.u32 s1, $0xD;
	s1 =	sshrl.u32 s1, $0x2  }
0xc0: {  	s3 =	sand.u32 $0x4000, s31;
	s1 =	sadd.s32 s1, s30  }
0xc1: {  	s0 =	sor.u32 s3, s0;
	s1 =	sshll.u32 s1, $0x11  }
0xc2: {  	s0 =	sor.u32 s1, s0  }
0xc3: {  	s0 =	sadd.s32 $0x8F2B, s0  }
0xc4: {  	[sflag:s0] =	ssyncadd.remote.s32 $0x1  }
0xc5: {  	_ =	sfence.sel $0xFFFF  }
0xc6: {  	[dreg:$0x0] =	wrdreg $0xFFFFFFFF;
	(pc) =	sbr.abs _section_cstart, $3  }
0xc7: {  	[dreg:$0x1] =	wrdreg $0xFFFFFFFF  }
0xc8: {  	_ =	task.clear_ibuf [dreg:s8], $0x2FFFF;
	_ =	strace $0x9FFFFFFF  }
0xc9: {  	(tm) =	ssettm $0x7FFFFFFF  }
tec
execute0_lowered:
.L_overlay_start_1:
0x0: {  	(tag) =	ssettag $0x1  }
0x1: {  	s1 =	rddreg [dreg:$0x0]  }
0x2: {  	s2 =	rddreg [dreg:$0x1]  }
0x3: {  	v0 =	vlaneseq.u32;
	s9 =	rddreg [dreg:$0x2]  }
0x4: {  	s0 =	rddreg [dreg:$0x3];
	v0 =	vmul.u32 $0x80, v0  }
0x5: {  	s3 =	simm.s32 $0x0;
	s4 =	srdreg.scid;
	v2 =	vimm.f32 $0.0e+00;
	s13 =	simm.s32 $0xC100  }
0x6: {  	s14 =	simm.s32 $0x3;
	s15 =	simm.s32 $0x8100;
	s16 =	simm.s32 $0x5;
	v1 =	vor.u32 $0x5, v0;
	v3 =	vor.u32 $0x805, v0;
	v4 =	vor.u32 $0x1005, v0  }
0x7: {  	s17 =	simm.s32 $0x100;
	s18 =	simm.s32 $0x4100;
	s19 =	simm.s32 $0x1;
	v5 =	vor.u32 $0x1805, v0;
	v6 =	vor.u32 $0x2005, v0;
	v7 =	vor.u32 $0x2805, v0  }
0x8: {  	s20 =	simm.s32 $0x2;
	s21 =	simm.s32 $0x4;
	s22 =	simm.s32 $0x0;
	v8 =	vor.u32 $0x3005, v0;
	v9 =	vor.u32 $0x3805, v0;
	v10 =	vor.u32 $0x6, v0  }
.Ltmp0:
0x9: {  	[smem:$0x7FF] =	sst s3;
	s4 =	sand.u32 $0x1, s4;
	v11 =	vor.u32 $0x806, v0;
	v12 =	vor.u32 $0x1006, v0;
	v13 =	vor.u32 $0x1806, v0;
	(pc) =	sbr.rel .LBB2_1-.Ltmp0, $4  }
0xa: {  	s5 =	sadd.s32 $0x8800, s9;
	s6 =	sadd.s32 $0x3800, s9;
	s11 =	ssub.s32 $0x2, s4;
	v14 =	vor.u32 $0x2006, v0;
	v15 =	vor.u32 $0x2806, v0;
	v16 =	vor.u32 $0x3006, v0  }
0xb: {  	s7 =	sadd.s32 $0xD800, s9;
	s8 =	sadd.s32 $0x27E800, s9;
	s12 =	sshrl.u32 s11, $0x1;
	v17 =	vor.u32 $0x3806, v0;
	v18 =	vor.u32 $0x7, v0;
	v19 =	vor.u32 $0x807, v0  }
0xc: {  	s10 =	sadd.s32 $0x4EF800, s9;
	s9 =	stileid.u32;
	v20 =	vor.u32 $0x1007, v0;
	v21 =	vor.u32 $0x1807, v0;
	v22 =	vor.u32 $0x2007, v0;
	s12 =	ssub.s32 s11, s12  }
0xd: {  	_ =	strace $0x80000047;
	v23 =	vor.u32 $0x2807, v0;
	v24 =	vor.u32 $0x3007, v0;
	v25 =	vor.u32 $0x3807, v0;
	s11 =	sshll.u32 s9, $0x1;
	s12 =	smax.u32 s12, $0x1  }
.LBB2_7:
0xe: {  	s22 =	sadd.s32 $0x1, s22  }
0xf: {  	p0 =	sne.s32 s22, s12  }
.Ltmp1:
0x10: {  	_ = 	snop;
	(pc) =	sbr.rel @!p0 .LBB2_8-.Ltmp1, $1  }
0x11: {  	_ =	sdelay $0x3  }
.LBB2_1:
0x12: {  	[tilespmem:s13], [sflag:$0x3] =	stream.linear.gather [hbm4b:s2+s3], $0x7580, $0x38;
	[tilespmem:$0x13680] =	vst v63  }
0x13: {  	_ =	swait.ge [sflag:s14], $0x7580  }
0x14: {  	[sflag:s14] =	ssyncset.done $0x0  }
0x15: {  	[sflag:s14] =	ssyncadd.s32 $0xFFFF8A80  }
0x16: {  	[tilespmem:v1+s15+$0x0] =	vst.idx.msk $0xffff, v2  }
0x17: {  	[tilespmem:v3+s15+$0x0] =	vst.idx.msk $0xffff, v2  }
0x18: {  	[tilespmem:v4+s15+$0x0] =	vst.idx.msk $0xffff, v2  }
0x19: {  	[tilespmem:v5+s15+$0x0] =	vst.idx.msk $0xffff, v2  }
0x1a: {  	[tilespmem:v6+s15+$0x0] =	vst.idx.msk $0xffff, v2  }
0x1b: {  	[tilespmem:v7+s15+$0x0] =	vst.idx.msk $0xffff, v2  }
0x1c: {  	[tilespmem:v8+s15+$0x0] =	vst.idx.msk $0xffff, v2  }
0x1d: {  	[tilespmem:v9+s15+$0x0] =	vst.idx.msk $0xffff, v2  }
0x1e: {  	[tilespmem:v10+s15+$0x0] =	vst.idx.msk $0xffff, v2  }
0x1f: {  	[tilespmem:v11+s15+$0x0] =	vst.idx.msk $0xffff, v2  }
0x20: {  	[tilespmem:v12+s15+$0x0] =	vst.idx.msk $0xffff, v2  }
0x21: {  	[tilespmem:v13+s15+$0x0] =	vst.idx.msk $0xffff, v2  }
0x22: {  	[tilespmem:v14+s15+$0x0] =	vst.idx.msk $0xffff, v2  }
0x23: {  	[tilespmem:v15+s15+$0x0] =	vst.idx.msk $0xffff, v2  }
0x24: {  	[tilespmem:v16+s15+$0x0] =	vst.idx.msk $0xffff, v2  }
0x25: {  	[tilespmem:v17+s15+$0x0] =	vst.idx.msk $0xffff, v2  }
0x26: {  	[tilespmem:v18+s15+$0x0] =	vst.idx.msk $0xffff, v2  }
0x27: {  	[tilespmem:v19+s15+$0x0] =	vst.idx.msk $0xffff, v2  }
0x28: {  	[tilespmem:v20+s15+$0x0] =	vst.idx.msk $0xffff, v2  }
.Ltmp2:
0x29: {  	[tilespmem:v21+s15+$0x0] =	vst.idx.msk $0xffff, v2;
	(pc) =	sbr.rel .LBB2_2-.Ltmp2, $4  }
0x2a: {  	[tilespmem:v22+s15+$0x0] =	vst.idx.msk $0xffff, v2  }
0x2b: {  	[tilespmem:v23+s15+$0x0] =	vst.idx.msk $0xffff, v2  }
0x2c: {  	[tilespmem:v24+s15+$0x0] =	vst.idx.msk $0xffff, v2  }
0x2d: {  	s23 =	simm.s32 $0x0;
	[tilespmem:v25+s15+$0x0] =	vst.idx.msk $0xffff, v2  }
.LBB2_6:
0x2e: {  	s23 =	sadd.s32 $0x1, s23  }
0x2f: {  	p0 =	sne.s32 s23, $0x28  }
.Ltmp3:
0x30: {  	_ = 	snop;
	(pc) =	sbr.rel @!p0 .LBB2_7-.Ltmp3, $1  }
0x31: {  	_ =	sdelay $0x3  }
.LBB2_2:
0x32: {  	s24 =	sshll.u32 s23, $0x5  }
0x33: {  	s24 =	sor.u32 s11, s24  }
0x34: {  	p0 =	sgt.u32 s24, $0x4E1  }
.Ltmp4:
0x35: {  	_ = 	snop;
	(pc) =	sbr.rel @p0 .LBB2_6-.Ltmp4, $1  }
0x36: {  	_ =	sdelay $0x3  }
0x37: {  	s24 =	sor.u32 s4, s24  }
0x38: {  	s26 =	sshll.u32 s24, $0x4  }
0x39: {  	s25 =	simm.s32 $0x0;
	s28 =	sadd.s32 s5, s26  }
0x3a: {  	[tilespmem:s25], [sflag:$0x5] =	stream.linear.gather [hbm4b:s28+s25], $0x80, $0x38;
	[tilespmem:$0x13680] =	vst v63  }
0x3b: {  	_ =	swait.ge [sflag:s16], $0x80  }
0x3c: {  	[sflag:s16] =	ssyncset.done $0x0  }
0x3d: {  	s28 =	sadd.s32 s6, s26;
	s26 =	simm.s32 $0x80;
	[sflag:s16] =	ssyncadd.s32 $0xFFFFFF80  }
0x3e: {  	[tilespmem:s26], [sflag:$0x5] =	stream.linear.gather [hbm4b:s28+s25], $0x80, $0x38;
	[tilespmem:$0x13680] =	vst v63  }
0x3f: {  	_ =	swait.ge [sflag:s16], $0x80  }
0x40: {  	[sflag:s16] =	ssyncset.done $0x0  }
0x41: {  	[sflag:s16] =	ssyncadd.s32 $0xFFFFFF80  }
0x42: {  	[tilespmem:s17], [sflag:$0x1] =	stream.indirect.gather [hbm4b:s1+s26], $0x80, s25, s26, $0xb8;
	[tilespmem:$0x13680] =	vst v63  }
0x43: {  	_ = 	snop  }
0x44: {  	[tilespmem:s18], [sflag:$0x2] =	stream.indirect.gather [hbm4b:s1+s26], $0x80, s26, s26, $0xb8;
	[tilespmem:$0x13680] =	vst v63  }
0x45: {  	v26 =	vld [tilespmem:s25+$0x0]  }
0x46: {  	v27 =	vld [tilespmem:s26+$0x0];
	_ =	sdelay $0x3  }
0x47: {  	v26 =	vmul.u32 $0x3, v26  }
0x48: {  	v27 =	vmul.u32 $0x3, v27;
	_ =	sdelay $0x4  }
0x49: {  	v28 =	vld.idx.msk [tilespmem:v26+s13+$0x0], $0xffff  }
0x4a: {  	v30 =	vmov s25;
	v29 =	vld.idx.msk [tilespmem:v27+s13+$0x0], $0xffff  }
0x4b: {  	v30 =	vshll.u32 v30, $0x7  }
0x4c: {  	v30 =	vor.u32 v0, v30  }
0x4d: {  	v31 =	vadd.s32 $0x1, v27  }
0x4e: {  	v32 =	vadd.s32 $0x1, v26  }
0x4f: {  	v28 =	vsub.f32 v28, v29;
	_ =	sdelay $0x1  }
0x50: {  	[tilespmem:v30+s15+$0x0] =	vst.idx.msk $0xffff, v28  }
0x51: {  	v29 =	vld.idx.msk [tilespmem:v31+s13+$0x0], $0xffff  }
0x52: {  	v31 =	vld.idx.msk [tilespmem:v32+s13+$0x0], $0xffff;
	_ =	sdelay $0x1  }
0x53: {  	v62 =	vor.u32 $0x1, v30  }
0x54: {  	v26 =	vadd.s32 $0x2, v26  }
0x55: {  	v27 =	vadd.s32 $0x2, v27  }
0x56: {  	v29 =	vsub.f32 v31, v29;
	_ =	sdelay $0x1  }
0x57: {  	[tilespmem:v62+s15+$0x0] =	vst.idx.msk $0xffff, v29  }
0x58: {  	v26 =	vld.idx.msk [tilespmem:v26+s13+$0x0], $0xffff  }
0x59: {  	v27 =	vld.idx.msk [tilespmem:v27+s13+$0x0], $0xffff;
	_ =	sdelay $0x1  }
0x5a: {  	v31 =	vor.u32 $0x2, v30;
	_ =	sdelay $0x2  }
0x5b: {  	v28 =	vmul.f32 v28, v28;
	v29 =	vmul.f32 v29, v29;
	v63 =	vsub.f32 v26, v27  }
0x5c: {  	v26 =	vor.u32 $0x4, v30  }
0x5d: {  	s28 =	simm.s32 $0x10;
	v27 =	vadd.f32 v29, v28;
	[tilespmem:v31+s15+$0x0] =	vst.idx.msk $0xffff, v63;
	v28 =	vmul.f32 v63, v63  }
.LBB2_4:
0x5e: {  	_ = 	snop  }
0x5f: {  	p0 =	sne.s32 s28, $0x70;
	s25 =	sadd.s32 $0x10, s25;
	s26 =	sadd.s32 $0x10, s26;
	v27 =	vadd.f32 v28, v27  }
0x60: {  	s29 =	smov.u32 s28;
	s28 =	sadd.s32 $0x10, s28  }
0x61: {  	[tilespmem:v26+s15+$0x0] =	vst.idx.msk $0xffff, v27  }
0x62: {  	v26 =	vld [tilespmem:s25+$0x0]  }
0x63: {  	v27 =	vld [tilespmem:s26+$0x0];
	_ =	sdelay $0x3  }
0x64: {  	v26 =	vmul.u32 $0x3, v26  }
0x65: {  	v27 =	vmul.u32 $0x3, v27;
	_ =	sdelay $0x4  }
0x66: {  	v28 =	vld.idx.msk [tilespmem:v26+s13+$0x0], $0xffff  }
0x67: {  	v29 =	vld.idx.msk [tilespmem:v27+s13+$0x0], $0xffff  }
0x68: {  	v30 =	vmov s29  }
0x69: {  	v30 =	vshll.u32 v30, $0x7  }
0x6a: {  	v30 =	vor.u32 v0, v30  }
0x6b: {  	v31 =	vadd.s32 $0x1, v26;
	v32 =	vadd.s32 $0x1, v27;
	_ =	sdelay $0x1  }
0x6c: {  	v28 =	vsub.f32 v28, v29;
	_ =	sdelay $0x1  }
0x6d: {  	[tilespmem:v30+s15+$0x0] =	vst.idx.msk $0xffff, v28  }
0x6e: {  	v29 =	vld.idx.msk [tilespmem:v32+s13+$0x0], $0xffff  }
0x6f: {  	v31 =	vld.idx.msk [tilespmem:v31+s13+$0x0], $0xffff;
	_ =	sdelay $0x1  }
0x70: {  	v32 =	vor.u32 $0x1, v30;
	_ =	sdelay $0x1  }
0x71: {  	v26 =	vadd.s32 $0x2, v26;
	v27 =	vadd.s32 $0x2, v27;
	_ =	sdelay $0x1  }
0x72: {  	v29 =	vsub.f32 v31, v29;
	_ =	sdelay $0x1  }
0x73: {  	[tilespmem:v32+s15+$0x0] =	vst.idx.msk $0xffff, v29;
	v29 =	vmul.f32 v29, v29  }
0x74: {  	v31 =	vld.idx.msk [tilespmem:v26+s13+$0x0], $0xffff  }
0x75: {  	v32 =	vld.idx.msk [tilespmem:v27+s13+$0x0], $0xffff;
	_ =	sdelay $0x2  }
0x76: {  	v33 =	vor.u32 $0x2, v30  }
.Ltmp5:
0x77: {  	v27 =	vmul.f32 v28, v28;
	(pc) =	sbr.rel @p0 .LBB2_4-.Ltmp5, $3  }
0x78: {  	v26 =	vor.u32 $0x4, v30  }
0x79: {  	v27 =	vadd.f32 v29, v27;
	v28 =	vsub.f32 v31, v32;
	_ =	sdelay $0x1  }
0x7a: {  	[tilespmem:v33+s15+$0x0] =	vst.idx.msk $0xffff, v28;
	v28 =	vmul.f32 v28, v28  }
0x7b: {  	_ =	sdelay $0x1  }
0x7c: {  	v27 =	vadd.f32 v28, v27;
	_ =	sdelay $0x1  }
0x7d: {  	[tilespmem:v26+s15+$0x0] =	vst.idx.msk $0xffff, v27  }
0x7e: {  	_ =	swait.ge [sflag:s19], $0x4000  }
0x7f: {  	[sflag:s19] =	ssyncset.done $0x0  }
0x80: {  	[sflag:s19] =	ssyncadd.s32 $0xFFFFC000  }
0x81: {  	_ =	swait.ge [sflag:s20], $0x4000  }
0x82: {  	s24 =	sshll.u32 s24, $0xB;
	[sflag:s20] =	ssyncset.done $0x0  }
0x83: {  	s25 =	sadd.s32 s7, s24;
	[sflag:s20] =	ssyncadd.s32 $0xFFFFC000  }
0x84: {  	[hbm4b:s25+s3] =	stream.linear.scatter [tilespmem:s17], [sflag:$0x5], $0x4000, $0x38;
	[tilespmem:$0x13680] =	vst v63  }
0x85: {  	_ =	swait.ge [sflag:s16], $0x4000  }
0x86: {  	[sflag:s16] =	ssyncset.done $0x0  }
0x87: {  	s31 =	sadd.s32 s8, s24;
	[sflag:s16] =	ssyncadd.s32 $0xFFFFC000  }
0x88: {  	[hbm4b:s31+s3] =	stream.linear.scatter [tilespmem:s18], [sflag:$0x5], $0x4000, $0x38;
	[tilespmem:$0x13680] =	vst v63  }
0x89: {  	_ =	swait.ge [sflag:s16], $0x4000  }
0x8a: {  	[sflag:s16] =	ssyncset.done $0x0  }
.Ltmp6:
0x8b: {  	s24 =	sadd.s32 s10, s24;
	[sflag:s16] =	ssyncadd.s32 $0xFFFFC000;
	(pc) =	sbr.rel .LBB2_6-.Ltmp6, $4  }
0x8c: {  	[hbm4b:s24+s3] =	stream.linear.scatter [tilespmem:s15], [sflag:$0x4], $0x4000, $0x38;
	[tilespmem:$0x13680] =	vst v63  }
0x8d: {  	_ =	swait.ge [sflag:s21], $0x4000  }
0x8e: {  	[sflag:s21] =	ssyncset.done $0x0  }
0x8f: {  	[sflag:s21] =	ssyncadd.s32 $0xFFFFC000  }
.LBB2_8:
0x90: {  	_ =	sfence.sel $0x180000  }
0x91: {  	[bflag:$0x0] =	sbarrier.arrive $0xFFFF  }
0x92: {  	p0 =	sne.s32 s9, $0x0;
	_ =	strace $0x90000047  }
0x93: {  	s0 =	sadd.s32 @!p0 $0x100000, s0;
	[bflag:$0x2] =	sbarrier.arrive $0xFFFF  }
0x94: {  	[sflag:s0] =	ssyncadd.tile.s32 @!p0 $0x1;
	_ =	shalt  }
.Lfunc_end2:
_tile_overlayer_lowered:
.L_overlay_start_2:
0x95: {  	(tag) =	ssettag $0x2  }
0x96: {  	s0 =	rddreg [dreg:$0x0];
	s2 =	stileid.u32  }
0x97: {  	s1 =	rddreg [dreg:$0x1];
	p0 =	sne.s32 s2, $0x0  }
0x98: {  	s3 =	rddreg [dreg:$0x2];
	[bflag:$0x3] =	sbarrier.arrive $0xFFFF;
	s2 =	simm.s32 @!p0 $0x1C04  }
0x99: {  	[timem:s3], [sflag:s2] =	dma.local @!p0 [hbm:s0], s1  }
0x9a: {  	s0 =	simm.s32 @!p0 $0x4  }
0x9b: {  	_ =	swait.ge @!p0 [sflag:s0], s1  }
0x9c: {  	s1 =	ssub.s32 @!p0 $0x0, s1;
	[sflag:s0] =	ssyncset.done @!p0 $0x0  }
0x9d: {  	[sflag:s0] =	ssyncadd.s32 @!p0 s1  }
0x9e: {  	[bflag:$0x3] =	sbarrier.arrive $0xFFFF  }
0x9f: {  	_ =	shalt  }

</sc_bundles>
